<compile_context>
chip_gen: v7x
topology: tpu7x:2x2x1
jax: 0.10.2.dev20260603
libtpu: 0.0.44.dev20260713+nightly
codegen_flags: <defaults>
</compile_context>

<pallas_src>
import functools

import jax
import jax.numpy as jnp
from jax import lax
from jax.experimental import pallas as pl
from jax.experimental.pallas import tpu as pltpu
from jax.experimental.pallas import tpu_sc as plsc

_BATCH = 16384
_NREL = 1000
_NHOI = 10000
_L = 16
_NC, _NS = 2, 16
_NW = _NC * _NS
_CW = 128
_NCOL = _BATCH // _CW
_COL_PER_W = _NCOL // _NW
_TH = 8
_IBLK = 400
_NIB = _NHOI // _IBLK
_PAIRS = _IBLK // (2 * _TH)

_mesh = plsc.VectorSubcoreMesh(core_axis_name="c", subcore_axis_name="s")


@functools.partial(
    pl.kernel,
    out_type=jax.ShapeDtypeStruct((_NHOI, _BATCH), jnp.float32),
    mesh=_mesh,
    compiler_params=pltpu.CompilerParams(needs_layout_passes=False),
    scratch_types=[
        pltpu.VMEM((_NREL, _CW), jnp.float32),
        pltpu.VMEM((_IBLK + 2 * _TH,), jnp.int32),
        pltpu.VMEM((_IBLK + 2 * _TH,), jnp.int32),
        pltpu.VMEM((_TH, _CW), jnp.float32),
        pltpu.VMEM((_TH, _CW), jnp.float32),
        pltpu.SemaphoreType.DMA,
        pltpu.SemaphoreType.DMA,
        pltpu.SemaphoreType.DMA,
    ],
)
def _gather_rows(rp_t, map_hbm, out_t, staged, ring0, ring1, obuf0, obuf1,
                 sem_idx, sem0, sem1):
    wid = lax.axis_index("s") * _NC + lax.axis_index("c")

    obufs = (obuf0, obuf1)
    sems = (sem0, sem1)

    def fire_idx(ib, ring):
        pltpu.async_copy(map_hbm.at[pl.ds(ib * _IBLK, _IBLK)],
                         ring.at[pl.ds(0, _IBLK)], sem_idx)

    def wait_idx():
        pltpu.make_async_copy(map_hbm.at[pl.ds(0, _IBLK)],
                              ring0.at[pl.ds(0, _IBLK)], sem_idx).wait()

    def wait_out(b):
        pltpu.make_async_copy(
            obufs[b], out_t.at[pl.ds(0, _TH), pl.ds(0, _CW)], sems[b]
        ).wait()

    def column(col_i, carry):
        bcol = (wid * _COL_PER_W + col_i) * _CW
        fire_idx(0, ring0)
        pltpu.sync_copy(rp_t.at[:, pl.ds(bcol, _CW)], staged)

        def do_block(ib, ring, next_ring, peel_first=False):
            wait_idx()
            if peel_first:
                fire_idx(ib + 1, next_ring)
            else:
                @pl.when(ib + 1 < _NIB)
                def _():
                    fire_idx(ib + 1, next_ring)

            def extract(s):
                idx16 = ring[pl.ds(s * 2 * _TH, 2 * _TH)]
                return tuple(idx16[j] for j in range(2 * _TH))

            def pair_body(s, rs, with_waits):
                rs_next = extract(s + 1)
                for b in range(2):
                    c = ib * 2 * _PAIRS + s * 2 + b
                    if with_waits:
                        wait_out(b)

                    prev = None
                    for k in range(_TH):
                        r = rs[b * _TH + k]
                        cur = []
                        for i, b0 in enumerate(range(0, _CW, _L)):
                            cur.append(staged[r, pl.ds(b0, _L)])
                            if prev is not None:
                                obufs[b][k - 1, pl.ds(i * _L, _L)] = prev[i]
                        prev = cur
                    for i, v in enumerate(prev):
                        obufs[b][_TH - 1, pl.ds(i * _L, _L)] = v
                    pltpu.async_copy(
                        obufs[b],
                        out_t.at[pl.ds(c * _TH, _TH), pl.ds(bcol, _CW)],
                        sems[b],
                    )
                return rs_next

            if peel_first:
                rs1 = pair_body(0, extract(0), with_waits=False)
                lax.fori_loop(1, _PAIRS,
                              lambda s, rs: pair_body(s, rs, True), rs1)
            else:
                lax.fori_loop(0, _PAIRS,
                              lambda s, rs: pair_body(s, rs, True), extract(0))

        do_block(0, ring0, ring1, peel_first=True)

        def superblock(sb, c2):
            do_block(2 * sb + 1, ring1, ring0)
            do_block(2 * sb + 2, ring0, ring1)
            return c2

        lax.fori_loop(0, (_NIB - 1) // 2, superblock, 0)
        wait_out(0)
        wait_out(1)
        return carry

    lax.fori_loop(0, _COL_PER_W, column, 0)


def kernel(relation_prob, hoi_to_relation):
    idx = hoi_to_relation.astype(jnp.int32)
    out_t = _gather_rows(relation_prob.T, idx)
    return out_t.T

# --- scband reference (transcript-rebuilt; emitter-appended) ---
"""Pipeline reference for scband-gather-relation-15083925143797 (READ-ONLY COPY).

The authoritative reference and input builder live on the scoring server;
editing this copy changes nothing except your own understanding.
"""

import jax, jax.numpy as jnp
import numpy as np

BATCH = 16384
NUM_RELATIONS = 1000
NUM_HOIS = 10000

def setup_inputs(seed: int = 0) -> dict:
    key = jax.random.key(seed)
    k1, k2 = jax.random.split(key)
    relation_prob = jax.random.uniform(k1, (BATCH, NUM_RELATIONS), dtype=jnp.float32)
    # Static verb->HOI mapping (in the original module this is built from
    # hoi_list_json / verb_list_json; each HOI id maps to exactly one relation idx).
    hoi_to_relation = jax.random.randint(k2, (NUM_HOIS,), 0, NUM_RELATIONS, dtype=jnp.int64)
    return {"relation_prob": relation_prob, "hoi_to_relation": hoi_to_relation}

def reference(relation_prob, hoi_to_relation):
    # Original loop: output[:, hoi_idx] = relation_prob[:, relation_idx] for every HOI.
    # Equivalent vectorized column gather along axis=1.
    output = jnp.take(relation_prob, hoi_to_relation, axis=1)
    return output

if __name__ == "__main__":
    import jax
    _d = setup_inputs()
    print(jax.jit(kernel)(*tuple(_d.values())))

</pallas_src>

<mosaic_0001>
#map = affine_map<(d0, d1) -> (0, 0)>
#map1 = affine_map<(d0, d1) -> (0)>
module attributes {stable_mosaic.version = 14 : i64} {
  func.func @_gather_rows(%arg0: i32, %arg1: i32, %arg2: memref<1000x16384xf32, #tpu.memory_space<hbm>>, %arg3: memref<10000xi32, #tpu.memory_space<hbm>>, %arg4: memref<10000x16384xf32, #tpu.memory_space<hbm>>, %arg5: memref<1000x128xf32, #tpu.memory_space<vmem>>, %arg6: memref<416xi32, #tpu.memory_space<vmem>>, %arg7: memref<416xi32, #tpu.memory_space<vmem>>, %arg8: memref<8x128xf32, #tpu.memory_space<vmem>>, %arg9: memref<8x128xf32, #tpu.memory_space<vmem>>, %arg10: memref<!tpu.dma_semaphore, #tpu.memory_space<semaphore_mem>>, %arg11: memref<!tpu.dma_semaphore, #tpu.memory_space<semaphore_mem>>, %arg12: memref<!tpu.dma_semaphore, #tpu.memory_space<semaphore_mem>>) attributes {dimension_semantics = [#tpu.dimension_semantics<core_parallel>, #tpu.dimension_semantics<subcore_parallel>], iteration_bounds = array<i64: 2, 16>, scalar_prefetch = 0 : i64, scratch_operands = 8 : i64, tpu.core_type = #tpu.core_type<sc_vector_subcore>, window_params = [{transform_indices = #map}, {transform_indices = #map1}, {transform_indices = #map}]} {
    %mul3A = arith.constant 2 : i32
    %mul3A_0 = arith.muli %arg1, %mul3A : i32
    %add3A = arith.addi %mul3A_0, %arg0 : i32
    %scan3A = arith.constant 0 : i32
    %scan3A_1 = arith.constant 0 : i32
    %scan3A_2 = arith.constant 4 : i32
    %scan3A_3 = arith.addi %scan3A_1, %scan3A_2 : i32
    %scan3A_4 = arith.constant 1 : i32
    scf.for %scan3A_6 = %scan3A_1 to %scan3A_3 step %scan3A_4  : i32 {
      %mul3A_7 = arith.constant 4 : i32
      %mul3A_8 = arith.muli %add3A, %mul3A_7 : i32
      %add3A_9 = arith.addi %mul3A_8, %scan3A_6 : i32
      %mul3A_10 = arith.constant 128 : i32
      %mul3A_11 = arith.muli %add3A_9, %mul3A_10 : i32
      %dma_start3A = arith.constant 0 : i32
      %dma_start3A_12 = tpu.memref_slice %arg6[%dma_start3A] : memref<416xi32, #tpu.memory_space<vmem>> -> memref<400xi32, #tpu.memory_space<vmem>>
      %dma_start3A_13 = arith.constant 0 : i32
      %dma_start3A_14 = tpu.memref_slice %arg3[%dma_start3A_13] : memref<10000xi32, #tpu.memory_space<hbm>> -> memref<400xi32, #tpu.memory_space<hbm>>
      %dma_start3A_15 = arith.constant 0 : i32
      %dma_start3A_16 = tpu.memref_slice %arg6[%dma_start3A_15] : memref<416xi32, #tpu.memory_space<vmem>> -> memref<400xi32, #tpu.memory_space<vmem>>
      %dma_start3A_17 = arith.constant 0 : i32
      %dma_start3A_18 = tpu.memref_slice %arg3[%dma_start3A_17] : memref<10000xi32, #tpu.memory_space<hbm>> -> memref<400xi32, #tpu.memory_space<hbm>>
      tpu.enqueue_dma source(%dma_start3A_18 : memref<400xi32, #tpu.memory_space<hbm>>) target(%dma_start3A_16 : memref<400xi32, #tpu.memory_space<vmem>>) target_semaphore(%arg10 : memref<!tpu.dma_semaphore, #tpu.memory_space<semaphore_mem>>)
      "tpu.region"() ({
        %run_scoped3A = tpu.sem_alloc : memref<!tpu.dma_semaphore, #tpu.memory_space<semaphore_mem>>
        %dma_start3A_1026 = arith.constant 0 : i32
        %dma_start3A_1027 = tpu.memref_slice %arg2[%dma_start3A_1026, %mul3A_11] : memref<1000x16384xf32, #tpu.memory_space<hbm>> -> memref<1000x128xf32, #tpu.memory_space<hbm>>
        %dma_start3A_1028 = arith.constant 0 : i32
        %dma_start3A_1029 = tpu.memref_slice %arg2[%dma_start3A_1028, %mul3A_11] : memref<1000x16384xf32, #tpu.memory_space<hbm>> -> memref<1000x128xf32, #tpu.memory_space<hbm>>
        tpu.enqueue_dma source(%dma_start3A_1029 : memref<1000x128xf32, #tpu.memory_space<hbm>>) target(%arg5 : memref<1000x128xf32, #tpu.memory_space<vmem>>) target_semaphore(%run_scoped3A : memref<!tpu.dma_semaphore, #tpu.memory_space<semaphore_mem>>)
        %dma_wait3A_1030 = arith.constant 0 : i32
        %dma_wait3A_1031 = tpu.memref_slice %arg2[%dma_wait3A_1030, %mul3A_11] : memref<1000x16384xf32, #tpu.memory_space<hbm>> -> memref<1000x128xf32, #tpu.memory_space<hbm>>
        %dma_wait3A_1032 = arith.constant 0 : i32
        %dma_wait3A_1033 = tpu.memref_slice %arg2[%dma_wait3A_1032, %mul3A_11] : memref<1000x16384xf32, #tpu.memory_space<hbm>> -> memref<1000x128xf32, #tpu.memory_space<hbm>>
        tpu.wait_dma2 semaphore(%run_scoped3A : memref<!tpu.dma_semaphore, #tpu.memory_space<semaphore_mem>>) src(%dma_wait3A_1033 : memref<1000x128xf32, #tpu.memory_space<hbm>>) dst(%arg5 : memref<1000x128xf32, #tpu.memory_space<vmem>>)
        tpu.yield
      }) : () -> ()
      %dma_wait3A = arith.constant 0 : i32
      %dma_wait3A_19 = tpu.memref_slice %arg6[%dma_wait3A] : memref<416xi32, #tpu.memory_space<vmem>> -> memref<400xi32, #tpu.memory_space<vmem>>
      %dma_wait3A_20 = arith.constant 0 : i32
      %dma_wait3A_21 = tpu.memref_slice %arg3[%dma_wait3A_20] : memref<10000xi32, #tpu.memory_space<hbm>> -> memref<400xi32, #tpu.memory_space<hbm>>
      %dma_wait3A_22 = arith.constant 0 : i32
      %dma_wait3A_23 = tpu.memref_slice %arg6[%dma_wait3A_22] : memref<416xi32, #tpu.memory_space<vmem>> -> memref<400xi32, #tpu.memory_space<vmem>>
      %dma_wait3A_24 = arith.constant 0 : i32
      %dma_wait3A_25 = tpu.memref_slice %arg3[%dma_wait3A_24] : memref<10000xi32, #tpu.memory_space<hbm>> -> memref<400xi32, #tpu.memory_space<hbm>>
      tpu.wait_dma2 semaphore(%arg10 : memref<!tpu.dma_semaphore, #tpu.memory_space<semaphore_mem>>) src(%dma_wait3A_25 : memref<400xi32, #tpu.memory_space<hbm>>) dst(%dma_wait3A_23 : memref<400xi32, #tpu.memory_space<vmem>>)
      %dma_start3A_26 = arith.constant 0 : i32
      %dma_start3A_27 = tpu.memref_slice %arg7[%dma_start3A_26] : memref<416xi32, #tpu.memory_space<vmem>> -> memref<400xi32, #tpu.memory_space<vmem>>
      %dma_start3A_28 = arith.constant 400 : i32
      %dma_start3A_29 = tpu.memref_slice %arg3[%dma_start3A_28] : memref<10000xi32, #tpu.memory_space<hbm>> -> memref<400xi32, #tpu.memory_space<hbm>>
      %dma_start3A_30 = arith.constant 0 : i32
      %dma_start3A_31 = tpu.memref_slice %arg7[%dma_start3A_30] : memref<416xi32, #tpu.memory_space<vmem>> -> memref<400xi32, #tpu.memory_space<vmem>>
      %dma_start3A_32 = arith.constant 400 : i32
      %dma_start3A_33 = tpu.memref_slice %arg3[%dma_start3A_32] : memref<10000xi32, #tpu.memory_space<hbm>> -> memref<400xi32, #tpu.memory_space<hbm>>
      tpu.enqueue_dma source(%dma_start3A_33 : memref<400xi32, #tpu.memory_space<hbm>>) target(%dma_start3A_31 : memref<400xi32, #tpu.memory_space<vmem>>) target_semaphore(%arg10 : memref<!tpu.dma_semaphore, #tpu.memory_space<semaphore_mem>>)
      %get3A = arith.constant 0 : index
      %get3A_34 = tpu.vector_load %arg6[%get3A] {strides = array<i32>} : memref<416xi32, #tpu.memory_space<vmem>>, vector<16xi32>,
      %slice3A = vector.extract_strided_slice %get3A_34 {offsets = [0], sizes = [1], strides = [1]} : vector<16xi32> to vector<1xi32>
      %squeeze3A = vector.extract %slice3A[0] : i32 from vector<1xi32>
      %slice3A_35 = vector.extract_strided_slice %get3A_34 {offsets = [1], sizes = [1], strides = [1]} : vector<16xi32> to vector<1xi32>
      %squeeze3A_36 = vector.extract %slice3A_35[0] : i32 from vector<1xi32>
      %slice3A_37 = vector.extract_strided_slice %get3A_34 {offsets = [2], sizes = [1], strides = [1]} : vector<16xi32> to vector<1xi32>
      %squeeze3A_38 = vector.extract %slice3A_37[0] : i32 from vector<1xi32>
      %slice3A_39 = vector.extract_strided_slice %get3A_34 {offsets = [3], sizes = [1], strides = [1]} : vector<16xi32> to vector<1xi32>
      %squeeze3A_40 = vector.extract %slice3A_39[0] : i32 from vector<1xi32>
      %slice3A_41 = vector.extract_strided_slice %get3A_34 {offsets = [4], sizes = [1], strides = [1]} : vector<16xi32> to vector<1xi32>
      %squeeze3A_42 = vector.extract %slice3A_41[0] : i32 from vector<1xi32>
      %slice3A_43 = vector.extract_strided_slice %get3A_34 {offsets = [5], sizes = [1], strides = [1]} : vector<16xi32> to vector<1xi32>
      %squeeze3A_44 = vector.extract %slice3A_43[0] : i32 from vector<1xi32>
      %slice3A_45 = vector.extract_strided_slice %get3A_34 {offsets = [6], sizes = [1], strides = [1]} : vector<16xi32> to vector<1xi32>
      %squeeze3A_46 = vector.extract %slice3A_45[0] : i32 from vector<1xi32>
      %slice3A_47 = vector.extract_strided_slice %get3A_34 {offsets = [7], sizes = [1], strides = [1]} : vector<16xi32> to vector<1xi32>
      %squeeze3A_48 = vector.extract %slice3A_47[0] : i32 from vector<1xi32>
      %slice3A_49 = vector.extract_strided_slice %get3A_34 {offsets = [8], sizes = [1], strides = [1]} : vector<16xi32> to vector<1xi32>
      %squeeze3A_50 = vector.extract %slice3A_49[0] : i32 from vector<1xi32>
      %slice3A_51 = vector.extract_strided_slice %get3A_34 {offsets = [9], sizes = [1], strides = [1]} : vector<16xi32> to vector<1xi32>
      %squeeze3A_52 = vector.extract %slice3A_51[0] : i32 from vector<1xi32>
      %slice3A_53 = vector.extract_strided_slice %get3A_34 {offsets = [10], sizes = [1], strides = [1]} : vector<16xi32> to vector<1xi32>
      %squeeze3A_54 = vector.extract %slice3A_53[0] : i32 from vector<1xi32>
      %slice3A_55 = vector.extract_strided_slice %get3A_34 {offsets = [11], sizes = [1], strides = [1]} : vector<16xi32> to vector<1xi32>
      %squeeze3A_56 = vector.extract %slice3A_55[0] : i32 from vector<1xi32>
      %slice3A_57 = vector.extract_strided_slice %get3A_34 {offsets = [12], sizes = [1], strides = [1]} : vector<16xi32> to vector<1xi32>
      %squeeze3A_58 = vector.extract %slice3A_57[0] : i32 from vector<1xi32>
      %slice3A_59 = vector.extract_strided_slice %get3A_34 {offsets = [13], sizes = [1], strides = [1]} : vector<16xi32> to vector<1xi32>
      %squeeze3A_60 = vector.extract %slice3A_59[0] : i32 from vector<1xi32>
      %slice3A_61 = vector.extract_strided_slice %get3A_34 {offsets = [14], sizes = [1], strides = [1]} : vector<16xi32> to vector<1xi32>
      %squeeze3A_62 = vector.extract %slice3A_61[0] : i32 from vector<1xi32>
      %slice3A_63 = vector.extract_strided_slice %get3A_34 {offsets = [15], sizes = [1], strides = [1]} : vector<16xi32> to vector<1xi32>
      %squeeze3A_64 = vector.extract %slice3A_63[0] : i32 from vector<1xi32>
      %get3A_65 = arith.constant 16 : index
      %get3A_66 = tpu.vector_load %arg6[%get3A_65] {strides = array<i32>} : memref<416xi32, #tpu.memory_space<vmem>>, vector<16xi32>,
      %slice3A_67 = vector.extract_strided_slice %get3A_66 {offsets = [0], sizes = [1], strides = [1]} : vector<16xi32> to vector<1xi32>
      %squeeze3A_68 = vector.extract %slice3A_67[0] : i32 from vector<1xi32>
      %slice3A_69 = vector.extract_strided_slice %get3A_66 {offsets = [1], sizes = [1], strides = [1]} : vector<16xi32> to vector<1xi32>
      %squeeze3A_70 = vector.extract %slice3A_69[0] : i32 from vector<1xi32>
      %slice3A_71 = vector.extract_strided_slice %get3A_66 {offsets = [2], sizes = [1], strides = [1]} : vector<16xi32> to vector<1xi32>
      %squeeze3A_72 = vector.extract %slice3A_71[0] : i32 from vector<1xi32>
      %slice3A_73 = vector.extract_strided_slice %get3A_66 {offsets = [3], sizes = [1], strides = [1]} : vector<16xi32> to vector<1xi32>
      %squeeze3A_74 = vector.extract %slice3A_73[0] : i32 from vector<1xi32>
      %slice3A_75 = vector.extract_strided_slice %get3A_66 {offsets = [4], sizes = [1], strides = [1]} : vector<16xi32> to vector<1xi32>
      %squeeze3A_76 = vector.extract %slice3A_75[0] : i32 from vector<1xi32>
      %slice3A_77 = vector.extract_strided_slice %get3A_66 {offsets = [5], sizes = [1], strides = [1]} : vector<16xi32> to vector<1xi32>
      %squeeze3A_78 = vector.extract %slice3A_77[0] : i32 from vector<1xi32>
      %slice3A_79 = vector.extract_strided_slice %get3A_66 {offsets = [6], sizes = [1], strides = [1]} : vector<16xi32> to vector<1xi32>
      %squeeze3A_80 = vector.extract %slice3A_79[0] : i32 from vector<1xi32>
      %slice3A_81 = vector.extract_strided_slice %get3A_66 {offsets = [7], sizes = [1], strides = [1]} : vector<16xi32> to vector<1xi32>
      %squeeze3A_82 = vector.extract %slice3A_81[0] : i32 from vector<1xi32>
      %slice3A_83 = vector.extract_strided_slice %get3A_66 {offsets = [8], sizes = [1], strides = [1]} : vector<16xi32> to vector<1xi32>
      %squeeze3A_84 = vector.extract %slice3A_83[0] : i32 from vector<1xi32>
      %slice3A_85 = vector.extract_strided_slice %get3A_66 {offsets = [9], sizes = [1], strides = [1]} : vector<16xi32> to vector<1xi32>
      %squeeze3A_86 = vector.extract %slice3A_85[0] : i32 from vector<1xi32>
      %slice3A_87 = vector.extract_strided_slice %get3A_66 {offsets = [10], sizes = [1], strides = [1]} : vector<16xi32> to vector<1xi32>
      %squeeze3A_88 = vector.extract %slice3A_87[0] : i32 from vector<1xi32>
      %slice3A_89 = vector.extract_strided_slice %get3A_66 {offsets = [11], sizes = [1], strides = [1]} : vector<16xi32> to vector<1xi32>
      %squeeze3A_90 = vector.extract %slice3A_89[0] : i32 from vector<1xi32>
      %slice3A_91 = vector.extract_strided_slice %get3A_66 {offsets = [12], sizes = [1], strides = [1]} : vector<16xi32> to vector<1xi32>
      %squeeze3A_92 = vector.extract %slice3A_91[0] : i32 from vector<1xi32>
      %slice3A_93 = vector.extract_strided_slice %get3A_66 {offsets = [13], sizes = [1], strides = [1]} : vector<16xi32> to vector<1xi32>
      %squeeze3A_94 = vector.extract %slice3A_93[0] : i32 from vector<1xi32>
      %slice3A_95 = vector.extract_strided_slice %get3A_66 {offsets = [14], sizes = [1], strides = [1]} : vector<16xi32> to vector<1xi32>
      %squeeze3A_96 = vector.extract %slice3A_95[0] : i32 from vector<1xi32>
      %slice3A_97 = vector.extract_strided_slice %get3A_66 {offsets = [15], sizes = [1], strides = [1]} : vector<16xi32> to vector<1xi32>
      %squeeze3A_98 = vector.extract %slice3A_97[0] : i32 from vector<1xi32>
      %get3A_99 = arith.index_cast %squeeze3A : i32 to index
      %get3A_100 = arith.constant 0 : index
      %get3A_101 = tpu.vector_load %arg5[%get3A_99, %get3A_100] {strides = array<i32>} : memref<1000x128xf32, #tpu.memory_space<vmem>>, vector<16xf32>,
      %get3A_102 = arith.index_cast %squeeze3A : i32 to index
      %get3A_103 = arith.constant 16 : index
      %get3A_104 = tpu.vector_load %arg5[%get3A_102, %get3A_103] {strides = array<i32>} : memref<1000x128xf32, #tpu.memory_space<vmem>>, vector<16xf32>,
      %get3A_105 = arith.index_cast %squeeze3A : i32 to index
      %get3A_106 = arith.constant 32 : index
      %get3A_107 = tpu.vector_load %arg5[%get3A_105, %get3A_106] {strides = array<i32>} : memref<1000x128xf32, #tpu.memory_space<vmem>>, vector<16xf32>,
      %get3A_108 = arith.index_cast %squeeze3A : i32 to index
      %get3A_109 = arith.constant 48 : index
      %get3A_110 = tpu.vector_load %arg5[%get3A_108, %get3A_109] {strides = array<i32>} : memref<1000x128xf32, #tpu.memory_space<vmem>>, vector<16xf32>,
      %get3A_111 = arith.index_cast %squeeze3A : i32 to index
      %get3A_112 = arith.constant 64 : index
      %get3A_113 = tpu.vector_load %arg5[%get3A_111, %get3A_112] {strides = array<i32>} : memref<1000x128xf32, #tpu.memory_space<vmem>>, vector<16xf32>,
      %get3A_114 = arith.index_cast %squeeze3A : i32 to index
      %get3A_115 = arith.constant 80 : index
      %get3A_116 = tpu.vector_load %arg5[%get3A_114, %get3A_115] {strides = array<i32>} : memref<1000x128xf32, #tpu.memory_space<vmem>>, vector<16xf32>,
      %get3A_117 = arith.index_cast %squeeze3A : i32 to index
      %get3A_118 = arith.constant 96 : index
      %get3A_119 = tpu.vector_load %arg5[%get3A_117, %get3A_118] {strides = array<i32>} : memref<1000x128xf32, #tpu.memory_space<vmem>>, vector<16xf32>,
      %get3A_120 = arith.index_cast %squeeze3A : i32 to index
      %get3A_121 = arith.constant 112 : index
      %get3A_122 = tpu.vector_load %arg5[%get3A_120, %get3A_121] {strides = array<i32>} : memref<1000x128xf32, #tpu.memory_space<vmem>>, vector<16xf32>,
      %get3A_123 = arith.index_cast %squeeze3A_36 : i32 to index
      %get3A_124 = arith.constant 0 : index
      %get3A_125 = tpu.vector_load %arg5[%get3A_123, %get3A_124] {strides = array<i32>} : memref<1000x128xf32, #tpu.memory_space<vmem>>, vector<16xf32>,
      %swap3A = arith.constant 0 : i32
      %swap3A_126 = arith.index_cast %swap3A : i32 to index
      %swap3A_127 = arith.constant 0 : index
      %swap3A_128 = tpu.vector_load %arg8[%swap3A_126, %swap3A_127] {strides = array<i32>} : memref<8x128xf32, #tpu.memory_space<vmem>>, vector<16xf32>,
      tpu.vector_store %arg8[%swap3A_126, %swap3A_127], %get3A_101 {strides = array<i32>} : memref<8x128xf32, #tpu.memory_space<vmem>>, vector<16xf32>,
      %get3A_129 = arith.index_cast %squeeze3A_36 : i32 to index
      %get3A_130 = arith.constant 16 : index
      %get3A_131 = tpu.vector_load %arg5[%get3A_129, %get3A_130] {strides = array<i32>} : memref<1000x128xf32, #tpu.memory_space<vmem>>, vector<16xf32>,
      %swap3A_132 = arith.constant 0 : i32
      %swap3A_133 = arith.index_cast %swap3A_132 : i32 to index
      %swap3A_134 = arith.constant 16 : index
      %swap3A_135 = tpu.vector_load %arg8[%swap3A_133, %swap3A_134] {strides = array<i32>} : memref<8x128xf32, #tpu.memory_space<vmem>>, vector<16xf32>,
      tpu.vector_store %arg8[%swap3A_133, %swap3A_134], %get3A_104 {strides = array<i32>} : memref<8x128xf32, #tpu.memory_space<vmem>>, vector<16xf32>,
      %get3A_136 = arith.index_cast %squeeze3A_36 : i32 to index
      %get3A_137 = arith.constant 32 : index
      %get3A_138 = tpu.vector_load %arg5[%get3A_136, %get3A_137] {strides = array<i32>} : memref<1000x128xf32, #tpu.memory_space<vmem>>, vector<16xf32>,
      %swap3A_139 = arith.constant 0 : i32
      %swap3A_140 = arith.index_cast %swap3A_139 : i32 to index
      %swap3A_141 = arith.constant 32 : index
      %swap3A_142 = tpu.vector_load %arg8[%swap3A_140, %swap3A_141] {strides = array<i32>} : memref<8x128xf32, #tpu.memory_space<vmem>>, vector<16xf32>,
      tpu.vector_store %arg8[%swap3A_140, %swap3A_141], %get3A_107 {strides = array<i32>} : memref<8x128xf32, #tpu.memory_space<vmem>>, vector<16xf32>,
      %get3A_143 = arith.index_cast %squeeze3A_36 : i32 to index
      %get3A_144 = arith.constant 48 : index
      %get3A_145 = tpu.vector_load %arg5[%get3A_143, %get3A_144] {strides = array<i32>} : memref<1000x128xf32, #tpu.memory_space<vmem>>, vector<16xf32>,
      %swap3A_146 = arith.constant 0 : i32
      %swap3A_147 = arith.index_cast %swap3A_146 : i32 to index
      %swap3A_148 = arith.constant 48 : index
      %swap3A_149 = tpu.vector_load %arg8[%swap3A_147, %swap3A_148] {strides = array<i32>} : memref<8x128xf32, #tpu.memory_space<vmem>>, vector<16xf32>,
      tpu.vector_store %arg8[%swap3A_147, %swap3A_148], %get3A_110 {strides = array<i32>} : memref<8x128xf32, #tpu.memory_space<vmem>>, vector<16xf32>,
      %get3A_150 = arith.index_cast %squeeze3A_36 : i32 to index
      %get3A_151 = arith.constant 64 : index
      %get3A_152 = tpu.vector_load %arg5[%get3A_150, %get3A_151] {strides = array<i32>} : memref<1000x128xf32, #tpu.memory_space<vmem>>, vector<16xf32>,
      %swap3A_153 = arith.constant 0 : i32
      %swap3A_154 = arith.index_cast %swap3A_153 : i32 to index
      %swap3A_155 = arith.constant 64 : index
      %swap3A_156 = tpu.vector_load %arg8[%swap3A_154, %swap3A_155] {strides = array<i32>} : memref<8x128xf32, #tpu.memory_space<vmem>>, vector<16xf32>,
      tpu.vector_store %arg8[%swap3A_154, %swap3A_155], %get3A_113 {strides = array<i32>} : memref<8x128xf32, #tpu.memory_space<vmem>>, vector<16xf32>,
      %get3A_157 = arith.index_cast %squeeze3A_36 : i32 to index
      %get3A_158 = arith.constant 80 : index
      %get3A_159 = tpu.vector_load %arg5[%get3A_157, %get3A_158] {strides = array<i32>} : memref<1000x128xf32, #tpu.memory_space<vmem>>, vector<16xf32>,
      %swap3A_160 = arith.constant 0 : i32
      %swap3A_161 = arith.index_cast %swap3A_160 : i32 to index
      %swap3A_162 = arith.constant 80 : index
      %swap3A_163 = tpu.vector_load %arg8[%swap3A_161, %swap3A_162] {strides = array<i32>} : memref<8x128xf32, #tpu.memory_space<vmem>>, vector<16xf32>,
      tpu.vector_store %arg8[%swap3A_161, %swap3A_162], %get3A_116 {strides = array<i32>} : memref<8x128xf32, #tpu.memory_space<vmem>>, vector<16xf32>,
      %get3A_164 = arith.index_cast %squeeze3A_36 : i32 to index
      %get3A_165 = arith.constant 96 : index
      %get3A_166 = tpu.vector_load %arg5[%get3A_164, %get3A_165] {strides = array<i32>} : memref<1000x128xf32, #tpu.memory_space<vmem>>, vector<16xf32>,
      %swap3A_167 = arith.constant 0 : i32
      %swap3A_168 = arith.index_cast %swap3A_167 : i32 to index
      %swap3A_169 = arith.constant 96 : index
      %swap3A_170 = tpu.vector_load %arg8[%swap3A_168, %swap3A_169] {strides = array<i32>} : memref<8x128xf32, #tpu.memory_space<vmem>>, vector<16xf32>,
      tpu.vector_store %arg8[%swap3A_168, %swap3A_169], %get3A_119 {strides = array<i32>} : memref<8x128xf32, #tpu.memory_space<vmem>>, vector<16xf32>,
      %get3A_171 = arith.index_cast %squeeze3A_36 : i32 to index
      %get3A_172 = arith.constant 112 : index
      %get3A_173 = tpu.vector_load %arg5[%get3A_171, %get3A_172] {strides = array<i32>} : memref<1000x128xf32, #tpu.memory_space<vmem>>, vector<16xf32>,
      %swap3A_174 = arith.constant 0 : i32
      %swap3A_175 = arith.index_cast %swap3A_174 : i32 to index
      %swap3A_176 = arith.constant 112 : index
      %swap3A_177 = tpu.vector_load %arg8[%swap3A_175, %swap3A_176] {strides = array<i32>} : memref<8x128xf32, #tpu.memory_space<vmem>>, vector<16xf32>,
      tpu.vector_store %arg8[%swap3A_175, %swap3A_176], %get3A_122 {strides = array<i32>} : memref<8x128xf32, #tpu.memory_space<vmem>>, vector<16xf32>,
      %get3A_178 = arith.index_cast %squeeze3A_38 : i32 to index
      %get3A_179 = arith.constant 0 : index
      %get3A_180 = tpu.vector_load %arg5[%get3A_178, %get3A_179] {strides = array<i32>} : memref<1000x128xf32, #tpu.memory_space<vmem>>, vector<16xf32>,
      %swap3A_181 = arith.constant 1 : i32
      %swap3A_182 = arith.index_cast %swap3A_181 : i32 to index
      %swap3A_183 = arith.constant 0 : index
      %swap3A_184 = tpu.vector_load %arg8[%swap3A_182, %swap3A_183] {strides = array<i32>} : memref<8x128xf32, #tpu.memory_space<vmem>>, vector<16xf32>,
      tpu.vector_store %arg8[%swap3A_182, %swap3A_183], %get3A_125 {strides = array<i32>} : memref<8x128xf32, #tpu.memory_space<vmem>>, vector<16xf32>,
      %get3A_185 = arith.index_cast %squeeze3A_38 : i32 to index
      %get3A_186 = arith.constant 16 : index
      %get3A_187 = tpu.vector_load %arg5[%get3A_185, %get3A_186] {strides = array<i32>} : memref<1000x128xf32, #tpu.memory_space<vmem>>, vector<16xf32>,
      %swap3A_188 = arith.constant 1 : i32
      %swap3A_189 = arith.index_cast %swap3A_188 : i32 to index
      %swap3A_190 = arith.constant 16 : index
      %swap3A_191 = tpu.vector_load %arg8[%swap3A_189, %swap3A_190] {strides = array<i32>} : memref<8x128xf32, #tpu.memory_space<vmem>>, vector<16xf32>,
      tpu.vector_store %arg8[%swap3A_189, %swap3A_190], %get3A_131 {strides = array<i32>} : memref<8x128xf32, #tpu.memory_space<vmem>>, vector<16xf32>,
      %get3A_192 = arith.index_cast %squeeze3A_38 : i32 to index
      %get3A_193 = arith.constant 32 : index
      %get3A_194 = tpu.vector_load %arg5[%get3A_192, %get3A_193] {strides = array<i32>} : memref<1000x128xf32, #tpu.memory_space<vmem>>, vector<16xf32>,
      %swap3A_195 = arith.constant 1 : i32
      %swap3A_196 = arith.index_cast %swap3A_195 : i32 to index
      %swap3A_197 = arith.constant 32 : index
      %swap3A_198 = tpu.vector_load %arg8[%swap3A_196, %swap3A_197] {strides = array<i32>} : memref<8x128xf32, #tpu.memory_space<vmem>>, vector<16xf32>,
      tpu.vector_store %arg8[%swap3A_196, %swap3A_197], %get3A_138 {strides = array<i32>} : memref<8x128xf32, #tpu.memory_space<vmem>>, vector<16xf32>,
      %get3A_199 = arith.index_cast %squeeze3A_38 : i32 to index
      %get3A_200 = arith.constant 48 : index
      %get3A_201 = tpu.vector_load %arg5[%get3A_199, %get3A_200] {strides = array<i32>} : memref<1000x128xf32, #tpu.memory_space<vmem>>, vector<16xf32>,
      %swap3A_202 = arith.constant 1 : i32
      %swap3A_203 = arith.index_cast %swap3A_202 : i32 to index
      %swap3A_204 = arith.constant 48 : index
      %swap3A_205 = tpu.vector_load %arg8[%swap3A_203, %swap3A_204] {strides = array<i32>} : memref<8x128xf32, #tpu.memory_space<vmem>>, vector<16xf32>,
      tpu.vector_store %arg8[%swap3A_203, %swap3A_204], %get3A_145 {strides = array<i32>} : memref<8x128xf32, #tpu.memory_space<vmem>>, vector<16xf32>,
      %get3A_206 = arith.index_cast %squeeze3A_38 : i32 to index
      %get3A_207 = arith.constant 64 : index
      %get3A_208 = tpu.vector_load %arg5[%get3A_206, %get3A_207] {strides = array<i32>} : memref<1000x128xf32, #tpu.memory_space<vmem>>, vector<16xf32>,
      %swap3A_209 = arith.constant 1 : i32
      %swap3A_210 = arith.index_cast %swap3A_209 : i32 to index
      %swap3A_211 = arith.constant 64 : index
      %swap3A_212 = tpu.vector_load %arg8[%swap3A_210, %swap3A_211] {strides = array<i32>} : memref<8x128xf32, #tpu.memory_space<vmem>>, vector<16xf32>,
      tpu.vector_store %arg8[%swap3A_210, %swap3A_211], %get3A_152 {strides = array<i32>} : memref<8x128xf32, #tpu.memory_space<vmem>>, vector<16xf32>,
      %get3A_213 = arith.index_cast %squeeze3A_38 : i32 to index
      %get3A_214 = arith.constant 80 : index
      %get3A_215 = tpu.vector_load %arg5[%get3A_213, %get3A_214] {strides = array<i32>} : memref<1000x128xf32, #tpu.memory_space<vmem>>, vector<16xf32>,
      %swap3A_216 = arith.constant 1 : i32
      %swap3A_217 = arith.index_cast %swap3A_216 : i32 to index
      %swap3A_218 = arith.constant 80 : index
      %swap3A_219 = tpu.vector_load %arg8[%swap3A_217, %swap3A_218] {strides = array<i32>} : memref<8x128xf32, #tpu.memory_space<vmem>>, vector<16xf32>,
      tpu.vector_store %arg8[%swap3A_217, %swap3A_218], %get3A_159 {strides = array<i32>} : memref<8x128xf32, #tpu.memory_space<vmem>>, vector<16xf32>,
      %get3A_220 = arith.index_cast %squeeze3A_38 : i32 to index
      %get3A_221 = arith.constant 96 : index
      %get3A_222 = tpu.vector_load %arg5[%get3A_220, %get3A_221] {strides = array<i32>} : memref<1000x128xf32, #tpu.memory_space<vmem>>, vector<16xf32>,
      %swap3A_223 = arith.constant 1 : i32
      %swap3A_224 = arith.index_cast %swap3A_223 : i32 to index
      %swap3A_225 = arith.constant 96 : index
      %swap3A_226 = tpu.vector_load %arg8[%swap3A_224, %swap3A_225] {strides = array<i32>} : memref<8x128xf32, #tpu.memory_space<vmem>>, vector<16xf32>,
      tpu.vector_store %arg8[%swap3A_224, %swap3A_225], %get3A_166 {strides = array<i32>} : memref<8x128xf32, #tpu.memory_space<vmem>>, vector<16xf32>,
      %get3A_227 = arith.index_cast %squeeze3A_38 : i32 to index
      %get3A_228 = arith.constant 112 : index
      %get3A_229 = tpu.vector_load %arg5[%get3A_227, %get3A_228] {strides = array<i32>} : memref<1000x128xf32, #tpu.memory_space<vmem>>, vector<16xf32>,
      %swap3A_230 = arith.constant 1 : i32
      %swap3A_231 = arith.index_cast %swap3A_230 : i32 to index
      %swap3A_232 = arith.constant 112 : index
      %swap3A_233 = tpu.vector_load %arg8[%swap3A_231, %swap3A_232] {strides = array<i32>} : memref<8x128xf32, #tpu.memory_space<vmem>>, vector<16xf32>,
      tpu.vector_store %arg8[%swap3A_231, %swap3A_232], %get3A_173 {strides = array<i32>} : memref<8x128xf32, #tpu.memory_space<vmem>>, vector<16xf32>,
      %get3A_234 = arith.index_cast %squeeze3A_40 : i32 to index
      %get3A_235 = arith.constant 0 : index
      %get3A_236 = tpu.vector_load %arg5[%get3A_234, %get3A_235] {strides = array<i32>} : memref<1000x128xf32, #tpu.memory_space<vmem>>, vector<16xf32>,
      %swap3A_237 = arith.constant 2 : i32
      %swap3A_238 = arith.index_cast %swap3A_237 : i32 to index
      %swap3A_239 = arith.constant 0 : index
      %swap3A_240 = tpu.vector_load %arg8[%swap3A_238, %swap3A_239] {strides = array<i32>} : memref<8x128xf32, #tpu.memory_space<vmem>>, vector<16xf32>,
      tpu.vector_store %arg8[%swap3A_238, %swap3A_239], %get3A_180 {strides = array<i32>} : memref<8x128xf32, #tpu.memory_space<vmem>>, vector<16xf32>,
      %get3A_241 = arith.index_cast %squeeze3A_40 : i32 to index
      %get3A_242 = arith.constant 16 : index
      %get3A_243 = tpu.vector_load %arg5[%get3A_241, %get3A_242] {strides = array<i32>} : memref<1000x128xf32, #tpu.memory_space<vmem>>, vector<16xf32>,
      %swap3A_244 = arith.constant 2 : i32
      %swap3A_245 = arith.index_cast %swap3A_244 : i32 to index
      %swap3A_246 = arith.constant 16 : index
      %swap3A_247 = tpu.vector_load %arg8[%swap3A_245, %swap3A_246] {strides = array<i32>} : memref<8x128xf32, #tpu.memory_space<vmem>>, vector<16xf32>,
      tpu.vector_store %arg8[%swap3A_245, %swap3A_246], %get3A_187 {strides = array<i32>} : memref<8x128xf32, #tpu.memory_space<vmem>>, vector<16xf32>,
      %get3A_248 = arith.index_cast %squeeze3A_40 : i32 to index
      %get3A_249 = arith.constant 32 : index
      %get3A_250 = tpu.vector_load %arg5[%get3A_248, %get3A_249] {strides = array<i32>} : memref<1000x128xf32, #tpu.memory_space<vmem>>, vector<16xf32>,
      %swap3A_251 = arith.constant 2 : i32
      %swap3A_252 = arith.index_cast %swap3A_251 : i32 to index
      %swap3A_253 = arith.constant 32 : index
      %swap3A_254 = tpu.vector_load %arg8[%swap3A_252, %swap3A_253] {strides = array<i32>} : memref<8x128xf32, #tpu.memory_space<vmem>>, vector<16xf32>,
      tpu.vector_store %arg8[%swap3A_252, %swap3A_253], %get3A_194 {strides = array<i32>} : memref<8x128xf32, #tpu.memory_space<vmem>>, vector<16xf32>,
      %get3A_255 = arith.index_cast %squeeze3A_40 : i32 to index
      %get3A_256 = arith.constant 48 : index
      %get3A_257 = tpu.vector_load %arg5[%get3A_255, %get3A_256] {strides = array<i32>} : memref<1000x128xf32, #tpu.memory_space<vmem>>, vector<16xf32>,
      %swap3A_258 = arith.constant 2 : i32
      %swap3A_259 = arith.index_cast %swap3A_258 : i32 to index
      %swap3A_260 = arith.constant 48 : index
      %swap3A_261 = tpu.vector_load %arg8[%swap3A_259, %swap3A_260] {strides = array<i32>} : memref<8x128xf32, #tpu.memory_space<vmem>>, vector<16xf32>,
      tpu.vector_store %arg8[%swap3A_259, %swap3A_260], %get3A_201 {strides = array<i32>} : memref<8x128xf32, #tpu.memory_space<vmem>>, vector<16xf32>,
      %get3A_262 = arith.index_cast %squeeze3A_40 : i32 to index
      %get3A_263 = arith.constant 64 : index
      %get3A_264 = tpu.vector_load %arg5[%get3A_262, %get3A_263] {strides = array<i32>} : memref<1000x128xf32, #tpu.memory_space<vmem>>, vector<16xf32>,
      %swap3A_265 = arith.constant 2 : i32
      %swap3A_266 = arith.index_cast %swap3A_265 : i32 to index
      %swap3A_267 = arith.constant 64 : index
      %swap3A_268 = tpu.vector_load %arg8[%swap3A_266, %swap3A_267] {strides = array<i32>} : memref<8x128xf32, #tpu.memory_space<vmem>>, vector<16xf32>,
      tpu.vector_store %arg8[%swap3A_266, %swap3A_267], %get3A_208 {strides = array<i32>} : memref<8x128xf32, #tpu.memory_space<vmem>>, vector<16xf32>,
      %get3A_269 = arith.index_cast %squeeze3A_40 : i32 to index
      %get3A_270 = arith.constant 80 : index
      %get3A_271 = tpu.vector_load %arg5[%get3A_269, %get3A_270] {strides = array<i32>} : memref<1000x128xf32, #tpu.memory_space<vmem>>, vector<16xf32>,
      %swap3A_272 = arith.constant 2 : i32
      %swap3A_273 = arith.index_cast %swap3A_272 : i32 to index
      %swap3A_274 = arith.constant 80 : index
      %swap3A_275 = tpu.vector_load %arg8[%swap3A_273, %swap3A_274] {strides = array<i32>} : memref<8x128xf32, #tpu.memory_space<vmem>>, vector<16xf32>,
      tpu.vector_store %arg8[%swap3A_273, %swap3A_274], %get3A_215 {strides = array<i32>} : memref<8x128xf32, #tpu.memory_space<vmem>>, vector<16xf32>,
      %get3A_276 = arith.index_cast %squeeze3A_40 : i32 to index
      %get3A_277 = arith.constant 96 : index
      %get3A_278 = tpu.vector_load %arg5[%get3A_276, %get3A_277] {strides = array<i32>} : memref<1000x128xf32, #tpu.memory_space<vmem>>, vector<16xf32>,
      %swap3A_279 = arith.constant 2 : i32
      %swap3A_280 = arith.index_cast %swap3A_279 : i32 to index
      %swap3A_281 = arith.constant 96 : index
      %swap3A_282 = tpu.vector_load %arg8[%swap3A_280, %swap3A_281] {strides = array<i32>} : memref<8x128xf32, #tpu.memory_space<vmem>>, vector<16xf32>,
      tpu.vector_store %arg8[%swap3A_280, %swap3A_281], %get3A_222 {strides = array<i32>} : memref<8x128xf32, #tpu.memory_space<vmem>>, vector<16xf32>,
      %get3A_283 = arith.index_cast %squeeze3A_40 : i32 to index
      %get3A_284 = arith.constant 112 : index
      %get3A_285 = tpu.vector_load %arg5[%get3A_283, %get3A_284] {strides = array<i32>} : memref<1000x128xf32, #tpu.memory_space<vmem>>, vector<16xf32>,
      %swap3A_286 = arith.constant 2 : i32
      %swap3A_287 = arith.index_cast %swap3A_286 : i32 to index
      %swap3A_288 = arith.constant 112 : index
      %swap3A_289 = tpu.vector_load %arg8[%swap3A_287, %swap3A_288] {strides = array<i32>} : memref<8x128xf32, #tpu.memory_space<vmem>>, vector<16xf32>,
      tpu.vector_store %arg8[%swap3A_287, %swap3A_288], %get3A_229 {strides = array<i32>} : memref<8x128xf32, #tpu.memory_space<vmem>>, vector<16xf32>,
      %get3A_290 = arith.index_cast %squeeze3A_42 : i32 to index
      %get3A_291 = arith.constant 0 : index
      %get3A_292 = tpu.vector_load %arg5[%get3A_290, %get3A_291] {strides = array<i32>} : memref<1000x128xf32, #tpu.memory_space<vmem>>, vector<16xf32>,
      %swap3A_293 = arith.constant 3 : i32
      %swap3A_294 = arith.index_cast %swap3A_293 : i32 to index
      %swap3A_295 = arith.constant 0 : index
      %swap3A_296 = tpu.vector_load %arg8[%swap3A_294, %swap3A_295] {strides = array<i32>} : memref<8x128xf32, #tpu.memory_space<vmem>>, vector<16xf32>,
      tpu.vector_store %arg8[%swap3A_294, %swap3A_295], %get3A_236 {strides = array<i32>} : memref<8x128xf32, #tpu.memory_space<vmem>>, vector<16xf32>,
      %get3A_297 = arith.index_cast %squeeze3A_42 : i32 to index
      %get3A_298 = arith.constant 16 : index
      %get3A_299 = tpu.vector_load %arg5[%get3A_297, %get3A_298] {strides = array<i32>} : memref<1000x128xf32, #tpu.memory_space<vmem>>, vector<16xf32>,
      %swap3A_300 = arith.constant 3 : i32
      %swap3A_301 = arith.index_cast %swap3A_300 : i32 to index
      %swap3A_302 = arith.constant 16 : index
      %swap3A_303 = tpu.vector_load %arg8[%swap3A_301, %swap3A_302] {strides = array<i32>} : memref<8x128xf32, #tpu.memory_space<vmem>>, vector<16xf32>,
      tpu.vector_store %arg8[%swap3A_301, %swap3A_302], %get3A_243 {strides = array<i32>} : memref<8x128xf32, #tpu.memory_space<vmem>>, vector<16xf32>,
      %get3A_304 = arith.index_cast %squeeze3A_42 : i32 to index
      %get3A_305 = arith.constant 32 : index
      %get3A_306 = tpu.vector_load %arg5[%get3A_304, %get3A_305] {strides = array<i32>} : memref<1000x128xf32, #tpu.memory_space<vmem>>, vector<16xf32>,
      %swap3A_307 = arith.constant 3 : i32
      %swap3A_308 = arith.index_cast %swap3A_307 : i32 to index
      %swap3A_309 = arith.constant 32 : index
      %swap3A_310 = tpu.vector_load %arg8[%swap3A_308, %swap3A_309] {strides = array<i32>} : memref<8x128xf32, #tpu.memory_space<vmem>>, vector<16xf32>,
      tpu.vector_store %arg8[%swap3A_308, %swap3A_309], %get3A_250 {strides = array<i32>} : memref<8x128xf32, #tpu.memory_space<vmem>>, vector<16xf32>,
      %get3A_311 = arith.index_cast %squeeze3A_42 : i32 to index
      %get3A_312 = arith.constant 48 : index
      %get3A_313 = tpu.vector_load %arg5[%get3A_311, %get3A_312] {strides = array<i32>} : memref<1000x128xf32, #tpu.memory_space<vmem>>, vector<16xf32>,
      %swap3A_314 = arith.constant 3 : i32
      %swap3A_315 = arith.index_cast %swap3A_314 : i32 to index
      %swap3A_316 = arith.constant 48 : index
      %swap3A_317 = tpu.vector_load %arg8[%swap3A_315, %swap3A_316] {strides = array<i32>} : memref<8x128xf32, #tpu.memory_space<vmem>>, vector<16xf32>,
      tpu.vector_store %arg8[%swap3A_315, %swap3A_316], %get3A_257 {strides = array<i32>} : memref<8x128xf32, #tpu.memory_space<vmem>>, vector<16xf32>,
      %get3A_318 = arith.index_cast %squeeze3A_42 : i32 to index
      %get3A_319 = arith.constant 64 : index
      %get3A_320 = tpu.vector_load %arg5[%get3A_318, %get3A_319] {strides = array<i32>} : memref<1000x128xf32, #tpu.memory_space<vmem>>, vector<16xf32>,
      %swap3A_321 = arith.constant 3 : i32
      %swap3A_322 = arith.index_cast %swap3A_321 : i32 to index
      %swap3A_323 = arith.constant 64 : index
      %swap3A_324 = tpu.vector_load %arg8[%swap3A_322, %swap3A_323] {strides = array<i32>} : memref<8x128xf32, #tpu.memory_space<vmem>>, vector<16xf32>,
      tpu.vector_store %arg8[%swap3A_322, %swap3A_323], %get3A_264 {strides = array<i32>} : memref<8x128xf32, #tpu.memory_space<vmem>>, vector<16xf32>,
      %get3A_325 = arith.index_cast %squeeze3A_42 : i32 to index
      %get3A_326 = arith.constant 80 : index
      %get3A_327 = tpu.vector_load %arg5[%get3A_325, %get3A_326] {strides = array<i32>} : memref<1000x128xf32, #tpu.memory_space<vmem>>, vector<16xf32>,
      %swap3A_328 = arith.constant 3 : i32
      %swap3A_329 = arith.index_cast %swap3A_328 : i32 to index
      %swap3A_330 = arith.constant 80 : index
      %swap3A_331 = tpu.vector_load %arg8[%swap3A_329, %swap3A_330] {strides = array<i32>} : memref<8x128xf32, #tpu.memory_space<vmem>>, vector<16xf32>,
      tpu.vector_store %arg8[%swap3A_329, %swap3A_330], %get3A_271 {strides = array<i32>} : memref<8x128xf32, #tpu.memory_space<vmem>>, vector<16xf32>,
      %get3A_332 = arith.index_cast %squeeze3A_42 : i32 to index
      %get3A_333 = arith.constant 96 : index
      %get3A_334 = tpu.vector_load %arg5[%get3A_332, %get3A_333] {strides = array<i32>} : memref<1000x128xf32, #tpu.memory_space<vmem>>, vector<16xf32>,
      %swap3A_335 = arith.constant 3 : i32
      %swap3A_336 = arith.index_cast %swap3A_335 : i32 to index
      %swap3A_337 = arith.constant 96 : index
      %swap3A_338 = tpu.vector_load %arg8[%swap3A_336, %swap3A_337] {strides = array<i32>} : memref<8x128xf32, #tpu.memory_space<vmem>>, vector<16xf32>,
      tpu.vector_store %arg8[%swap3A_336, %swap3A_337], %get3A_278 {strides = array<i32>} : memref<8x128xf32, #tpu.memory_space<vmem>>, vector<16xf32>,
      %get3A_339 = arith.index_cast %squeeze3A_42 : i32 to index
      %get3A_340 = arith.constant 112 : index
      %get3A_341 = tpu.vector_load %arg5[%get3A_339, %get3A_340] {strides = array<i32>} : memref<1000x128xf32, #tpu.memory_space<vmem>>, vector<16xf32>,
      %swap3A_342 = arith.constant 3 : i32
      %swap3A_343 = arith.index_cast %swap3A_342 : i32 to index
      %swap3A_344 = arith.constant 112 : index
      %swap3A_345 = tpu.vector_load %arg8[%swap3A_343, %swap3A_344] {strides = array<i32>} : memref<8x128xf32, #tpu.memory_space<vmem>>, vector<16xf32>,
      tpu.vector_store %arg8[%swap3A_343, %swap3A_344], %get3A_285 {strides = array<i32>} : memref<8x128xf32, #tpu.memory_space<vmem>>, vector<16xf32>,
      %get3A_346 = arith.index_cast %squeeze3A_44 : i32 to index
      %get3A_347 = arith.constant 0 : index
      %get3A_348 = tpu.vector_load %arg5[%get3A_346, %get3A_347] {strides = array<i32>} : memref<1000x128xf32, #tpu.memory_space<vmem>>, vector<16xf32>,
      %swap3A_349 = arith.constant 4 : i32
      %swap3A_350 = arith.index_cast %swap3A_349 : i32 to index
      %swap3A_351 = arith.constant 0 : index
      %swap3A_352 = tpu.vector_load %arg8[%swap3A_350, %swap3A_351] {strides = array<i32>} : memref<8x128xf32, #tpu.memory_space<vmem>>, vector<16xf32>,
      tpu.vector_store %arg8[%swap3A_350, %swap3A_351], %get3A_292 {strides = array<i32>} : memref<8x128xf32, #tpu.memory_space<vmem>>, vector<16xf32>,
      %get3A_353 = arith.index_cast %squeeze3A_44 : i32 to index
      %get3A_354 = arith.constant 16 : index
      %get3A_355 = tpu.vector_load %arg5[%get3A_353, %get3A_354] {strides = array<i32>} : memref<1000x128xf32, #tpu.memory_space<vmem>>, vector<16xf32>,
      %swap3A_356 = arith.constant 4 : i32
      %swap3A_357 = arith.index_cast %swap3A_356 : i32 to index
      %swap3A_358 = arith.constant 16 : index
      %swap3A_359 = tpu.vector_load %arg8[%swap3A_357, %swap3A_358] {strides = array<i32>} : memref<8x128xf32, #tpu.memory_space<vmem>>, vector<16xf32>,
      tpu.vector_store %arg8[%swap3A_357, %swap3A_358], %get3A_299 {strides = array<i32>} : memref<8x128xf32, #tpu.memory_space<vmem>>, vector<16xf32>,
      %get3A_360 = arith.index_cast %squeeze3A_44 : i32 to index
      %get3A_361 = arith.constant 32 : index
      %get3A_362 = tpu.vector_load %arg5[%get3A_360, %get3A_361] {strides = array<i32>} : memref<1000x128xf32, #tpu.memory_space<vmem>>, vector<16xf32>,
      %swap3A_363 = arith.constant 4 : i32
      %swap3A_364 = arith.index_cast %swap3A_363 : i32 to index
      %swap3A_365 = arith.constant 32 : index
      %swap3A_366 = tpu.vector_load %arg8[%swap3A_364, %swap3A_365] {strides = array<i32>} : memref<8x128xf32, #tpu.memory_space<vmem>>, vector<16xf32>,
      tpu.vector_store %arg8[%swap3A_364, %swap3A_365], %get3A_306 {strides = array<i32>} : memref<8x128xf32, #tpu.memory_space<vmem>>, vector<16xf32>,
      %get3A_367 = arith.index_cast %squeeze3A_44 : i32 to index
      %get3A_368 = arith.constant 48 : index
      %get3A_369 = tpu.vector_load %arg5[%get3A_367, %get3A_368] {strides = array<i32>} : memref<1000x128xf32, #tpu.memory_space<vmem>>, vector<16xf32>,
      %swap3A_370 = arith.constant 4 : i32
      %swap3A_371 = arith.index_cast %swap3A_370 : i32 to index
      %swap3A_372 = arith.constant 48 : index
      %swap3A_373 = tpu.vector_load %arg8[%swap3A_371, %swap3A_372] {strides = array<i32>} : memref<8x128xf32, #tpu.memory_space<vmem>>, vector<16xf32>,
      tpu.vector_store %arg8[%swap3A_371, %swap3A_372], %get3A_313 {strides = array<i32>} : memref<8x128xf32, #tpu.memory_space<vmem>>, vector<16xf32>,
      %get3A_374 = arith.index_cast %squeeze3A_44 : i32 to index
      %get3A_375 = arith.constant 64 : index
      %get3A_376 = tpu.vector_load %arg5[%get3A_374, %get3A_375] {strides = array<i32>} : memref<1000x128xf32, #tpu.memory_space<vmem>>, vector<16xf32>,
      %swap3A_377 = arith.constant 4 : i32
      %swap3A_378 = arith.index_cast %swap3A_377 : i32 to index
      %swap3A_379 = arith.constant 64 : index
      %swap3A_380 = tpu.vector_load %arg8[%swap3A_378, %swap3A_379] {strides = array<i32>} : memref<8x128xf32, #tpu.memory_space<vmem>>, vector<16xf32>,
      tpu.vector_store %arg8[%swap3A_378, %swap3A_379], %get3A_320 {strides = array<i32>} : memref<8x128xf32, #tpu.memory_space<vmem>>, vector<16xf32>,
      %get3A_381 = arith.index_cast %squeeze3A_44 : i32 to index
      %get3A_382 = arith.constant 80 : index
      %get3A_383 = tpu.vector_load %arg5[%get3A_381, %get3A_382] {strides = array<i32>} : memref<1000x128xf32, #tpu.memory_space<vmem>>, vector<16xf32>,
      %swap3A_384 = arith.constant 4 : i32
      %swap3A_385 = arith.index_cast %swap3A_384 : i32 to index
      %swap3A_386 = arith.constant 80 : index
      %swap3A_387 = tpu.vector_load %arg8[%swap3A_385, %swap3A_386] {strides = array<i32>} : memref<8x128xf32, #tpu.memory_space<vmem>>, vector<16xf32>,
      tpu.vector_store %arg8[%swap3A_385, %swap3A_386], %get3A_327 {strides = array<i32>} : memref<8x128xf32, #tpu.memory_space<vmem>>, vector<16xf32>,
      %get3A_388 = arith.index_cast %squeeze3A_44 : i32 to index
      %get3A_389 = arith.constant 96 : index
      %get3A_390 = tpu.vector_load %arg5[%get3A_388, %get3A_389] {strides = array<i32>} : memref<1000x128xf32, #tpu.memory_space<vmem>>, vector<16xf32>,
      %swap3A_391 = arith.constant 4 : i32
      %swap3A_392 = arith.index_cast %swap3A_391 : i32 to index
      %swap3A_393 = arith.constant 96 : index
      %swap3A_394 = tpu.vector_load %arg8[%swap3A_392, %swap3A_393] {strides = array<i32>} : memref<8x128xf32, #tpu.memory_space<vmem>>, vector<16xf32>,
      tpu.vector_store %arg8[%swap3A_392, %swap3A_393], %get3A_334 {strides = array<i32>} : memref<8x128xf32, #tpu.memory_space<vmem>>, vector<16xf32>,
      %get3A_395 = arith.index_cast %squeeze3A_44 : i32 to index
      %get3A_396 = arith.constant 112 : index
      %get3A_397 = tpu.vector_load %arg5[%get3A_395, %get3A_396] {strides = array<i32>} : memref<1000x128xf32, #tpu.memory_space<vmem>>, vector<16xf32>,
      %swap3A_398 = arith.constant 4 : i32
      %swap3A_399 = arith.index_cast %swap3A_398 : i32 to index
      %swap3A_400 = arith.constant 112 : index
      %swap3A_401 = tpu.vector_load %arg8[%swap3A_399, %swap3A_400] {strides = array<i32>} : memref<8x128xf32, #tpu.memory_space<vmem>>, vector<16xf32>,
      tpu.vector_store %arg8[%swap3A_399, %swap3A_400], %get3A_341 {strides = array<i32>} : memref<8x128xf32, #tpu.memory_space<vmem>>, vector<16xf32>,
      %get3A_402 = arith.index_cast %squeeze3A_46 : i32 to index
      %get3A_403 = arith.constant 0 : index
      %get3A_404 = tpu.vector_load %arg5[%get3A_402, %get3A_403] {strides = array<i32>} : memref<1000x128xf32, #tpu.memory_space<vmem>>, vector<16xf32>,
      %swap3A_405 = arith.constant 5 : i32
      %swap3A_406 = arith.index_cast %swap3A_405 : i32 to index
      %swap3A_407 = arith.constant 0 : index
      %swap3A_408 = tpu.vector_load %arg8[%swap3A_406, %swap3A_407] {strides = array<i32>} : memref<8x128xf32, #tpu.memory_space<vmem>>, vector<16xf32>,
      tpu.vector_store %arg8[%swap3A_406, %swap3A_407], %get3A_348 {strides = array<i32>} : memref<8x128xf32, #tpu.memory_space<vmem>>, vector<16xf32>,
      %get3A_409 = arith.index_cast %squeeze3A_46 : i32 to index
      %get3A_410 = arith.constant 16 : index
      %get3A_411 = tpu.vector_load %arg5[%get3A_409, %get3A_410] {strides = array<i32>} : memref<1000x128xf32, #tpu.memory_space<vmem>>, vector<16xf32>,
      %swap3A_412 = arith.constant 5 : i32
      %swap3A_413 = arith.index_cast %swap3A_412 : i32 to index
      %swap3A_414 = arith.constant 16 : index
      %swap3A_415 = tpu.vector_load %arg8[%swap3A_413, %swap3A_414] {strides = array<i32>} : memref<8x128xf32, #tpu.memory_space<vmem>>, vector<16xf32>,
      tpu.vector_store %arg8[%swap3A_413, %swap3A_414], %get3A_355 {strides = array<i32>} : memref<8x128xf32, #tpu.memory_space<vmem>>, vector<16xf32>,
      %get3A_416 = arith.index_cast %squeeze3A_46 : i32 to index
      %get3A_417 = arith.constant 32 : index
      %get3A_418 = tpu.vector_load %arg5[%get3A_416, %get3A_417] {strides = array<i32>} : memref<1000x128xf32, #tpu.memory_space<vmem>>, vector<16xf32>,
      %swap3A_419 = arith.constant 5 : i32
      %swap3A_420 = arith.index_cast %swap3A_419 : i32 to index
      %swap3A_421 = arith.constant 32 : index
      %swap3A_422 = tpu.vector_load %arg8[%swap3A_420, %swap3A_421] {strides = array<i32>} : memref<8x128xf32, #tpu.memory_space<vmem>>, vector<16xf32>,
      tpu.vector_store %arg8[%swap3A_420, %swap3A_421], %get3A_362 {strides = array<i32>} : memref<8x128xf32, #tpu.memory_space<vmem>>, vector<16xf32>,
      %get3A_423 = arith.index_cast %squeeze3A_46 : i32 to index
      %get3A_424 = arith.constant 48 : index
      %get3A_425 = tpu.vector_load %arg5[%get3A_423, %get3A_424] {strides = array<i32>} : memref<1000x128xf32, #tpu.memory_space<vmem>>, vector<16xf32>,
      %swap3A_426 = arith.constant 5 : i32
      %swap3A_427 = arith.index_cast %swap3A_426 : i32 to index
      %swap3A_428 = arith.constant 48 : index
      %swap3A_429 = tpu.vector_load %arg8[%swap3A_427, %swap3A_428] {strides = array<i32>} : memref<8x128xf32, #tpu.memory_space<vmem>>, vector<16xf32>,
      tpu.vector_store %arg8[%swap3A_427, %swap3A_428], %get3A_369 {strides = array<i32>} : memref<8x128xf32, #tpu.memory_space<vmem>>, vector<16xf32>,
      %get3A_430 = arith.index_cast %squeeze3A_46 : i32 to index
      %get3A_431 = arith.constant 64 : index
      %get3A_432 = tpu.vector_load %arg5[%get3A_430, %get3A_431] {strides = array<i32>} : memref<1000x128xf32, #tpu.memory_space<vmem>>, vector<16xf32>,
      %swap3A_433 = arith.constant 5 : i32
      %swap3A_434 = arith.index_cast %swap3A_433 : i32 to index
      %swap3A_435 = arith.constant 64 : index
      %swap3A_436 = tpu.vector_load %arg8[%swap3A_434, %swap3A_435] {strides = array<i32>} : memref<8x128xf32, #tpu.memory_space<vmem>>, vector<16xf32>,
      tpu.vector_store %arg8[%swap3A_434, %swap3A_435], %get3A_376 {strides = array<i32>} : memref<8x128xf32, #tpu.memory_space<vmem>>, vector<16xf32>,
      %get3A_437 = arith.index_cast %squeeze3A_46 : i32 to index
      %get3A_438 = arith.constant 80 : index
      %get3A_439 = tpu.vector_load %arg5[%get3A_437, %get3A_438] {strides = array<i32>} : memref<1000x128xf32, #tpu.memory_space<vmem>>, vector<16xf32>,
      %swap3A_440 = arith.constant 5 : i32
      %swap3A_441 = arith.index_cast %swap3A_440 : i32 to index
      %swap3A_442 = arith.constant 80 : index
      %swap3A_443 = tpu.vector_load %arg8[%swap3A_441, %swap3A_442] {strides = array<i32>} : memref<8x128xf32, #tpu.memory_space<vmem>>, vector<16xf32>,
      tpu.vector_store %arg8[%swap3A_441, %swap3A_442], %get3A_383 {strides = array<i32>} : memref<8x128xf32, #tpu.memory_space<vmem>>, vector<16xf32>,
      %get3A_444 = arith.index_cast %squeeze3A_46 : i32 to index
      %get3A_445 = arith.constant 96 : index
      %get3A_446 = tpu.vector_load %arg5[%get3A_444, %get3A_445] {strides = array<i32>} : memref<1000x128xf32, #tpu.memory_space<vmem>>, vector<16xf32>,
      %swap3A_447 = arith.constant 5 : i32
      %swap3A_448 = arith.index_cast %swap3A_447 : i32 to index
      %swap3A_449 = arith.constant 96 : index
      %swap3A_450 = tpu.vector_load %arg8[%swap3A_448, %swap3A_449] {strides = array<i32>} : memref<8x128xf32, #tpu.memory_space<vmem>>, vector<16xf32>,
      tpu.vector_store %arg8[%swap3A_448, %swap3A_449], %get3A_390 {strides = array<i32>} : memref<8x128xf32, #tpu.memory_space<vmem>>, vector<16xf32>,
      %get3A_451 = arith.index_cast %squeeze3A_46 : i32 to index
      %get3A_452 = arith.constant 112 : index
      %get3A_453 = tpu.vector_load %arg5[%get3A_451, %get3A_452] {strides = array<i32>} : memref<1000x128xf32, #tpu.memory_space<vmem>>, vector<16xf32>,
      %swap3A_454 = arith.constant 5 : i32
      %swap3A_455 = arith.index_cast %swap3A_454 : i32 to index
      %swap3A_456 = arith.constant 112 : index
      %swap3A_457 = tpu.vector_load %arg8[%swap3A_455, %swap3A_456] {strides = array<i32>} : memref<8x128xf32, #tpu.memory_space<vmem>>, vector<16xf32>,
      tpu.vector_store %arg8[%swap3A_455, %swap3A_456], %get3A_397 {strides = array<i32>} : memref<8x128xf32, #tpu.memory_space<vmem>>, vector<16xf32>,
      %get3A_458 = arith.index_cast %squeeze3A_48 : i32 to index
      %get3A_459 = arith.constant 0 : index
      %get3A_460 = tpu.vector_load %arg5[%get3A_458, %get3A_459] {strides = array<i32>} : memref<1000x128xf32, #tpu.memory_space<vmem>>, vector<16xf32>,
      %swap3A_461 = arith.constant 6 : i32
      %swap3A_462 = arith.index_cast %swap3A_461 : i32 to index
      %swap3A_463 = arith.constant 0 : index
      %swap3A_464 = tpu.vector_load %arg8[%swap3A_462, %swap3A_463] {strides = array<i32>} : memref<8x128xf32, #tpu.memory_space<vmem>>, vector<16xf32>,
      tpu.vector_store %arg8[%swap3A_462, %swap3A_463], %get3A_404 {strides = array<i32>} : memref<8x128xf32, #tpu.memory_space<vmem>>, vector<16xf32>,
      %get3A_465 = arith.index_cast %squeeze3A_48 : i32 to index
      %get3A_466 = arith.constant 16 : index
      %get3A_467 = tpu.vector_load %arg5[%get3A_465, %get3A_466] {strides = array<i32>} : memref<1000x128xf32, #tpu.memory_space<vmem>>, vector<16xf32>,
      %swap3A_468 = arith.constant 6 : i32
      %swap3A_469 = arith.index_cast %swap3A_468 : i32 to index
      %swap3A_470 = arith.constant 16 : index
      %swap3A_471 = tpu.vector_load %arg8[%swap3A_469, %swap3A_470] {strides = array<i32>} : memref<8x128xf32, #tpu.memory_space<vmem>>, vector<16xf32>,
      tpu.vector_store %arg8[%swap3A_469, %swap3A_470], %get3A_411 {strides = array<i32>} : memref<8x128xf32, #tpu.memory_space<vmem>>, vector<16xf32>,
      %get3A_472 = arith.index_cast %squeeze3A_48 : i32 to index
      %get3A_473 = arith.constant 32 : index
      %get3A_474 = tpu.vector_load %arg5[%get3A_472, %get3A_473] {strides = array<i32>} : memref<1000x128xf32, #tpu.memory_space<vmem>>, vector<16xf32>,
      %swap3A_475 = arith.constant 6 : i32
      %swap3A_476 = arith.index_cast %swap3A_475 : i32 to index
      %swap3A_477 = arith.constant 32 : index
      %swap3A_478 = tpu.vector_load %arg8[%swap3A_476, %swap3A_477] {strides = array<i32>} : memref<8x128xf32, #tpu.memory_space<vmem>>, vector<16xf32>,
      tpu.vector_store %arg8[%swap3A_476, %swap3A_477], %get3A_418 {strides = array<i32>} : memref<8x128xf32, #tpu.memory_space<vmem>>, vector<16xf32>,
      %get3A_479 = arith.index_cast %squeeze3A_48 : i32 to index
      %get3A_480 = arith.constant 48 : index
      %get3A_481 = tpu.vector_load %arg5[%get3A_479, %get3A_480] {strides = array<i32>} : memref<1000x128xf32, #tpu.memory_space<vmem>>, vector<16xf32>,
      %swap3A_482 = arith.constant 6 : i32
      %swap3A_483 = arith.index_cast %swap3A_482 : i32 to index
      %swap3A_484 = arith.constant 48 : index
      %swap3A_485 = tpu.vector_load %arg8[%swap3A_483, %swap3A_484] {strides = array<i32>} : memref<8x128xf32, #tpu.memory_space<vmem>>, vector<16xf32>,
      tpu.vector_store %arg8[%swap3A_483, %swap3A_484], %get3A_425 {strides = array<i32>} : memref<8x128xf32, #tpu.memory_space<vmem>>, vector<16xf32>,
      %get3A_486 = arith.index_cast %squeeze3A_48 : i32 to index
      %get3A_487 = arith.constant 64 : index
      %get3A_488 = tpu.vector_load %arg5[%get3A_486, %get3A_487] {strides = array<i32>} : memref<1000x128xf32, #tpu.memory_space<vmem>>, vector<16xf32>,
      %swap3A_489 = arith.constant 6 : i32
      %swap3A_490 = arith.index_cast %swap3A_489 : i32 to index
      %swap3A_491 = arith.constant 64 : index
      %swap3A_492 = tpu.vector_load %arg8[%swap3A_490, %swap3A_491] {strides = array<i32>} : memref<8x128xf32, #tpu.memory_space<vmem>>, vector<16xf32>,
      tpu.vector_store %arg8[%swap3A_490, %swap3A_491], %get3A_432 {strides = array<i32>} : memref<8x128xf32, #tpu.memory_space<vmem>>, vector<16xf32>,
      %get3A_493 = arith.index_cast %squeeze3A_48 : i32 to index
      %get3A_494 = arith.constant 80 : index
      %get3A_495 = tpu.vector_load %arg5[%get3A_493, %get3A_494] {strides = array<i32>} : memref<1000x128xf32, #tpu.memory_space<vmem>>, vector<16xf32>,
      %swap3A_496 = arith.constant 6 : i32
      %swap3A_497 = arith.index_cast %swap3A_496 : i32 to index
      %swap3A_498 = arith.constant 80 : index
      %swap3A_499 = tpu.vector_load %arg8[%swap3A_497, %swap3A_498] {strides = array<i32>} : memref<8x128xf32, #tpu.memory_space<vmem>>, vector<16xf32>,
      tpu.vector_store %arg8[%swap3A_497, %swap3A_498], %get3A_439 {strides = array<i32>} : memref<8x128xf32, #tpu.memory_space<vmem>>, vector<16xf32>,
      %get3A_500 = arith.index_cast %squeeze3A_48 : i32 to index
      %get3A_501 = arith.constant 96 : index
      %get3A_502 = tpu.vector_load %arg5[%get3A_500, %get3A_501] {strides = array<i32>} : memref<1000x128xf32, #tpu.memory_space<vmem>>, vector<16xf32>,
      %swap3A_503 = arith.constant 6 : i32
      %swap3A_504 = arith.index_cast %swap3A_503 : i32 to index
      %swap3A_505 = arith.constant 96 : index
      %swap3A_506 = tpu.vector_load %arg8[%swap3A_504, %swap3A_505] {strides = array<i32>} : memref<8x128xf32, #tpu.memory_space<vmem>>, vector<16xf32>,
      tpu.vector_store %arg8[%swap3A_504, %swap3A_505], %get3A_446 {strides = array<i32>} : memref<8x128xf32, #tpu.memory_space<vmem>>, vector<16xf32>,
      %get3A_507 = arith.index_cast %squeeze3A_48 : i32 to index
      %get3A_508 = arith.constant 112 : index
      %get3A_509 = tpu.vector_load %arg5[%get3A_507, %get3A_508] {strides = array<i32>} : memref<1000x128xf32, #tpu.memory_space<vmem>>, vector<16xf32>,
      %swap3A_510 = arith.constant 6 : i32
      %swap3A_511 = arith.index_cast %swap3A_510 : i32 to index
      %swap3A_512 = arith.constant 112 : index
      %swap3A_513 = tpu.vector_load %arg8[%swap3A_511, %swap3A_512] {strides = array<i32>} : memref<8x128xf32, #tpu.memory_space<vmem>>, vector<16xf32>,
      tpu.vector_store %arg8[%swap3A_511, %swap3A_512], %get3A_453 {strides = array<i32>} : memref<8x128xf32, #tpu.memory_space<vmem>>, vector<16xf32>,
      %swap3A_514 = arith.constant 7 : i32
      %swap3A_515 = arith.index_cast %swap3A_514 : i32 to index
      %swap3A_516 = arith.constant 0 : index
      %swap3A_517 = tpu.vector_load %arg8[%swap3A_515, %swap3A_516] {strides = array<i32>} : memref<8x128xf32, #tpu.memory_space<vmem>>, vector<16xf32>,
      tpu.vector_store %arg8[%swap3A_515, %swap3A_516], %get3A_460 {strides = array<i32>} : memref<8x128xf32, #tpu.memory_space<vmem>>, vector<16xf32>,
      %swap3A_518 = arith.constant 7 : i32
      %swap3A_519 = arith.index_cast %swap3A_518 : i32 to index
      %swap3A_520 = arith.constant 16 : index
      %swap3A_521 = tpu.vector_load %arg8[%swap3A_519, %swap3A_520] {strides = array<i32>} : memref<8x128xf32, #tpu.memory_space<vmem>>, vector<16xf32>,
      tpu.vector_store %arg8[%swap3A_519, %swap3A_520], %get3A_467 {strides = array<i32>} : memref<8x128xf32, #tpu.memory_space<vmem>>, vector<16xf32>,
      %swap3A_522 = arith.constant 7 : i32
      %swap3A_523 = arith.index_cast %swap3A_522 : i32 to index
      %swap3A_524 = arith.constant 32 : index
      %swap3A_525 = tpu.vector_load %arg8[%swap3A_523, %swap3A_524] {strides = array<i32>} : memref<8x128xf32, #tpu.memory_space<vmem>>, vector<16xf32>,
      tpu.vector_store %arg8[%swap3A_523, %swap3A_524], %get3A_474 {strides = array<i32>} : memref<8x128xf32, #tpu.memory_space<vmem>>, vector<16xf32>,
      %swap3A_526 = arith.constant 7 : i32
      %swap3A_527 = arith.index_cast %swap3A_526 : i32 to index
      %swap3A_528 = arith.constant 48 : index
      %swap3A_529 = tpu.vector_load %arg8[%swap3A_527, %swap3A_528] {strides = array<i32>} : memref<8x128xf32, #tpu.memory_space<vmem>>, vector<16xf32>,
      tpu.vector_store %arg8[%swap3A_527, %swap3A_528], %get3A_481 {strides = array<i32>} : memref<8x128xf32, #tpu.memory_space<vmem>>, vector<16xf32>,
      %swap3A_530 = arith.constant 7 : i32
      %swap3A_531 = arith.index_cast %swap3A_530 : i32 to index
      %swap3A_532 = arith.constant 64 : index
      %swap3A_533 = tpu.vector_load %arg8[%swap3A_531, %swap3A_532] {strides = array<i32>} : memref<8x128xf32, #tpu.memory_space<vmem>>, vector<16xf32>,
      tpu.vector_store %arg8[%swap3A_531, %swap3A_532], %get3A_488 {strides = array<i32>} : memref<8x128xf32, #tpu.memory_space<vmem>>, vector<16xf32>,
      %swap3A_534 = arith.constant 7 : i32
      %swap3A_535 = arith.index_cast %swap3A_534 : i32 to index
      %swap3A_536 = arith.constant 80 : index
      %swap3A_537 = tpu.vector_load %arg8[%swap3A_535, %swap3A_536] {strides = array<i32>} : memref<8x128xf32, #tpu.memory_space<vmem>>, vector<16xf32>,
      tpu.vector_store %arg8[%swap3A_535, %swap3A_536], %get3A_495 {strides = array<i32>} : memref<8x128xf32, #tpu.memory_space<vmem>>, vector<16xf32>,
      %swap3A_538 = arith.constant 7 : i32
      %swap3A_539 = arith.index_cast %swap3A_538 : i32 to index
      %swap3A_540 = arith.constant 96 : index
      %swap3A_541 = tpu.vector_load %arg8[%swap3A_539, %swap3A_540] {strides = array<i32>} : memref<8x128xf32, #tpu.memory_space<vmem>>, vector<16xf32>,
      tpu.vector_store %arg8[%swap3A_539, %swap3A_540], %get3A_502 {strides = array<i32>} : memref<8x128xf32, #tpu.memory_space<vmem>>, vector<16xf32>,
      %swap3A_542 = arith.constant 7 : i32
      %swap3A_543 = arith.index_cast %swap3A_542 : i32 to index
      %swap3A_544 = arith.constant 112 : index
      %swap3A_545 = tpu.vector_load %arg8[%swap3A_543, %swap3A_544] {strides = array<i32>} : memref<8x128xf32, #tpu.memory_space<vmem>>, vector<16xf32>,
      tpu.vector_store %arg8[%swap3A_543, %swap3A_544], %get3A_509 {strides = array<i32>} : memref<8x128xf32, #tpu.memory_space<vmem>>, vector<16xf32>,
      %dma_start3A_546 = arith.constant 0 : i32
      %dma_start3A_547 = tpu.memref_slice %arg4[%dma_start3A_546, %mul3A_11] : memref<10000x16384xf32, #tpu.memory_space<hbm>> -> memref<8x128xf32, #tpu.memory_space<hbm>>
      %dma_start3A_548 = arith.constant 0 : i32
      %dma_start3A_549 = tpu.memref_slice %arg4[%dma_start3A_548, %mul3A_11] : memref<10000x16384xf32, #tpu.memory_space<hbm>> -> memref<8x128xf32, #tpu.memory_space<hbm>>
      tpu.enqueue_dma source(%arg8 : memref<8x128xf32, #tpu.memory_space<vmem>>) target(%dma_start3A_549 : memref<8x128xf32, #tpu.memory_space<hbm>>) target_semaphore(%arg11 : memref<!tpu.dma_semaphore, #tpu.memory_space<semaphore_mem>>)
      %get3A_550 = arith.index_cast %squeeze3A_50 : i32 to index
      %get3A_551 = arith.constant 0 : index
      %get3A_552 = tpu.vector_load %arg5[%get3A_550, %get3A_551] {strides = array<i32>} : memref<1000x128xf32, #tpu.memory_space<vmem>>, vector<16xf32>,
      %get3A_553 = arith.index_cast %squeeze3A_50 : i32 to index
      %get3A_554 = arith.constant 16 : index
      %get3A_555 = tpu.vector_load %arg5[%get3A_553, %get3A_554] {strides = array<i32>} : memref<1000x128xf32, #tpu.memory_space<vmem>>, vector<16xf32>,
      %get3A_556 = arith.index_cast %squeeze3A_50 : i32 to index
      %get3A_557 = arith.constant 32 : index
      %get3A_558 = tpu.vector_load %arg5[%get3A_556, %get3A_557] {strides = array<i32>} : memref<1000x128xf32, #tpu.memory_space<vmem>>, vector<16xf32>,
      %get3A_559 = arith.index_cast %squeeze3A_50 : i32 to index
      %get3A_560 = arith.constant 48 : index
      %get3A_561 = tpu.vector_load %arg5[%get3A_559, %get3A_560] {strides = array<i32>} : memref<1000x128xf32, #tpu.memory_space<vmem>>, vector<16xf32>,
      %get3A_562 = arith.index_cast %squeeze3A_50 : i32 to index
      %get3A_563 = arith.constant 64 : index
      %get3A_564 = tpu.vector_load %arg5[%get3A_562, %get3A_563] {strides = array<i32>} : memref<1000x128xf32, #tpu.memory_space<vmem>>, vector<16xf32>,
      %get3A_565 = arith.index_cast %squeeze3A_50 : i32 to index
      %get3A_566 = arith.constant 80 : index
      %get3A_567 = tpu.vector_load %arg5[%get3A_565, %get3A_566] {strides = array<i32>} : memref<1000x128xf32, #tpu.memory_space<vmem>>, vector<16xf32>,
      %get3A_568 = arith.index_cast %squeeze3A_50 : i32 to index
      %get3A_569 = arith.constant 96 : index
      %get3A_570 = tpu.vector_load %arg5[%get3A_568, %get3A_569] {strides = array<i32>} : memref<1000x128xf32, #tpu.memory_space<vmem>>, vector<16xf32>,
      %get3A_571 = arith.index_cast %squeeze3A_50 : i32 to index
      %get3A_572 = arith.constant 112 : index
      %get3A_573 = tpu.vector_load %arg5[%get3A_571, %get3A_572] {strides = array<i32>} : memref<1000x128xf32, #tpu.memory_space<vmem>>, vector<16xf32>,
      %get3A_574 = arith.index_cast %squeeze3A_52 : i32 to index
      %get3A_575 = arith.constant 0 : index
      %get3A_576 = tpu.vector_load %arg5[%get3A_574, %get3A_575] {strides = array<i32>} : memref<1000x128xf32, #tpu.memory_space<vmem>>, vector<16xf32>,
      %swap3A_577 = arith.constant 0 : i32
      %swap3A_578 = arith.index_cast %swap3A_577 : i32 to index
      %swap3A_579 = arith.constant 0 : index
      %swap3A_580 = tpu.vector_load %arg9[%swap3A_578, %swap3A_579] {strides = array<i32>} : memref<8x128xf32, #tpu.memory_space<vmem>>, vector<16xf32>,
      tpu.vector_store %arg9[%swap3A_578, %swap3A_579], %get3A_552 {strides = array<i32>} : memref<8x128xf32, #tpu.memory_space<vmem>>, vector<16xf32>,
      %get3A_581 = arith.index_cast %squeeze3A_52 : i32 to index
      %get3A_582 = arith.constant 16 : index
      %get3A_583 = tpu.vector_load %arg5[%get3A_581, %get3A_582] {strides = array<i32>} : memref<1000x128xf32, #tpu.memory_space<vmem>>, vector<16xf32>,
      %swap3A_584 = arith.constant 0 : i32
      %swap3A_585 = arith.index_cast %swap3A_584 : i32 to index
      %swap3A_586 = arith.constant 16 : index
      %swap3A_587 = tpu.vector_load %arg9[%swap3A_585, %swap3A_586] {strides = array<i32>} : memref<8x128xf32, #tpu.memory_space<vmem>>, vector<16xf32>,
      tpu.vector_store %arg9[%swap3A_585, %swap3A_586], %get3A_555 {strides = array<i32>} : memref<8x128xf32, #tpu.memory_space<vmem>>, vector<16xf32>,
      %get3A_588 = arith.index_cast %squeeze3A_52 : i32 to index
      %get3A_589 = arith.constant 32 : index
      %get3A_590 = tpu.vector_load %arg5[%get3A_588, %get3A_589] {strides = array<i32>} : memref<1000x128xf32, #tpu.memory_space<vmem>>, vector<16xf32>,
      %swap3A_591 = arith.constant 0 : i32
      %swap3A_592 = arith.index_cast %swap3A_591 : i32 to index
      %swap3A_593 = arith.constant 32 : index
      %swap3A_594 = tpu.vector_load %arg9[%swap3A_592, %swap3A_593] {strides = array<i32>} : memref<8x128xf32, #tpu.memory_space<vmem>>, vector<16xf32>,
      tpu.vector_store %arg9[%swap3A_592, %swap3A_593], %get3A_558 {strides = array<i32>} : memref<8x128xf32, #tpu.memory_space<vmem>>, vector<16xf32>,
      %get3A_595 = arith.index_cast %squeeze3A_52 : i32 to index
      %get3A_596 = arith.constant 48 : index
      %get3A_597 = tpu.vector_load %arg5[%get3A_595, %get3A_596] {strides = array<i32>} : memref<1000x128xf32, #tpu.memory_space<vmem>>, vector<16xf32>,
      %swap3A_598 = arith.constant 0 : i32
      %swap3A_599 = arith.index_cast %swap3A_598 : i32 to index
      %swap3A_600 = arith.constant 48 : index
      %swap3A_601 = tpu.vector_load %arg9[%swap3A_599, %swap3A_600] {strides = array<i32>} : memref<8x128xf32, #tpu.memory_space<vmem>>, vector<16xf32>,
      tpu.vector_store %arg9[%swap3A_599, %swap3A_600], %get3A_561 {strides = array<i32>} : memref<8x128xf32, #tpu.memory_space<vmem>>, vector<16xf32>,
      %get3A_602 = arith.index_cast %squeeze3A_52 : i32 to index
      %get3A_603 = arith.constant 64 : index
      %get3A_604 = tpu.vector_load %arg5[%get3A_602, %get3A_603] {strides = array<i32>} : memref<1000x128xf32, #tpu.memory_space<vmem>>, vector<16xf32>,
      %swap3A_605 = arith.constant 0 : i32
      %swap3A_606 = arith.index_cast %swap3A_605 : i32 to index
      %swap3A_607 = arith.constant 64 : index
      %swap3A_608 = tpu.vector_load %arg9[%swap3A_606, %swap3A_607] {strides = array<i32>} : memref<8x128xf32, #tpu.memory_space<vmem>>, vector<16xf32>,
      tpu.vector_store %arg9[%swap3A_606, %swap3A_607], %get3A_564 {strides = array<i32>} : memref<8x128xf32, #tpu.memory_space<vmem>>, vector<16xf32>,
      %get3A_609 = arith.index_cast %squeeze3A_52 : i32 to index
      %get3A_610 = arith.constant 80 : index
      %get3A_611 = tpu.vector_load %arg5[%get3A_609, %get3A_610] {strides = array<i32>} : memref<1000x128xf32, #tpu.memory_space<vmem>>, vector<16xf32>,
      %swap3A_612 = arith.constant 0 : i32
      %swap3A_613 = arith.index_cast %swap3A_612 : i32 to index
      %swap3A_614 = arith.constant 80 : index
      %swap3A_615 = tpu.vector_load %arg9[%swap3A_613, %swap3A_614] {strides = array<i32>} : memref<8x128xf32, #tpu.memory_space<vmem>>, vector<16xf32>,
      tpu.vector_store %arg9[%swap3A_613, %swap3A_614], %get3A_567 {strides = array<i32>} : memref<8x128xf32, #tpu.memory_space<vmem>>, vector<16xf32>,
      %get3A_616 = arith.index_cast %squeeze3A_52 : i32 to index
      %get3A_617 = arith.constant 96 : index
      %get3A_618 = tpu.vector_load %arg5[%get3A_616, %get3A_617] {strides = array<i32>} : memref<1000x128xf32, #tpu.memory_space<vmem>>, vector<16xf32>,
      %swap3A_619 = arith.constant 0 : i32
      %swap3A_620 = arith.index_cast %swap3A_619 : i32 to index
      %swap3A_621 = arith.constant 96 : index
      %swap3A_622 = tpu.vector_load %arg9[%swap3A_620, %swap3A_621] {strides = array<i32>} : memref<8x128xf32, #tpu.memory_space<vmem>>, vector<16xf32>,
      tpu.vector_store %arg9[%swap3A_620, %swap3A_621], %get3A_570 {strides = array<i32>} : memref<8x128xf32, #tpu.memory_space<vmem>>, vector<16xf32>,
      %get3A_623 = arith.index_cast %squeeze3A_52 : i32 to index
      %get3A_624 = arith.constant 112 : index
      %get3A_625 = tpu.vector_load %arg5[%get3A_623, %get3A_624] {strides = array<i32>} : memref<1000x128xf32, #tpu.memory_space<vmem>>, vector<16xf32>,
      %swap3A_626 = arith.constant 0 : i32
      %swap3A_627 = arith.index_cast %swap3A_626 : i32 to index
      %swap3A_628 = arith.constant 112 : index
      %swap3A_629 = tpu.vector_load %arg9[%swap3A_627, %swap3A_628] {strides = array<i32>} : memref<8x128xf32, #tpu.memory_space<vmem>>, vector<16xf32>,
      tpu.vector_store %arg9[%swap3A_627, %swap3A_628], %get3A_573 {strides = array<i32>} : memref<8x128xf32, #tpu.memory_space<vmem>>, vector<16xf32>,
      %get3A_630 = arith.index_cast %squeeze3A_54 : i32 to index
      %get3A_631 = arith.constant 0 : index
      %get3A_632 = tpu.vector_load %arg5[%get3A_630, %get3A_631] {strides = array<i32>} : memref<1000x128xf32, #tpu.memory_space<vmem>>, vector<16xf32>,
      %swap3A_633 = arith.constant 1 : i32
      %swap3A_634 = arith.index_cast %swap3A_633 : i32 to index
      %swap3A_635 = arith.constant 0 : index
      %swap3A_636 = tpu.vector_load %arg9[%swap3A_634, %swap3A_635] {strides = array<i32>} : memref<8x128xf32, #tpu.memory_space<vmem>>, vector<16xf32>,
      tpu.vector_store %arg9[%swap3A_634, %swap3A_635], %get3A_576 {strides = array<i32>} : memref<8x128xf32, #tpu.memory_space<vmem>>, vector<16xf32>,
      %get3A_637 = arith.index_cast %squeeze3A_54 : i32 to index
      %get3A_638 = arith.constant 16 : index
      %get3A_639 = tpu.vector_load %arg5[%get3A_637, %get3A_638] {strides = array<i32>} : memref<1000x128xf32, #tpu.memory_space<vmem>>, vector<16xf32>,
      %swap3A_640 = arith.constant 1 : i32
      %swap3A_641 = arith.index_cast %swap3A_640 : i32 to index
      %swap3A_642 = arith.constant 16 : index
      %swap3A_643 = tpu.vector_load %arg9[%swap3A_641, %swap3A_642] {strides = array<i32>} : memref<8x128xf32, #tpu.memory_space<vmem>>, vector<16xf32>,
      tpu.vector_store %arg9[%swap3A_641, %swap3A_642], %get3A_583 {strides = array<i32>} : memref<8x128xf32, #tpu.memory_space<vmem>>, vector<16xf32>,
      %get3A_644 = arith.index_cast %squeeze3A_54 : i32 to index
      %get3A_645 = arith.constant 32 : index
      %get3A_646 = tpu.vector_load %arg5[%get3A_644, %get3A_645] {strides = array<i32>} : memref<1000x128xf32, #tpu.memory_space<vmem>>, vector<16xf32>,
      %swap3A_647 = arith.constant 1 : i32
      %swap3A_648 = arith.index_cast %swap3A_647 : i32 to index
      %swap3A_649 = arith.constant 32 : index
      %swap3A_650 = tpu.vector_load %arg9[%swap3A_648, %swap3A_649] {strides = array<i32>} : memref<8x128xf32, #tpu.memory_space<vmem>>, vector<16xf32>,
      tpu.vector_store %arg9[%swap3A_648, %swap3A_649], %get3A_590 {strides = array<i32>} : memref<8x128xf32, #tpu.memory_space<vmem>>, vector<16xf32>,
      %get3A_651 = arith.index_cast %squeeze3A_54 : i32 to index
      %get3A_652 = arith.constant 48 : index
      %get3A_653 = tpu.vector_load %arg5[%get3A_651, %get3A_652] {strides = array<i32>} : memref<1000x128xf32, #tpu.memory_space<vmem>>, vector<16xf32>,
      %swap3A_654 = arith.constant 1 : i32
      %swap3A_655 = arith.index_cast %swap3A_654 : i32 to index
      %swap3A_656 = arith.constant 48 : index
      %swap3A_657 = tpu.vector_load %arg9[%swap3A_655, %swap3A_656] {strides = array<i32>} : memref<8x128xf32, #tpu.memory_space<vmem>>, vector<16xf32>,
      tpu.vector_store %arg9[%swap3A_655, %swap3A_656], %get3A_597 {strides = array<i32>} : memref<8x128xf32, #tpu.memory_space<vmem>>, vector<16xf32>,
      %get3A_658 = arith.index_cast %squeeze3A_54 : i32 to index
      %get3A_659 = arith.constant 64 : index
      %get3A_660 = tpu.vector_load %arg5[%get3A_658, %get3A_659] {strides = array<i32>} : memref<1000x128xf32, #tpu.memory_space<vmem>>, vector<16xf32>,
      %swap3A_661 = arith.constant 1 : i32
      %swap3A_662 = arith.index_cast %swap3A_661 : i32 to index
      %swap3A_663 = arith.constant 64 : index
      %swap3A_664 = tpu.vector_load %arg9[%swap3A_662, %swap3A_663] {strides = array<i32>} : memref<8x128xf32, #tpu.memory_space<vmem>>, vector<16xf32>,
      tpu.vector_store %arg9[%swap3A_662, %swap3A_663], %get3A_604 {strides = array<i32>} : memref<8x128xf32, #tpu.memory_space<vmem>>, vector<16xf32>,
      %get3A_665 = arith.index_cast %squeeze3A_54 : i32 to index
      %get3A_666 = arith.constant 80 : index
      %get3A_667 = tpu.vector_load %arg5[%get3A_665, %get3A_666] {strides = array<i32>} : memref<1000x128xf32, #tpu.memory_space<vmem>>, vector<16xf32>,
      %swap3A_668 = arith.constant 1 : i32
      %swap3A_669 = arith.index_cast %swap3A_668 : i32 to index
      %swap3A_670 = arith.constant 80 : index
      %swap3A_671 = tpu.vector_load %arg9[%swap3A_669, %swap3A_670] {strides = array<i32>} : memref<8x128xf32, #tpu.memory_space<vmem>>, vector<16xf32>,
      tpu.vector_store %arg9[%swap3A_669, %swap3A_670], %get3A_611 {strides = array<i32>} : memref<8x128xf32, #tpu.memory_space<vmem>>, vector<16xf32>,
      %get3A_672 = arith.index_cast %squeeze3A_54 : i32 to index
      %get3A_673 = arith.constant 96 : index
      %get3A_674 = tpu.vector_load %arg5[%get3A_672, %get3A_673] {strides = array<i32>} : memref<1000x128xf32, #tpu.memory_space<vmem>>, vector<16xf32>,
      %swap3A_675 = arith.constant 1 : i32
      %swap3A_676 = arith.index_cast %swap3A_675 : i32 to index
      %swap3A_677 = arith.constant 96 : index
      %swap3A_678 = tpu.vector_load %arg9[%swap3A_676, %swap3A_677] {strides = array<i32>} : memref<8x128xf32, #tpu.memory_space<vmem>>, vector<16xf32>,
      tpu.vector_store %arg9[%swap3A_676, %swap3A_677], %get3A_618 {strides = array<i32>} : memref<8x128xf32, #tpu.memory_space<vmem>>, vector<16xf32>,
      %get3A_679 = arith.index_cast %squeeze3A_54 : i32 to index
      %get3A_680 = arith.constant 112 : index
      %get3A_681 = tpu.vector_load %arg5[%get3A_679, %get3A_680] {strides = array<i32>} : memref<1000x128xf32, #tpu.memory_space<vmem>>, vector<16xf32>,
      %swap3A_682 = arith.constant 1 : i32
      %swap3A_683 = arith.index_cast %swap3A_682 : i32 to index
      %swap3A_684 = arith.constant 112 : index
      %swap3A_685 = tpu.vector_load %arg9[%swap3A_683, %swap3A_684] {strides = array<i32>} : memref<8x128xf32, #tpu.memory_space<vmem>>, vector<16xf32>,
      tpu.vector_store %arg9[%swap3A_683, %swap3A_684], %get3A_625 {strides = array<i32>} : memref<8x128xf32, #tpu.memory_space<vmem>>, vector<16xf32>,
      %get3A_686 = arith.index_cast %squeeze3A_56 : i32 to index
      %get3A_687 = arith.constant 0 : index
      %get3A_688 = tpu.vector_load %arg5[%get3A_686, %get3A_687] {strides = array<i32>} : memref<1000x128xf32, #tpu.memory_space<vmem>>, vector<16xf32>,
      %swap3A_689 = arith.constant 2 : i32
      %swap3A_690 = arith.index_cast %swap3A_689 : i32 to index
      %swap3A_691 = arith.constant 0 : index
      %swap3A_692 = tpu.vector_load %arg9[%swap3A_690, %swap3A_691] {strides = array<i32>} : memref<8x128xf32, #tpu.memory_space<vmem>>, vector<16xf32>,
      tpu.vector_store %arg9[%swap3A_690, %swap3A_691], %get3A_632 {strides = array<i32>} : memref<8x128xf32, #tpu.memory_space<vmem>>, vector<16xf32>,
      %get3A_693 = arith.index_cast %squeeze3A_56 : i32 to index
      %get3A_694 = arith.constant 16 : index
      %get3A_695 = tpu.vector_load %arg5[%get3A_693, %get3A_694] {strides = array<i32>} : memref<1000x128xf32, #tpu.memory_space<vmem>>, vector<16xf32>,
      %swap3A_696 = arith.constant 2 : i32
      %swap3A_697 = arith.index_cast %swap3A_696 : i32 to index
      %swap3A_698 = arith.constant 16 : index
      %swap3A_699 = tpu.vector_load %arg9[%swap3A_697, %swap3A_698] {strides = array<i32>} : memref<8x128xf32, #tpu.memory_space<vmem>>, vector<16xf32>,
      tpu.vector_store %arg9[%swap3A_697, %swap3A_698], %get3A_639 {strides = array<i32>} : memref<8x128xf32, #tpu.memory_space<vmem>>, vector<16xf32>,
      %get3A_700 = arith.index_cast %squeeze3A_56 : i32 to index
      %get3A_701 = arith.constant 32 : index
      %get3A_702 = tpu.vector_load %arg5[%get3A_700, %get3A_701] {strides = array<i32>} : memref<1000x128xf32, #tpu.memory_space<vmem>>, vector<16xf32>,
      %swap3A_703 = arith.constant 2 : i32
      %swap3A_704 = arith.index_cast %swap3A_703 : i32 to index
      %swap3A_705 = arith.constant 32 : index
      %swap3A_706 = tpu.vector_load %arg9[%swap3A_704, %swap3A_705] {strides = array<i32>} : memref<8x128xf32, #tpu.memory_space<vmem>>, vector<16xf32>,
      tpu.vector_store %arg9[%swap3A_704, %swap3A_705], %get3A_646 {strides = array<i32>} : memref<8x128xf32, #tpu.memory_space<vmem>>, vector<16xf32>,
      %get3A_707 = arith.index_cast %squeeze3A_56 : i32 to index
      %get3A_708 = arith.constant 48 : index
      %get3A_709 = tpu.vector_load %arg5[%get3A_707, %get3A_708] {strides = array<i32>} : memref<1000x128xf32, #tpu.memory_space<vmem>>, vector<16xf32>,
      %swap3A_710 = arith.constant 2 : i32
      %swap3A_711 = arith.index_cast %swap3A_710 : i32 to index
      %swap3A_712 = arith.constant 48 : index
      %swap3A_713 = tpu.vector_load %arg9[%swap3A_711, %swap3A_712] {strides = array<i32>} : memref<8x128xf32, #tpu.memory_space<vmem>>, vector<16xf32>,
      tpu.vector_store %arg9[%swap3A_711, %swap3A_712], %get3A_653 {strides = array<i32>} : memref<8x128xf32, #tpu.memory_space<vmem>>, vector<16xf32>,
      %get3A_714 = arith.index_cast %squeeze3A_56 : i32 to index
      %get3A_715 = arith.constant 64 : index
      %get3A_716 = tpu.vector_load %arg5[%get3A_714, %get3A_715] {strides = array<i32>} : memref<1000x128xf32, #tpu.memory_space<vmem>>, vector<16xf32>,
      %swap3A_717 = arith.constant 2 : i32
      %swap3A_718 = arith.index_cast %swap3A_717 : i32 to index
      %swap3A_719 = arith.constant 64 : index
      %swap3A_720 = tpu.vector_load %arg9[%swap3A_718, %swap3A_719] {strides = array<i32>} : memref<8x128xf32, #tpu.memory_space<vmem>>, vector<16xf32>,
      tpu.vector_store %arg9[%swap3A_718, %swap3A_719], %get3A_660 {strides = array<i32>} : memref<8x128xf32, #tpu.memory_space<vmem>>, vector<16xf32>,
      %get3A_721 = arith.index_cast %squeeze3A_56 : i32 to index
      %get3A_722 = arith.constant 80 : index
      %get3A_723 = tpu.vector_load %arg5[%get3A_721, %get3A_722] {strides = array<i32>} : memref<1000x128xf32, #tpu.memory_space<vmem>>, vector<16xf32>,
      %swap3A_724 = arith.constant 2 : i32
      %swap3A_725 = arith.index_cast %swap3A_724 : i32 to index
      %swap3A_726 = arith.constant 80 : index
      %swap3A_727 = tpu.vector_load %arg9[%swap3A_725, %swap3A_726] {strides = array<i32>} : memref<8x128xf32, #tpu.memory_space<vmem>>, vector<16xf32>,
      tpu.vector_store %arg9[%swap3A_725, %swap3A_726], %get3A_667 {strides = array<i32>} : memref<8x128xf32, #tpu.memory_space<vmem>>, vector<16xf32>,
      %get3A_728 = arith.index_cast %squeeze3A_56 : i32 to index
      %get3A_729 = arith.constant 96 : index
      %get3A_730 = tpu.vector_load %arg5[%get3A_728, %get3A_729] {strides = array<i32>} : memref<1000x128xf32, #tpu.memory_space<vmem>>, vector<16xf32>,
      %swap3A_731 = arith.constant 2 : i32
      %swap3A_732 = arith.index_cast %swap3A_731 : i32 to index
      %swap3A_733 = arith.constant 96 : index
      %swap3A_734 = tpu.vector_load %arg9[%swap3A_732, %swap3A_733] {strides = array<i32>} : memref<8x128xf32, #tpu.memory_space<vmem>>, vector<16xf32>,
      tpu.vector_store %arg9[%swap3A_732, %swap3A_733], %get3A_674 {strides = array<i32>} : memref<8x128xf32, #tpu.memory_space<vmem>>, vector<16xf32>,
      %get3A_735 = arith.index_cast %squeeze3A_56 : i32 to index
      %get3A_736 = arith.constant 112 : index
      %get3A_737 = tpu.vector_load %arg5[%get3A_735, %get3A_736] {strides = array<i32>} : memref<1000x128xf32, #tpu.memory_space<vmem>>, vector<16xf32>,
      %swap3A_738 = arith.constant 2 : i32
      %swap3A_739 = arith.index_cast %swap3A_738 : i32 to index
      %swap3A_740 = arith.constant 112 : index
      %swap3A_741 = tpu.vector_load %arg9[%swap3A_739, %swap3A_740] {strides = array<i32>} : memref<8x128xf32, #tpu.memory_space<vmem>>, vector<16xf32>,
      tpu.vector_store %arg9[%swap3A_739, %swap3A_740], %get3A_681 {strides = array<i32>} : memref<8x128xf32, #tpu.memory_space<vmem>>, vector<16xf32>,
      %get3A_742 = arith.index_cast %squeeze3A_58 : i32 to index
      %get3A_743 = arith.constant 0 : index
      %get3A_744 = tpu.vector_load %arg5[%get3A_742, %get3A_743] {strides = array<i32>} : memref<1000x128xf32, #tpu.memory_space<vmem>>, vector<16xf32>,
      %swap3A_745 = arith.constant 3 : i32
      %swap3A_746 = arith.index_cast %swap3A_745 : i32 to index
      %swap3A_747 = arith.constant 0 : index
      %swap3A_748 = tpu.vector_load %arg9[%swap3A_746, %swap3A_747] {strides = array<i32>} : memref<8x128xf32, #tpu.memory_space<vmem>>, vector<16xf32>,
      tpu.vector_store %arg9[%swap3A_746, %swap3A_747], %get3A_688 {strides = array<i32>} : memref<8x128xf32, #tpu.memory_space<vmem>>, vector<16xf32>,
      %get3A_749 = arith.index_cast %squeeze3A_58 : i32 to index
      %get3A_750 = arith.constant 16 : index
      %get3A_751 = tpu.vector_load %arg5[%get3A_749, %get3A_750] {strides = array<i32>} : memref<1000x128xf32, #tpu.memory_space<vmem>>, vector<16xf32>,
      %swap3A_752 = arith.constant 3 : i32
      %swap3A_753 = arith.index_cast %swap3A_752 : i32 to index
      %swap3A_754 = arith.constant 16 : index
      %swap3A_755 = tpu.vector_load %arg9[%swap3A_753, %swap3A_754] {strides = array<i32>} : memref<8x128xf32, #tpu.memory_space<vmem>>, vector<16xf32>,
      tpu.vector_store %arg9[%swap3A_753, %swap3A_754], %get3A_695 {strides = array<i32>} : memref<8x128xf32, #tpu.memory_space<vmem>>, vector<16xf32>,
      %get3A_756 = arith.index_cast %squeeze3A_58 : i32 to index
      %get3A_757 = arith.constant 32 : index
      %get3A_758 = tpu.vector_load %arg5[%get3A_756, %get3A_757] {strides = array<i32>} : memref<1000x128xf32, #tpu.memory_space<vmem>>, vector<16xf32>,
      %swap3A_759 = arith.constant 3 : i32
      %swap3A_760 = arith.index_cast %swap3A_759 : i32 to index
      %swap3A_761 = arith.constant 32 : index
      %swap3A_762 = tpu.vector_load %arg9[%swap3A_760, %swap3A_761] {strides = array<i32>} : memref<8x128xf32, #tpu.memory_space<vmem>>, vector<16xf32>,
      tpu.vector_store %arg9[%swap3A_760, %swap3A_761], %get3A_702 {strides = array<i32>} : memref<8x128xf32, #tpu.memory_space<vmem>>, vector<16xf32>,
      %get3A_763 = arith.index_cast %squeeze3A_58 : i32 to index
      %get3A_764 = arith.constant 48 : index
      %get3A_765 = tpu.vector_load %arg5[%get3A_763, %get3A_764] {strides = array<i32>} : memref<1000x128xf32, #tpu.memory_space<vmem>>, vector<16xf32>,
      %swap3A_766 = arith.constant 3 : i32
      %swap3A_767 = arith.index_cast %swap3A_766 : i32 to index
      %swap3A_768 = arith.constant 48 : index
      %swap3A_769 = tpu.vector_load %arg9[%swap3A_767, %swap3A_768] {strides = array<i32>} : memref<8x128xf32, #tpu.memory_space<vmem>>, vector<16xf32>,
      tpu.vector_store %arg9[%swap3A_767, %swap3A_768], %get3A_709 {strides = array<i32>} : memref<8x128xf32, #tpu.memory_space<vmem>>, vector<16xf32>,
      %get3A_770 = arith.index_cast %squeeze3A_58 : i32 to index
      %get3A_771 = arith.constant 64 : index
      %get3A_772 = tpu.vector_load %arg5[%get3A_770, %get3A_771] {strides = array<i32>} : memref<1000x128xf32, #tpu.memory_space<vmem>>, vector<16xf32>,
      %swap3A_773 = arith.constant 3 : i32
      %swap3A_774 = arith.index_cast %swap3A_773 : i32 to index
      %swap3A_775 = arith.constant 64 : index
      %swap3A_776 = tpu.vector_load %arg9[%swap3A_774, %swap3A_775] {strides = array<i32>} : memref<8x128xf32, #tpu.memory_space<vmem>>, vector<16xf32>,
      tpu.vector_store %arg9[%swap3A_774, %swap3A_775], %get3A_716 {strides = array<i32>} : memref<8x128xf32, #tpu.memory_space<vmem>>, vector<16xf32>,
      %get3A_777 = arith.index_cast %squeeze3A_58 : i32 to index
      %get3A_778 = arith.constant 80 : index
      %get3A_779 = tpu.vector_load %arg5[%get3A_777, %get3A_778] {strides = array<i32>} : memref<1000x128xf32, #tpu.memory_space<vmem>>, vector<16xf32>,
      %swap3A_780 = arith.constant 3 : i32
      %swap3A_781 = arith.index_cast %swap3A_780 : i32 to index
      %swap3A_782 = arith.constant 80 : index
      %swap3A_783 = tpu.vector_load %arg9[%swap3A_781, %swap3A_782] {strides = array<i32>} : memref<8x128xf32, #tpu.memory_space<vmem>>, vector<16xf32>,
      tpu.vector_store %arg9[%swap3A_781, %swap3A_782], %get3A_723 {strides = array<i32>} : memref<8x128xf32, #tpu.memory_space<vmem>>, vector<16xf32>,
      %get3A_784 = arith.index_cast %squeeze3A_58 : i32 to index
      %get3A_785 = arith.constant 96 : index
      %get3A_786 = tpu.vector_load %arg5[%get3A_784, %get3A_785] {strides = array<i32>} : memref<1000x128xf32, #tpu.memory_space<vmem>>, vector<16xf32>,
      %swap3A_787 = arith.constant 3 : i32
      %swap3A_788 = arith.index_cast %swap3A_787 : i32 to index
      %swap3A_789 = arith.constant 96 : index
      %swap3A_790 = tpu.vector_load %arg9[%swap3A_788, %swap3A_789] {strides = array<i32>} : memref<8x128xf32, #tpu.memory_space<vmem>>, vector<16xf32>,
      tpu.vector_store %arg9[%swap3A_788, %swap3A_789], %get3A_730 {strides = array<i32>} : memref<8x128xf32, #tpu.memory_space<vmem>>, vector<16xf32>,
      %get3A_791 = arith.index_cast %squeeze3A_58 : i32 to index
      %get3A_792 = arith.constant 112 : index
      %get3A_793 = tpu.vector_load %arg5[%get3A_791, %get3A_792] {strides = array<i32>} : memref<1000x128xf32, #tpu.memory_space<vmem>>, vector<16xf32>,
      %swap3A_794 = arith.constant 3 : i32
      %swap3A_795 = arith.index_cast %swap3A_794 : i32 to index
      %swap3A_796 = arith.constant 112 : index
      %swap3A_797 = tpu.vector_load %arg9[%swap3A_795, %swap3A_796] {strides = array<i32>} : memref<8x128xf32, #tpu.memory_space<vmem>>, vector<16xf32>,
      tpu.vector_store %arg9[%swap3A_795, %swap3A_796], %get3A_737 {strides = array<i32>} : memref<8x128xf32, #tpu.memory_space<vmem>>, vector<16xf32>,
      %get3A_798 = arith.index_cast %squeeze3A_60 : i32 to index
      %get3A_799 = arith.constant 0 : index
      %get3A_800 = tpu.vector_load %arg5[%get3A_798, %get3A_799] {strides = array<i32>} : memref<1000x128xf32, #tpu.memory_space<vmem>>, vector<16xf32>,
      %swap3A_801 = arith.constant 4 : i32
      %swap3A_802 = arith.index_cast %swap3A_801 : i32 to index
      %swap3A_803 = arith.constant 0 : index
      %swap3A_804 = tpu.vector_load %arg9[%swap3A_802, %swap3A_803] {strides = array<i32>} : memref<8x128xf32, #tpu.memory_space<vmem>>, vector<16xf32>,
      tpu.vector_store %arg9[%swap3A_802, %swap3A_803], %get3A_744 {strides = array<i32>} : memref<8x128xf32, #tpu.memory_space<vmem>>, vector<16xf32>,
      %get3A_805 = arith.index_cast %squeeze3A_60 : i32 to index
      %get3A_806 = arith.constant 16 : index
      %get3A_807 = tpu.vector_load %arg5[%get3A_805, %get3A_806] {strides = array<i32>} : memref<1000x128xf32, #tpu.memory_space<vmem>>, vector<16xf32>,
      %swap3A_808 = arith.constant 4 : i32
      %swap3A_809 = arith.index_cast %swap3A_808 : i32 to index
      %swap3A_810 = arith.constant 16 : index
      %swap3A_811 = tpu.vector_load %arg9[%swap3A_809, %swap3A_810] {strides = array<i32>} : memref<8x128xf32, #tpu.memory_space<vmem>>, vector<16xf32>,
      tpu.vector_store %arg9[%swap3A_809, %swap3A_810], %get3A_751 {strides = array<i32>} : memref<8x128xf32, #tpu.memory_space<vmem>>, vector<16xf32>,
      %get3A_812 = arith.index_cast %squeeze3A_60 : i32 to index
      %get3A_813 = arith.constant 32 : index
      %get3A_814 = tpu.vector_load %arg5[%get3A_812, %get3A_813] {strides = array<i32>} : memref<1000x128xf32, #tpu.memory_space<vmem>>, vector<16xf32>,
      %swap3A_815 = arith.constant 4 : i32
      %swap3A_816 = arith.index_cast %swap3A_815 : i32 to index
      %swap3A_817 = arith.constant 32 : index
      %swap3A_818 = tpu.vector_load %arg9[%swap3A_816, %swap3A_817] {strides = array<i32>} : memref<8x128xf32, #tpu.memory_space<vmem>>, vector<16xf32>,
      tpu.vector_store %arg9[%swap3A_816, %swap3A_817], %get3A_758 {strides = array<i32>} : memref<8x128xf32, #tpu.memory_space<vmem>>, vector<16xf32>,
      %get3A_819 = arith.index_cast %squeeze3A_60 : i32 to index
      %get3A_820 = arith.constant 48 : index
      %get3A_821 = tpu.vector_load %arg5[%get3A_819, %get3A_820] {strides = array<i32>} : memref<1000x128xf32, #tpu.memory_space<vmem>>, vector<16xf32>,
      %swap3A_822 = arith.constant 4 : i32
      %swap3A_823 = arith.index_cast %swap3A_822 : i32 to index
      %swap3A_824 = arith.constant 48 : index
      %swap3A_825 = tpu.vector_load %arg9[%swap3A_823, %swap3A_824] {strides = array<i32>} : memref<8x128xf32, #tpu.memory_space<vmem>>, vector<16xf32>,
      tpu.vector_store %arg9[%swap3A_823, %swap3A_824], %get3A_765 {strides = array<i32>} : memref<8x128xf32, #tpu.memory_space<vmem>>, vector<16xf32>,
      %get3A_826 = arith.index_cast %squeeze3A_60 : i32 to index
      %get3A_827 = arith.constant 64 : index
      %get3A_828 = tpu.vector_load %arg5[%get3A_826, %get3A_827] {strides = array<i32>} : memref<1000x128xf32, #tpu.memory_space<vmem>>, vector<16xf32>,
      %swap3A_829 = arith.constant 4 : i32
      %swap3A_830 = arith.index_cast %swap3A_829 : i32 to index
      %swap3A_831 = arith.constant 64 : index
      %swap3A_832 = tpu.vector_load %arg9[%swap3A_830, %swap3A_831] {strides = array<i32>} : memref<8x128xf32, #tpu.memory_space<vmem>>, vector<16xf32>,
      tpu.vector_store %arg9[%swap3A_830, %swap3A_831], %get3A_772 {strides = array<i32>} : memref<8x128xf32, #tpu.memory_space<vmem>>, vector<16xf32>,
      %get3A_833 = arith.index_cast %squeeze3A_60 : i32 to index
      %get3A_834 = arith.constant 80 : index
      %get3A_835 = tpu.vector_load %arg5[%get3A_833, %get3A_834] {strides = array<i32>} : memref<1000x128xf32, #tpu.memory_space<vmem>>, vector<16xf32>,
      %swap3A_836 = arith.constant 4 : i32
      %swap3A_837 = arith.index_cast %swap3A_836 : i32 to index
      %swap3A_838 = arith.constant 80 : index
      %swap3A_839 = tpu.vector_load %arg9[%swap3A_837, %swap3A_838] {strides = array<i32>} : memref<8x128xf32, #tpu.memory_space<vmem>>, vector<16xf32>,
      tpu.vector_store %arg9[%swap3A_837, %swap3A_838], %get3A_779 {strides = array<i32>} : memref<8x128xf32, #tpu.memory_space<vmem>>, vector<16xf32>,
      %get3A_840 = arith.index_cast %squeeze3A_60 : i32 to index
      %get3A_841 = arith.constant 96 : index
      %get3A_842 = tpu.vector_load %arg5[%get3A_840, %get3A_841] {strides = array<i32>} : memref<1000x128xf32, #tpu.memory_space<vmem>>, vector<16xf32>,
      %swap3A_843 = arith.constant 4 : i32
      %swap3A_844 = arith.index_cast %swap3A_843 : i32 to index
      %swap3A_845 = arith.constant 96 : index
      %swap3A_846 = tpu.vector_load %arg9[%swap3A_844, %swap3A_845] {strides = array<i32>} : memref<8x128xf32, #tpu.memory_space<vmem>>, vector<16xf32>,
      tpu.vector_store %arg9[%swap3A_844, %swap3A_845], %get3A_786 {strides = array<i32>} : memref<8x128xf32, #tpu.memory_space<vmem>>, vector<16xf32>,
      %get3A_847 = arith.index_cast %squeeze3A_60 : i32 to index
      %get3A_848 = arith.constant 112 : index
      %get3A_849 = tpu.vector_load %arg5[%get3A_847, %get3A_848] {strides = array<i32>} : memref<1000x128xf32, #tpu.memory_space<vmem>>, vector<16xf32>,
      %swap3A_850 = arith.constant 4 : i32
      %swap3A_851 = arith.index_cast %swap3A_850 : i32 to index
      %swap3A_852 = arith.constant 112 : index
      %swap3A_853 = tpu.vector_load %arg9[%swap3A_851, %swap3A_852] {strides = array<i32>} : memref<8x128xf32, #tpu.memory_space<vmem>>, vector<16xf32>,
      tpu.vector_store %arg9[%swap3A_851, %swap3A_852], %get3A_793 {strides = array<i32>} : memref<8x128xf32, #tpu.memory_space<vmem>>, vector<16xf32>,
      %get3A_854 = arith.index_cast %squeeze3A_62 : i32 to index
      %get3A_855 = arith.constant 0 : index
      %get3A_856 = tpu.vector_load %arg5[%get3A_854, %get3A_855] {strides = array<i32>} : memref<1000x128xf32, #tpu.memory_space<vmem>>, vector<16xf32>,
      %swap3A_857 = arith.constant 5 : i32
      %swap3A_858 = arith.index_cast %swap3A_857 : i32 to index
      %swap3A_859 = arith.constant 0 : index
      %swap3A_860 = tpu.vector_load %arg9[%swap3A_858, %swap3A_859] {strides = array<i32>} : memref<8x128xf32, #tpu.memory_space<vmem>>, vector<16xf32>,
      tpu.vector_store %arg9[%swap3A_858, %swap3A_859], %get3A_800 {strides = array<i32>} : memref<8x128xf32, #tpu.memory_space<vmem>>, vector<16xf32>,
      %get3A_861 = arith.index_cast %squeeze3A_62 : i32 to index
      %get3A_862 = arith.constant 16 : index
      %get3A_863 = tpu.vector_load %arg5[%get3A_861, %get3A_862] {strides = array<i32>} : memref<1000x128xf32, #tpu.memory_space<vmem>>, vector<16xf32>,
      %swap3A_864 = arith.constant 5 : i32
      %swap3A_865 = arith.index_cast %swap3A_864 : i32 to index
      %swap3A_866 = arith.constant 16 : index
      %swap3A_867 = tpu.vector_load %arg9[%swap3A_865, %swap3A_866] {strides = array<i32>} : memref<8x128xf32, #tpu.memory_space<vmem>>, vector<16xf32>,
      tpu.vector_store %arg9[%swap3A_865, %swap3A_866], %get3A_807 {strides = array<i32>} : memref<8x128xf32, #tpu.memory_space<vmem>>, vector<16xf32>,
      %get3A_868 = arith.index_cast %squeeze3A_62 : i32 to index
      %get3A_869 = arith.constant 32 : index
      %get3A_870 = tpu.vector_load %arg5[%get3A_868, %get3A_869] {strides = array<i32>} : memref<1000x128xf32, #tpu.memory_space<vmem>>, vector<16xf32>,
      %swap3A_871 = arith.constant 5 : i32
      %swap3A_872 = arith.index_cast %swap3A_871 : i32 to index
      %swap3A_873 = arith.constant 32 : index
      %swap3A_874 = tpu.vector_load %arg9[%swap3A_872, %swap3A_873] {strides = array<i32>} : memref<8x128xf32, #tpu.memory_space<vmem>>, vector<16xf32>,
      tpu.vector_store %arg9[%swap3A_872, %swap3A_873], %get3A_814 {strides = array<i32>} : memref<8x128xf32, #tpu.memory_space<vmem>>, vector<16xf32>,
      %get3A_875 = arith.index_cast %squeeze3A_62 : i32 to index
      %get3A_876 = arith.constant 48 : index
      %get3A_877 = tpu.vector_load %arg5[%get3A_875, %get3A_876] {strides = array<i32>} : memref<1000x128xf32, #tpu.memory_space<vmem>>, vector<16xf32>,
      %swap3A_878 = arith.constant 5 : i32
      %swap3A_879 = arith.index_cast %swap3A_878 : i32 to index
      %swap3A_880 = arith.constant 48 : index
      %swap3A_881 = tpu.vector_load %arg9[%swap3A_879, %swap3A_880] {strides = array<i32>} : memref<8x128xf32, #tpu.memory_space<vmem>>, vector<16xf32>,
      tpu.vector_store %arg9[%swap3A_879, %swap3A_880], %get3A_821 {strides = array<i32>} : memref<8x128xf32, #tpu.memory_space<vmem>>, vector<16xf32>,
      %get3A_882 = arith.index_cast %squeeze3A_62 : i32 to index
      %get3A_883 = arith.constant 64 : index
      %get3A_884 = tpu.vector_load %arg5[%get3A_882, %get3A_883] {strides = array<i32>} : memref<1000x128xf32, #tpu.memory_space<vmem>>, vector<16xf32>,
      %swap3A_885 = arith.constant 5 : i32
      %swap3A_886 = arith.index_cast %swap3A_885 : i32 to index
      %swap3A_887 = arith.constant 64 : index
      %swap3A_888 = tpu.vector_load %arg9[%swap3A_886, %swap3A_887] {strides = array<i32>} : memref<8x128xf32, #tpu.memory_space<vmem>>, vector<16xf32>,
      tpu.vector_store %arg9[%swap3A_886, %swap3A_887], %get3A_828 {strides = array<i32>} : memref<8x128xf32, #tpu.memory_space<vmem>>, vector<16xf32>,
      %get3A_889 = arith.index_cast %squeeze3A_62 : i32 to index
      %get3A_890 = arith.constant 80 : index
      %get3A_891 = tpu.vector_load %arg5[%get3A_889, %get3A_890] {strides = array<i32>} : memref<1000x128xf32, #tpu.memory_space<vmem>>, vector<16xf32>,
      %swap3A_892 = arith.constant 5 : i32
      %swap3A_893 = arith.index_cast %swap3A_892 : i32 to index
      %swap3A_894 = arith.constant 80 : index
      %swap3A_895 = tpu.vector_load %arg9[%swap3A_893, %swap3A_894] {strides = array<i32>} : memref<8x128xf32, #tpu.memory_space<vmem>>, vector<16xf32>,
      tpu.vector_store %arg9[%swap3A_893, %swap3A_894], %get3A_835 {strides = array<i32>} : memref<8x128xf32, #tpu.memory_space<vmem>>, vector<16xf32>,
      %get3A_896 = arith.index_cast %squeeze3A_62 : i32 to index
      %get3A_897 = arith.constant 96 : index
      %get3A_898 = tpu.vector_load %arg5[%get3A_896, %get3A_897] {strides = array<i32>} : memref<1000x128xf32, #tpu.memory_space<vmem>>, vector<16xf32>,
      %swap3A_899 = arith.constant 5 : i32
      %swap3A_900 = arith.index_cast %swap3A_899 : i32 to index
      %swap3A_901 = arith.constant 96 : index
      %swap3A_902 = tpu.vector_load %arg9[%swap3A_900, %swap3A_901] {strides = array<i32>} : memref<8x128xf32, #tpu.memory_space<vmem>>, vector<16xf32>,
      tpu.vector_store %arg9[%swap3A_900, %swap3A_901], %get3A_842 {strides = array<i32>} : memref<8x128xf32, #tpu.memory_space<vmem>>, vector<16xf32>,
      %get3A_903 = arith.index_cast %squeeze3A_62 : i32 to index
      %get3A_904 = arith.constant 112 : index
      %get3A_905 = tpu.vector_load %arg5[%get3A_903, %get3A_904] {strides = array<i32>} : memref<1000x128xf32, #tpu.memory_space<vmem>>, vector<16xf32>,
      %swap3A_906 = arith.constant 5 : i32
      %swap3A_907 = arith.index_cast %swap3A_906 : i32 to index
      %swap3A_908 = arith.constant 112 : index
      %swap3A_909 = tpu.vector_load %arg9[%swap3A_907, %swap3A_908] {strides = array<i32>} : memref<8x128xf32, #tpu.memory_space<vmem>>, vector<16xf32>,
      tpu.vector_store %arg9[%swap3A_907, %swap3A_908], %get3A_849 {strides = array<i32>} : memref<8x128xf32, #tpu.memory_space<vmem>>, vector<16xf32>,
      %get3A_910 = arith.index_cast %squeeze3A_64 : i32 to index
      %get3A_911 = arith.constant 0 : index
      %get3A_912 = tpu.vector_load %arg5[%get3A_910, %get3A_911] {strides = array<i32>} : memref<1000x128xf32, #tpu.memory_space<vmem>>, vector<16xf32>,
      %swap3A_913 = arith.constant 6 : i32
      %swap3A_914 = arith.index_cast %swap3A_913 : i32 to index
      %swap3A_915 = arith.constant 0 : index
      %swap3A_916 = tpu.vector_load %arg9[%swap3A_914, %swap3A_915] {strides = array<i32>} : memref<8x128xf32, #tpu.memory_space<vmem>>, vector<16xf32>,
      tpu.vector_store %arg9[%swap3A_914, %swap3A_915], %get3A_856 {strides = array<i32>} : memref<8x128xf32, #tpu.memory_space<vmem>>, vector<16xf32>,
      %get3A_917 = arith.index_cast %squeeze3A_64 : i32 to index
      %get3A_918 = arith.constant 16 : index
      %get3A_919 = tpu.vector_load %arg5[%get3A_917, %get3A_918] {strides = array<i32>} : memref<1000x128xf32, #tpu.memory_space<vmem>>, vector<16xf32>,
      %swap3A_920 = arith.constant 6 : i32
      %swap3A_921 = arith.index_cast %swap3A_920 : i32 to index
      %swap3A_922 = arith.constant 16 : index
      %swap3A_923 = tpu.vector_load %arg9[%swap3A_921, %swap3A_922] {strides = array<i32>} : memref<8x128xf32, #tpu.memory_space<vmem>>, vector<16xf32>,
      tpu.vector_store %arg9[%swap3A_921, %swap3A_922], %get3A_863 {strides = array<i32>} : memref<8x128xf32, #tpu.memory_space<vmem>>, vector<16xf32>,
      %get3A_924 = arith.index_cast %squeeze3A_64 : i32 to index
      %get3A_925 = arith.constant 32 : index
      %get3A_926 = tpu.vector_load %arg5[%get3A_924, %get3A_925] {strides = array<i32>} : memref<1000x128xf32, #tpu.memory_space<vmem>>, vector<16xf32>,
      %swap3A_927 = arith.constant 6 : i32
      %swap3A_928 = arith.index_cast %swap3A_927 : i32 to index
      %swap3A_929 = arith.constant 32 : index
      %swap3A_930 = tpu.vector_load %arg9[%swap3A_928, %swap3A_929] {strides = array<i32>} : memref<8x128xf32, #tpu.memory_space<vmem>>, vector<16xf32>,
      tpu.vector_store %arg9[%swap3A_928, %swap3A_929], %get3A_870 {strides = array<i32>} : memref<8x128xf32, #tpu.memory_space<vmem>>, vector<16xf32>,
      %get3A_931 = arith.index_cast %squeeze3A_64 : i32 to index
      %get3A_932 = arith.constant 48 : index
      %get3A_933 = tpu.vector_load %arg5[%get3A_931, %get3A_932] {strides = array<i32>} : memref<1000x128xf32, #tpu.memory_space<vmem>>, vector<16xf32>,
      %swap3A_934 = arith.constant 6 : i32
      %swap3A_935 = arith.index_cast %swap3A_934 : i32 to index
      %swap3A_936 = arith.constant 48 : index
      %swap3A_937 = tpu.vector_load %arg9[%swap3A_935, %swap3A_936] {strides = array<i32>} : memref<8x128xf32, #tpu.memory_space<vmem>>, vector<16xf32>,
      tpu.vector_store %arg9[%swap3A_935, %swap3A_936], %get3A_877 {strides = array<i32>} : memref<8x128xf32, #tpu.memory_space<vmem>>, vector<16xf32>,
      %get3A_938 = arith.index_cast %squeeze3A_64 : i32 to index
      %get3A_939 = arith.constant 64 : index
      %get3A_940 = tpu.vector_load %arg5[%get3A_938, %get3A_939] {strides = array<i32>} : memref<1000x128xf32, #tpu.memory_space<vmem>>, vector<16xf32>,
      %swap3A_941 = arith.constant 6 : i32
      %swap3A_942 = arith.index_cast %swap3A_941 : i32 to index
      %swap3A_943 = arith.constant 64 : index
      %swap3A_944 = tpu.vector_load %arg9[%swap3A_942, %swap3A_943] {strides = array<i32>} : memref<8x128xf32, #tpu.memory_space<vmem>>, vector<16xf32>,
      tpu.vector_store %arg9[%swap3A_942, %swap3A_943], %get3A_884 {strides = array<i32>} : memref<8x128xf32, #tpu.memory_space<vmem>>, vector<16xf32>,
      %get3A_945 = arith.index_cast %squeeze3A_64 : i32 to index
      %get3A_946 = arith.constant 80 : index
      %get3A_947 = tpu.vector_load %arg5[%get3A_945, %get3A_946] {strides = array<i32>} : memref<1000x128xf32, #tpu.memory_space<vmem>>, vector<16xf32>,
      %swap3A_948 = arith.constant 6 : i32
      %swap3A_949 = arith.index_cast %swap3A_948 : i32 to index
      %swap3A_950 = arith.constant 80 : index
      %swap3A_951 = tpu.vector_load %arg9[%swap3A_949, %swap3A_950] {strides = array<i32>} : memref<8x128xf32, #tpu.memory_space<vmem>>, vector<16xf32>,
      tpu.vector_store %arg9[%swap3A_949, %swap3A_950], %get3A_891 {strides = array<i32>} : memref<8x128xf32, #tpu.memory_space<vmem>>, vector<16xf32>,
      %get3A_952 = arith.index_cast %squeeze3A_64 : i32 to index
      %get3A_953 = arith.constant 96 : index
      %get3A_954 = tpu.vector_load %arg5[%get3A_952, %get3A_953] {strides = array<i32>} : memref<1000x128xf32, #tpu.memory_space<vmem>>, vector<16xf32>,
      %swap3A_955 = arith.constant 6 : i32
      %swap3A_956 = arith.index_cast %swap3A_955 : i32 to index
      %swap3A_957 = arith.constant 96 : index
      %swap3A_958 = tpu.vector_load %arg9[%swap3A_956, %swap3A_957] {strides = array<i32>} : memref<8x128xf32, #tpu.memory_space<vmem>>, vector<16xf32>,
      tpu.vector_store %arg9[%swap3A_956, %swap3A_957], %get3A_898 {strides = array<i32>} : memref<8x128xf32, #tpu.memory_space<vmem>>, vector<16xf32>,
      %get3A_959 = arith.index_cast %squeeze3A_64 : i32 to index
      %get3A_960 = arith.constant 112 : index
      %get3A_961 = tpu.vector_load %arg5[%get3A_959, %get3A_960] {strides = array<i32>} : memref<1000x128xf32, #tpu.memory_space<vmem>>, vector<16xf32>,
      %swap3A_962 = arith.constant 6 : i32
      %swap3A_963 = arith.index_cast %swap3A_962 : i32 to index
      %swap3A_964 = arith.constant 112 : index
      %swap3A_965 = tpu.vector_load %arg9[%swap3A_963, %swap3A_964] {strides = array<i32>} : memref<8x128xf32, #tpu.memory_space<vmem>>, vector<16xf32>,
      tpu.vector_store %arg9[%swap3A_963, %swap3A_964], %get3A_905 {strides = array<i32>} : memref<8x128xf32, #tpu.memory_space<vmem>>, vector<16xf32>,
      %swap3A_966 = arith.constant 7 : i32
      %swap3A_967 = arith.index_cast %swap3A_966 : i32 to index
      %swap3A_968 = arith.constant 0 : index
      %swap3A_969 = tpu.vector_load %arg9[%swap3A_967, %swap3A_968] {strides = array<i32>} : memref<8x128xf32, #tpu.memory_space<vmem>>, vector<16xf32>,
      tpu.vector_store %arg9[%swap3A_967, %swap3A_968], %get3A_912 {strides = array<i32>} : memref<8x128xf32, #tpu.memory_space<vmem>>, vector<16xf32>,
      %swap3A_970 = arith.constant 7 : i32
      %swap3A_971 = arith.index_cast %swap3A_970 : i32 to index
      %swap3A_972 = arith.constant 16 : index
      %swap3A_973 = tpu.vector_load %arg9[%swap3A_971, %swap3A_972] {strides = array<i32>} : memref<8x128xf32, #tpu.memory_space<vmem>>, vector<16xf32>,
      tpu.vector_store %arg9[%swap3A_971, %swap3A_972], %get3A_919 {strides = array<i32>} : memref<8x128xf32, #tpu.memory_space<vmem>>, vector<16xf32>,
      %swap3A_974 = arith.constant 7 : i32
      %swap3A_975 = arith.index_cast %swap3A_974 : i32 to index
      %swap3A_976 = arith.constant 32 : index
      %swap3A_977 = tpu.vector_load %arg9[%swap3A_975, %swap3A_976] {strides = array<i32>} : memref<8x128xf32, #tpu.memory_space<vmem>>, vector<16xf32>,
      tpu.vector_store %arg9[%swap3A_975, %swap3A_976], %get3A_926 {strides = array<i32>} : memref<8x128xf32, #tpu.memory_space<vmem>>, vector<16xf32>,
      %swap3A_978 = arith.constant 7 : i32
      %swap3A_979 = arith.index_cast %swap3A_978 : i32 to index
      %swap3A_980 = arith.constant 48 : index
      %swap3A_981 = tpu.vector_load %arg9[%swap3A_979, %swap3A_980] {strides = array<i32>} : memref<8x128xf32, #tpu.memory_space<vmem>>, vector<16xf32>,
      tpu.vector_store %arg9[%swap3A_979, %swap3A_980], %get3A_933 {strides = array<i32>} : memref<8x128xf32, #tpu.memory_space<vmem>>, vector<16xf32>,
      %swap3A_982 = arith.constant 7 : i32
      %swap3A_983 = arith.index_cast %swap3A_982 : i32 to index
      %swap3A_984 = arith.constant 64 : index
      %swap3A_985 = tpu.vector_load %arg9[%swap3A_983, %swap3A_984] {strides = array<i32>} : memref<8x128xf32, #tpu.memory_space<vmem>>, vector<16xf32>,
      tpu.vector_store %arg9[%swap3A_983, %swap3A_984], %get3A_940 {strides = array<i32>} : memref<8x128xf32, #tpu.memory_space<vmem>>, vector<16xf32>,
      %swap3A_986 = arith.constant 7 : i32
      %swap3A_987 = arith.index_cast %swap3A_986 : i32 to index
      %swap3A_988 = arith.constant 80 : index
      %swap3A_989 = tpu.vector_load %arg9[%swap3A_987, %swap3A_988] {strides = array<i32>} : memref<8x128xf32, #tpu.memory_space<vmem>>, vector<16xf32>,
      tpu.vector_store %arg9[%swap3A_987, %swap3A_988], %get3A_947 {strides = array<i32>} : memref<8x128xf32, #tpu.memory_space<vmem>>, vector<16xf32>,
      %swap3A_990 = arith.constant 7 : i32
      %swap3A_991 = arith.index_cast %swap3A_990 : i32 to index
      %swap3A_992 = arith.constant 96 : index
      %swap3A_993 = tpu.vector_load %arg9[%swap3A_991, %swap3A_992] {strides = array<i32>} : memref<8x128xf32, #tpu.memory_space<vmem>>, vector<16xf32>,
      tpu.vector_store %arg9[%swap3A_991, %swap3A_992], %get3A_954 {strides = array<i32>} : memref<8x128xf32, #tpu.memory_space<vmem>>, vector<16xf32>,
      %swap3A_994 = arith.constant 7 : i32
      %swap3A_995 = arith.index_cast %swap3A_994 : i32 to index
      %swap3A_996 = arith.constant 112 : index
      %swap3A_997 = tpu.vector_load %arg9[%swap3A_995, %swap3A_996] {strides = array<i32>} : memref<8x128xf32, #tpu.memory_space<vmem>>, vector<16xf32>,
      tpu.vector_store %arg9[%swap3A_995, %swap3A_996], %get3A_961 {strides = array<i32>} : memref<8x128xf32, #tpu.memory_space<vmem>>, vector<16xf32>,
      %dma_start3A_998 = arith.constant 8 : i32
      %dma_start3A_999 = tpu.memref_slice %arg4[%dma_start3A_998, %mul3A_11] : memref<10000x16384xf32, #tpu.memory_space<hbm>> -> memref<8x128xf32, #tpu.memory_space<hbm>>
      %dma_start3A_1000 = arith.constant 8 : i32
      %dma_start3A_1001 = tpu.memref_slice %arg4[%dma_start3A_1000, %mul3A_11] : memref<10000x16384xf32, #tpu.memory_space<hbm>> -> memref<8x128xf32, #tpu.memory_space<hbm>>
      tpu.enqueue_dma source(%arg9 : memref<8x128xf32, #tpu.memory_space<vmem>>) target(%dma_start3A_1001 : memref<8x128xf32, #tpu.memory_space<hbm>>) target_semaphore(%arg12 : memref<!tpu.dma_semaphore, #tpu.memory_space<semaphore_mem>>)
      %scan3A_1002 = arith.constant 1 : i32
      %scan3A_1003 = arith.constant 24 : i32
      %scan3A_1004 = arith.addi %scan3A_1002, %scan3A_1003 : i32
      %scan3A_1005 = arith.constant 1 : i32
      %scan3A_1006:16 = scf.for %scan3A_1026 = %scan3A_1002 to %scan3A_1004 step %scan3A_1005 iter_args(%scan3A_1027 = %squeeze3A_68, %scan3A_1028 = %squeeze3A_70, %scan3A_1029 = %squeeze3A_72, %scan3A_1030 = %squeeze3A_74, %scan3A_1031 = %squeeze3A_76, %scan3A_1032 = %squeeze3A_78, %scan3A_1033 = %squeeze3A_80, %scan3A_1034 = %squeeze3A_82, %scan3A_1035 = %squeeze3A_84, %scan3A_1036 = %squeeze3A_86, %scan3A_1037 = %squeeze3A_88, %scan3A_1038 = %squeeze3A_90, %scan3A_1039 = %squeeze3A_92, %scan3A_1040 = %squeeze3A_94, %scan3A_1041 = %squeeze3A_96, %scan3A_1042 = %squeeze3A_98) -> (i32, i32, i32, i32, i32, i32, i32, i32, i32, i32, i32, i32, i32, i32, i32, i32)  : i32 {
        %add3A_1043 = arith.constant 1 : i32
        %add3A_1044 = arith.addi %scan3A_1026, %add3A_1043 : i32
        %mul3A_1045 = arith.constant 2 : i32
        %mul3A_1046 = arith.muli %add3A_1044, %mul3A_1045 : i32
        %mul3A_1047 = arith.constant 8 : i32
        %mul3A_1048 = arith.muli %mul3A_1046, %mul3A_1047 : i32
        %get3A_1049 = arith.index_cast %mul3A_1048 : i32 to index
        %get3A_1050 = tpu.vector_load %arg6[%get3A_1049] {strides = array<i32>} : memref<416xi32, #tpu.memory_space<vmem>>, vector<16xi32>,
        %slice3A_1051 = vector.extract_strided_slice %get3A_1050 {offsets = [0], sizes = [1], strides = [1]} : vector<16xi32> to vector<1xi32>
        %squeeze3A_1052 = vector.extract %slice3A_1051[0] : i32 from vector<1xi32>
        %slice3A_1053 = vector.extract_strided_slice %get3A_1050 {offsets = [1], sizes = [1], strides = [1]} : vector<16xi32> to vector<1xi32>
        %squeeze3A_1054 = vector.extract %slice3A_1053[0] : i32 from vector<1xi32>
        %slice3A_1055 = vector.extract_strided_slice %get3A_1050 {offsets = [2], sizes = [1], strides = [1]} : vector<16xi32> to vector<1xi32>
        %squeeze3A_1056 = vector.extract %slice3A_1055[0] : i32 from vector<1xi32>
        %slice3A_1057 = vector.extract_strided_slice %get3A_1050 {offsets = [3], sizes = [1], strides = [1]} : vector<16xi32> to vector<1xi32>
        %squeeze3A_1058 = vector.extract %slice3A_1057[0] : i32 from vector<1xi32>
        %slice3A_1059 = vector.extract_strided_slice %get3A_1050 {offsets = [4], sizes = [1], strides = [1]} : vector<16xi32> to vector<1xi32>
        %squeeze3A_1060 = vector.extract %slice3A_1059[0] : i32 from vector<1xi32>
        %slice3A_1061 = vector.extract_strided_slice %get3A_1050 {offsets = [5], sizes = [1], strides = [1]} : vector<16xi32> to vector<1xi32>
        %squeeze3A_1062 = vector.extract %slice3A_1061[0] : i32 from vector<1xi32>
        %slice3A_1063 = vector.extract_strided_slice %get3A_1050 {offsets = [6], sizes = [1], strides = [1]} : vector<16xi32> to vector<1xi32>
        %squeeze3A_1064 = vector.extract %slice3A_1063[0] : i32 from vector<1xi32>
        %slice3A_1065 = vector.extract_strided_slice %get3A_1050 {offsets = [7], sizes = [1], strides = [1]} : vector<16xi32> to vector<1xi32>
        %squeeze3A_1066 = vector.extract %slice3A_1065[0] : i32 from vector<1xi32>
        %slice3A_1067 = vector.extract_strided_slice %get3A_1050 {offsets = [8], sizes = [1], strides = [1]} : vector<16xi32> to vector<1xi32>
        %squeeze3A_1068 = vector.extract %slice3A_1067[0] : i32 from vector<1xi32>
        %slice3A_1069 = vector.extract_strided_slice %get3A_1050 {offsets = [9], sizes = [1], strides = [1]} : vector<16xi32> to vector<1xi32>
        %squeeze3A_1070 = vector.extract %slice3A_1069[0] : i32 from vector<1xi32>
        %slice3A_1071 = vector.extract_strided_slice %get3A_1050 {offsets = [10], sizes = [1], strides = [1]} : vector<16xi32> to vector<1xi32>
        %squeeze3A_1072 = vector.extract %slice3A_1071[0] : i32 from vector<1xi32>
        %slice3A_1073 = vector.extract_strided_slice %get3A_1050 {offsets = [11], sizes = [1], strides = [1]} : vector<16xi32> to vector<1xi32>
        %squeeze3A_1074 = vector.extract %slice3A_1073[0] : i32 from vector<1xi32>
        %slice3A_1075 = vector.extract_strided_slice %get3A_1050 {offsets = [12], sizes = [1], strides = [1]} : vector<16xi32> to vector<1xi32>
        %squeeze3A_1076 = vector.extract %slice3A_1075[0] : i32 from vector<1xi32>
        %slice3A_1077 = vector.extract_strided_slice %get3A_1050 {offsets = [13], sizes = [1], strides = [1]} : vector<16xi32> to vector<1xi32>
        %squeeze3A_1078 = vector.extract %slice3A_1077[0] : i32 from vector<1xi32>
        %slice3A_1079 = vector.extract_strided_slice %get3A_1050 {offsets = [14], sizes = [1], strides = [1]} : vector<16xi32> to vector<1xi32>
        %squeeze3A_1080 = vector.extract %slice3A_1079[0] : i32 from vector<1xi32>
        %slice3A_1081 = vector.extract_strided_slice %get3A_1050 {offsets = [15], sizes = [1], strides = [1]} : vector<16xi32> to vector<1xi32>
        %squeeze3A_1082 = vector.extract %slice3A_1081[0] : i32 from vector<1xi32>
        %mul3A_1083 = arith.constant 2 : i32
        %mul3A_1084 = arith.muli %scan3A_1026, %mul3A_1083 : i32
        %add3A_1085 = arith.constant 0 : i32
        %add3A_1086 = arith.addi %add3A_1085, %mul3A_1084 : i32
        %add3A_1087 = arith.constant 0 : i32
        %add3A_1088 = arith.addi %add3A_1086, %add3A_1087 : i32
        %dma_wait3A_1089 = arith.constant 0 : i32
        %dma_wait3A_1090 = arith.constant 0 : i32
        %dma_wait3A_1091 = tpu.memref_slice %arg4[%dma_wait3A_1089, %dma_wait3A_1090] : memref<10000x16384xf32, #tpu.memory_space<hbm>> -> memref<8x128xf32, #tpu.memory_space<hbm>>
        %dma_wait3A_1092 = arith.constant 0 : i32
        %dma_wait3A_1093 = arith.constant 0 : i32
        %dma_wait3A_1094 = tpu.memref_slice %arg4[%dma_wait3A_1092, %dma_wait3A_1093] : memref<10000x16384xf32, #tpu.memory_space<hbm>> -> memref<8x128xf32, #tpu.memory_space<hbm>>
        tpu.wait_dma2 semaphore(%arg11 : memref<!tpu.dma_semaphore, #tpu.memory_space<semaphore_mem>>) src(%arg8 : memref<8x128xf32, #tpu.memory_space<vmem>>) dst(%dma_wait3A_1094 : memref<8x128xf32, #tpu.memory_space<hbm>>)
        %get3A_1095 = arith.index_cast %scan3A_1027 : i32 to index
        %get3A_1096 = arith.constant 0 : index
        %get3A_1097 = tpu.vector_load %arg5[%get3A_1095, %get3A_1096] {strides = array<i32>} : memref<1000x128xf32, #tpu.memory_space<vmem>>, vector<16xf32>,
        %get3A_1098 = arith.index_cast %scan3A_1027 : i32 to index
        %get3A_1099 = arith.constant 16 : index
        %get3A_1100 = tpu.vector_load %arg5[%get3A_1098, %get3A_1099] {strides = array<i32>} : memref<1000x128xf32, #tpu.memory_space<vmem>>, vector<16xf32>,
        %get3A_1101 = arith.index_cast %scan3A_1027 : i32 to index
        %get3A_1102 = arith.constant 32 : index
        %get3A_1103 = tpu.vector_load %arg5[%get3A_1101, %get3A_1102] {strides = array<i32>} : memref<1000x128xf32, #tpu.memory_space<vmem>>, vector<16xf32>,
        %get3A_1104 = arith.index_cast %scan3A_1027 : i32 to index
        %get3A_1105 = arith.constant 48 : index
        %get3A_1106 = tpu.vector_load %arg5[%get3A_1104, %get3A_1105] {strides = array<i32>} : memref<1000x128xf32, #tpu.memory_space<vmem>>, vector<16xf32>,
        %get3A_1107 = arith.index_cast %scan3A_1027 : i32 to index
        %get3A_1108 = arith.constant 64 : index
        %get3A_1109 = tpu.vector_load %arg5[%get3A_1107, %get3A_1108] {strides = array<i32>} : memref<1000x128xf32, #tpu.memory_space<vmem>>, vector<16xf32>,
        %get3A_1110 = arith.index_cast %scan3A_1027 : i32 to index
        %get3A_1111 = arith.constant 80 : index
        %get3A_1112 = tpu.vector_load %arg5[%get3A_1110, %get3A_1111] {strides = array<i32>} : memref<1000x128xf32, #tpu.memory_space<vmem>>, vector<16xf32>,
        %get3A_1113 = arith.index_cast %scan3A_1027 : i32 to index
        %get3A_1114 = arith.constant 96 : index
        %get3A_1115 = tpu.vector_load %arg5[%get3A_1113, %get3A_1114] {strides = array<i32>} : memref<1000x128xf32, #tpu.memory_space<vmem>>, vector<16xf32>,
        %get3A_1116 = arith.index_cast %scan3A_1027 : i32 to index
        %get3A_1117 = arith.constant 112 : index
        %get3A_1118 = tpu.vector_load %arg5[%get3A_1116, %get3A_1117] {strides = array<i32>} : memref<1000x128xf32, #tpu.memory_space<vmem>>, vector<16xf32>,
        %get3A_1119 = arith.index_cast %scan3A_1028 : i32 to index
        %get3A_1120 = arith.constant 0 : index
        %get3A_1121 = tpu.vector_load %arg5[%get3A_1119, %get3A_1120] {strides = array<i32>} : memref<1000x128xf32, #tpu.memory_space<vmem>>, vector<16xf32>,
        %swap3A_1122 = arith.constant 0 : i32
        %swap3A_1123 = arith.index_cast %swap3A_1122 : i32 to index
        %swap3A_1124 = arith.constant 0 : index
        %swap3A_1125 = tpu.vector_load %arg8[%swap3A_1123, %swap3A_1124] {strides = array<i32>} : memref<8x128xf32, #tpu.memory_space<vmem>>, vector<16xf32>,
        tpu.vector_store %arg8[%swap3A_1123, %swap3A_1124], %get3A_1097 {strides = array<i32>} : memref<8x128xf32, #tpu.memory_space<vmem>>, vector<16xf32>,
        %get3A_1126 = arith.index_cast %scan3A_1028 : i32 to index
        %get3A_1127 = arith.constant 16 : index
        %get3A_1128 = tpu.vector_load %arg5[%get3A_1126, %get3A_1127] {strides = array<i32>} : memref<1000x128xf32, #tpu.memory_space<vmem>>, vector<16xf32>,
        %swap3A_1129 = arith.constant 0 : i32
        %swap3A_1130 = arith.index_cast %swap3A_1129 : i32 to index
        %swap3A_1131 = arith.constant 16 : index
        %swap3A_1132 = tpu.vector_load %arg8[%swap3A_1130, %swap3A_1131] {strides = array<i32>} : memref<8x128xf32, #tpu.memory_space<vmem>>, vector<16xf32>,
        tpu.vector_store %arg8[%swap3A_1130, %swap3A_1131], %get3A_1100 {strides = array<i32>} : memref<8x128xf32, #tpu.memory_space<vmem>>, vector<16xf32>,
        %get3A_1133 = arith.index_cast %scan3A_1028 : i32 to index
        %get3A_1134 = arith.constant 32 : index
        %get3A_1135 = tpu.vector_load %arg5[%get3A_1133, %get3A_1134] {strides = array<i32>} : memref<1000x128xf32, #tpu.memory_space<vmem>>, vector<16xf32>,
        %swap3A_1136 = arith.constant 0 : i32
        %swap3A_1137 = arith.index_cast %swap3A_1136 : i32 to index
        %swap3A_1138 = arith.constant 32 : index
        %swap3A_1139 = tpu.vector_load %arg8[%swap3A_1137, %swap3A_1138] {strides = array<i32>} : memref<8x128xf32, #tpu.memory_space<vmem>>, vector<16xf32>,
        tpu.vector_store %arg8[%swap3A_1137, %swap3A_1138], %get3A_1103 {strides = array<i32>} : memref<8x128xf32, #tpu.memory_space<vmem>>, vector<16xf32>,
        %get3A_1140 = arith.index_cast %scan3A_1028 : i32 to index
        %get3A_1141 = arith.constant 48 : index
        %get3A_1142 = tpu.vector_load %arg5[%get3A_1140, %get3A_1141] {strides = array<i32>} : memref<1000x128xf32, #tpu.memory_space<vmem>>, vector<16xf32>,
        %swap3A_1143 = arith.constant 0 : i32
        %swap3A_1144 = arith.index_cast %swap3A_1143 : i32 to index
        %swap3A_1145 = arith.constant 48 : index
        %swap3A_1146 = tpu.vector_load %arg8[%swap3A_1144, %swap3A_1145] {strides = array<i32>} : memref<8x128xf32, #tpu.memory_space<vmem>>, vector<16xf32>,
        tpu.vector_store %arg8[%swap3A_1144, %swap3A_1145], %get3A_1106 {strides = array<i32>} : memref<8x128xf32, #tpu.memory_space<vmem>>, vector<16xf32>,
        %get3A_1147 = arith.index_cast %scan3A_1028 : i32 to index
        %get3A_1148 = arith.constant 64 : index
        %get3A_1149 = tpu.vector_load %arg5[%get3A_1147, %get3A_1148] {strides = array<i32>} : memref<1000x128xf32, #tpu.memory_space<vmem>>, vector<16xf32>,
        %swap3A_1150 = arith.constant 0 : i32
        %swap3A_1151 = arith.index_cast %swap3A_1150 : i32 to index
        %swap3A_1152 = arith.constant 64 : index
        %swap3A_1153 = tpu.vector_load %arg8[%swap3A_1151, %swap3A_1152] {strides = array<i32>} : memref<8x128xf32, #tpu.memory_space<vmem>>, vector<16xf32>,
        tpu.vector_store %arg8[%swap3A_1151, %swap3A_1152], %get3A_1109 {strides = array<i32>} : memref<8x128xf32, #tpu.memory_space<vmem>>, vector<16xf32>,
        %get3A_1154 = arith.index_cast %scan3A_1028 : i32 to index
        %get3A_1155 = arith.constant 80 : index
        %get3A_1156 = tpu.vector_load %arg5[%get3A_1154, %get3A_1155] {strides = array<i32>} : memref<1000x128xf32, #tpu.memory_space<vmem>>, vector<16xf32>,
        %swap3A_1157 = arith.constant 0 : i32
        %swap3A_1158 = arith.index_cast %swap3A_1157 : i32 to index
        %swap3A_1159 = arith.constant 80 : index
        %swap3A_1160 = tpu.vector_load %arg8[%swap3A_1158, %swap3A_1159] {strides = array<i32>} : memref<8x128xf32, #tpu.memory_space<vmem>>, vector<16xf32>,
        tpu.vector_store %arg8[%swap3A_1158, %swap3A_1159], %get3A_1112 {strides = array<i32>} : memref<8x128xf32, #tpu.memory_space<vmem>>, vector<16xf32>,
        %get3A_1161 = arith.index_cast %scan3A_1028 : i32 to index
        %get3A_1162 = arith.constant 96 : index
        %get3A_1163 = tpu.vector_load %arg5[%get3A_1161, %get3A_1162] {strides = array<i32>} : memref<1000x128xf32, #tpu.memory_space<vmem>>, vector<16xf32>,
        %swap3A_1164 = arith.constant 0 : i32
        %swap3A_1165 = arith.index_cast %swap3A_1164 : i32 to index
        %swap3A_1166 = arith.constant 96 : index
        %swap3A_1167 = tpu.vector_load %arg8[%swap3A_1165, %swap3A_1166] {strides = array<i32>} : memref<8x128xf32, #tpu.memory_space<vmem>>, vector<16xf32>,
        tpu.vector_store %arg8[%swap3A_1165, %swap3A_1166], %get3A_1115 {strides = array<i32>} : memref<8x128xf32, #tpu.memory_space<vmem>>, vector<16xf32>,
        %get3A_1168 = arith.index_cast %scan3A_1028 : i32 to index
        %get3A_1169 = arith.constant 112 : index
        %get3A_1170 = tpu.vector_load %arg5[%get3A_1168, %get3A_1169] {strides = array<i32>} : memref<1000x128xf32, #tpu.memory_space<vmem>>, vector<16xf32>,
        %swap3A_1171 = arith.constant 0 : i32
        %swap3A_1172 = arith.index_cast %swap3A_1171 : i32 to index
        %swap3A_1173 = arith.constant 112 : index
        %swap3A_1174 = tpu.vector_load %arg8[%swap3A_1172, %swap3A_1173] {strides = array<i32>} : memref<8x128xf32, #tpu.memory_space<vmem>>, vector<16xf32>,
        tpu.vector_store %arg8[%swap3A_1172, %swap3A_1173], %get3A_1118 {strides = array<i32>} : memref<8x128xf32, #tpu.memory_space<vmem>>, vector<16xf32>,
        %get3A_1175 = arith.index_cast %scan3A_1029 : i32 to index
        %get3A_1176 = arith.constant 0 : index
        %get3A_1177 = tpu.vector_load %arg5[%get3A_1175, %get3A_1176] {strides = array<i32>} : memref<1000x128xf32, #tpu.memory_space<vmem>>, vector<16xf32>,
        %swap3A_1178 = arith.constant 1 : i32
        %swap3A_1179 = arith.index_cast %swap3A_1178 : i32 to index
        %swap3A_1180 = arith.constant 0 : index
        %swap3A_1181 = tpu.vector_load %arg8[%swap3A_1179, %swap3A_1180] {strides = array<i32>} : memref<8x128xf32, #tpu.memory_space<vmem>>, vector<16xf32>,
        tpu.vector_store %arg8[%swap3A_1179, %swap3A_1180], %get3A_1121 {strides = array<i32>} : memref<8x128xf32, #tpu.memory_space<vmem>>, vector<16xf32>,
        %get3A_1182 = arith.index_cast %scan3A_1029 : i32 to index
        %get3A_1183 = arith.constant 16 : index
        %get3A_1184 = tpu.vector_load %arg5[%get3A_1182, %get3A_1183] {strides = array<i32>} : memref<1000x128xf32, #tpu.memory_space<vmem>>, vector<16xf32>,
        %swap3A_1185 = arith.constant 1 : i32
        %swap3A_1186 = arith.index_cast %swap3A_1185 : i32 to index
        %swap3A_1187 = arith.constant 16 : index
        %swap3A_1188 = tpu.vector_load %arg8[%swap3A_1186, %swap3A_1187] {strides = array<i32>} : memref<8x128xf32, #tpu.memory_space<vmem>>, vector<16xf32>,
        tpu.vector_store %arg8[%swap3A_1186, %swap3A_1187], %get3A_1128 {strides = array<i32>} : memref<8x128xf32, #tpu.memory_space<vmem>>, vector<16xf32>,
        %get3A_1189 = arith.index_cast %scan3A_1029 : i32 to index
        %get3A_1190 = arith.constant 32 : index
        %get3A_1191 = tpu.vector_load %arg5[%get3A_1189, %get3A_1190] {strides = array<i32>} : memref<1000x128xf32, #tpu.memory_space<vmem>>, vector<16xf32>,
        %swap3A_1192 = arith.constant 1 : i32
        %swap3A_1193 = arith.index_cast %swap3A_1192 : i32 to index
        %swap3A_1194 = arith.constant 32 : index
        %swap3A_1195 = tpu.vector_load %arg8[%swap3A_1193, %swap3A_1194] {strides = array<i32>} : memref<8x128xf32, #tpu.memory_space<vmem>>, vector<16xf32>,
        tpu.vector_store %arg8[%swap3A_1193, %swap3A_1194], %get3A_1135 {strides = array<i32>} : memref<8x128xf32, #tpu.memory_space<vmem>>, vector<16xf32>,
        %get3A_1196 = arith.index_cast %scan3A_1029 : i32 to index
        %get3A_1197 = arith.constant 48 : index
        %get3A_1198 = tpu.vector_load %arg5[%get3A_1196, %get3A_1197] {strides = array<i32>} : memref<1000x128xf32, #tpu.memory_space<vmem>>, vector<16xf32>,
        %swap3A_1199 = arith.constant 1 : i32
        %swap3A_1200 = arith.index_cast %swap3A_1199 : i32 to index
        %swap3A_1201 = arith.constant 48 : index
        %swap3A_1202 = tpu.vector_load %arg8[%swap3A_1200, %swap3A_1201] {strides = array<i32>} : memref<8x128xf32, #tpu.memory_space<vmem>>, vector<16xf32>,
        tpu.vector_store %arg8[%swap3A_1200, %swap3A_1201], %get3A_1142 {strides = array<i32>} : memref<8x128xf32, #tpu.memory_space<vmem>>, vector<16xf32>,
        %get3A_1203 = arith.index_cast %scan3A_1029 : i32 to index
        %get3A_1204 = arith.constant 64 : index
        %get3A_1205 = tpu.vector_load %arg5[%get3A_1203, %get3A_1204] {strides = array<i32>} : memref<1000x128xf32, #tpu.memory_space<vmem>>, vector<16xf32>,
        %swap3A_1206 = arith.constant 1 : i32
        %swap3A_1207 = arith.index_cast %swap3A_1206 : i32 to index
        %swap3A_1208 = arith.constant 64 : index
        %swap3A_1209 = tpu.vector_load %arg8[%swap3A_1207, %swap3A_1208] {strides = array<i32>} : memref<8x128xf32, #tpu.memory_space<vmem>>, vector<16xf32>,
        tpu.vector_store %arg8[%swap3A_1207, %swap3A_1208], %get3A_1149 {strides = array<i32>} : memref<8x128xf32, #tpu.memory_space<vmem>>, vector<16xf32>,
        %get3A_1210 = arith.index_cast %scan3A_1029 : i32 to index
        %get3A_1211 = arith.constant 80 : index
        %get3A_1212 = tpu.vector_load %arg5[%get3A_1210, %get3A_1211] {strides = array<i32>} : memref<1000x128xf32, #tpu.memory_space<vmem>>, vector<16xf32>,
        %swap3A_1213 = arith.constant 1 : i32
        %swap3A_1214 = arith.index_cast %swap3A_1213 : i32 to index
        %swap3A_1215 = arith.constant 80 : index
        %swap3A_1216 = tpu.vector_load %arg8[%swap3A_1214, %swap3A_1215] {strides = array<i32>} : memref<8x128xf32, #tpu.memory_space<vmem>>, vector<16xf32>,
        tpu.vector_store %arg8[%swap3A_1214, %swap3A_1215], %get3A_1156 {strides = array<i32>} : memref<8x128xf32, #tpu.memory_space<vmem>>, vector<16xf32>,
        %get3A_1217 = arith.index_cast %scan3A_1029 : i32 to index
        %get3A_1218 = arith.constant 96 : index
        %get3A_1219 = tpu.vector_load %arg5[%get3A_1217, %get3A_1218] {strides = array<i32>} : memref<1000x128xf32, #tpu.memory_space<vmem>>, vector<16xf32>,
        %swap3A_1220 = arith.constant 1 : i32
        %swap3A_1221 = arith.index_cast %swap3A_1220 : i32 to index
        %swap3A_1222 = arith.constant 96 : index
        %swap3A_1223 = tpu.vector_load %arg8[%swap3A_1221, %swap3A_1222] {strides = array<i32>} : memref<8x128xf32, #tpu.memory_space<vmem>>, vector<16xf32>,
        tpu.vector_store %arg8[%swap3A_1221, %swap3A_1222], %get3A_1163 {strides = array<i32>} : memref<8x128xf32, #tpu.memory_space<vmem>>, vector<16xf32>,
        %get3A_1224 = arith.index_cast %scan3A_1029 : i32 to index
        %get3A_1225 = arith.constant 112 : index
        %get3A_1226 = tpu.vector_load %arg5[%get3A_1224, %get3A_1225] {strides = array<i32>} : memref<1000x128xf32, #tpu.memory_space<vmem>>, vector<16xf32>,
        %swap3A_1227 = arith.constant 1 : i32
        %swap3A_1228 = arith.index_cast %swap3A_1227 : i32 to index
        %swap3A_1229 = arith.constant 112 : index
        %swap3A_1230 = tpu.vector_load %arg8[%swap3A_1228, %swap3A_1229] {strides = array<i32>} : memref<8x128xf32, #tpu.memory_space<vmem>>, vector<16xf32>,
        tpu.vector_store %arg8[%swap3A_1228, %swap3A_1229], %get3A_1170 {strides = array<i32>} : memref<8x128xf32, #tpu.memory_space<vmem>>, vector<16xf32>,
        %get3A_1231 = arith.index_cast %scan3A_1030 : i32 to index
        %get3A_1232 = arith.constant 0 : index
        %get3A_1233 = tpu.vector_load %arg5[%get3A_1231, %get3A_1232] {strides = array<i32>} : memref<1000x128xf32, #tpu.memory_space<vmem>>, vector<16xf32>,
        %swap3A_1234 = arith.constant 2 : i32
        %swap3A_1235 = arith.index_cast %swap3A_1234 : i32 to index
        %swap3A_1236 = arith.constant 0 : index
        %swap3A_1237 = tpu.vector_load %arg8[%swap3A_1235, %swap3A_1236] {strides = array<i32>} : memref<8x128xf32, #tpu.memory_space<vmem>>, vector<16xf32>,
        tpu.vector_store %arg8[%swap3A_1235, %swap3A_1236], %get3A_1177 {strides = array<i32>} : memref<8x128xf32, #tpu.memory_space<vmem>>, vector<16xf32>,
        %get3A_1238 = arith.index_cast %scan3A_1030 : i32 to index
        %get3A_1239 = arith.constant 16 : index
        %get3A_1240 = tpu.vector_load %arg5[%get3A_1238, %get3A_1239] {strides = array<i32>} : memref<1000x128xf32, #tpu.memory_space<vmem>>, vector<16xf32>,
        %swap3A_1241 = arith.constant 2 : i32
        %swap3A_1242 = arith.index_cast %swap3A_1241 : i32 to index
        %swap3A_1243 = arith.constant 16 : index
        %swap3A_1244 = tpu.vector_load %arg8[%swap3A_1242, %swap3A_1243] {strides = array<i32>} : memref<8x128xf32, #tpu.memory_space<vmem>>, vector<16xf32>,
        tpu.vector_store %arg8[%swap3A_1242, %swap3A_1243], %get3A_1184 {strides = array<i32>} : memref<8x128xf32, #tpu.memory_space<vmem>>, vector<16xf32>,
        %get3A_1245 = arith.index_cast %scan3A_1030 : i32 to index
        %get3A_1246 = arith.constant 32 : index
        %get3A_1247 = tpu.vector_load %arg5[%get3A_1245, %get3A_1246] {strides = array<i32>} : memref<1000x128xf32, #tpu.memory_space<vmem>>, vector<16xf32>,
        %swap3A_1248 = arith.constant 2 : i32
        %swap3A_1249 = arith.index_cast %swap3A_1248 : i32 to index
        %swap3A_1250 = arith.constant 32 : index
        %swap3A_1251 = tpu.vector_load %arg8[%swap3A_1249, %swap3A_1250] {strides = array<i32>} : memref<8x128xf32, #tpu.memory_space<vmem>>, vector<16xf32>,
        tpu.vector_store %arg8[%swap3A_1249, %swap3A_1250], %get3A_1191 {strides = array<i32>} : memref<8x128xf32, #tpu.memory_space<vmem>>, vector<16xf32>,
        %get3A_1252 = arith.index_cast %scan3A_1030 : i32 to index
        %get3A_1253 = arith.constant 48 : index
        %get3A_1254 = tpu.vector_load %arg5[%get3A_1252, %get3A_1253] {strides = array<i32>} : memref<1000x128xf32, #tpu.memory_space<vmem>>, vector<16xf32>,
        %swap3A_1255 = arith.constant 2 : i32
        %swap3A_1256 = arith.index_cast %swap3A_1255 : i32 to index
        %swap3A_1257 = arith.constant 48 : index
        %swap3A_1258 = tpu.vector_load %arg8[%swap3A_1256, %swap3A_1257] {strides = array<i32>} : memref<8x128xf32, #tpu.memory_space<vmem>>, vector<16xf32>,
        tpu.vector_store %arg8[%swap3A_1256, %swap3A_1257], %get3A_1198 {strides = array<i32>} : memref<8x128xf32, #tpu.memory_space<vmem>>, vector<16xf32>,
        %get3A_1259 = arith.index_cast %scan3A_1030 : i32 to index
        %get3A_1260 = arith.constant 64 : index
        %get3A_1261 = tpu.vector_load %arg5[%get3A_1259, %get3A_1260] {strides = array<i32>} : memref<1000x128xf32, #tpu.memory_space<vmem>>, vector<16xf32>,
        %swap3A_1262 = arith.constant 2 : i32
        %swap3A_1263 = arith.index_cast %swap3A_1262 : i32 to index
        %swap3A_1264 = arith.constant 64 : index
        %swap3A_1265 = tpu.vector_load %arg8[%swap3A_1263, %swap3A_1264] {strides = array<i32>} : memref<8x128xf32, #tpu.memory_space<vmem>>, vector<16xf32>,
        tpu.vector_store %arg8[%swap3A_1263, %swap3A_1264], %get3A_1205 {strides = array<i32>} : memref<8x128xf32, #tpu.memory_space<vmem>>, vector<16xf32>,
        %get3A_1266 = arith.index_cast %scan3A_1030 : i32 to index
        %get3A_1267 = arith.constant 80 : index
        %get3A_1268 = tpu.vector_load %arg5[%get3A_1266, %get3A_1267] {strides = array<i32>} : memref<1000x128xf32, #tpu.memory_space<vmem>>, vector<16xf32>,
        %swap3A_1269 = arith.constant 2 : i32
        %swap3A_1270 = arith.index_cast %swap3A_1269 : i32 to index
        %swap3A_1271 = arith.constant 80 : index
        %swap3A_1272 = tpu.vector_load %arg8[%swap3A_1270, %swap3A_1271] {strides = array<i32>} : memref<8x128xf32, #tpu.memory_space<vmem>>, vector<16xf32>,
        tpu.vector_store %arg8[%swap3A_1270, %swap3A_1271], %get3A_1212 {strides = array<i32>} : memref<8x128xf32, #tpu.memory_space<vmem>>, vector<16xf32>,
        %get3A_1273 = arith.index_cast %scan3A_1030 : i32 to index
        %get3A_1274 = arith.constant 96 : index
        %get3A_1275 = tpu.vector_load %arg5[%get3A_1273, %get3A_1274] {strides = array<i32>} : memref<1000x128xf32, #tpu.memory_space<vmem>>, vector<16xf32>,
        %swap3A_1276 = arith.constant 2 : i32
        %swap3A_1277 = arith.index_cast %swap3A_1276 : i32 to index
        %swap3A_1278 = arith.constant 96 : index
        %swap3A_1279 = tpu.vector_load %arg8[%swap3A_1277, %swap3A_1278] {strides = array<i32>} : memref<8x128xf32, #tpu.memory_space<vmem>>, vector<16xf32>,
        tpu.vector_store %arg8[%swap3A_1277, %swap3A_1278], %get3A_1219 {strides = array<i32>} : memref<8x128xf32, #tpu.memory_space<vmem>>, vector<16xf32>,
        %get3A_1280 = arith.index_cast %scan3A_1030 : i32 to index
        %get3A_1281 = arith.constant 112 : index
        %get3A_1282 = tpu.vector_load %arg5[%get3A_1280, %get3A_1281] {strides = array<i32>} : memref<1000x128xf32, #tpu.memory_space<vmem>>, vector<16xf32>,
        %swap3A_1283 = arith.constant 2 : i32
        %swap3A_1284 = arith.index_cast %swap3A_1283 : i32 to index
        %swap3A_1285 = arith.constant 112 : index
        %swap3A_1286 = tpu.vector_load %arg8[%swap3A_1284, %swap3A_1285] {strides = array<i32>} : memref<8x128xf32, #tpu.memory_space<vmem>>, vector<16xf32>,
        tpu.vector_store %arg8[%swap3A_1284, %swap3A_1285], %get3A_1226 {strides = array<i32>} : memref<8x128xf32, #tpu.memory_space<vmem>>, vector<16xf32>,
        %get3A_1287 = arith.index_cast %scan3A_1031 : i32 to index
        %get3A_1288 = arith.constant 0 : index
        %get3A_1289 = tpu.vector_load %arg5[%get3A_1287, %get3A_1288] {strides = array<i32>} : memref<1000x128xf32, #tpu.memory_space<vmem>>, vector<16xf32>,
        %swap3A_1290 = arith.constant 3 : i32
        %swap3A_1291 = arith.index_cast %swap3A_1290 : i32 to index
        %swap3A_1292 = arith.constant 0 : index
        %swap3A_1293 = tpu.vector_load %arg8[%swap3A_1291, %swap3A_1292] {strides = array<i32>} : memref<8x128xf32, #tpu.memory_space<vmem>>, vector<16xf32>,
        tpu.vector_store %arg8[%swap3A_1291, %swap3A_1292], %get3A_1233 {strides = array<i32>} : memref<8x128xf32, #tpu.memory_space<vmem>>, vector<16xf32>,
        %get3A_1294 = arith.index_cast %scan3A_1031 : i32 to index
        %get3A_1295 = arith.constant 16 : index
        %get3A_1296 = tpu.vector_load %arg5[%get3A_1294, %get3A_1295] {strides = array<i32>} : memref<1000x128xf32, #tpu.memory_space<vmem>>, vector<16xf32>,
        %swap3A_1297 = arith.constant 3 : i32
        %swap3A_1298 = arith.index_cast %swap3A_1297 : i32 to index
        %swap3A_1299 = arith.constant 16 : index
        %swap3A_1300 = tpu.vector_load %arg8[%swap3A_1298, %swap3A_1299] {strides = array<i32>} : memref<8x128xf32, #tpu.memory_space<vmem>>, vector<16xf32>,
        tpu.vector_store %arg8[%swap3A_1298, %swap3A_1299], %get3A_1240 {strides = array<i32>} : memref<8x128xf32, #tpu.memory_space<vmem>>, vector<16xf32>,
        %get3A_1301 = arith.index_cast %scan3A_1031 : i32 to index
        %get3A_1302 = arith.constant 32 : index
        %get3A_1303 = tpu.vector_load %arg5[%get3A_1301, %get3A_1302] {strides = array<i32>} : memref<1000x128xf32, #tpu.memory_space<vmem>>, vector<16xf32>,
        %swap3A_1304 = arith.constant 3 : i32
        %swap3A_1305 = arith.index_cast %swap3A_1304 : i32 to index
        %swap3A_1306 = arith.constant 32 : index
        %swap3A_1307 = tpu.vector_load %arg8[%swap3A_1305, %swap3A_1306] {strides = array<i32>} : memref<8x128xf32, #tpu.memory_space<vmem>>, vector<16xf32>,
        tpu.vector_store %arg8[%swap3A_1305, %swap3A_1306], %get3A_1247 {strides = array<i32>} : memref<8x128xf32, #tpu.memory_space<vmem>>, vector<16xf32>,
        %get3A_1308 = arith.index_cast %scan3A_1031 : i32 to index
        %get3A_1309 = arith.constant 48 : index
        %get3A_1310 = tpu.vector_load %arg5[%get3A_1308, %get3A_1309] {strides = array<i32>} : memref<1000x128xf32, #tpu.memory_space<vmem>>, vector<16xf32>,
        %swap3A_1311 = arith.constant 3 : i32
        %swap3A_1312 = arith.index_cast %swap3A_1311 : i32 to index
        %swap3A_1313 = arith.constant 48 : index
        %swap3A_1314 = tpu.vector_load %arg8[%swap3A_1312, %swap3A_1313] {strides = array<i32>} : memref<8x128xf32, #tpu.memory_space<vmem>>, vector<16xf32>,
        tpu.vector_store %arg8[%swap3A_1312, %swap3A_1313], %get3A_1254 {strides = array<i32>} : memref<8x128xf32, #tpu.memory_space<vmem>>, vector<16xf32>,
        %get3A_1315 = arith.index_cast %scan3A_1031 : i32 to index
        %get3A_1316 = arith.constant 64 : index
        %get3A_1317 = tpu.vector_load %arg5[%get3A_1315, %get3A_1316] {strides = array<i32>} : memref<1000x128xf32, #tpu.memory_space<vmem>>, vector<16xf32>,
        %swap3A_1318 = arith.constant 3 : i32
        %swap3A_1319 = arith.index_cast %swap3A_1318 : i32 to index
        %swap3A_1320 = arith.constant 64 : index
        %swap3A_1321 = tpu.vector_load %arg8[%swap3A_1319, %swap3A_1320] {strides = array<i32>} : memref<8x128xf32, #tpu.memory_space<vmem>>, vector<16xf32>,
        tpu.vector_store %arg8[%swap3A_1319, %swap3A_1320], %get3A_1261 {strides = array<i32>} : memref<8x128xf32, #tpu.memory_space<vmem>>, vector<16xf32>,
        %get3A_1322 = arith.index_cast %scan3A_1031 : i32 to index
        %get3A_1323 = arith.constant 80 : index
        %get3A_1324 = tpu.vector_load %arg5[%get3A_1322, %get3A_1323] {strides = array<i32>} : memref<1000x128xf32, #tpu.memory_space<vmem>>, vector<16xf32>,
        %swap3A_1325 = arith.constant 3 : i32
        %swap3A_1326 = arith.index_cast %swap3A_1325 : i32 to index
        %swap3A_1327 = arith.constant 80 : index
        %swap3A_1328 = tpu.vector_load %arg8[%swap3A_1326, %swap3A_1327] {strides = array<i32>} : memref<8x128xf32, #tpu.memory_space<vmem>>, vector<16xf32>,
        tpu.vector_store %arg8[%swap3A_1326, %swap3A_1327], %get3A_1268 {strides = array<i32>} : memref<8x128xf32, #tpu.memory_space<vmem>>, vector<16xf32>,
        %get3A_1329 = arith.index_cast %scan3A_1031 : i32 to index
        %get3A_1330 = arith.constant 96 : index
        %get3A_1331 = tpu.vector_load %arg5[%get3A_1329, %get3A_1330] {strides = array<i32>} : memref<1000x128xf32, #tpu.memory_space<vmem>>, vector<16xf32>,
        %swap3A_1332 = arith.constant 3 : i32
        %swap3A_1333 = arith.index_cast %swap3A_1332 : i32 to index
        %swap3A_1334 = arith.constant 96 : index
        %swap3A_1335 = tpu.vector_load %arg8[%swap3A_1333, %swap3A_1334] {strides = array<i32>} : memref<8x128xf32, #tpu.memory_space<vmem>>, vector<16xf32>,
        tpu.vector_store %arg8[%swap3A_1333, %swap3A_1334], %get3A_1275 {strides = array<i32>} : memref<8x128xf32, #tpu.memory_space<vmem>>, vector<16xf32>,
        %get3A_1336 = arith.index_cast %scan3A_1031 : i32 to index
        %get3A_1337 = arith.constant 112 : index
        %get3A_1338 = tpu.vector_load %arg5[%get3A_1336, %get3A_1337] {strides = array<i32>} : memref<1000x128xf32, #tpu.memory_space<vmem>>, vector<16xf32>,
        %swap3A_1339 = arith.constant 3 : i32
        %swap3A_1340 = arith.index_cast %swap3A_1339 : i32 to index
        %swap3A_1341 = arith.constant 112 : index
        %swap3A_1342 = tpu.vector_load %arg8[%swap3A_1340, %swap3A_1341] {strides = array<i32>} : memref<8x128xf32, #tpu.memory_space<vmem>>, vector<16xf32>,
        tpu.vector_store %arg8[%swap3A_1340, %swap3A_1341], %get3A_1282 {strides = array<i32>} : memref<8x128xf32, #tpu.memory_space<vmem>>, vector<16xf32>,
        %get3A_1343 = arith.index_cast %scan3A_1032 : i32 to index
        %get3A_1344 = arith.constant 0 : index
        %get3A_1345 = tpu.vector_load %arg5[%get3A_1343, %get3A_1344] {strides = array<i32>} : memref<1000x128xf32, #tpu.memory_space<vmem>>, vector<16xf32>,
        %swap3A_1346 = arith.constant 4 : i32
        %swap3A_1347 = arith.index_cast %swap3A_1346 : i32 to index
        %swap3A_1348 = arith.constant 0 : index
        %swap3A_1349 = tpu.vector_load %arg8[%swap3A_1347, %swap3A_1348] {strides = array<i32>} : memref<8x128xf32, #tpu.memory_space<vmem>>, vector<16xf32>,
        tpu.vector_store %arg8[%swap3A_1347, %swap3A_1348], %get3A_1289 {strides = array<i32>} : memref<8x128xf32, #tpu.memory_space<vmem>>, vector<16xf32>,
        %get3A_1350 = arith.index_cast %scan3A_1032 : i32 to index
        %get3A_1351 = arith.constant 16 : index
        %get3A_1352 = tpu.vector_load %arg5[%get3A_1350, %get3A_1351] {strides = array<i32>} : memref<1000x128xf32, #tpu.memory_space<vmem>>, vector<16xf32>,
        %swap3A_1353 = arith.constant 4 : i32
        %swap3A_1354 = arith.index_cast %swap3A_1353 : i32 to index
        %swap3A_1355 = arith.constant 16 : index
        %swap3A_1356 = tpu.vector_load %arg8[%swap3A_1354, %swap3A_1355] {strides = array<i32>} : memref<8x128xf32, #tpu.memory_space<vmem>>, vector<16xf32>,
        tpu.vector_store %arg8[%swap3A_1354, %swap3A_1355], %get3A_1296 {strides = array<i32>} : memref<8x128xf32, #tpu.memory_space<vmem>>, vector<16xf32>,
        %get3A_1357 = arith.index_cast %scan3A_1032 : i32 to index
        %get3A_1358 = arith.constant 32 : index
        %get3A_1359 = tpu.vector_load %arg5[%get3A_1357, %get3A_1358] {strides = array<i32>} : memref<1000x128xf32, #tpu.memory_space<vmem>>, vector<16xf32>,
        %swap3A_1360 = arith.constant 4 : i32
        %swap3A_1361 = arith.index_cast %swap3A_1360 : i32 to index
        %swap3A_1362 = arith.constant 32 : index
        %swap3A_1363 = tpu.vector_load %arg8[%swap3A_1361, %swap3A_1362] {strides = array<i32>} : memref<8x128xf32, #tpu.memory_space<vmem>>, vector<16xf32>,
        tpu.vector_store %arg8[%swap3A_1361, %swap3A_1362], %get3A_1303 {strides = array<i32>} : memref<8x128xf32, #tpu.memory_space<vmem>>, vector<16xf32>,
        %get3A_1364 = arith.index_cast %scan3A_1032 : i32 to index
        %get3A_1365 = arith.constant 48 : index
        %get3A_1366 = tpu.vector_load %arg5[%get3A_1364, %get3A_1365] {strides = array<i32>} : memref<1000x128xf32, #tpu.memory_space<vmem>>, vector<16xf32>,
        %swap3A_1367 = arith.constant 4 : i32
        %swap3A_1368 = arith.index_cast %swap3A_1367 : i32 to index
        %swap3A_1369 = arith.constant 48 : index
        %swap3A_1370 = tpu.vector_load %arg8[%swap3A_1368, %swap3A_1369] {strides = array<i32>} : memref<8x128xf32, #tpu.memory_space<vmem>>, vector<16xf32>,
        tpu.vector_store %arg8[%swap3A_1368, %swap3A_1369], %get3A_1310 {strides = array<i32>} : memref<8x128xf32, #tpu.memory_space<vmem>>, vector<16xf32>,
        %get3A_1371 = arith.index_cast %scan3A_1032 : i32 to index
        %get3A_1372 = arith.constant 64 : index
        %get3A_1373 = tpu.vector_load %arg5[%get3A_1371, %get3A_1372] {strides = array<i32>} : memref<1000x128xf32, #tpu.memory_space<vmem>>, vector<16xf32>,
        %swap3A_1374 = arith.constant 4 : i32
        %swap3A_1375 = arith.index_cast %swap3A_1374 : i32 to index
        %swap3A_1376 = arith.constant 64 : index
        %swap3A_1377 = tpu.vector_load %arg8[%swap3A_1375, %swap3A_1376] {strides = array<i32>} : memref<8x128xf32, #tpu.memory_space<vmem>>, vector<16xf32>,
        tpu.vector_store %arg8[%swap3A_1375, %swap3A_1376], %get3A_1317 {strides = array<i32>} : memref<8x128xf32, #tpu.memory_space<vmem>>, vector<16xf32>,
        %get3A_1378 = arith.index_cast %scan3A_1032 : i32 to index
        %get3A_1379 = arith.constant 80 : index
        %get3A_1380 = tpu.vector_load %arg5[%get3A_1378, %get3A_1379] {strides = array<i32>} : memref<1000x128xf32, #tpu.memory_space<vmem>>, vector<16xf32>,
        %swap3A_1381 = arith.constant 4 : i32
        %swap3A_1382 = arith.index_cast %swap3A_1381 : i32 to index
        %swap3A_1383 = arith.constant 80 : index
        %swap3A_1384 = tpu.vector_load %arg8[%swap3A_1382, %swap3A_1383] {strides = array<i32>} : memref<8x128xf32, #tpu.memory_space<vmem>>, vector<16xf32>,
        tpu.vector_store %arg8[%swap3A_1382, %swap3A_1383], %get3A_1324 {strides = array<i32>} : memref<8x128xf32, #tpu.memory_space<vmem>>, vector<16xf32>,
        %get3A_1385 = arith.index_cast %scan3A_1032 : i32 to index
        %get3A_1386 = arith.constant 96 : index
        %get3A_1387 = tpu.vector_load %arg5[%get3A_1385, %get3A_1386] {strides = array<i32>} : memref<1000x128xf32, #tpu.memory_space<vmem>>, vector<16xf32>,
        %swap3A_1388 = arith.constant 4 : i32
        %swap3A_1389 = arith.index_cast %swap3A_1388 : i32 to index
        %swap3A_1390 = arith.constant 96 : index
        %swap3A_1391 = tpu.vector_load %arg8[%swap3A_1389, %swap3A_1390] {strides = array<i32>} : memref<8x128xf32, #tpu.memory_space<vmem>>, vector<16xf32>,
        tpu.vector_store %arg8[%swap3A_1389, %swap3A_1390], %get3A_1331 {strides = array<i32>} : memref<8x128xf32, #tpu.memory_space<vmem>>, vector<16xf32>,
        %get3A_1392 = arith.index_cast %scan3A_1032 : i32 to index
        %get3A_1393 = arith.constant 112 : index
        %get3A_1394 = tpu.vector_load %arg5[%get3A_1392, %get3A_1393] {strides = array<i32>} : memref<1000x128xf32, #tpu.memory_space<vmem>>, vector<16xf32>,
        %swap3A_1395 = arith.constant 4 : i32
        %swap3A_1396 = arith.index_cast %swap3A_1395 : i32 to index
        %swap3A_1397 = arith.constant 112 : index
        %swap3A_1398 = tpu.vector_load %arg8[%swap3A_1396, %swap3A_1397] {strides = array<i32>} : memref<8x128xf32, #tpu.memory_space<vmem>>, vector<16xf32>,
        tpu.vector_store %arg8[%swap3A_1396, %swap3A_1397], %get3A_1338 {strides = array<i32>} : memref<8x128xf32, #tpu.memory_space<vmem>>, vector<16xf32>,
        %get3A_1399 = arith.index_cast %scan3A_1033 : i32 to index
        %get3A_1400 = arith.constant 0 : index
        %get3A_1401 = tpu.vector_load %arg5[%get3A_1399, %get3A_1400] {strides = array<i32>} : memref<1000x128xf32, #tpu.memory_space<vmem>>, vector<16xf32>,
        %swap3A_1402 = arith.constant 5 : i32
        %swap3A_1403 = arith.index_cast %swap3A_1402 : i32 to index
        %swap3A_1404 = arith.constant 0 : index
        %swap3A_1405 = tpu.vector_load %arg8[%swap3A_1403, %swap3A_1404] {strides = array<i32>} : memref<8x128xf32, #tpu.memory_space<vmem>>, vector<16xf32>,
        tpu.vector_store %arg8[%swap3A_1403, %swap3A_1404], %get3A_1345 {strides = array<i32>} : memref<8x128xf32, #tpu.memory_space<vmem>>, vector<16xf32>,
        %get3A_1406 = arith.index_cast %scan3A_1033 : i32 to index
        %get3A_1407 = arith.constant 16 : index
        %get3A_1408 = tpu.vector_load %arg5[%get3A_1406, %get3A_1407] {strides = array<i32>} : memref<1000x128xf32, #tpu.memory_space<vmem>>, vector<16xf32>,
        %swap3A_1409 = arith.constant 5 : i32
        %swap3A_1410 = arith.index_cast %swap3A_1409 : i32 to index
        %swap3A_1411 = arith.constant 16 : index
        %swap3A_1412 = tpu.vector_load %arg8[%swap3A_1410, %swap3A_1411] {strides = array<i32>} : memref<8x128xf32, #tpu.memory_space<vmem>>, vector<16xf32>,
        tpu.vector_store %arg8[%swap3A_1410, %swap3A_1411], %get3A_1352 {strides = array<i32>} : memref<8x128xf32, #tpu.memory_space<vmem>>, vector<16xf32>,
        %get3A_1413 = arith.index_cast %scan3A_1033 : i32 to index
        %get3A_1414 = arith.constant 32 : index
        %get3A_1415 = tpu.vector_load %arg5[%get3A_1413, %get3A_1414] {strides = array<i32>} : memref<1000x128xf32, #tpu.memory_space<vmem>>, vector<16xf32>,
        %swap3A_1416 = arith.constant 5 : i32
        %swap3A_1417 = arith.index_cast %swap3A_1416 : i32 to index
        %swap3A_1418 = arith.constant 32 : index
        %swap3A_1419 = tpu.vector_load %arg8[%swap3A_1417, %swap3A_1418] {strides = array<i32>} : memref<8x128xf32, #tpu.memory_space<vmem>>, vector<16xf32>,
        tpu.vector_store %arg8[%swap3A_1417, %swap3A_1418], %get3A_1359 {strides = array<i32>} : memref<8x128xf32, #tpu.memory_space<vmem>>, vector<16xf32>,
        %get3A_1420 = arith.index_cast %scan3A_1033 : i32 to index
        %get3A_1421 = arith.constant 48 : index
        %get3A_1422 = tpu.vector_load %arg5[%get3A_1420, %get3A_1421] {strides = array<i32>} : memref<1000x128xf32, #tpu.memory_space<vmem>>, vector<16xf32>,
        %swap3A_1423 = arith.constant 5 : i32
        %swap3A_1424 = arith.index_cast %swap3A_1423 : i32 to index
        %swap3A_1425 = arith.constant 48 : index
        %swap3A_1426 = tpu.vector_load %arg8[%swap3A_1424, %swap3A_1425] {strides = array<i32>} : memref<8x128xf32, #tpu.memory_space<vmem>>, vector<16xf32>,
        tpu.vector_store %arg8[%swap3A_1424, %swap3A_1425], %get3A_1366 {strides = array<i32>} : memref<8x128xf32, #tpu.memory_space<vmem>>, vector<16xf32>,
        %get3A_1427 = arith.index_cast %scan3A_1033 : i32 to index
        %get3A_1428 = arith.constant 64 : index
        %get3A_1429 = tpu.vector_load %arg5[%get3A_1427, %get3A_1428] {strides = array<i32>} : memref<1000x128xf32, #tpu.memory_space<vmem>>, vector<16xf32>,
        %swap3A_1430 = arith.constant 5 : i32
        %swap3A_1431 = arith.index_cast %swap3A_1430 : i32 to index
        %swap3A_1432 = arith.constant 64 : index
        %swap3A_1433 = tpu.vector_load %arg8[%swap3A_1431, %swap3A_1432] {strides = array<i32>} : memref<8x128xf32, #tpu.memory_space<vmem>>, vector<16xf32>,
        tpu.vector_store %arg8[%swap3A_1431, %swap3A_1432], %get3A_1373 {strides = array<i32>} : memref<8x128xf32, #tpu.memory_space<vmem>>, vector<16xf32>,
        %get3A_1434 = arith.index_cast %scan3A_1033 : i32 to index
        %get3A_1435 = arith.constant 80 : index
        %get3A_1436 = tpu.vector_load %arg5[%get3A_1434, %get3A_1435] {strides = array<i32>} : memref<1000x128xf32, #tpu.memory_space<vmem>>, vector<16xf32>,
        %swap3A_1437 = arith.constant 5 : i32
        %swap3A_1438 = arith.index_cast %swap3A_1437 : i32 to index
        %swap3A_1439 = arith.constant 80 : index
        %swap3A_1440 = tpu.vector_load %arg8[%swap3A_1438, %swap3A_1439] {strides = array<i32>} : memref<8x128xf32, #tpu.memory_space<vmem>>, vector<16xf32>,
        tpu.vector_store %arg8[%swap3A_1438, %swap3A_1439], %get3A_1380 {strides = array<i32>} : memref<8x128xf32, #tpu.memory_space<vmem>>, vector<16xf32>,
        %get3A_1441 = arith.index_cast %scan3A_1033 : i32 to index
        %get3A_1442 = arith.constant 96 : index
        %get3A_1443 = tpu.vector_load %arg5[%get3A_1441, %get3A_1442] {strides = array<i32>} : memref<1000x128xf32, #tpu.memory_space<vmem>>, vector<16xf32>,
        %swap3A_1444 = arith.constant 5 : i32
        %swap3A_1445 = arith.index_cast %swap3A_1444 : i32 to index
        %swap3A_1446 = arith.constant 96 : index
        %swap3A_1447 = tpu.vector_load %arg8[%swap3A_1445, %swap3A_1446] {strides = array<i32>} : memref<8x128xf32, #tpu.memory_space<vmem>>, vector<16xf32>,
        tpu.vector_store %arg8[%swap3A_1445, %swap3A_1446], %get3A_1387 {strides = array<i32>} : memref<8x128xf32, #tpu.memory_space<vmem>>, vector<16xf32>,
        %get3A_1448 = arith.index_cast %scan3A_1033 : i32 to index
        %get3A_1449 = arith.constant 112 : index
        %get3A_1450 = tpu.vector_load %arg5[%get3A_1448, %get3A_1449] {strides = array<i32>} : memref<1000x128xf32, #tpu.memory_space<vmem>>, vector<16xf32>,
        %swap3A_1451 = arith.constant 5 : i32
        %swap3A_1452 = arith.index_cast %swap3A_1451 : i32 to index
        %swap3A_1453 = arith.constant 112 : index
        %swap3A_1454 = tpu.vector_load %arg8[%swap3A_1452, %swap3A_1453] {strides = array<i32>} : memref<8x128xf32, #tpu.memory_space<vmem>>, vector<16xf32>,
        tpu.vector_store %arg8[%swap3A_1452, %swap3A_1453], %get3A_1394 {strides = array<i32>} : memref<8x128xf32, #tpu.memory_space<vmem>>, vector<16xf32>,
        %get3A_1455 = arith.index_cast %scan3A_1034 : i32 to index
        %get3A_1456 = arith.constant 0 : index
        %get3A_1457 = tpu.vector_load %arg5[%get3A_1455, %get3A_1456] {strides = array<i32>} : memref<1000x128xf32, #tpu.memory_space<vmem>>, vector<16xf32>,
        %swap3A_1458 = arith.constant 6 : i32
        %swap3A_1459 = arith.index_cast %swap3A_1458 : i32 to index
        %swap3A_1460 = arith.constant 0 : index
        %swap3A_1461 = tpu.vector_load %arg8[%swap3A_1459, %swap3A_1460] {strides = array<i32>} : memref<8x128xf32, #tpu.memory_space<vmem>>, vector<16xf32>,
        tpu.vector_store %arg8[%swap3A_1459, %swap3A_1460], %get3A_1401 {strides = array<i32>} : memref<8x128xf32, #tpu.memory_space<vmem>>, vector<16xf32>,
        %get3A_1462 = arith.index_cast %scan3A_1034 : i32 to index
        %get3A_1463 = arith.constant 16 : index
        %get3A_1464 = tpu.vector_load %arg5[%get3A_1462, %get3A_1463] {strides = array<i32>} : memref<1000x128xf32, #tpu.memory_space<vmem>>, vector<16xf32>,
        %swap3A_1465 = arith.constant 6 : i32
        %swap3A_1466 = arith.index_cast %swap3A_1465 : i32 to index
        %swap3A_1467 = arith.constant 16 : index
        %swap3A_1468 = tpu.vector_load %arg8[%swap3A_1466, %swap3A_1467] {strides = array<i32>} : memref<8x128xf32, #tpu.memory_space<vmem>>, vector<16xf32>,
        tpu.vector_store %arg8[%swap3A_1466, %swap3A_1467], %get3A_1408 {strides = array<i32>} : memref<8x128xf32, #tpu.memory_space<vmem>>, vector<16xf32>,
        %get3A_1469 = arith.index_cast %scan3A_1034 : i32 to index
        %get3A_1470 = arith.constant 32 : index
        %get3A_1471 = tpu.vector_load %arg5[%get3A_1469, %get3A_1470] {strides = array<i32>} : memref<1000x128xf32, #tpu.memory_space<vmem>>, vector<16xf32>,
        %swap3A_1472 = arith.constant 6 : i32
        %swap3A_1473 = arith.index_cast %swap3A_1472 : i32 to index
        %swap3A_1474 = arith.constant 32 : index
        %swap3A_1475 = tpu.vector_load %arg8[%swap3A_1473, %swap3A_1474] {strides = array<i32>} : memref<8x128xf32, #tpu.memory_space<vmem>>, vector<16xf32>,
        tpu.vector_store %arg8[%swap3A_1473, %swap3A_1474], %get3A_1415 {strides = array<i32>} : memref<8x128xf32, #tpu.memory_space<vmem>>, vector<16xf32>,
        %get3A_1476 = arith.index_cast %scan3A_1034 : i32 to index
        %get3A_1477 = arith.constant 48 : index
        %get3A_1478 = tpu.vector_load %arg5[%get3A_1476, %get3A_1477] {strides = array<i32>} : memref<1000x128xf32, #tpu.memory_space<vmem>>, vector<16xf32>,
        %swap3A_1479 = arith.constant 6 : i32
        %swap3A_1480 = arith.index_cast %swap3A_1479 : i32 to index
        %swap3A_1481 = arith.constant 48 : index
        %swap3A_1482 = tpu.vector_load %arg8[%swap3A_1480, %swap3A_1481] {strides = array<i32>} : memref<8x128xf32, #tpu.memory_space<vmem>>, vector<16xf32>,
        tpu.vector_store %arg8[%swap3A_1480, %swap3A_1481], %get3A_1422 {strides = array<i32>} : memref<8x128xf32, #tpu.memory_space<vmem>>, vector<16xf32>,
        %get3A_1483 = arith.index_cast %scan3A_1034 : i32 to index
        %get3A_1484 = arith.constant 64 : index
        %get3A_1485 = tpu.vector_load %arg5[%get3A_1483, %get3A_1484] {strides = array<i32>} : memref<1000x128xf32, #tpu.memory_space<vmem>>, vector<16xf32>,
        %swap3A_1486 = arith.constant 6 : i32
        %swap3A_1487 = arith.index_cast %swap3A_1486 : i32 to index
        %swap3A_1488 = arith.constant 64 : index
        %swap3A_1489 = tpu.vector_load %arg8[%swap3A_1487, %swap3A_1488] {strides = array<i32>} : memref<8x128xf32, #tpu.memory_space<vmem>>, vector<16xf32>,
        tpu.vector_store %arg8[%swap3A_1487, %swap3A_1488], %get3A_1429 {strides = array<i32>} : memref<8x128xf32, #tpu.memory_space<vmem>>, vector<16xf32>,
        %get3A_1490 = arith.index_cast %scan3A_1034 : i32 to index
        %get3A_1491 = arith.constant 80 : index
        %get3A_1492 = tpu.vector_load %arg5[%get3A_1490, %get3A_1491] {strides = array<i32>} : memref<1000x128xf32, #tpu.memory_space<vmem>>, vector<16xf32>,
        %swap3A_1493 = arith.constant 6 : i32
        %swap3A_1494 = arith.index_cast %swap3A_1493 : i32 to index
        %swap3A_1495 = arith.constant 80 : index
        %swap3A_1496 = tpu.vector_load %arg8[%swap3A_1494, %swap3A_1495] {strides = array<i32>} : memref<8x128xf32, #tpu.memory_space<vmem>>, vector<16xf32>,
        tpu.vector_store %arg8[%swap3A_1494, %swap3A_1495], %get3A_1436 {strides = array<i32>} : memref<8x128xf32, #tpu.memory_space<vmem>>, vector<16xf32>,
        %get3A_1497 = arith.index_cast %scan3A_1034 : i32 to index
        %get3A_1498 = arith.constant 96 : index
        %get3A_1499 = tpu.vector_load %arg5[%get3A_1497, %get3A_1498] {strides = array<i32>} : memref<1000x128xf32, #tpu.memory_space<vmem>>, vector<16xf32>,
        %swap3A_1500 = arith.constant 6 : i32
        %swap3A_1501 = arith.index_cast %swap3A_1500 : i32 to index
        %swap3A_1502 = arith.constant 96 : index
        %swap3A_1503 = tpu.vector_load %arg8[%swap3A_1501, %swap3A_1502] {strides = array<i32>} : memref<8x128xf32, #tpu.memory_space<vmem>>, vector<16xf32>,
        tpu.vector_store %arg8[%swap3A_1501, %swap3A_1502], %get3A_1443 {strides = array<i32>} : memref<8x128xf32, #tpu.memory_space<vmem>>, vector<16xf32>,
        %get3A_1504 = arith.index_cast %scan3A_1034 : i32 to index
        %get3A_1505 = arith.constant 112 : index
        %get3A_1506 = tpu.vector_load %arg5[%get3A_1504, %get3A_1505] {strides = array<i32>} : memref<1000x128xf32, #tpu.memory_space<vmem>>, vector<16xf32>,
        %swap3A_1507 = arith.constant 6 : i32
        %swap3A_1508 = arith.index_cast %swap3A_1507 : i32 to index
        %swap3A_1509 = arith.constant 112 : index
        %swap3A_1510 = tpu.vector_load %arg8[%swap3A_1508, %swap3A_1509] {strides = array<i32>} : memref<8x128xf32, #tpu.memory_space<vmem>>, vector<16xf32>,
        tpu.vector_store %arg8[%swap3A_1508, %swap3A_1509], %get3A_1450 {strides = array<i32>} : memref<8x128xf32, #tpu.memory_space<vmem>>, vector<16xf32>,
        %swap3A_1511 = arith.constant 7 : i32
        %swap3A_1512 = arith.index_cast %swap3A_1511 : i32 to index
        %swap3A_1513 = arith.constant 0 : index
        %swap3A_1514 = tpu.vector_load %arg8[%swap3A_1512, %swap3A_1513] {strides = array<i32>} : memref<8x128xf32, #tpu.memory_space<vmem>>, vector<16xf32>,
        tpu.vector_store %arg8[%swap3A_1512, %swap3A_1513], %get3A_1457 {strides = array<i32>} : memref<8x128xf32, #tpu.memory_space<vmem>>, vector<16xf32>,
        %swap3A_1515 = arith.constant 7 : i32
        %swap3A_1516 = arith.index_cast %swap3A_1515 : i32 to index
        %swap3A_1517 = arith.constant 16 : index
        %swap3A_1518 = tpu.vector_load %arg8[%swap3A_1516, %swap3A_1517] {strides = array<i32>} : memref<8x128xf32, #tpu.memory_space<vmem>>, vector<16xf32>,
        tpu.vector_store %arg8[%swap3A_1516, %swap3A_1517], %get3A_1464 {strides = array<i32>} : memref<8x128xf32, #tpu.memory_space<vmem>>, vector<16xf32>,
        %swap3A_1519 = arith.constant 7 : i32
        %swap3A_1520 = arith.index_cast %swap3A_1519 : i32 to index
        %swap3A_1521 = arith.constant 32 : index
        %swap3A_1522 = tpu.vector_load %arg8[%swap3A_1520, %swap3A_1521] {strides = array<i32>} : memref<8x128xf32, #tpu.memory_space<vmem>>, vector<16xf32>,
        tpu.vector_store %arg8[%swap3A_1520, %swap3A_1521], %get3A_1471 {strides = array<i32>} : memref<8x128xf32, #tpu.memory_space<vmem>>, vector<16xf32>,
        %swap3A_1523 = arith.constant 7 : i32
        %swap3A_1524 = arith.index_cast %swap3A_1523 : i32 to index
        %swap3A_1525 = arith.constant 48 : index
        %swap3A_1526 = tpu.vector_load %arg8[%swap3A_1524, %swap3A_1525] {strides = array<i32>} : memref<8x128xf32, #tpu.memory_space<vmem>>, vector<16xf32>,
        tpu.vector_store %arg8[%swap3A_1524, %swap3A_1525], %get3A_1478 {strides = array<i32>} : memref<8x128xf32, #tpu.memory_space<vmem>>, vector<16xf32>,
        %swap3A_1527 = arith.constant 7 : i32
        %swap3A_1528 = arith.index_cast %swap3A_1527 : i32 to index
        %swap3A_1529 = arith.constant 64 : index
        %swap3A_1530 = tpu.vector_load %arg8[%swap3A_1528, %swap3A_1529] {strides = array<i32>} : memref<8x128xf32, #tpu.memory_space<vmem>>, vector<16xf32>,
        tpu.vector_store %arg8[%swap3A_1528, %swap3A_1529], %get3A_1485 {strides = array<i32>} : memref<8x128xf32, #tpu.memory_space<vmem>>, vector<16xf32>,
        %swap3A_1531 = arith.constant 7 : i32
        %swap3A_1532 = arith.index_cast %swap3A_1531 : i32 to index
        %swap3A_1533 = arith.constant 80 : index
        %swap3A_1534 = tpu.vector_load %arg8[%swap3A_1532, %swap3A_1533] {strides = array<i32>} : memref<8x128xf32, #tpu.memory_space<vmem>>, vector<16xf32>,
        tpu.vector_store %arg8[%swap3A_1532, %swap3A_1533], %get3A_1492 {strides = array<i32>} : memref<8x128xf32, #tpu.memory_space<vmem>>, vector<16xf32>,
        %swap3A_1535 = arith.constant 7 : i32
        %swap3A_1536 = arith.index_cast %swap3A_1535 : i32 to index
        %swap3A_1537 = arith.constant 96 : index
        %swap3A_1538 = tpu.vector_load %arg8[%swap3A_1536, %swap3A_1537] {strides = array<i32>} : memref<8x128xf32, #tpu.memory_space<vmem>>, vector<16xf32>,
        tpu.vector_store %arg8[%swap3A_1536, %swap3A_1537], %get3A_1499 {strides = array<i32>} : memref<8x128xf32, #tpu.memory_space<vmem>>, vector<16xf32>,
        %swap3A_1539 = arith.constant 7 : i32
        %swap3A_1540 = arith.index_cast %swap3A_1539 : i32 to index
        %swap3A_1541 = arith.constant 112 : index
        %swap3A_1542 = tpu.vector_load %arg8[%swap3A_1540, %swap3A_1541] {strides = array<i32>} : memref<8x128xf32, #tpu.memory_space<vmem>>, vector<16xf32>,
        tpu.vector_store %arg8[%swap3A_1540, %swap3A_1541], %get3A_1506 {strides = array<i32>} : memref<8x128xf32, #tpu.memory_space<vmem>>, vector<16xf32>,
        %mul3A_1543 = arith.constant 8 : i32
        %mul3A_1544 = arith.muli %add3A_1088, %mul3A_1543 : i32
        %dma_start3A_1545 = tpu.memref_slice %arg4[%mul3A_1544, %mul3A_11] : memref<10000x16384xf32, #tpu.memory_space<hbm>> -> memref<8x128xf32, #tpu.memory_space<hbm>>
        %dma_start3A_1546 = tpu.memref_slice %arg4[%mul3A_1544, %mul3A_11] : memref<10000x16384xf32, #tpu.memory_space<hbm>> -> memref<8x128xf32, #tpu.memory_space<hbm>>
        tpu.enqueue_dma source(%arg8 : memref<8x128xf32, #tpu.memory_space<vmem>>) target(%dma_start3A_1546 : memref<8x128xf32, #tpu.memory_space<hbm>>) target_semaphore(%arg11 : memref<!tpu.dma_semaphore, #tpu.memory_space<semaphore_mem>>)
        %mul3A_1547 = arith.constant 2 : i32
        %mul3A_1548 = arith.muli %scan3A_1026, %mul3A_1547 : i32
        %add3A_1549 = arith.constant 0 : i32
        %add3A_1550 = arith.addi %add3A_1549, %mul3A_1548 : i32
        %add3A_1551 = arith.constant 1 : i32
        %add3A_1552 = arith.addi %add3A_1550, %add3A_1551 : i32
        %dma_wait3A_1553 = arith.constant 0 : i32
        %dma_wait3A_1554 = arith.constant 0 : i32
        %dma_wait3A_1555 = tpu.memref_slice %arg4[%dma_wait3A_1553, %dma_wait3A_1554] : memref<10000x16384xf32, #tpu.memory_space<hbm>> -> memref<8x128xf32, #tpu.memory_space<hbm>>
        %dma_wait3A_1556 = arith.constant 0 : i32
        %dma_wait3A_1557 = arith.constant 0 : i32
        %dma_wait3A_1558 = tpu.memref_slice %arg4[%dma_wait3A_1556, %dma_wait3A_1557] : memref<10000x16384xf32, #tpu.memory_space<hbm>> -> memref<8x128xf32, #tpu.memory_space<hbm>>
        tpu.wait_dma2 semaphore(%arg12 : memref<!tpu.dma_semaphore, #tpu.memory_space<semaphore_mem>>) src(%arg9 : memref<8x128xf32, #tpu.memory_space<vmem>>) dst(%dma_wait3A_1558 : memref<8x128xf32, #tpu.memory_space<hbm>>)
        %get3A_1559 = arith.index_cast %scan3A_1035 : i32 to index
        %get3A_1560 = arith.constant 0 : index
        %get3A_1561 = tpu.vector_load %arg5[%get3A_1559, %get3A_1560] {strides = array<i32>} : memref<1000x128xf32, #tpu.memory_space<vmem>>, vector<16xf32>,
        %get3A_1562 = arith.index_cast %scan3A_1035 : i32 to index
        %get3A_1563 = arith.constant 16 : index
        %get3A_1564 = tpu.vector_load %arg5[%get3A_1562, %get3A_1563] {strides = array<i32>} : memref<1000x128xf32, #tpu.memory_space<vmem>>, vector<16xf32>,
        %get3A_1565 = arith.index_cast %scan3A_1035 : i32 to index
        %get3A_1566 = arith.constant 32 : index
        %get3A_1567 = tpu.vector_load %arg5[%get3A_1565, %get3A_1566] {strides = array<i32>} : memref<1000x128xf32, #tpu.memory_space<vmem>>, vector<16xf32>,
        %get3A_1568 = arith.index_cast %scan3A_1035 : i32 to index
        %get3A_1569 = arith.constant 48 : index
        %get3A_1570 = tpu.vector_load %arg5[%get3A_1568, %get3A_1569] {strides = array<i32>} : memref<1000x128xf32, #tpu.memory_space<vmem>>, vector<16xf32>,
        %get3A_1571 = arith.index_cast %scan3A_1035 : i32 to index
        %get3A_1572 = arith.constant 64 : index
        %get3A_1573 = tpu.vector_load %arg5[%get3A_1571, %get3A_1572] {strides = array<i32>} : memref<1000x128xf32, #tpu.memory_space<vmem>>, vector<16xf32>,
        %get3A_1574 = arith.index_cast %scan3A_1035 : i32 to index
        %get3A_1575 = arith.constant 80 : index
        %get3A_1576 = tpu.vector_load %arg5[%get3A_1574, %get3A_1575] {strides = array<i32>} : memref<1000x128xf32, #tpu.memory_space<vmem>>, vector<16xf32>,
        %get3A_1577 = arith.index_cast %scan3A_1035 : i32 to index
        %get3A_1578 = arith.constant 96 : index
        %get3A_1579 = tpu.vector_load %arg5[%get3A_1577, %get3A_1578] {strides = array<i32>} : memref<1000x128xf32, #tpu.memory_space<vmem>>, vector<16xf32>,
        %get3A_1580 = arith.index_cast %scan3A_1035 : i32 to index
        %get3A_1581 = arith.constant 112 : index
        %get3A_1582 = tpu.vector_load %arg5[%get3A_1580, %get3A_1581] {strides = array<i32>} : memref<1000x128xf32, #tpu.memory_space<vmem>>, vector<16xf32>,
        %get3A_1583 = arith.index_cast %scan3A_1036 : i32 to index
        %get3A_1584 = arith.constant 0 : index
        %get3A_1585 = tpu.vector_load %arg5[%get3A_1583, %get3A_1584] {strides = array<i32>} : memref<1000x128xf32, #tpu.memory_space<vmem>>, vector<16xf32>,
        %swap3A_1586 = arith.constant 0 : i32
        %swap3A_1587 = arith.index_cast %swap3A_1586 : i32 to index
        %swap3A_1588 = arith.constant 0 : index
        %swap3A_1589 = tpu.vector_load %arg9[%swap3A_1587, %swap3A_1588] {strides = array<i32>} : memref<8x128xf32, #tpu.memory_space<vmem>>, vector<16xf32>,
        tpu.vector_store %arg9[%swap3A_1587, %swap3A_1588], %get3A_1561 {strides = array<i32>} : memref<8x128xf32, #tpu.memory_space<vmem>>, vector<16xf32>,
        %get3A_1590 = arith.index_cast %scan3A_1036 : i32 to index
        %get3A_1591 = arith.constant 16 : index
        %get3A_1592 = tpu.vector_load %arg5[%get3A_1590, %get3A_1591] {strides = array<i32>} : memref<1000x128xf32, #tpu.memory_space<vmem>>, vector<16xf32>,
        %swap3A_1593 = arith.constant 0 : i32
        %swap3A_1594 = arith.index_cast %swap3A_1593 : i32 to index
        %swap3A_1595 = arith.constant 16 : index
        %swap3A_1596 = tpu.vector_load %arg9[%swap3A_1594, %swap3A_1595] {strides = array<i32>} : memref<8x128xf32, #tpu.memory_space<vmem>>, vector<16xf32>,
        tpu.vector_store %arg9[%swap3A_1594, %swap3A_1595], %get3A_1564 {strides = array<i32>} : memref<8x128xf32, #tpu.memory_space<vmem>>, vector<16xf32>,
        %get3A_1597 = arith.index_cast %scan3A_1036 : i32 to index
        %get3A_1598 = arith.constant 32 : index
        %get3A_1599 = tpu.vector_load %arg5[%get3A_1597, %get3A_1598] {strides = array<i32>} : memref<1000x128xf32, #tpu.memory_space<vmem>>, vector<16xf32>,
        %swap3A_1600 = arith.constant 0 : i32
        %swap3A_1601 = arith.index_cast %swap3A_1600 : i32 to index
        %swap3A_1602 = arith.constant 32 : index
        %swap3A_1603 = tpu.vector_load %arg9[%swap3A_1601, %swap3A_1602] {strides = array<i32>} : memref<8x128xf32, #tpu.memory_space<vmem>>, vector<16xf32>,
        tpu.vector_store %arg9[%swap3A_1601, %swap3A_1602], %get3A_1567 {strides = array<i32>} : memref<8x128xf32, #tpu.memory_space<vmem>>, vector<16xf32>,
        %get3A_1604 = arith.index_cast %scan3A_1036 : i32 to index
        %get3A_1605 = arith.constant 48 : index
        %get3A_1606 = tpu.vector_load %arg5[%get3A_1604, %get3A_1605] {strides = array<i32>} : memref<1000x128xf32, #tpu.memory_space<vmem>>, vector<16xf32>,
        %swap3A_1607 = arith.constant 0 : i32
        %swap3A_1608 = arith.index_cast %swap3A_1607 : i32 to index
        %swap3A_1609 = arith.constant 48 : index
        %swap3A_1610 = tpu.vector_load %arg9[%swap3A_1608, %swap3A_1609] {strides = array<i32>} : memref<8x128xf32, #tpu.memory_space<vmem>>, vector<16xf32>,
        tpu.vector_store %arg9[%swap3A_1608, %swap3A_1609], %get3A_1570 {strides = array<i32>} : memref<8x128xf32, #tpu.memory_space<vmem>>, vector<16xf32>,
        %get3A_1611 = arith.index_cast %scan3A_1036 : i32 to index
        %get3A_1612 = arith.constant 64 : index
        %get3A_1613 = tpu.vector_load %arg5[%get3A_1611, %get3A_1612] {strides = array<i32>} : memref<1000x128xf32, #tpu.memory_space<vmem>>, vector<16xf32>,
        %swap3A_1614 = arith.constant 0 : i32
        %swap3A_1615 = arith.index_cast %swap3A_1614 : i32 to index
        %swap3A_1616 = arith.constant 64 : index
        %swap3A_1617 = tpu.vector_load %arg9[%swap3A_1615, %swap3A_1616] {strides = array<i32>} : memref<8x128xf32, #tpu.memory_space<vmem>>, vector<16xf32>,
        tpu.vector_store %arg9[%swap3A_1615, %swap3A_1616], %get3A_1573 {strides = array<i32>} : memref<8x128xf32, #tpu.memory_space<vmem>>, vector<16xf32>,
        %get3A_1618 = arith.index_cast %scan3A_1036 : i32 to index
        %get3A_1619 = arith.constant 80 : index
        %get3A_1620 = tpu.vector_load %arg5[%get3A_1618, %get3A_1619] {strides = array<i32>} : memref<1000x128xf32, #tpu.memory_space<vmem>>, vector<16xf32>,
        %swap3A_1621 = arith.constant 0 : i32
        %swap3A_1622 = arith.index_cast %swap3A_1621 : i32 to index
        %swap3A_1623 = arith.constant 80 : index
        %swap3A_1624 = tpu.vector_load %arg9[%swap3A_1622, %swap3A_1623] {strides = array<i32>} : memref<8x128xf32, #tpu.memory_space<vmem>>, vector<16xf32>,
        tpu.vector_store %arg9[%swap3A_1622, %swap3A_1623], %get3A_1576 {strides = array<i32>} : memref<8x128xf32, #tpu.memory_space<vmem>>, vector<16xf32>,
        %get3A_1625 = arith.index_cast %scan3A_1036 : i32 to index
        %get3A_1626 = arith.constant 96 : index
        %get3A_1627 = tpu.vector_load %arg5[%get3A_1625, %get3A_1626] {strides = array<i32>} : memref<1000x128xf32, #tpu.memory_space<vmem>>, vector<16xf32>,
        %swap3A_1628 = arith.constant 0 : i32
        %swap3A_1629 = arith.index_cast %swap3A_1628 : i32 to index
        %swap3A_1630 = arith.constant 96 : index
        %swap3A_1631 = tpu.vector_load %arg9[%swap3A_1629, %swap3A_1630] {strides = array<i32>} : memref<8x128xf32, #tpu.memory_space<vmem>>, vector<16xf32>,
        tpu.vector_store %arg9[%swap3A_1629, %swap3A_1630], %get3A_1579 {strides = array<i32>} : memref<8x128xf32, #tpu.memory_space<vmem>>, vector<16xf32>,
        %get3A_1632 = arith.index_cast %scan3A_1036 : i32 to index
        %get3A_1633 = arith.constant 112 : index
        %get3A_1634 = tpu.vector_load %arg5[%get3A_1632, %get3A_1633] {strides = array<i32>} : memref<1000x128xf32, #tpu.memory_space<vmem>>, vector<16xf32>,
        %swap3A_1635 = arith.constant 0 : i32
        %swap3A_1636 = arith.index_cast %swap3A_1635 : i32 to index
        %swap3A_1637 = arith.constant 112 : index
        %swap3A_1638 = tpu.vector_load %arg9[%swap3A_1636, %swap3A_1637] {strides = array<i32>} : memref<8x128xf32, #tpu.memory_space<vmem>>, vector<16xf32>,
        tpu.vector_store %arg9[%swap3A_1636, %swap3A_1637], %get3A_1582 {strides = array<i32>} : memref<8x128xf32, #tpu.memory_space<vmem>>, vector<16xf32>,
        %get3A_1639 = arith.index_cast %scan3A_1037 : i32 to index
        %get3A_1640 = arith.constant 0 : index
        %get3A_1641 = tpu.vector_load %arg5[%get3A_1639, %get3A_1640] {strides = array<i32>} : memref<1000x128xf32, #tpu.memory_space<vmem>>, vector<16xf32>,
        %swap3A_1642 = arith.constant 1 : i32
        %swap3A_1643 = arith.index_cast %swap3A_1642 : i32 to index
        %swap3A_1644 = arith.constant 0 : index
        %swap3A_1645 = tpu.vector_load %arg9[%swap3A_1643, %swap3A_1644] {strides = array<i32>} : memref<8x128xf32, #tpu.memory_space<vmem>>, vector<16xf32>,
        tpu.vector_store %arg9[%swap3A_1643, %swap3A_1644], %get3A_1585 {strides = array<i32>} : memref<8x128xf32, #tpu.memory_space<vmem>>, vector<16xf32>,
        %get3A_1646 = arith.index_cast %scan3A_1037 : i32 to index
        %get3A_1647 = arith.constant 16 : index
        %get3A_1648 = tpu.vector_load %arg5[%get3A_1646, %get3A_1647] {strides = array<i32>} : memref<1000x128xf32, #tpu.memory_space<vmem>>, vector<16xf32>,
        %swap3A_1649 = arith.constant 1 : i32
        %swap3A_1650 = arith.index_cast %swap3A_1649 : i32 to index
        %swap3A_1651 = arith.constant 16 : index
        %swap3A_1652 = tpu.vector_load %arg9[%swap3A_1650, %swap3A_1651] {strides = array<i32>} : memref<8x128xf32, #tpu.memory_space<vmem>>, vector<16xf32>,
        tpu.vector_store %arg9[%swap3A_1650, %swap3A_1651], %get3A_1592 {strides = array<i32>} : memref<8x128xf32, #tpu.memory_space<vmem>>, vector<16xf32>,
        %get3A_1653 = arith.index_cast %scan3A_1037 : i32 to index
        %get3A_1654 = arith.constant 32 : index
        %get3A_1655 = tpu.vector_load %arg5[%get3A_1653, %get3A_1654] {strides = array<i32>} : memref<1000x128xf32, #tpu.memory_space<vmem>>, vector<16xf32>,
        %swap3A_1656 = arith.constant 1 : i32
        %swap3A_1657 = arith.index_cast %swap3A_1656 : i32 to index
        %swap3A_1658 = arith.constant 32 : index
        %swap3A_1659 = tpu.vector_load %arg9[%swap3A_1657, %swap3A_1658] {strides = array<i32>} : memref<8x128xf32, #tpu.memory_space<vmem>>, vector<16xf32>,
        tpu.vector_store %arg9[%swap3A_1657, %swap3A_1658], %get3A_1599 {strides = array<i32>} : memref<8x128xf32, #tpu.memory_space<vmem>>, vector<16xf32>,
        %get3A_1660 = arith.index_cast %scan3A_1037 : i32 to index
        %get3A_1661 = arith.constant 48 : index
        %get3A_1662 = tpu.vector_load %arg5[%get3A_1660, %get3A_1661] {strides = array<i32>} : memref<1000x128xf32, #tpu.memory_space<vmem>>, vector<16xf32>,
        %swap3A_1663 = arith.constant 1 : i32
        %swap3A_1664 = arith.index_cast %swap3A_1663 : i32 to index
        %swap3A_1665 = arith.constant 48 : index
        %swap3A_1666 = tpu.vector_load %arg9[%swap3A_1664, %swap3A_1665] {strides = array<i32>} : memref<8x128xf32, #tpu.memory_space<vmem>>, vector<16xf32>,
        tpu.vector_store %arg9[%swap3A_1664, %swap3A_1665], %get3A_1606 {strides = array<i32>} : memref<8x128xf32, #tpu.memory_space<vmem>>, vector<16xf32>,
        %get3A_1667 = arith.index_cast %scan3A_1037 : i32 to index
        %get3A_1668 = arith.constant 64 : index
        %get3A_1669 = tpu.vector_load %arg5[%get3A_1667, %get3A_1668] {strides = array<i32>} : memref<1000x128xf32, #tpu.memory_space<vmem>>, vector<16xf32>,
        %swap3A_1670 = arith.constant 1 : i32
        %swap3A_1671 = arith.index_cast %swap3A_1670 : i32 to index
        %swap3A_1672 = arith.constant 64 : index
        %swap3A_1673 = tpu.vector_load %arg9[%swap3A_1671, %swap3A_1672] {strides = array<i32>} : memref<8x128xf32, #tpu.memory_space<vmem>>, vector<16xf32>,
        tpu.vector_store %arg9[%swap3A_1671, %swap3A_1672], %get3A_1613 {strides = array<i32>} : memref<8x128xf32, #tpu.memory_space<vmem>>, vector<16xf32>,
        %get3A_1674 = arith.index_cast %scan3A_1037 : i32 to index
        %get3A_1675 = arith.constant 80 : index
        %get3A_1676 = tpu.vector_load %arg5[%get3A_1674, %get3A_1675] {strides = array<i32>} : memref<1000x128xf32, #tpu.memory_space<vmem>>, vector<16xf32>,
        %swap3A_1677 = arith.constant 1 : i32
        %swap3A_1678 = arith.index_cast %swap3A_1677 : i32 to index
        %swap3A_1679 = arith.constant 80 : index
        %swap3A_1680 = tpu.vector_load %arg9[%swap3A_1678, %swap3A_1679] {strides = array<i32>} : memref<8x128xf32, #tpu.memory_space<vmem>>, vector<16xf32>,
        tpu.vector_store %arg9[%swap3A_1678, %swap3A_1679], %get3A_1620 {strides = array<i32>} : memref<8x128xf32, #tpu.memory_space<vmem>>, vector<16xf32>,
        %get3A_1681 = arith.index_cast %scan3A_1037 : i32 to index
        %get3A_1682 = arith.constant 96 : index
        %get3A_1683 = tpu.vector_load %arg5[%get3A_1681, %get3A_1682] {strides = array<i32>} : memref<1000x128xf32, #tpu.memory_space<vmem>>, vector<16xf32>,
        %swap3A_1684 = arith.constant 1 : i32
        %swap3A_1685 = arith.index_cast %swap3A_1684 : i32 to index
        %swap3A_1686 = arith.constant 96 : index
        %swap3A_1687 = tpu.vector_load %arg9[%swap3A_1685, %swap3A_1686] {strides = array<i32>} : memref<8x128xf32, #tpu.memory_space<vmem>>, vector<16xf32>,
        tpu.vector_store %arg9[%swap3A_1685, %swap3A_1686], %get3A_1627 {strides = array<i32>} : memref<8x128xf32, #tpu.memory_space<vmem>>, vector<16xf32>,
        %get3A_1688 = arith.index_cast %scan3A_1037 : i32 to index
        %get3A_1689 = arith.constant 112 : index
        %get3A_1690 = tpu.vector_load %arg5[%get3A_1688, %get3A_1689] {strides = array<i32>} : memref<1000x128xf32, #tpu.memory_space<vmem>>, vector<16xf32>,
        %swap3A_1691 = arith.constant 1 : i32
        %swap3A_1692 = arith.index_cast %swap3A_1691 : i32 to index
        %swap3A_1693 = arith.constant 112 : index
        %swap3A_1694 = tpu.vector_load %arg9[%swap3A_1692, %swap3A_1693] {strides = array<i32>} : memref<8x128xf32, #tpu.memory_space<vmem>>, vector<16xf32>,
        tpu.vector_store %arg9[%swap3A_1692, %swap3A_1693], %get3A_1634 {strides = array<i32>} : memref<8x128xf32, #tpu.memory_space<vmem>>, vector<16xf32>,
        %get3A_1695 = arith.index_cast %scan3A_1038 : i32 to index
        %get3A_1696 = arith.constant 0 : index
        %get3A_1697 = tpu.vector_load %arg5[%get3A_1695, %get3A_1696] {strides = array<i32>} : memref<1000x128xf32, #tpu.memory_space<vmem>>, vector<16xf32>,
        %swap3A_1698 = arith.constant 2 : i32
        %swap3A_1699 = arith.index_cast %swap3A_1698 : i32 to index
        %swap3A_1700 = arith.constant 0 : index
        %swap3A_1701 = tpu.vector_load %arg9[%swap3A_1699, %swap3A_1700] {strides = array<i32>} : memref<8x128xf32, #tpu.memory_space<vmem>>, vector<16xf32>,
        tpu.vector_store %arg9[%swap3A_1699, %swap3A_1700], %get3A_1641 {strides = array<i32>} : memref<8x128xf32, #tpu.memory_space<vmem>>, vector<16xf32>,
        %get3A_1702 = arith.index_cast %scan3A_1038 : i32 to index
        %get3A_1703 = arith.constant 16 : index
        %get3A_1704 = tpu.vector_load %arg5[%get3A_1702, %get3A_1703] {strides = array<i32>} : memref<1000x128xf32, #tpu.memory_space<vmem>>, vector<16xf32>,
        %swap3A_1705 = arith.constant 2 : i32
        %swap3A_1706 = arith.index_cast %swap3A_1705 : i32 to index
        %swap3A_1707 = arith.constant 16 : index
        %swap3A_1708 = tpu.vector_load %arg9[%swap3A_1706, %swap3A_1707] {strides = array<i32>} : memref<8x128xf32, #tpu.memory_space<vmem>>, vector<16xf32>,
        tpu.vector_store %arg9[%swap3A_1706, %swap3A_1707], %get3A_1648 {strides = array<i32>} : memref<8x128xf32, #tpu.memory_space<vmem>>, vector<16xf32>,
        %get3A_1709 = arith.index_cast %scan3A_1038 : i32 to index
        %get3A_1710 = arith.constant 32 : index
        %get3A_1711 = tpu.vector_load %arg5[%get3A_1709, %get3A_1710] {strides = array<i32>} : memref<1000x128xf32, #tpu.memory_space<vmem>>, vector<16xf32>,
        %swap3A_1712 = arith.constant 2 : i32
        %swap3A_1713 = arith.index_cast %swap3A_1712 : i32 to index
        %swap3A_1714 = arith.constant 32 : index
        %swap3A_1715 = tpu.vector_load %arg9[%swap3A_1713, %swap3A_1714] {strides = array<i32>} : memref<8x128xf32, #tpu.memory_space<vmem>>, vector<16xf32>,
        tpu.vector_store %arg9[%swap3A_1713, %swap3A_1714], %get3A_1655 {strides = array<i32>} : memref<8x128xf32, #tpu.memory_space<vmem>>, vector<16xf32>,
        %get3A_1716 = arith.index_cast %scan3A_1038 : i32 to index
        %get3A_1717 = arith.constant 48 : index
        %get3A_1718 = tpu.vector_load %arg5[%get3A_1716, %get3A_1717] {strides = array<i32>} : memref<1000x128xf32, #tpu.memory_space<vmem>>, vector<16xf32>,
        %swap3A_1719 = arith.constant 2 : i32
        %swap3A_1720 = arith.index_cast %swap3A_1719 : i32 to index
        %swap3A_1721 = arith.constant 48 : index
        %swap3A_1722 = tpu.vector_load %arg9[%swap3A_1720, %swap3A_1721] {strides = array<i32>} : memref<8x128xf32, #tpu.memory_space<vmem>>, vector<16xf32>,
        tpu.vector_store %arg9[%swap3A_1720, %swap3A_1721], %get3A_1662 {strides = array<i32>} : memref<8x128xf32, #tpu.memory_space<vmem>>, vector<16xf32>,
        %get3A_1723 = arith.index_cast %scan3A_1038 : i32 to index
        %get3A_1724 = arith.constant 64 : index
        %get3A_1725 = tpu.vector_load %arg5[%get3A_1723, %get3A_1724] {strides = array<i32>} : memref<1000x128xf32, #tpu.memory_space<vmem>>, vector<16xf32>,
        %swap3A_1726 = arith.constant 2 : i32
        %swap3A_1727 = arith.index_cast %swap3A_1726 : i32 to index
        %swap3A_1728 = arith.constant 64 : index
        %swap3A_1729 = tpu.vector_load %arg9[%swap3A_1727, %swap3A_1728] {strides = array<i32>} : memref<8x128xf32, #tpu.memory_space<vmem>>, vector<16xf32>,
        tpu.vector_store %arg9[%swap3A_1727, %swap3A_1728], %get3A_1669 {strides = array<i32>} : memref<8x128xf32, #tpu.memory_space<vmem>>, vector<16xf32>,
        %get3A_1730 = arith.index_cast %scan3A_1038 : i32 to index
        %get3A_1731 = arith.constant 80 : index
        %get3A_1732 = tpu.vector_load %arg5[%get3A_1730, %get3A_1731] {strides = array<i32>} : memref<1000x128xf32, #tpu.memory_space<vmem>>, vector<16xf32>,
        %swap3A_1733 = arith.constant 2 : i32
        %swap3A_1734 = arith.index_cast %swap3A_1733 : i32 to index
        %swap3A_1735 = arith.constant 80 : index
        %swap3A_1736 = tpu.vector_load %arg9[%swap3A_1734, %swap3A_1735] {strides = array<i32>} : memref<8x128xf32, #tpu.memory_space<vmem>>, vector<16xf32>,
        tpu.vector_store %arg9[%swap3A_1734, %swap3A_1735], %get3A_1676 {strides = array<i32>} : memref<8x128xf32, #tpu.memory_space<vmem>>, vector<16xf32>,
        %get3A_1737 = arith.index_cast %scan3A_1038 : i32 to index
        %get3A_1738 = arith.constant 96 : index
        %get3A_1739 = tpu.vector_load %arg5[%get3A_1737, %get3A_1738] {strides = array<i32>} : memref<1000x128xf32, #tpu.memory_space<vmem>>, vector<16xf32>,
        %swap3A_1740 = arith.constant 2 : i32
        %swap3A_1741 = arith.index_cast %swap3A_1740 : i32 to index
        %swap3A_1742 = arith.constant 96 : index
        %swap3A_1743 = tpu.vector_load %arg9[%swap3A_1741, %swap3A_1742] {strides = array<i32>} : memref<8x128xf32, #tpu.memory_space<vmem>>, vector<16xf32>,
        tpu.vector_store %arg9[%swap3A_1741, %swap3A_1742], %get3A_1683 {strides = array<i32>} : memref<8x128xf32, #tpu.memory_space<vmem>>, vector<16xf32>,
        %get3A_1744 = arith.index_cast %scan3A_1038 : i32 to index
        %get3A_1745 = arith.constant 112 : index
        %get3A_1746 = tpu.vector_load %arg5[%get3A_1744, %get3A_1745] {strides = array<i32>} : memref<1000x128xf32, #tpu.memory_space<vmem>>, vector<16xf32>,
        %swap3A_1747 = arith.constant 2 : i32
        %swap3A_1748 = arith.index_cast %swap3A_1747 : i32 to index
        %swap3A_1749 = arith.constant 112 : index
        %swap3A_1750 = tpu.vector_load %arg9[%swap3A_1748, %swap3A_1749] {strides = array<i32>} : memref<8x128xf32, #tpu.memory_space<vmem>>, vector<16xf32>,
        tpu.vector_store %arg9[%swap3A_1748, %swap3A_1749], %get3A_1690 {strides = array<i32>} : memref<8x128xf32, #tpu.memory_space<vmem>>, vector<16xf32>,
        %get3A_1751 = arith.index_cast %scan3A_1039 : i32 to index
        %get3A_1752 = arith.constant 0 : index
        %get3A_1753 = tpu.vector_load %arg5[%get3A_1751, %get3A_1752] {strides = array<i32>} : memref<1000x128xf32, #tpu.memory_space<vmem>>, vector<16xf32>,
        %swap3A_1754 = arith.constant 3 : i32
        %swap3A_1755 = arith.index_cast %swap3A_1754 : i32 to index
        %swap3A_1756 = arith.constant 0 : index
        %swap3A_1757 = tpu.vector_load %arg9[%swap3A_1755, %swap3A_1756] {strides = array<i32>} : memref<8x128xf32, #tpu.memory_space<vmem>>, vector<16xf32>,
        tpu.vector_store %arg9[%swap3A_1755, %swap3A_1756], %get3A_1697 {strides = array<i32>} : memref<8x128xf32, #tpu.memory_space<vmem>>, vector<16xf32>,
        %get3A_1758 = arith.index_cast %scan3A_1039 : i32 to index
        %get3A_1759 = arith.constant 16 : index
        %get3A_1760 = tpu.vector_load %arg5[%get3A_1758, %get3A_1759] {strides = array<i32>} : memref<1000x128xf32, #tpu.memory_space<vmem>>, vector<16xf32>,
        %swap3A_1761 = arith.constant 3 : i32
        %swap3A_1762 = arith.index_cast %swap3A_1761 : i32 to index
        %swap3A_1763 = arith.constant 16 : index
        %swap3A_1764 = tpu.vector_load %arg9[%swap3A_1762, %swap3A_1763] {strides = array<i32>} : memref<8x128xf32, #tpu.memory_space<vmem>>, vector<16xf32>,
        tpu.vector_store %arg9[%swap3A_1762, %swap3A_1763], %get3A_1704 {strides = array<i32>} : memref<8x128xf32, #tpu.memory_space<vmem>>, vector<16xf32>,
        %get3A_1765 = arith.index_cast %scan3A_1039 : i32 to index
        %get3A_1766 = arith.constant 32 : index
        %get3A_1767 = tpu.vector_load %arg5[%get3A_1765, %get3A_1766] {strides = array<i32>} : memref<1000x128xf32, #tpu.memory_space<vmem>>, vector<16xf32>,
        %swap3A_1768 = arith.constant 3 : i32
        %swap3A_1769 = arith.index_cast %swap3A_1768 : i32 to index
        %swap3A_1770 = arith.constant 32 : index
        %swap3A_1771 = tpu.vector_load %arg9[%swap3A_1769, %swap3A_1770] {strides = array<i32>} : memref<8x128xf32, #tpu.memory_space<vmem>>, vector<16xf32>,
        tpu.vector_store %arg9[%swap3A_1769, %swap3A_1770], %get3A_1711 {strides = array<i32>} : memref<8x128xf32, #tpu.memory_space<vmem>>, vector<16xf32>,
        %get3A_1772 = arith.index_cast %scan3A_1039 : i32 to index
        %get3A_1773 = arith.constant 48 : index
        %get3A_1774 = tpu.vector_load %arg5[%get3A_1772, %get3A_1773] {strides = array<i32>} : memref<1000x128xf32, #tpu.memory_space<vmem>>, vector<16xf32>,
        %swap3A_1775 = arith.constant 3 : i32
        %swap3A_1776 = arith.index_cast %swap3A_1775 : i32 to index
        %swap3A_1777 = arith.constant 48 : index
        %swap3A_1778 = tpu.vector_load %arg9[%swap3A_1776, %swap3A_1777] {strides = array<i32>} : memref<8x128xf32, #tpu.memory_space<vmem>>, vector<16xf32>,
        tpu.vector_store %arg9[%swap3A_1776, %swap3A_1777], %get3A_1718 {strides = array<i32>} : memref<8x128xf32, #tpu.memory_space<vmem>>, vector<16xf32>,
        %get3A_1779 = arith.index_cast %scan3A_1039 : i32 to index
        %get3A_1780 = arith.constant 64 : index
        %get3A_1781 = tpu.vector_load %arg5[%get3A_1779, %get3A_1780] {strides = array<i32>} : memref<1000x128xf32, #tpu.memory_space<vmem>>, vector<16xf32>,
        %swap3A_1782 = arith.constant 3 : i32
        %swap3A_1783 = arith.index_cast %swap3A_1782 : i32 to index
        %swap3A_1784 = arith.constant 64 : index
        %swap3A_1785 = tpu.vector_load %arg9[%swap3A_1783, %swap3A_1784] {strides = array<i32>} : memref<8x128xf32, #tpu.memory_space<vmem>>, vector<16xf32>,
        tpu.vector_store %arg9[%swap3A_1783, %swap3A_1784], %get3A_1725 {strides = array<i32>} : memref<8x128xf32, #tpu.memory_space<vmem>>, vector<16xf32>,
        %get3A_1786 = arith.index_cast %scan3A_1039 : i32 to index
        %get3A_1787 = arith.constant 80 : index
        %get3A_1788 = tpu.vector_load %arg5[%get3A_1786, %get3A_1787] {strides = array<i32>} : memref<1000x128xf32, #tpu.memory_space<vmem>>, vector<16xf32>,
        %swap3A_1789 = arith.constant 3 : i32
        %swap3A_1790 = arith.index_cast %swap3A_1789 : i32 to index
        %swap3A_1791 = arith.constant 80 : index
        %swap3A_1792 = tpu.vector_load %arg9[%swap3A_1790, %swap3A_1791] {strides = array<i32>} : memref<8x128xf32, #tpu.memory_space<vmem>>, vector<16xf32>,
        tpu.vector_store %arg9[%swap3A_1790, %swap3A_1791], %get3A_1732 {strides = array<i32>} : memref<8x128xf32, #tpu.memory_space<vmem>>, vector<16xf32>,
        %get3A_1793 = arith.index_cast %scan3A_1039 : i32 to index
        %get3A_1794 = arith.constant 96 : index
        %get3A_1795 = tpu.vector_load %arg5[%get3A_1793, %get3A_1794] {strides = array<i32>} : memref<1000x128xf32, #tpu.memory_space<vmem>>, vector<16xf32>,
        %swap3A_1796 = arith.constant 3 : i32
        %swap3A_1797 = arith.index_cast %swap3A_1796 : i32 to index
        %swap3A_1798 = arith.constant 96 : index
        %swap3A_1799 = tpu.vector_load %arg9[%swap3A_1797, %swap3A_1798] {strides = array<i32>} : memref<8x128xf32, #tpu.memory_space<vmem>>, vector<16xf32>,
        tpu.vector_store %arg9[%swap3A_1797, %swap3A_1798], %get3A_1739 {strides = array<i32>} : memref<8x128xf32, #tpu.memory_space<vmem>>, vector<16xf32>,
        %get3A_1800 = arith.index_cast %scan3A_1039 : i32 to index
        %get3A_1801 = arith.constant 112 : index
        %get3A_1802 = tpu.vector_load %arg5[%get3A_1800, %get3A_1801] {strides = array<i32>} : memref<1000x128xf32, #tpu.memory_space<vmem>>, vector<16xf32>,
        %swap3A_1803 = arith.constant 3 : i32
        %swap3A_1804 = arith.index_cast %swap3A_1803 : i32 to index
        %swap3A_1805 = arith.constant 112 : index
        %swap3A_1806 = tpu.vector_load %arg9[%swap3A_1804, %swap3A_1805] {strides = array<i32>} : memref<8x128xf32, #tpu.memory_space<vmem>>, vector<16xf32>,
        tpu.vector_store %arg9[%swap3A_1804, %swap3A_1805], %get3A_1746 {strides = array<i32>} : memref<8x128xf32, #tpu.memory_space<vmem>>, vector<16xf32>,
        %get3A_1807 = arith.index_cast %scan3A_1040 : i32 to index
        %get3A_1808 = arith.constant 0 : index
        %get3A_1809 = tpu.vector_load %arg5[%get3A_1807, %get3A_1808] {strides = array<i32>} : memref<1000x128xf32, #tpu.memory_space<vmem>>, vector<16xf32>,
        %swap3A_1810 = arith.constant 4 : i32
        %swap3A_1811 = arith.index_cast %swap3A_1810 : i32 to index
        %swap3A_1812 = arith.constant 0 : index
        %swap3A_1813 = tpu.vector_load %arg9[%swap3A_1811, %swap3A_1812] {strides = array<i32>} : memref<8x128xf32, #tpu.memory_space<vmem>>, vector<16xf32>,
        tpu.vector_store %arg9[%swap3A_1811, %swap3A_1812], %get3A_1753 {strides = array<i32>} : memref<8x128xf32, #tpu.memory_space<vmem>>, vector<16xf32>,
        %get3A_1814 = arith.index_cast %scan3A_1040 : i32 to index
        %get3A_1815 = arith.constant 16 : index
        %get3A_1816 = tpu.vector_load %arg5[%get3A_1814, %get3A_1815] {strides = array<i32>} : memref<1000x128xf32, #tpu.memory_space<vmem>>, vector<16xf32>,
        %swap3A_1817 = arith.constant 4 : i32
        %swap3A_1818 = arith.index_cast %swap3A_1817 : i32 to index
        %swap3A_1819 = arith.constant 16 : index
        %swap3A_1820 = tpu.vector_load %arg9[%swap3A_1818, %swap3A_1819] {strides = array<i32>} : memref<8x128xf32, #tpu.memory_space<vmem>>, vector<16xf32>,
        tpu.vector_store %arg9[%swap3A_1818, %swap3A_1819], %get3A_1760 {strides = array<i32>} : memref<8x128xf32, #tpu.memory_space<vmem>>, vector<16xf32>,
        %get3A_1821 = arith.index_cast %scan3A_1040 : i32 to index
        %get3A_1822 = arith.constant 32 : index
        %get3A_1823 = tpu.vector_load %arg5[%get3A_1821, %get3A_1822] {strides = array<i32>} : memref<1000x128xf32, #tpu.memory_space<vmem>>, vector<16xf32>,
        %swap3A_1824 = arith.constant 4 : i32
        %swap3A_1825 = arith.index_cast %swap3A_1824 : i32 to index
        %swap3A_1826 = arith.constant 32 : index
        %swap3A_1827 = tpu.vector_load %arg9[%swap3A_1825, %swap3A_1826] {strides = array<i32>} : memref<8x128xf32, #tpu.memory_space<vmem>>, vector<16xf32>,
        tpu.vector_store %arg9[%swap3A_1825, %swap3A_1826], %get3A_1767 {strides = array<i32>} : memref<8x128xf32, #tpu.memory_space<vmem>>, vector<16xf32>,
        %get3A_1828 = arith.index_cast %scan3A_1040 : i32 to index
        %get3A_1829 = arith.constant 48 : index
        %get3A_1830 = tpu.vector_load %arg5[%get3A_1828, %get3A_1829] {strides = array<i32>} : memref<1000x128xf32, #tpu.memory_space<vmem>>, vector<16xf32>,
        %swap3A_1831 = arith.constant 4 : i32
        %swap3A_1832 = arith.index_cast %swap3A_1831 : i32 to index
        %swap3A_1833 = arith.constant 48 : index
        %swap3A_1834 = tpu.vector_load %arg9[%swap3A_1832, %swap3A_1833] {strides = array<i32>} : memref<8x128xf32, #tpu.memory_space<vmem>>, vector<16xf32>,
        tpu.vector_store %arg9[%swap3A_1832, %swap3A_1833], %get3A_1774 {strides = array<i32>} : memref<8x128xf32, #tpu.memory_space<vmem>>, vector<16xf32>,
        %get3A_1835 = arith.index_cast %scan3A_1040 : i32 to index
        %get3A_1836 = arith.constant 64 : index
        %get3A_1837 = tpu.vector_load %arg5[%get3A_1835, %get3A_1836] {strides = array<i32>} : memref<1000x128xf32, #tpu.memory_space<vmem>>, vector<16xf32>,
        %swap3A_1838 = arith.constant 4 : i32
        %swap3A_1839 = arith.index_cast %swap3A_1838 : i32 to index
        %swap3A_1840 = arith.constant 64 : index
        %swap3A_1841 = tpu.vector_load %arg9[%swap3A_1839, %swap3A_1840] {strides = array<i32>} : memref<8x128xf32, #tpu.memory_space<vmem>>, vector<16xf32>,
        tpu.vector_store %arg9[%swap3A_1839, %swap3A_1840], %get3A_1781 {strides = array<i32>} : memref<8x128xf32, #tpu.memory_space<vmem>>, vector<16xf32>,
        %get3A_1842 = arith.index_cast %scan3A_1040 : i32 to index
        %get3A_1843 = arith.constant 80 : index
        %get3A_1844 = tpu.vector_load %arg5[%get3A_1842, %get3A_1843] {strides = array<i32>} : memref<1000x128xf32, #tpu.memory_space<vmem>>, vector<16xf32>,
        %swap3A_1845 = arith.constant 4 : i32
        %swap3A_1846 = arith.index_cast %swap3A_1845 : i32 to index
        %swap3A_1847 = arith.constant 80 : index
        %swap3A_1848 = tpu.vector_load %arg9[%swap3A_1846, %swap3A_1847] {strides = array<i32>} : memref<8x128xf32, #tpu.memory_space<vmem>>, vector<16xf32>,
        tpu.vector_store %arg9[%swap3A_1846, %swap3A_1847], %get3A_1788 {strides = array<i32>} : memref<8x128xf32, #tpu.memory_space<vmem>>, vector<16xf32>,
        %get3A_1849 = arith.index_cast %scan3A_1040 : i32 to index
        %get3A_1850 = arith.constant 96 : index
        %get3A_1851 = tpu.vector_load %arg5[%get3A_1849, %get3A_1850] {strides = array<i32>} : memref<1000x128xf32, #tpu.memory_space<vmem>>, vector<16xf32>,
        %swap3A_1852 = arith.constant 4 : i32
        %swap3A_1853 = arith.index_cast %swap3A_1852 : i32 to index
        %swap3A_1854 = arith.constant 96 : index
        %swap3A_1855 = tpu.vector_load %arg9[%swap3A_1853, %swap3A_1854] {strides = array<i32>} : memref<8x128xf32, #tpu.memory_space<vmem>>, vector<16xf32>,
        tpu.vector_store %arg9[%swap3A_1853, %swap3A_1854], %get3A_1795 {strides = array<i32>} : memref<8x128xf32, #tpu.memory_space<vmem>>, vector<16xf32>,
        %get3A_1856 = arith.index_cast %scan3A_1040 : i32 to index
        %get3A_1857 = arith.constant 112 : index
        %get3A_1858 = tpu.vector_load %arg5[%get3A_1856, %get3A_1857] {strides = array<i32>} : memref<1000x128xf32, #tpu.memory_space<vmem>>, vector<16xf32>,
        %swap3A_1859 = arith.constant 4 : i32
        %swap3A_1860 = arith.index_cast %swap3A_1859 : i32 to index
        %swap3A_1861 = arith.constant 112 : index
        %swap3A_1862 = tpu.vector_load %arg9[%swap3A_1860, %swap3A_1861] {strides = array<i32>} : memref<8x128xf32, #tpu.memory_space<vmem>>, vector<16xf32>,
        tpu.vector_store %arg9[%swap3A_1860, %swap3A_1861], %get3A_1802 {strides = array<i32>} : memref<8x128xf32, #tpu.memory_space<vmem>>, vector<16xf32>,
        %get3A_1863 = arith.index_cast %scan3A_1041 : i32 to index
        %get3A_1864 = arith.constant 0 : index
        %get3A_1865 = tpu.vector_load %arg5[%get3A_1863, %get3A_1864] {strides = array<i32>} : memref<1000x128xf32, #tpu.memory_space<vmem>>, vector<16xf32>,
        %swap3A_1866 = arith.constant 5 : i32
        %swap3A_1867 = arith.index_cast %swap3A_1866 : i32 to index
        %swap3A_1868 = arith.constant 0 : index
        %swap3A_1869 = tpu.vector_load %arg9[%swap3A_1867, %swap3A_1868] {strides = array<i32>} : memref<8x128xf32, #tpu.memory_space<vmem>>, vector<16xf32>,
        tpu.vector_store %arg9[%swap3A_1867, %swap3A_1868], %get3A_1809 {strides = array<i32>} : memref<8x128xf32, #tpu.memory_space<vmem>>, vector<16xf32>,
        %get3A_1870 = arith.index_cast %scan3A_1041 : i32 to index
        %get3A_1871 = arith.constant 16 : index
        %get3A_1872 = tpu.vector_load %arg5[%get3A_1870, %get3A_1871] {strides = array<i32>} : memref<1000x128xf32, #tpu.memory_space<vmem>>, vector<16xf32>,
        %swap3A_1873 = arith.constant 5 : i32
        %swap3A_1874 = arith.index_cast %swap3A_1873 : i32 to index
        %swap3A_1875 = arith.constant 16 : index
        %swap3A_1876 = tpu.vector_load %arg9[%swap3A_1874, %swap3A_1875] {strides = array<i32>} : memref<8x128xf32, #tpu.memory_space<vmem>>, vector<16xf32>,
        tpu.vector_store %arg9[%swap3A_1874, %swap3A_1875], %get3A_1816 {strides = array<i32>} : memref<8x128xf32, #tpu.memory_space<vmem>>, vector<16xf32>,
        %get3A_1877 = arith.index_cast %scan3A_1041 : i32 to index
        %get3A_1878 = arith.constant 32 : index
        %get3A_1879 = tpu.vector_load %arg5[%get3A_1877, %get3A_1878] {strides = array<i32>} : memref<1000x128xf32, #tpu.memory_space<vmem>>, vector<16xf32>,
        %swap3A_1880 = arith.constant 5 : i32
        %swap3A_1881 = arith.index_cast %swap3A_1880 : i32 to index
        %swap3A_1882 = arith.constant 32 : index
        %swap3A_1883 = tpu.vector_load %arg9[%swap3A_1881, %swap3A_1882] {strides = array<i32>} : memref<8x128xf32, #tpu.memory_space<vmem>>, vector<16xf32>,
        tpu.vector_store %arg9[%swap3A_1881, %swap3A_1882], %get3A_1823 {strides = array<i32>} : memref<8x128xf32, #tpu.memory_space<vmem>>, vector<16xf32>,
        %get3A_1884 = arith.index_cast %scan3A_1041 : i32 to index
        %get3A_1885 = arith.constant 48 : index
        %get3A_1886 = tpu.vector_load %arg5[%get3A_1884, %get3A_1885] {strides = array<i32>} : memref<1000x128xf32, #tpu.memory_space<vmem>>, vector<16xf32>,
        %swap3A_1887 = arith.constant 5 : i32
        %swap3A_1888 = arith.index_cast %swap3A_1887 : i32 to index
        %swap3A_1889 = arith.constant 48 : index
        %swap3A_1890 = tpu.vector_load %arg9[%swap3A_1888, %swap3A_1889] {strides = array<i32>} : memref<8x128xf32, #tpu.memory_space<vmem>>, vector<16xf32>,
        tpu.vector_store %arg9[%swap3A_1888, %swap3A_1889], %get3A_1830 {strides = array<i32>} : memref<8x128xf32, #tpu.memory_space<vmem>>, vector<16xf32>,
        %get3A_1891 = arith.index_cast %scan3A_1041 : i32 to index
        %get3A_1892 = arith.constant 64 : index
        %get3A_1893 = tpu.vector_load %arg5[%get3A_1891, %get3A_1892] {strides = array<i32>} : memref<1000x128xf32, #tpu.memory_space<vmem>>, vector<16xf32>,
        %swap3A_1894 = arith.constant 5 : i32
        %swap3A_1895 = arith.index_cast %swap3A_1894 : i32 to index
        %swap3A_1896 = arith.constant 64 : index
        %swap3A_1897 = tpu.vector_load %arg9[%swap3A_1895, %swap3A_1896] {strides = array<i32>} : memref<8x128xf32, #tpu.memory_space<vmem>>, vector<16xf32>,
        tpu.vector_store %arg9[%swap3A_1895, %swap3A_1896], %get3A_1837 {strides = array<i32>} : memref<8x128xf32, #tpu.memory_space<vmem>>, vector<16xf32>,
        %get3A_1898 = arith.index_cast %scan3A_1041 : i32 to index
        %get3A_1899 = arith.constant 80 : index
        %get3A_1900 = tpu.vector_load %arg5[%get3A_1898, %get3A_1899] {strides = array<i32>} : memref<1000x128xf32, #tpu.memory_space<vmem>>, vector<16xf32>,
        %swap3A_1901 = arith.constant 5 : i32
        %swap3A_1902 = arith.index_cast %swap3A_1901 : i32 to index
        %swap3A_1903 = arith.constant 80 : index
        %swap3A_1904 = tpu.vector_load %arg9[%swap3A_1902, %swap3A_1903] {strides = array<i32>} : memref<8x128xf32, #tpu.memory_space<vmem>>, vector<16xf32>,
        tpu.vector_store %arg9[%swap3A_1902, %swap3A_1903], %get3A_1844 {strides = array<i32>} : memref<8x128xf32, #tpu.memory_space<vmem>>, vector<16xf32>,
        %get3A_1905 = arith.index_cast %scan3A_1041 : i32 to index
        %get3A_1906 = arith.constant 96 : index
        %get3A_1907 = tpu.vector_load %arg5[%get3A_1905, %get3A_1906] {strides = array<i32>} : memref<1000x128xf32, #tpu.memory_space<vmem>>, vector<16xf32>,
        %swap3A_1908 = arith.constant 5 : i32
        %swap3A_1909 = arith.index_cast %swap3A_1908 : i32 to index
        %swap3A_1910 = arith.constant 96 : index
        %swap3A_1911 = tpu.vector_load %arg9[%swap3A_1909, %swap3A_1910] {strides = array<i32>} : memref<8x128xf32, #tpu.memory_space<vmem>>, vector<16xf32>,
        tpu.vector_store %arg9[%swap3A_1909, %swap3A_1910], %get3A_1851 {strides = array<i32>} : memref<8x128xf32, #tpu.memory_space<vmem>>, vector<16xf32>,
        %get3A_1912 = arith.index_cast %scan3A_1041 : i32 to index
        %get3A_1913 = arith.constant 112 : index
        %get3A_1914 = tpu.vector_load %arg5[%get3A_1912, %get3A_1913] {strides = array<i32>} : memref<1000x128xf32, #tpu.memory_space<vmem>>, vector<16xf32>,
        %swap3A_1915 = arith.constant 5 : i32
        %swap3A_1916 = arith.index_cast %swap3A_1915 : i32 to index
        %swap3A_1917 = arith.constant 112 : index
        %swap3A_1918 = tpu.vector_load %arg9[%swap3A_1916, %swap3A_1917] {strides = array<i32>} : memref<8x128xf32, #tpu.memory_space<vmem>>, vector<16xf32>,
        tpu.vector_store %arg9[%swap3A_1916, %swap3A_1917], %get3A_1858 {strides = array<i32>} : memref<8x128xf32, #tpu.memory_space<vmem>>, vector<16xf32>,
        %get3A_1919 = arith.index_cast %scan3A_1042 : i32 to index
        %get3A_1920 = arith.constant 0 : index
        %get3A_1921 = tpu.vector_load %arg5[%get3A_1919, %get3A_1920] {strides = array<i32>} : memref<1000x128xf32, #tpu.memory_space<vmem>>, vector<16xf32>,
        %swap3A_1922 = arith.constant 6 : i32
        %swap3A_1923 = arith.index_cast %swap3A_1922 : i32 to index
        %swap3A_1924 = arith.constant 0 : index
        %swap3A_1925 = tpu.vector_load %arg9[%swap3A_1923, %swap3A_1924] {strides = array<i32>} : memref<8x128xf32, #tpu.memory_space<vmem>>, vector<16xf32>,
        tpu.vector_store %arg9[%swap3A_1923, %swap3A_1924], %get3A_1865 {strides = array<i32>} : memref<8x128xf32, #tpu.memory_space<vmem>>, vector<16xf32>,
        %get3A_1926 = arith.index_cast %scan3A_1042 : i32 to index
        %get3A_1927 = arith.constant 16 : index
        %get3A_1928 = tpu.vector_load %arg5[%get3A_1926, %get3A_1927] {strides = array<i32>} : memref<1000x128xf32, #tpu.memory_space<vmem>>, vector<16xf32>,
        %swap3A_1929 = arith.constant 6 : i32
        %swap3A_1930 = arith.index_cast %swap3A_1929 : i32 to index
        %swap3A_1931 = arith.constant 16 : index
        %swap3A_1932 = tpu.vector_load %arg9[%swap3A_1930, %swap3A_1931] {strides = array<i32>} : memref<8x128xf32, #tpu.memory_space<vmem>>, vector<16xf32>,
        tpu.vector_store %arg9[%swap3A_1930, %swap3A_1931], %get3A_1872 {strides = array<i32>} : memref<8x128xf32, #tpu.memory_space<vmem>>, vector<16xf32>,
        %get3A_1933 = arith.index_cast %scan3A_1042 : i32 to index
        %get3A_1934 = arith.constant 32 : index
        %get3A_1935 = tpu.vector_load %arg5[%get3A_1933, %get3A_1934] {strides = array<i32>} : memref<1000x128xf32, #tpu.memory_space<vmem>>, vector<16xf32>,
        %swap3A_1936 = arith.constant 6 : i32
        %swap3A_1937 = arith.index_cast %swap3A_1936 : i32 to index
        %swap3A_1938 = arith.constant 32 : index
        %swap3A_1939 = tpu.vector_load %arg9[%swap3A_1937, %swap3A_1938] {strides = array<i32>} : memref<8x128xf32, #tpu.memory_space<vmem>>, vector<16xf32>,
        tpu.vector_store %arg9[%swap3A_1937, %swap3A_1938], %get3A_1879 {strides = array<i32>} : memref<8x128xf32, #tpu.memory_space<vmem>>, vector<16xf32>,
        %get3A_1940 = arith.index_cast %scan3A_1042 : i32 to index
        %get3A_1941 = arith.constant 48 : index
        %get3A_1942 = tpu.vector_load %arg5[%get3A_1940, %get3A_1941] {strides = array<i32>} : memref<1000x128xf32, #tpu.memory_space<vmem>>, vector<16xf32>,
        %swap3A_1943 = arith.constant 6 : i32
        %swap3A_1944 = arith.index_cast %swap3A_1943 : i32 to index
        %swap3A_1945 = arith.constant 48 : index
        %swap3A_1946 = tpu.vector_load %arg9[%swap3A_1944, %swap3A_1945] {strides = array<i32>} : memref<8x128xf32, #tpu.memory_space<vmem>>, vector<16xf32>,
        tpu.vector_store %arg9[%swap3A_1944, %swap3A_1945], %get3A_1886 {strides = array<i32>} : memref<8x128xf32, #tpu.memory_space<vmem>>, vector<16xf32>,
        %get3A_1947 = arith.index_cast %scan3A_1042 : i32 to index
        %get3A_1948 = arith.constant 64 : index
        %get3A_1949 = tpu.vector_load %arg5[%get3A_1947, %get3A_1948] {strides = array<i32>} : memref<1000x128xf32, #tpu.memory_space<vmem>>, vector<16xf32>,
        %swap3A_1950 = arith.constant 6 : i32
        %swap3A_1951 = arith.index_cast %swap3A_1950 : i32 to index
        %swap3A_1952 = arith.constant 64 : index
        %swap3A_1953 = tpu.vector_load %arg9[%swap3A_1951, %swap3A_1952] {strides = array<i32>} : memref<8x128xf32, #tpu.memory_space<vmem>>, vector<16xf32>,
        tpu.vector_store %arg9[%swap3A_1951, %swap3A_1952], %get3A_1893 {strides = array<i32>} : memref<8x128xf32, #tpu.memory_space<vmem>>, vector<16xf32>,
        %get3A_1954 = arith.index_cast %scan3A_1042 : i32 to index
        %get3A_1955 = arith.constant 80 : index
        %get3A_1956 = tpu.vector_load %arg5[%get3A_1954, %get3A_1955] {strides = array<i32>} : memref<1000x128xf32, #tpu.memory_space<vmem>>, vector<16xf32>,
        %swap3A_1957 = arith.constant 6 : i32
        %swap3A_1958 = arith.index_cast %swap3A_1957 : i32 to index
        %swap3A_1959 = arith.constant 80 : index
        %swap3A_1960 = tpu.vector_load %arg9[%swap3A_1958, %swap3A_1959] {strides = array<i32>} : memref<8x128xf32, #tpu.memory_space<vmem>>, vector<16xf32>,
        tpu.vector_store %arg9[%swap3A_1958, %swap3A_1959], %get3A_1900 {strides = array<i32>} : memref<8x128xf32, #tpu.memory_space<vmem>>, vector<16xf32>,
        %get3A_1961 = arith.index_cast %scan3A_1042 : i32 to index
        %get3A_1962 = arith.constant 96 : index
        %get3A_1963 = tpu.vector_load %arg5[%get3A_1961, %get3A_1962] {strides = array<i32>} : memref<1000x128xf32, #tpu.memory_space<vmem>>, vector<16xf32>,
        %swap3A_1964 = arith.constant 6 : i32
        %swap3A_1965 = arith.index_cast %swap3A_1964 : i32 to index
        %swap3A_1966 = arith.constant 96 : index
        %swap3A_1967 = tpu.vector_load %arg9[%swap3A_1965, %swap3A_1966] {strides = array<i32>} : memref<8x128xf32, #tpu.memory_space<vmem>>, vector<16xf32>,
        tpu.vector_store %arg9[%swap3A_1965, %swap3A_1966], %get3A_1907 {strides = array<i32>} : memref<8x128xf32, #tpu.memory_space<vmem>>, vector<16xf32>,
        %get3A_1968 = arith.index_cast %scan3A_1042 : i32 to index
        %get3A_1969 = arith.constant 112 : index
        %get3A_1970 = tpu.vector_load %arg5[%get3A_1968, %get3A_1969] {strides = array<i32>} : memref<1000x128xf32, #tpu.memory_space<vmem>>, vector<16xf32>,
        %swap3A_1971 = arith.constant 6 : i32
        %swap3A_1972 = arith.index_cast %swap3A_1971 : i32 to index
        %swap3A_1973 = arith.constant 112 : index
        %swap3A_1974 = tpu.vector_load %arg9[%swap3A_1972, %swap3A_1973] {strides = array<i32>} : memref<8x128xf32, #tpu.memory_space<vmem>>, vector<16xf32>,
        tpu.vector_store %arg9[%swap3A_1972, %swap3A_1973], %get3A_1914 {strides = array<i32>} : memref<8x128xf32, #tpu.memory_space<vmem>>, vector<16xf32>,
        %swap3A_1975 = arith.constant 7 : i32
        %swap3A_1976 = arith.index_cast %swap3A_1975 : i32 to index
        %swap3A_1977 = arith.constant 0 : index
        %swap3A_1978 = tpu.vector_load %arg9[%swap3A_1976, %swap3A_1977] {strides = array<i32>} : memref<8x128xf32, #tpu.memory_space<vmem>>, vector<16xf32>,
        tpu.vector_store %arg9[%swap3A_1976, %swap3A_1977], %get3A_1921 {strides = array<i32>} : memref<8x128xf32, #tpu.memory_space<vmem>>, vector<16xf32>,
        %swap3A_1979 = arith.constant 7 : i32
        %swap3A_1980 = arith.index_cast %swap3A_1979 : i32 to index
        %swap3A_1981 = arith.constant 16 : index
        %swap3A_1982 = tpu.vector_load %arg9[%swap3A_1980, %swap3A_1981] {strides = array<i32>} : memref<8x128xf32, #tpu.memory_space<vmem>>, vector<16xf32>,
        tpu.vector_store %arg9[%swap3A_1980, %swap3A_1981], %get3A_1928 {strides = array<i32>} : memref<8x128xf32, #tpu.memory_space<vmem>>, vector<16xf32>,
        %swap3A_1983 = arith.constant 7 : i32
        %swap3A_1984 = arith.index_cast %swap3A_1983 : i32 to index
        %swap3A_1985 = arith.constant 32 : index
        %swap3A_1986 = tpu.vector_load %arg9[%swap3A_1984, %swap3A_1985] {strides = array<i32>} : memref<8x128xf32, #tpu.memory_space<vmem>>, vector<16xf32>,
        tpu.vector_store %arg9[%swap3A_1984, %swap3A_1985], %get3A_1935 {strides = array<i32>} : memref<8x128xf32, #tpu.memory_space<vmem>>, vector<16xf32>,
        %swap3A_1987 = arith.constant 7 : i32
        %swap3A_1988 = arith.index_cast %swap3A_1987 : i32 to index
        %swap3A_1989 = arith.constant 48 : index
        %swap3A_1990 = tpu.vector_load %arg9[%swap3A_1988, %swap3A_1989] {strides = array<i32>} : memref<8x128xf32, #tpu.memory_space<vmem>>, vector<16xf32>,
        tpu.vector_store %arg9[%swap3A_1988, %swap3A_1989], %get3A_1942 {strides = array<i32>} : memref<8x128xf32, #tpu.memory_space<vmem>>, vector<16xf32>,
        %swap3A_1991 = arith.constant 7 : i32
        %swap3A_1992 = arith.index_cast %swap3A_1991 : i32 to index
        %swap3A_1993 = arith.constant 64 : index
        %swap3A_1994 = tpu.vector_load %arg9[%swap3A_1992, %swap3A_1993] {strides = array<i32>} : memref<8x128xf32, #tpu.memory_space<vmem>>, vector<16xf32>,
        tpu.vector_store %arg9[%swap3A_1992, %swap3A_1993], %get3A_1949 {strides = array<i32>} : memref<8x128xf32, #tpu.memory_space<vmem>>, vector<16xf32>,
        %swap3A_1995 = arith.constant 7 : i32
        %swap3A_1996 = arith.index_cast %swap3A_1995 : i32 to index
        %swap3A_1997 = arith.constant 80 : index
        %swap3A_1998 = tpu.vector_load %arg9[%swap3A_1996, %swap3A_1997] {strides = array<i32>} : memref<8x128xf32, #tpu.memory_space<vmem>>, vector<16xf32>,
        tpu.vector_store %arg9[%swap3A_1996, %swap3A_1997], %get3A_1956 {strides = array<i32>} : memref<8x128xf32, #tpu.memory_space<vmem>>, vector<16xf32>,
        %swap3A_1999 = arith.constant 7 : i32
        %swap3A_2000 = arith.index_cast %swap3A_1999 : i32 to index
        %swap3A_2001 = arith.constant 96 : index
        %swap3A_2002 = tpu.vector_load %arg9[%swap3A_2000, %swap3A_2001] {strides = array<i32>} : memref<8x128xf32, #tpu.memory_space<vmem>>, vector<16xf32>,
        tpu.vector_store %arg9[%swap3A_2000, %swap3A_2001], %get3A_1963 {strides = array<i32>} : memref<8x128xf32, #tpu.memory_space<vmem>>, vector<16xf32>,
        %swap3A_2003 = arith.constant 7 : i32
        %swap3A_2004 = arith.index_cast %swap3A_2003 : i32 to index
        %swap3A_2005 = arith.constant 112 : index
        %swap3A_2006 = tpu.vector_load %arg9[%swap3A_2004, %swap3A_2005] {strides = array<i32>} : memref<8x128xf32, #tpu.memory_space<vmem>>, vector<16xf32>,
        tpu.vector_store %arg9[%swap3A_2004, %swap3A_2005], %get3A_1970 {strides = array<i32>} : memref<8x128xf32, #tpu.memory_space<vmem>>, vector<16xf32>,
        %mul3A_2007 = arith.constant 8 : i32
        %mul3A_2008 = arith.muli %add3A_1552, %mul3A_2007 : i32
        %dma_start3A_2009 = tpu.memref_slice %arg4[%mul3A_2008, %mul3A_11] : memref<10000x16384xf32, #tpu.memory_space<hbm>> -> memref<8x128xf32, #tpu.memory_space<hbm>>
        %dma_start3A_2010 = tpu.memref_slice %arg4[%mul3A_2008, %mul3A_11] : memref<10000x16384xf32, #tpu.memory_space<hbm>> -> memref<8x128xf32, #tpu.memory_space<hbm>>
        tpu.enqueue_dma source(%arg9 : memref<8x128xf32, #tpu.memory_space<vmem>>) target(%dma_start3A_2010 : memref<8x128xf32, #tpu.memory_space<hbm>>) target_semaphore(%arg12 : memref<!tpu.dma_semaphore, #tpu.memory_space<semaphore_mem>>)
        scf.yield %squeeze3A_1052, %squeeze3A_1054, %squeeze3A_1056, %squeeze3A_1058, %squeeze3A_1060, %squeeze3A_1062, %squeeze3A_1064, %squeeze3A_1066, %squeeze3A_1068, %squeeze3A_1070, %squeeze3A_1072, %squeeze3A_1074, %squeeze3A_1076, %squeeze3A_1078, %squeeze3A_1080, %squeeze3A_1082 : i32, i32, i32, i32, i32, i32, i32, i32, i32, i32, i32, i32, i32, i32, i32, i32
      }
      %scan3A_1007 = arith.constant 24 : i32
      %scan3A_1008 = arith.constant 0 : i32
      %scan3A_1009 = arith.constant 0 : i32
      %scan3A_1010 = arith.constant 12 : i32
      %scan3A_1011 = arith.addi %scan3A_1009, %scan3A_1010 : i32
      %scan3A_1012 = arith.constant 1 : i32
      scf.for %scan3A_1026 = %scan3A_1009 to %scan3A_1011 step %scan3A_1012  : i32 {
        %mul3A_1027 = arith.constant 2 : i32
        %mul3A_1028 = arith.muli %mul3A_1027, %scan3A_1026 : i32
        %add3A_1029 = arith.constant 1 : i32
        %add3A_1030 = arith.addi %mul3A_1028, %add3A_1029 : i32
        %dma_wait3A_1031 = arith.constant 0 : i32
        %dma_wait3A_1032 = tpu.memref_slice %arg6[%dma_wait3A_1031] : memref<416xi32, #tpu.memory_space<vmem>> -> memref<400xi32, #tpu.memory_space<vmem>>
        %dma_wait3A_1033 = arith.constant 0 : i32
        %dma_wait3A_1034 = tpu.memref_slice %arg3[%dma_wait3A_1033] : memref<10000xi32, #tpu.memory_space<hbm>> -> memref<400xi32, #tpu.memory_space<hbm>>
        %dma_wait3A_1035 = arith.constant 0 : i32
        %dma_wait3A_1036 = tpu.memref_slice %arg6[%dma_wait3A_1035] : memref<416xi32, #tpu.memory_space<vmem>> -> memref<400xi32, #tpu.memory_space<vmem>>
        %dma_wait3A_1037 = arith.constant 0 : i32
        %dma_wait3A_1038 = tpu.memref_slice %arg3[%dma_wait3A_1037] : memref<10000xi32, #tpu.memory_space<hbm>> -> memref<400xi32, #tpu.memory_space<hbm>>
        tpu.wait_dma2 semaphore(%arg10 : memref<!tpu.dma_semaphore, #tpu.memory_space<semaphore_mem>>) src(%dma_wait3A_1038 : memref<400xi32, #tpu.memory_space<hbm>>) dst(%dma_wait3A_1036 : memref<400xi32, #tpu.memory_space<vmem>>)
        %add3A_1039 = arith.constant 1 : i32
        %add3A_1040 = arith.addi %add3A_1030, %add3A_1039 : i32
        %lt3A = arith.constant 25 : i32
        %lt3A_1041 = arith.cmpi slt, %add3A_1040, %lt3A : i32
        %convert_element_type3A = arith.extui %lt3A_1041 : i1 to i32
        %cond3A = arith.constant 0 : i32
        %cond3A_1042 = arith.cmpi ne, %convert_element_type3A, %cond3A : i32
        scf.if %cond3A_1042 {
          %add3A_1142 = arith.constant 1 : i32
          %add3A_1143 = arith.addi %add3A_1030, %add3A_1142 : i32
          %mul3A_1144 = arith.constant 400 : i32
          %mul3A_1145 = arith.muli %add3A_1143, %mul3A_1144 : i32
          %dma_start3A_1146 = arith.constant 0 : i32
          %dma_start3A_1147 = tpu.memref_slice %arg6[%dma_start3A_1146] : memref<416xi32, #tpu.memory_space<vmem>> -> memref<400xi32, #tpu.memory_space<vmem>>
          %dma_start3A_1148 = tpu.memref_slice %arg3[%mul3A_1145] : memref<10000xi32, #tpu.memory_space<hbm>> -> memref<400xi32, #tpu.memory_space<hbm>>
          %dma_start3A_1149 = arith.constant 0 : i32
          %dma_start3A_1150 = tpu.memref_slice %arg6[%dma_start3A_1149] : memref<416xi32, #tpu.memory_space<vmem>> -> memref<400xi32, #tpu.memory_space<vmem>>
          %dma_start3A_1151 = tpu.memref_slice %arg3[%mul3A_1145] : memref<10000xi32, #tpu.memory_space<hbm>> -> memref<400xi32, #tpu.memory_space<hbm>>
          tpu.enqueue_dma source(%dma_start3A_1151 : memref<400xi32, #tpu.memory_space<hbm>>) target(%dma_start3A_1150 : memref<400xi32, #tpu.memory_space<vmem>>) target_semaphore(%arg10 : memref<!tpu.dma_semaphore, #tpu.memory_space<semaphore_mem>>)
        } else {
        }
        %get3A_1043 = arith.constant 0 : index
        %get3A_1044 = tpu.vector_load %arg7[%get3A_1043] {strides = array<i32>} : memref<416xi32, #tpu.memory_space<vmem>>, vector<16xi32>,
        %slice3A_1045 = vector.extract_strided_slice %get3A_1044 {offsets = [0], sizes = [1], strides = [1]} : vector<16xi32> to vector<1xi32>
        %squeeze3A_1046 = vector.extract %slice3A_1045[0] : i32 from vector<1xi32>
        %slice3A_1047 = vector.extract_strided_slice %get3A_1044 {offsets = [1], sizes = [1], strides = [1]} : vector<16xi32> to vector<1xi32>
        %squeeze3A_1048 = vector.extract %slice3A_1047[0] : i32 from vector<1xi32>
        %slice3A_1049 = vector.extract_strided_slice %get3A_1044 {offsets = [2], sizes = [1], strides = [1]} : vector<16xi32> to vector<1xi32>
        %squeeze3A_1050 = vector.extract %slice3A_1049[0] : i32 from vector<1xi32>
        %slice3A_1051 = vector.extract_strided_slice %get3A_1044 {offsets = [3], sizes = [1], strides = [1]} : vector<16xi32> to vector<1xi32>
        %squeeze3A_1052 = vector.extract %slice3A_1051[0] : i32 from vector<1xi32>
        %slice3A_1053 = vector.extract_strided_slice %get3A_1044 {offsets = [4], sizes = [1], strides = [1]} : vector<16xi32> to vector<1xi32>
        %squeeze3A_1054 = vector.extract %slice3A_1053[0] : i32 from vector<1xi32>
        %slice3A_1055 = vector.extract_strided_slice %get3A_1044 {offsets = [5], sizes = [1], strides = [1]} : vector<16xi32> to vector<1xi32>
        %squeeze3A_1056 = vector.extract %slice3A_1055[0] : i32 from vector<1xi32>
        %slice3A_1057 = vector.extract_strided_slice %get3A_1044 {offsets = [6], sizes = [1], strides = [1]} : vector<16xi32> to vector<1xi32>
        %squeeze3A_1058 = vector.extract %slice3A_1057[0] : i32 from vector<1xi32>
        %slice3A_1059 = vector.extract_strided_slice %get3A_1044 {offsets = [7], sizes = [1], strides = [1]} : vector<16xi32> to vector<1xi32>
        %squeeze3A_1060 = vector.extract %slice3A_1059[0] : i32 from vector<1xi32>
        %slice3A_1061 = vector.extract_strided_slice %get3A_1044 {offsets = [8], sizes = [1], strides = [1]} : vector<16xi32> to vector<1xi32>
        %squeeze3A_1062 = vector.extract %slice3A_1061[0] : i32 from vector<1xi32>
        %slice3A_1063 = vector.extract_strided_slice %get3A_1044 {offsets = [9], sizes = [1], strides = [1]} : vector<16xi32> to vector<1xi32>
        %squeeze3A_1064 = vector.extract %slice3A_1063[0] : i32 from vector<1xi32>
        %slice3A_1065 = vector.extract_strided_slice %get3A_1044 {offsets = [10], sizes = [1], strides = [1]} : vector<16xi32> to vector<1xi32>
        %squeeze3A_1066 = vector.extract %slice3A_1065[0] : i32 from vector<1xi32>
        %slice3A_1067 = vector.extract_strided_slice %get3A_1044 {offsets = [11], sizes = [1], strides = [1]} : vector<16xi32> to vector<1xi32>
        %squeeze3A_1068 = vector.extract %slice3A_1067[0] : i32 from vector<1xi32>
        %slice3A_1069 = vector.extract_strided_slice %get3A_1044 {offsets = [12], sizes = [1], strides = [1]} : vector<16xi32> to vector<1xi32>
        %squeeze3A_1070 = vector.extract %slice3A_1069[0] : i32 from vector<1xi32>
        %slice3A_1071 = vector.extract_strided_slice %get3A_1044 {offsets = [13], sizes = [1], strides = [1]} : vector<16xi32> to vector<1xi32>
        %squeeze3A_1072 = vector.extract %slice3A_1071[0] : i32 from vector<1xi32>
        %slice3A_1073 = vector.extract_strided_slice %get3A_1044 {offsets = [14], sizes = [1], strides = [1]} : vector<16xi32> to vector<1xi32>
        %squeeze3A_1074 = vector.extract %slice3A_1073[0] : i32 from vector<1xi32>
        %slice3A_1075 = vector.extract_strided_slice %get3A_1044 {offsets = [15], sizes = [1], strides = [1]} : vector<16xi32> to vector<1xi32>
        %squeeze3A_1076 = vector.extract %slice3A_1075[0] : i32 from vector<1xi32>
        %scan3A_1077 = arith.constant 0 : i32
        %scan3A_1078 = arith.constant 25 : i32
        %scan3A_1079 = arith.addi %scan3A_1077, %scan3A_1078 : i32
        %scan3A_1080 = arith.constant 1 : i32
        %scan3A_1081:16 = scf.for %scan3A_1142 = %scan3A_1077 to %scan3A_1079 step %scan3A_1080 iter_args(%scan3A_1143 = %squeeze3A_1046, %scan3A_1144 = %squeeze3A_1048, %scan3A_1145 = %squeeze3A_1050, %scan3A_1146 = %squeeze3A_1052, %scan3A_1147 = %squeeze3A_1054, %scan3A_1148 = %squeeze3A_1056, %scan3A_1149 = %squeeze3A_1058, %scan3A_1150 = %squeeze3A_1060, %scan3A_1151 = %squeeze3A_1062, %scan3A_1152 = %squeeze3A_1064, %scan3A_1153 = %squeeze3A_1066, %scan3A_1154 = %squeeze3A_1068, %scan3A_1155 = %squeeze3A_1070, %scan3A_1156 = %squeeze3A_1072, %scan3A_1157 = %squeeze3A_1074, %scan3A_1158 = %squeeze3A_1076) -> (i32, i32, i32, i32, i32, i32, i32, i32, i32, i32, i32, i32, i32, i32, i32, i32)  : i32 {
          %add3A_1159 = arith.constant 1 : i32
          %add3A_1160 = arith.addi %scan3A_1142, %add3A_1159 : i32
          %mul3A_1161 = arith.constant 2 : i32
          %mul3A_1162 = arith.muli %add3A_1160, %mul3A_1161 : i32
          %mul3A_1163 = arith.constant 8 : i32
          %mul3A_1164 = arith.muli %mul3A_1162, %mul3A_1163 : i32
          %get3A_1165 = arith.index_cast %mul3A_1164 : i32 to index
          %get3A_1166 = tpu.vector_load %arg7[%get3A_1165] {strides = array<i32>} : memref<416xi32, #tpu.memory_space<vmem>>, vector<16xi32>,
          %slice3A_1167 = vector.extract_strided_slice %get3A_1166 {offsets = [0], sizes = [1], strides = [1]} : vector<16xi32> to vector<1xi32>
          %squeeze3A_1168 = vector.extract %slice3A_1167[0] : i32 from vector<1xi32>
          %slice3A_1169 = vector.extract_strided_slice %get3A_1166 {offsets = [1], sizes = [1], strides = [1]} : vector<16xi32> to vector<1xi32>
          %squeeze3A_1170 = vector.extract %slice3A_1169[0] : i32 from vector<1xi32>
          %slice3A_1171 = vector.extract_strided_slice %get3A_1166 {offsets = [2], sizes = [1], strides = [1]} : vector<16xi32> to vector<1xi32>
          %squeeze3A_1172 = vector.extract %slice3A_1171[0] : i32 from vector<1xi32>
          %slice3A_1173 = vector.extract_strided_slice %get3A_1166 {offsets = [3], sizes = [1], strides = [1]} : vector<16xi32> to vector<1xi32>
          %squeeze3A_1174 = vector.extract %slice3A_1173[0] : i32 from vector<1xi32>
          %slice3A_1175 = vector.extract_strided_slice %get3A_1166 {offsets = [4], sizes = [1], strides = [1]} : vector<16xi32> to vector<1xi32>
          %squeeze3A_1176 = vector.extract %slice3A_1175[0] : i32 from vector<1xi32>
          %slice3A_1177 = vector.extract_strided_slice %get3A_1166 {offsets = [5], sizes = [1], strides = [1]} : vector<16xi32> to vector<1xi32>
          %squeeze3A_1178 = vector.extract %slice3A_1177[0] : i32 from vector<1xi32>
          %slice3A_1179 = vector.extract_strided_slice %get3A_1166 {offsets = [6], sizes = [1], strides = [1]} : vector<16xi32> to vector<1xi32>
          %squeeze3A_1180 = vector.extract %slice3A_1179[0] : i32 from vector<1xi32>
          %slice3A_1181 = vector.extract_strided_slice %get3A_1166 {offsets = [7], sizes = [1], strides = [1]} : vector<16xi32> to vector<1xi32>
          %squeeze3A_1182 = vector.extract %slice3A_1181[0] : i32 from vector<1xi32>
          %slice3A_1183 = vector.extract_strided_slice %get3A_1166 {offsets = [8], sizes = [1], strides = [1]} : vector<16xi32> to vector<1xi32>
          %squeeze3A_1184 = vector.extract %slice3A_1183[0] : i32 from vector<1xi32>
          %slice3A_1185 = vector.extract_strided_slice %get3A_1166 {offsets = [9], sizes = [1], strides = [1]} : vector<16xi32> to vector<1xi32>
          %squeeze3A_1186 = vector.extract %slice3A_1185[0] : i32 from vector<1xi32>
          %slice3A_1187 = vector.extract_strided_slice %get3A_1166 {offsets = [10], sizes = [1], strides = [1]} : vector<16xi32> to vector<1xi32>
          %squeeze3A_1188 = vector.extract %slice3A_1187[0] : i32 from vector<1xi32>
          %slice3A_1189 = vector.extract_strided_slice %get3A_1166 {offsets = [11], sizes = [1], strides = [1]} : vector<16xi32> to vector<1xi32>
          %squeeze3A_1190 = vector.extract %slice3A_1189[0] : i32 from vector<1xi32>
          %slice3A_1191 = vector.extract_strided_slice %get3A_1166 {offsets = [12], sizes = [1], strides = [1]} : vector<16xi32> to vector<1xi32>
          %squeeze3A_1192 = vector.extract %slice3A_1191[0] : i32 from vector<1xi32>
          %slice3A_1193 = vector.extract_strided_slice %get3A_1166 {offsets = [13], sizes = [1], strides = [1]} : vector<16xi32> to vector<1xi32>
          %squeeze3A_1194 = vector.extract %slice3A_1193[0] : i32 from vector<1xi32>
          %slice3A_1195 = vector.extract_strided_slice %get3A_1166 {offsets = [14], sizes = [1], strides = [1]} : vector<16xi32> to vector<1xi32>
          %squeeze3A_1196 = vector.extract %slice3A_1195[0] : i32 from vector<1xi32>
          %slice3A_1197 = vector.extract_strided_slice %get3A_1166 {offsets = [15], sizes = [1], strides = [1]} : vector<16xi32> to vector<1xi32>
          %squeeze3A_1198 = vector.extract %slice3A_1197[0] : i32 from vector<1xi32>
          %mul3A_1199 = arith.constant 2 : i32
          %mul3A_1200 = arith.muli %add3A_1030, %mul3A_1199 : i32
          %mul3A_1201 = arith.constant 25 : i32
          %mul3A_1202 = arith.muli %mul3A_1200, %mul3A_1201 : i32
          %mul3A_1203 = arith.constant 2 : i32
          %mul3A_1204 = arith.muli %scan3A_1142, %mul3A_1203 : i32
          %add3A_1205 = arith.addi %mul3A_1202, %mul3A_1204 : i32
          %add3A_1206 = arith.constant 0 : i32
          %add3A_1207 = arith.addi %add3A_1205, %add3A_1206 : i32
          %dma_wait3A_1208 = arith.constant 0 : i32
          %dma_wait3A_1209 = arith.constant 0 : i32
          %dma_wait3A_1210 = tpu.memref_slice %arg4[%dma_wait3A_1208, %dma_wait3A_1209] : memref<10000x16384xf32, #tpu.memory_space<hbm>> -> memref<8x128xf32, #tpu.memory_space<hbm>>
          %dma_wait3A_1211 = arith.constant 0 : i32
          %dma_wait3A_1212 = arith.constant 0 : i32
          %dma_wait3A_1213 = tpu.memref_slice %arg4[%dma_wait3A_1211, %dma_wait3A_1212] : memref<10000x16384xf32, #tpu.memory_space<hbm>> -> memref<8x128xf32, #tpu.memory_space<hbm>>
          tpu.wait_dma2 semaphore(%arg11 : memref<!tpu.dma_semaphore, #tpu.memory_space<semaphore_mem>>) src(%arg8 : memref<8x128xf32, #tpu.memory_space<vmem>>) dst(%dma_wait3A_1213 : memref<8x128xf32, #tpu.memory_space<hbm>>)
          %get3A_1214 = arith.index_cast %scan3A_1143 : i32 to index
          %get3A_1215 = arith.constant 0 : index
          %get3A_1216 = tpu.vector_load %arg5[%get3A_1214, %get3A_1215] {strides = array<i32>} : memref<1000x128xf32, #tpu.memory_space<vmem>>, vector<16xf32>,
          %get3A_1217 = arith.index_cast %scan3A_1143 : i32 to index
          %get3A_1218 = arith.constant 16 : index
          %get3A_1219 = tpu.vector_load %arg5[%get3A_1217, %get3A_1218] {strides = array<i32>} : memref<1000x128xf32, #tpu.memory_space<vmem>>, vector<16xf32>,
          %get3A_1220 = arith.index_cast %scan3A_1143 : i32 to index
          %get3A_1221 = arith.constant 32 : index
          %get3A_1222 = tpu.vector_load %arg5[%get3A_1220, %get3A_1221] {strides = array<i32>} : memref<1000x128xf32, #tpu.memory_space<vmem>>, vector<16xf32>,
          %get3A_1223 = arith.index_cast %scan3A_1143 : i32 to index
          %get3A_1224 = arith.constant 48 : index
          %get3A_1225 = tpu.vector_load %arg5[%get3A_1223, %get3A_1224] {strides = array<i32>} : memref<1000x128xf32, #tpu.memory_space<vmem>>, vector<16xf32>,
          %get3A_1226 = arith.index_cast %scan3A_1143 : i32 to index
          %get3A_1227 = arith.constant 64 : index
          %get3A_1228 = tpu.vector_load %arg5[%get3A_1226, %get3A_1227] {strides = array<i32>} : memref<1000x128xf32, #tpu.memory_space<vmem>>, vector<16xf32>,
          %get3A_1229 = arith.index_cast %scan3A_1143 : i32 to index
          %get3A_1230 = arith.constant 80 : index
          %get3A_1231 = tpu.vector_load %arg5[%get3A_1229, %get3A_1230] {strides = array<i32>} : memref<1000x128xf32, #tpu.memory_space<vmem>>, vector<16xf32>,
          %get3A_1232 = arith.index_cast %scan3A_1143 : i32 to index
          %get3A_1233 = arith.constant 96 : index
          %get3A_1234 = tpu.vector_load %arg5[%get3A_1232, %get3A_1233] {strides = array<i32>} : memref<1000x128xf32, #tpu.memory_space<vmem>>, vector<16xf32>,
          %get3A_1235 = arith.index_cast %scan3A_1143 : i32 to index
          %get3A_1236 = arith.constant 112 : index
          %get3A_1237 = tpu.vector_load %arg5[%get3A_1235, %get3A_1236] {strides = array<i32>} : memref<1000x128xf32, #tpu.memory_space<vmem>>, vector<16xf32>,
          %get3A_1238 = arith.index_cast %scan3A_1144 : i32 to index
          %get3A_1239 = arith.constant 0 : index
          %get3A_1240 = tpu.vector_load %arg5[%get3A_1238, %get3A_1239] {strides = array<i32>} : memref<1000x128xf32, #tpu.memory_space<vmem>>, vector<16xf32>,
          %swap3A_1241 = arith.constant 0 : i32
          %swap3A_1242 = arith.index_cast %swap3A_1241 : i32 to index
          %swap3A_1243 = arith.constant 0 : index
          %swap3A_1244 = tpu.vector_load %arg8[%swap3A_1242, %swap3A_1243] {strides = array<i32>} : memref<8x128xf32, #tpu.memory_space<vmem>>, vector<16xf32>,
          tpu.vector_store %arg8[%swap3A_1242, %swap3A_1243], %get3A_1216 {strides = array<i32>} : memref<8x128xf32, #tpu.memory_space<vmem>>, vector<16xf32>,
          %get3A_1245 = arith.index_cast %scan3A_1144 : i32 to index
          %get3A_1246 = arith.constant 16 : index
          %get3A_1247 = tpu.vector_load %arg5[%get3A_1245, %get3A_1246] {strides = array<i32>} : memref<1000x128xf32, #tpu.memory_space<vmem>>, vector<16xf32>,
          %swap3A_1248 = arith.constant 0 : i32
          %swap3A_1249 = arith.index_cast %swap3A_1248 : i32 to index
          %swap3A_1250 = arith.constant 16 : index
          %swap3A_1251 = tpu.vector_load %arg8[%swap3A_1249, %swap3A_1250] {strides = array<i32>} : memref<8x128xf32, #tpu.memory_space<vmem>>, vector<16xf32>,
          tpu.vector_store %arg8[%swap3A_1249, %swap3A_1250], %get3A_1219 {strides = array<i32>} : memref<8x128xf32, #tpu.memory_space<vmem>>, vector<16xf32>,
          %get3A_1252 = arith.index_cast %scan3A_1144 : i32 to index
          %get3A_1253 = arith.constant 32 : index
          %get3A_1254 = tpu.vector_load %arg5[%get3A_1252, %get3A_1253] {strides = array<i32>} : memref<1000x128xf32, #tpu.memory_space<vmem>>, vector<16xf32>,
          %swap3A_1255 = arith.constant 0 : i32
          %swap3A_1256 = arith.index_cast %swap3A_1255 : i32 to index
          %swap3A_1257 = arith.constant 32 : index
          %swap3A_1258 = tpu.vector_load %arg8[%swap3A_1256, %swap3A_1257] {strides = array<i32>} : memref<8x128xf32, #tpu.memory_space<vmem>>, vector<16xf32>,
          tpu.vector_store %arg8[%swap3A_1256, %swap3A_1257], %get3A_1222 {strides = array<i32>} : memref<8x128xf32, #tpu.memory_space<vmem>>, vector<16xf32>,
          %get3A_1259 = arith.index_cast %scan3A_1144 : i32 to index
          %get3A_1260 = arith.constant 48 : index
          %get3A_1261 = tpu.vector_load %arg5[%get3A_1259, %get3A_1260] {strides = array<i32>} : memref<1000x128xf32, #tpu.memory_space<vmem>>, vector<16xf32>,
          %swap3A_1262 = arith.constant 0 : i32
          %swap3A_1263 = arith.index_cast %swap3A_1262 : i32 to index
          %swap3A_1264 = arith.constant 48 : index
          %swap3A_1265 = tpu.vector_load %arg8[%swap3A_1263, %swap3A_1264] {strides = array<i32>} : memref<8x128xf32, #tpu.memory_space<vmem>>, vector<16xf32>,
          tpu.vector_store %arg8[%swap3A_1263, %swap3A_1264], %get3A_1225 {strides = array<i32>} : memref<8x128xf32, #tpu.memory_space<vmem>>, vector<16xf32>,
          %get3A_1266 = arith.index_cast %scan3A_1144 : i32 to index
          %get3A_1267 = arith.constant 64 : index
          %get3A_1268 = tpu.vector_load %arg5[%get3A_1266, %get3A_1267] {strides = array<i32>} : memref<1000x128xf32, #tpu.memory_space<vmem>>, vector<16xf32>,
          %swap3A_1269 = arith.constant 0 : i32
          %swap3A_1270 = arith.index_cast %swap3A_1269 : i32 to index
          %swap3A_1271 = arith.constant 64 : index
          %swap3A_1272 = tpu.vector_load %arg8[%swap3A_1270, %swap3A_1271] {strides = array<i32>} : memref<8x128xf32, #tpu.memory_space<vmem>>, vector<16xf32>,
          tpu.vector_store %arg8[%swap3A_1270, %swap3A_1271], %get3A_1228 {strides = array<i32>} : memref<8x128xf32, #tpu.memory_space<vmem>>, vector<16xf32>,
          %get3A_1273 = arith.index_cast %scan3A_1144 : i32 to index
          %get3A_1274 = arith.constant 80 : index
          %get3A_1275 = tpu.vector_load %arg5[%get3A_1273, %get3A_1274] {strides = array<i32>} : memref<1000x128xf32, #tpu.memory_space<vmem>>, vector<16xf32>,
          %swap3A_1276 = arith.constant 0 : i32
          %swap3A_1277 = arith.index_cast %swap3A_1276 : i32 to index
          %swap3A_1278 = arith.constant 80 : index
          %swap3A_1279 = tpu.vector_load %arg8[%swap3A_1277, %swap3A_1278] {strides = array<i32>} : memref<8x128xf32, #tpu.memory_space<vmem>>, vector<16xf32>,
          tpu.vector_store %arg8[%swap3A_1277, %swap3A_1278], %get3A_1231 {strides = array<i32>} : memref<8x128xf32, #tpu.memory_space<vmem>>, vector<16xf32>,
          %get3A_1280 = arith.index_cast %scan3A_1144 : i32 to index
          %get3A_1281 = arith.constant 96 : index
          %get3A_1282 = tpu.vector_load %arg5[%get3A_1280, %get3A_1281] {strides = array<i32>} : memref<1000x128xf32, #tpu.memory_space<vmem>>, vector<16xf32>,
          %swap3A_1283 = arith.constant 0 : i32
          %swap3A_1284 = arith.index_cast %swap3A_1283 : i32 to index
          %swap3A_1285 = arith.constant 96 : index
          %swap3A_1286 = tpu.vector_load %arg8[%swap3A_1284, %swap3A_1285] {strides = array<i32>} : memref<8x128xf32, #tpu.memory_space<vmem>>, vector<16xf32>,
          tpu.vector_store %arg8[%swap3A_1284, %swap3A_1285], %get3A_1234 {strides = array<i32>} : memref<8x128xf32, #tpu.memory_space<vmem>>, vector<16xf32>,
          %get3A_1287 = arith.index_cast %scan3A_1144 : i32 to index
          %get3A_1288 = arith.constant 112 : index
          %get3A_1289 = tpu.vector_load %arg5[%get3A_1287, %get3A_1288] {strides = array<i32>} : memref<1000x128xf32, #tpu.memory_space<vmem>>, vector<16xf32>,
          %swap3A_1290 = arith.constant 0 : i32
          %swap3A_1291 = arith.index_cast %swap3A_1290 : i32 to index
          %swap3A_1292 = arith.constant 112 : index
          %swap3A_1293 = tpu.vector_load %arg8[%swap3A_1291, %swap3A_1292] {strides = array<i32>} : memref<8x128xf32, #tpu.memory_space<vmem>>, vector<16xf32>,
          tpu.vector_store %arg8[%swap3A_1291, %swap3A_1292], %get3A_1237 {strides = array<i32>} : memref<8x128xf32, #tpu.memory_space<vmem>>, vector<16xf32>,
          %get3A_1294 = arith.index_cast %scan3A_1145 : i32 to index
          %get3A_1295 = arith.constant 0 : index
          %get3A_1296 = tpu.vector_load %arg5[%get3A_1294, %get3A_1295] {strides = array<i32>} : memref<1000x128xf32, #tpu.memory_space<vmem>>, vector<16xf32>,
          %swap3A_1297 = arith.constant 1 : i32
          %swap3A_1298 = arith.index_cast %swap3A_1297 : i32 to index
          %swap3A_1299 = arith.constant 0 : index
          %swap3A_1300 = tpu.vector_load %arg8[%swap3A_1298, %swap3A_1299] {strides = array<i32>} : memref<8x128xf32, #tpu.memory_space<vmem>>, vector<16xf32>,
          tpu.vector_store %arg8[%swap3A_1298, %swap3A_1299], %get3A_1240 {strides = array<i32>} : memref<8x128xf32, #tpu.memory_space<vmem>>, vector<16xf32>,
          %get3A_1301 = arith.index_cast %scan3A_1145 : i32 to index
          %get3A_1302 = arith.constant 16 : index
          %get3A_1303 = tpu.vector_load %arg5[%get3A_1301, %get3A_1302] {strides = array<i32>} : memref<1000x128xf32, #tpu.memory_space<vmem>>, vector<16xf32>,
          %swap3A_1304 = arith.constant 1 : i32
          %swap3A_1305 = arith.index_cast %swap3A_1304 : i32 to index
          %swap3A_1306 = arith.constant 16 : index
          %swap3A_1307 = tpu.vector_load %arg8[%swap3A_1305, %swap3A_1306] {strides = array<i32>} : memref<8x128xf32, #tpu.memory_space<vmem>>, vector<16xf32>,
          tpu.vector_store %arg8[%swap3A_1305, %swap3A_1306], %get3A_1247 {strides = array<i32>} : memref<8x128xf32, #tpu.memory_space<vmem>>, vector<16xf32>,
          %get3A_1308 = arith.index_cast %scan3A_1145 : i32 to index
          %get3A_1309 = arith.constant 32 : index
          %get3A_1310 = tpu.vector_load %arg5[%get3A_1308, %get3A_1309] {strides = array<i32>} : memref<1000x128xf32, #tpu.memory_space<vmem>>, vector<16xf32>,
          %swap3A_1311 = arith.constant 1 : i32
          %swap3A_1312 = arith.index_cast %swap3A_1311 : i32 to index
          %swap3A_1313 = arith.constant 32 : index
          %swap3A_1314 = tpu.vector_load %arg8[%swap3A_1312, %swap3A_1313] {strides = array<i32>} : memref<8x128xf32, #tpu.memory_space<vmem>>, vector<16xf32>,
          tpu.vector_store %arg8[%swap3A_1312, %swap3A_1313], %get3A_1254 {strides = array<i32>} : memref<8x128xf32, #tpu.memory_space<vmem>>, vector<16xf32>,
          %get3A_1315 = arith.index_cast %scan3A_1145 : i32 to index
          %get3A_1316 = arith.constant 48 : index
          %get3A_1317 = tpu.vector_load %arg5[%get3A_1315, %get3A_1316] {strides = array<i32>} : memref<1000x128xf32, #tpu.memory_space<vmem>>, vector<16xf32>,
          %swap3A_1318 = arith.constant 1 : i32
          %swap3A_1319 = arith.index_cast %swap3A_1318 : i32 to index
          %swap3A_1320 = arith.constant 48 : index
          %swap3A_1321 = tpu.vector_load %arg8[%swap3A_1319, %swap3A_1320] {strides = array<i32>} : memref<8x128xf32, #tpu.memory_space<vmem>>, vector<16xf32>,
          tpu.vector_store %arg8[%swap3A_1319, %swap3A_1320], %get3A_1261 {strides = array<i32>} : memref<8x128xf32, #tpu.memory_space<vmem>>, vector<16xf32>,
          %get3A_1322 = arith.index_cast %scan3A_1145 : i32 to index
          %get3A_1323 = arith.constant 64 : index
          %get3A_1324 = tpu.vector_load %arg5[%get3A_1322, %get3A_1323] {strides = array<i32>} : memref<1000x128xf32, #tpu.memory_space<vmem>>, vector<16xf32>,
          %swap3A_1325 = arith.constant 1 : i32
          %swap3A_1326 = arith.index_cast %swap3A_1325 : i32 to index
          %swap3A_1327 = arith.constant 64 : index
          %swap3A_1328 = tpu.vector_load %arg8[%swap3A_1326, %swap3A_1327] {strides = array<i32>} : memref<8x128xf32, #tpu.memory_space<vmem>>, vector<16xf32>,
          tpu.vector_store %arg8[%swap3A_1326, %swap3A_1327], %get3A_1268 {strides = array<i32>} : memref<8x128xf32, #tpu.memory_space<vmem>>, vector<16xf32>,
          %get3A_1329 = arith.index_cast %scan3A_1145 : i32 to index
          %get3A_1330 = arith.constant 80 : index
          %get3A_1331 = tpu.vector_load %arg5[%get3A_1329, %get3A_1330] {strides = array<i32>} : memref<1000x128xf32, #tpu.memory_space<vmem>>, vector<16xf32>,
          %swap3A_1332 = arith.constant 1 : i32
          %swap3A_1333 = arith.index_cast %swap3A_1332 : i32 to index
          %swap3A_1334 = arith.constant 80 : index
          %swap3A_1335 = tpu.vector_load %arg8[%swap3A_1333, %swap3A_1334] {strides = array<i32>} : memref<8x128xf32, #tpu.memory_space<vmem>>, vector<16xf32>,
          tpu.vector_store %arg8[%swap3A_1333, %swap3A_1334], %get3A_1275 {strides = array<i32>} : memref<8x128xf32, #tpu.memory_space<vmem>>, vector<16xf32>,
          %get3A_1336 = arith.index_cast %scan3A_1145 : i32 to index
          %get3A_1337 = arith.constant 96 : index
          %get3A_1338 = tpu.vector_load %arg5[%get3A_1336, %get3A_1337] {strides = array<i32>} : memref<1000x128xf32, #tpu.memory_space<vmem>>, vector<16xf32>,
          %swap3A_1339 = arith.constant 1 : i32
          %swap3A_1340 = arith.index_cast %swap3A_1339 : i32 to index
          %swap3A_1341 = arith.constant 96 : index
          %swap3A_1342 = tpu.vector_load %arg8[%swap3A_1340, %swap3A_1341] {strides = array<i32>} : memref<8x128xf32, #tpu.memory_space<vmem>>, vector<16xf32>,
          tpu.vector_store %arg8[%swap3A_1340, %swap3A_1341], %get3A_1282 {strides = array<i32>} : memref<8x128xf32, #tpu.memory_space<vmem>>, vector<16xf32>,
          %get3A_1343 = arith.index_cast %scan3A_1145 : i32 to index
          %get3A_1344 = arith.constant 112 : index
          %get3A_1345 = tpu.vector_load %arg5[%get3A_1343, %get3A_1344] {strides = array<i32>} : memref<1000x128xf32, #tpu.memory_space<vmem>>, vector<16xf32>,
          %swap3A_1346 = arith.constant 1 : i32
          %swap3A_1347 = arith.index_cast %swap3A_1346 : i32 to index
          %swap3A_1348 = arith.constant 112 : index
          %swap3A_1349 = tpu.vector_load %arg8[%swap3A_1347, %swap3A_1348] {strides = array<i32>} : memref<8x128xf32, #tpu.memory_space<vmem>>, vector<16xf32>,
          tpu.vector_store %arg8[%swap3A_1347, %swap3A_1348], %get3A_1289 {strides = array<i32>} : memref<8x128xf32, #tpu.memory_space<vmem>>, vector<16xf32>,
          %get3A_1350 = arith.index_cast %scan3A_1146 : i32 to index
          %get3A_1351 = arith.constant 0 : index
          %get3A_1352 = tpu.vector_load %arg5[%get3A_1350, %get3A_1351] {strides = array<i32>} : memref<1000x128xf32, #tpu.memory_space<vmem>>, vector<16xf32>,
          %swap3A_1353 = arith.constant 2 : i32
          %swap3A_1354 = arith.index_cast %swap3A_1353 : i32 to index
          %swap3A_1355 = arith.constant 0 : index
          %swap3A_1356 = tpu.vector_load %arg8[%swap3A_1354, %swap3A_1355] {strides = array<i32>} : memref<8x128xf32, #tpu.memory_space<vmem>>, vector<16xf32>,
          tpu.vector_store %arg8[%swap3A_1354, %swap3A_1355], %get3A_1296 {strides = array<i32>} : memref<8x128xf32, #tpu.memory_space<vmem>>, vector<16xf32>,
          %get3A_1357 = arith.index_cast %scan3A_1146 : i32 to index
          %get3A_1358 = arith.constant 16 : index
          %get3A_1359 = tpu.vector_load %arg5[%get3A_1357, %get3A_1358] {strides = array<i32>} : memref<1000x128xf32, #tpu.memory_space<vmem>>, vector<16xf32>,
          %swap3A_1360 = arith.constant 2 : i32
          %swap3A_1361 = arith.index_cast %swap3A_1360 : i32 to index
          %swap3A_1362 = arith.constant 16 : index
          %swap3A_1363 = tpu.vector_load %arg8[%swap3A_1361, %swap3A_1362] {strides = array<i32>} : memref<8x128xf32, #tpu.memory_space<vmem>>, vector<16xf32>,
          tpu.vector_store %arg8[%swap3A_1361, %swap3A_1362], %get3A_1303 {strides = array<i32>} : memref<8x128xf32, #tpu.memory_space<vmem>>, vector<16xf32>,
          %get3A_1364 = arith.index_cast %scan3A_1146 : i32 to index
          %get3A_1365 = arith.constant 32 : index
          %get3A_1366 = tpu.vector_load %arg5[%get3A_1364, %get3A_1365] {strides = array<i32>} : memref<1000x128xf32, #tpu.memory_space<vmem>>, vector<16xf32>,
          %swap3A_1367 = arith.constant 2 : i32
          %swap3A_1368 = arith.index_cast %swap3A_1367 : i32 to index
          %swap3A_1369 = arith.constant 32 : index
          %swap3A_1370 = tpu.vector_load %arg8[%swap3A_1368, %swap3A_1369] {strides = array<i32>} : memref<8x128xf32, #tpu.memory_space<vmem>>, vector<16xf32>,
          tpu.vector_store %arg8[%swap3A_1368, %swap3A_1369], %get3A_1310 {strides = array<i32>} : memref<8x128xf32, #tpu.memory_space<vmem>>, vector<16xf32>,
          %get3A_1371 = arith.index_cast %scan3A_1146 : i32 to index
          %get3A_1372 = arith.constant 48 : index
          %get3A_1373 = tpu.vector_load %arg5[%get3A_1371, %get3A_1372] {strides = array<i32>} : memref<1000x128xf32, #tpu.memory_space<vmem>>, vector<16xf32>,
          %swap3A_1374 = arith.constant 2 : i32
          %swap3A_1375 = arith.index_cast %swap3A_1374 : i32 to index
          %swap3A_1376 = arith.constant 48 : index
          %swap3A_1377 = tpu.vector_load %arg8[%swap3A_1375, %swap3A_1376] {strides = array<i32>} : memref<8x128xf32, #tpu.memory_space<vmem>>, vector<16xf32>,
          tpu.vector_store %arg8[%swap3A_1375, %swap3A_1376], %get3A_1317 {strides = array<i32>} : memref<8x128xf32, #tpu.memory_space<vmem>>, vector<16xf32>,
          %get3A_1378 = arith.index_cast %scan3A_1146 : i32 to index
          %get3A_1379 = arith.constant 64 : index
          %get3A_1380 = tpu.vector_load %arg5[%get3A_1378, %get3A_1379] {strides = array<i32>} : memref<1000x128xf32, #tpu.memory_space<vmem>>, vector<16xf32>,
          %swap3A_1381 = arith.constant 2 : i32
          %swap3A_1382 = arith.index_cast %swap3A_1381 : i32 to index
          %swap3A_1383 = arith.constant 64 : index
          %swap3A_1384 = tpu.vector_load %arg8[%swap3A_1382, %swap3A_1383] {strides = array<i32>} : memref<8x128xf32, #tpu.memory_space<vmem>>, vector<16xf32>,
          tpu.vector_store %arg8[%swap3A_1382, %swap3A_1383], %get3A_1324 {strides = array<i32>} : memref<8x128xf32, #tpu.memory_space<vmem>>, vector<16xf32>,
          %get3A_1385 = arith.index_cast %scan3A_1146 : i32 to index
          %get3A_1386 = arith.constant 80 : index
          %get3A_1387 = tpu.vector_load %arg5[%get3A_1385, %get3A_1386] {strides = array<i32>} : memref<1000x128xf32, #tpu.memory_space<vmem>>, vector<16xf32>,
          %swap3A_1388 = arith.constant 2 : i32
          %swap3A_1389 = arith.index_cast %swap3A_1388 : i32 to index
          %swap3A_1390 = arith.constant 80 : index
          %swap3A_1391 = tpu.vector_load %arg8[%swap3A_1389, %swap3A_1390] {strides = array<i32>} : memref<8x128xf32, #tpu.memory_space<vmem>>, vector<16xf32>,
          tpu.vector_store %arg8[%swap3A_1389, %swap3A_1390], %get3A_1331 {strides = array<i32>} : memref<8x128xf32, #tpu.memory_space<vmem>>, vector<16xf32>,
          %get3A_1392 = arith.index_cast %scan3A_1146 : i32 to index
          %get3A_1393 = arith.constant 96 : index
          %get3A_1394 = tpu.vector_load %arg5[%get3A_1392, %get3A_1393] {strides = array<i32>} : memref<1000x128xf32, #tpu.memory_space<vmem>>, vector<16xf32>,
          %swap3A_1395 = arith.constant 2 : i32
          %swap3A_1396 = arith.index_cast %swap3A_1395 : i32 to index
          %swap3A_1397 = arith.constant 96 : index
          %swap3A_1398 = tpu.vector_load %arg8[%swap3A_1396, %swap3A_1397] {strides = array<i32>} : memref<8x128xf32, #tpu.memory_space<vmem>>, vector<16xf32>,
          tpu.vector_store %arg8[%swap3A_1396, %swap3A_1397], %get3A_1338 {strides = array<i32>} : memref<8x128xf32, #tpu.memory_space<vmem>>, vector<16xf32>,
          %get3A_1399 = arith.index_cast %scan3A_1146 : i32 to index
          %get3A_1400 = arith.constant 112 : index
          %get3A_1401 = tpu.vector_load %arg5[%get3A_1399, %get3A_1400] {strides = array<i32>} : memref<1000x128xf32, #tpu.memory_space<vmem>>, vector<16xf32>,
          %swap3A_1402 = arith.constant 2 : i32
          %swap3A_1403 = arith.index_cast %swap3A_1402 : i32 to index
          %swap3A_1404 = arith.constant 112 : index
          %swap3A_1405 = tpu.vector_load %arg8[%swap3A_1403, %swap3A_1404] {strides = array<i32>} : memref<8x128xf32, #tpu.memory_space<vmem>>, vector<16xf32>,
          tpu.vector_store %arg8[%swap3A_1403, %swap3A_1404], %get3A_1345 {strides = array<i32>} : memref<8x128xf32, #tpu.memory_space<vmem>>, vector<16xf32>,
          %get3A_1406 = arith.index_cast %scan3A_1147 : i32 to index
          %get3A_1407 = arith.constant 0 : index
          %get3A_1408 = tpu.vector_load %arg5[%get3A_1406, %get3A_1407] {strides = array<i32>} : memref<1000x128xf32, #tpu.memory_space<vmem>>, vector<16xf32>,
          %swap3A_1409 = arith.constant 3 : i32
          %swap3A_1410 = arith.index_cast %swap3A_1409 : i32 to index
          %swap3A_1411 = arith.constant 0 : index
          %swap3A_1412 = tpu.vector_load %arg8[%swap3A_1410, %swap3A_1411] {strides = array<i32>} : memref<8x128xf32, #tpu.memory_space<vmem>>, vector<16xf32>,
          tpu.vector_store %arg8[%swap3A_1410, %swap3A_1411], %get3A_1352 {strides = array<i32>} : memref<8x128xf32, #tpu.memory_space<vmem>>, vector<16xf32>,
          %get3A_1413 = arith.index_cast %scan3A_1147 : i32 to index
          %get3A_1414 = arith.constant 16 : index
          %get3A_1415 = tpu.vector_load %arg5[%get3A_1413, %get3A_1414] {strides = array<i32>} : memref<1000x128xf32, #tpu.memory_space<vmem>>, vector<16xf32>,
          %swap3A_1416 = arith.constant 3 : i32
          %swap3A_1417 = arith.index_cast %swap3A_1416 : i32 to index
          %swap3A_1418 = arith.constant 16 : index
          %swap3A_1419 = tpu.vector_load %arg8[%swap3A_1417, %swap3A_1418] {strides = array<i32>} : memref<8x128xf32, #tpu.memory_space<vmem>>, vector<16xf32>,
          tpu.vector_store %arg8[%swap3A_1417, %swap3A_1418], %get3A_1359 {strides = array<i32>} : memref<8x128xf32, #tpu.memory_space<vmem>>, vector<16xf32>,
          %get3A_1420 = arith.index_cast %scan3A_1147 : i32 to index
          %get3A_1421 = arith.constant 32 : index
          %get3A_1422 = tpu.vector_load %arg5[%get3A_1420, %get3A_1421] {strides = array<i32>} : memref<1000x128xf32, #tpu.memory_space<vmem>>, vector<16xf32>,
          %swap3A_1423 = arith.constant 3 : i32
          %swap3A_1424 = arith.index_cast %swap3A_1423 : i32 to index
          %swap3A_1425 = arith.constant 32 : index
          %swap3A_1426 = tpu.vector_load %arg8[%swap3A_1424, %swap3A_1425] {strides = array<i32>} : memref<8x128xf32, #tpu.memory_space<vmem>>, vector<16xf32>,
          tpu.vector_store %arg8[%swap3A_1424, %swap3A_1425], %get3A_1366 {strides = array<i32>} : memref<8x128xf32, #tpu.memory_space<vmem>>, vector<16xf32>,
          %get3A_1427 = arith.index_cast %scan3A_1147 : i32 to index
          %get3A_1428 = arith.constant 48 : index
          %get3A_1429 = tpu.vector_load %arg5[%get3A_1427, %get3A_1428] {strides = array<i32>} : memref<1000x128xf32, #tpu.memory_space<vmem>>, vector<16xf32>,
          %swap3A_1430 = arith.constant 3 : i32
          %swap3A_1431 = arith.index_cast %swap3A_1430 : i32 to index
          %swap3A_1432 = arith.constant 48 : index
          %swap3A_1433 = tpu.vector_load %arg8[%swap3A_1431, %swap3A_1432] {strides = array<i32>} : memref<8x128xf32, #tpu.memory_space<vmem>>, vector<16xf32>,
          tpu.vector_store %arg8[%swap3A_1431, %swap3A_1432], %get3A_1373 {strides = array<i32>} : memref<8x128xf32, #tpu.memory_space<vmem>>, vector<16xf32>,
          %get3A_1434 = arith.index_cast %scan3A_1147 : i32 to index
          %get3A_1435 = arith.constant 64 : index
          %get3A_1436 = tpu.vector_load %arg5[%get3A_1434, %get3A_1435] {strides = array<i32>} : memref<1000x128xf32, #tpu.memory_space<vmem>>, vector<16xf32>,
          %swap3A_1437 = arith.constant 3 : i32
          %swap3A_1438 = arith.index_cast %swap3A_1437 : i32 to index
          %swap3A_1439 = arith.constant 64 : index
          %swap3A_1440 = tpu.vector_load %arg8[%swap3A_1438, %swap3A_1439] {strides = array<i32>} : memref<8x128xf32, #tpu.memory_space<vmem>>, vector<16xf32>,
          tpu.vector_store %arg8[%swap3A_1438, %swap3A_1439], %get3A_1380 {strides = array<i32>} : memref<8x128xf32, #tpu.memory_space<vmem>>, vector<16xf32>,
          %get3A_1441 = arith.index_cast %scan3A_1147 : i32 to index
          %get3A_1442 = arith.constant 80 : index
          %get3A_1443 = tpu.vector_load %arg5[%get3A_1441, %get3A_1442] {strides = array<i32>} : memref<1000x128xf32, #tpu.memory_space<vmem>>, vector<16xf32>,
          %swap3A_1444 = arith.constant 3 : i32
          %swap3A_1445 = arith.index_cast %swap3A_1444 : i32 to index
          %swap3A_1446 = arith.constant 80 : index
          %swap3A_1447 = tpu.vector_load %arg8[%swap3A_1445, %swap3A_1446] {strides = array<i32>} : memref<8x128xf32, #tpu.memory_space<vmem>>, vector<16xf32>,
          tpu.vector_store %arg8[%swap3A_1445, %swap3A_1446], %get3A_1387 {strides = array<i32>} : memref<8x128xf32, #tpu.memory_space<vmem>>, vector<16xf32>,
          %get3A_1448 = arith.index_cast %scan3A_1147 : i32 to index
          %get3A_1449 = arith.constant 96 : index
          %get3A_1450 = tpu.vector_load %arg5[%get3A_1448, %get3A_1449] {strides = array<i32>} : memref<1000x128xf32, #tpu.memory_space<vmem>>, vector<16xf32>,
          %swap3A_1451 = arith.constant 3 : i32
          %swap3A_1452 = arith.index_cast %swap3A_1451 : i32 to index
          %swap3A_1453 = arith.constant 96 : index
          %swap3A_1454 = tpu.vector_load %arg8[%swap3A_1452, %swap3A_1453] {strides = array<i32>} : memref<8x128xf32, #tpu.memory_space<vmem>>, vector<16xf32>,
          tpu.vector_store %arg8[%swap3A_1452, %swap3A_1453], %get3A_1394 {strides = array<i32>} : memref<8x128xf32, #tpu.memory_space<vmem>>, vector<16xf32>,
          %get3A_1455 = arith.index_cast %scan3A_1147 : i32 to index
          %get3A_1456 = arith.constant 112 : index
          %get3A_1457 = tpu.vector_load %arg5[%get3A_1455, %get3A_1456] {strides = array<i32>} : memref<1000x128xf32, #tpu.memory_space<vmem>>, vector<16xf32>,
          %swap3A_1458 = arith.constant 3 : i32
          %swap3A_1459 = arith.index_cast %swap3A_1458 : i32 to index
          %swap3A_1460 = arith.constant 112 : index
          %swap3A_1461 = tpu.vector_load %arg8[%swap3A_1459, %swap3A_1460] {strides = array<i32>} : memref<8x128xf32, #tpu.memory_space<vmem>>, vector<16xf32>,
          tpu.vector_store %arg8[%swap3A_1459, %swap3A_1460], %get3A_1401 {strides = array<i32>} : memref<8x128xf32, #tpu.memory_space<vmem>>, vector<16xf32>,
          %get3A_1462 = arith.index_cast %scan3A_1148 : i32 to index
          %get3A_1463 = arith.constant 0 : index
          %get3A_1464 = tpu.vector_load %arg5[%get3A_1462, %get3A_1463] {strides = array<i32>} : memref<1000x128xf32, #tpu.memory_space<vmem>>, vector<16xf32>,
          %swap3A_1465 = arith.constant 4 : i32
          %swap3A_1466 = arith.index_cast %swap3A_1465 : i32 to index
          %swap3A_1467 = arith.constant 0 : index
          %swap3A_1468 = tpu.vector_load %arg8[%swap3A_1466, %swap3A_1467] {strides = array<i32>} : memref<8x128xf32, #tpu.memory_space<vmem>>, vector<16xf32>,
          tpu.vector_store %arg8[%swap3A_1466, %swap3A_1467], %get3A_1408 {strides = array<i32>} : memref<8x128xf32, #tpu.memory_space<vmem>>, vector<16xf32>,
          %get3A_1469 = arith.index_cast %scan3A_1148 : i32 to index
          %get3A_1470 = arith.constant 16 : index
          %get3A_1471 = tpu.vector_load %arg5[%get3A_1469, %get3A_1470] {strides = array<i32>} : memref<1000x128xf32, #tpu.memory_space<vmem>>, vector<16xf32>,
          %swap3A_1472 = arith.constant 4 : i32
          %swap3A_1473 = arith.index_cast %swap3A_1472 : i32 to index
          %swap3A_1474 = arith.constant 16 : index
          %swap3A_1475 = tpu.vector_load %arg8[%swap3A_1473, %swap3A_1474] {strides = array<i32>} : memref<8x128xf32, #tpu.memory_space<vmem>>, vector<16xf32>,
          tpu.vector_store %arg8[%swap3A_1473, %swap3A_1474], %get3A_1415 {strides = array<i32>} : memref<8x128xf32, #tpu.memory_space<vmem>>, vector<16xf32>,
          %get3A_1476 = arith.index_cast %scan3A_1148 : i32 to index
          %get3A_1477 = arith.constant 32 : index
          %get3A_1478 = tpu.vector_load %arg5[%get3A_1476, %get3A_1477] {strides = array<i32>} : memref<1000x128xf32, #tpu.memory_space<vmem>>, vector<16xf32>,
          %swap3A_1479 = arith.constant 4 : i32
          %swap3A_1480 = arith.index_cast %swap3A_1479 : i32 to index
          %swap3A_1481 = arith.constant 32 : index
          %swap3A_1482 = tpu.vector_load %arg8[%swap3A_1480, %swap3A_1481] {strides = array<i32>} : memref<8x128xf32, #tpu.memory_space<vmem>>, vector<16xf32>,
          tpu.vector_store %arg8[%swap3A_1480, %swap3A_1481], %get3A_1422 {strides = array<i32>} : memref<8x128xf32, #tpu.memory_space<vmem>>, vector<16xf32>,
          %get3A_1483 = arith.index_cast %scan3A_1148 : i32 to index
          %get3A_1484 = arith.constant 48 : index
          %get3A_1485 = tpu.vector_load %arg5[%get3A_1483, %get3A_1484] {strides = array<i32>} : memref<1000x128xf32, #tpu.memory_space<vmem>>, vector<16xf32>,
          %swap3A_1486 = arith.constant 4 : i32
          %swap3A_1487 = arith.index_cast %swap3A_1486 : i32 to index
          %swap3A_1488 = arith.constant 48 : index
          %swap3A_1489 = tpu.vector_load %arg8[%swap3A_1487, %swap3A_1488] {strides = array<i32>} : memref<8x128xf32, #tpu.memory_space<vmem>>, vector<16xf32>,
          tpu.vector_store %arg8[%swap3A_1487, %swap3A_1488], %get3A_1429 {strides = array<i32>} : memref<8x128xf32, #tpu.memory_space<vmem>>, vector<16xf32>,
          %get3A_1490 = arith.index_cast %scan3A_1148 : i32 to index
          %get3A_1491 = arith.constant 64 : index
          %get3A_1492 = tpu.vector_load %arg5[%get3A_1490, %get3A_1491] {strides = array<i32>} : memref<1000x128xf32, #tpu.memory_space<vmem>>, vector<16xf32>,
          %swap3A_1493 = arith.constant 4 : i32
          %swap3A_1494 = arith.index_cast %swap3A_1493 : i32 to index
          %swap3A_1495 = arith.constant 64 : index
          %swap3A_1496 = tpu.vector_load %arg8[%swap3A_1494, %swap3A_1495] {strides = array<i32>} : memref<8x128xf32, #tpu.memory_space<vmem>>, vector<16xf32>,
          tpu.vector_store %arg8[%swap3A_1494, %swap3A_1495], %get3A_1436 {strides = array<i32>} : memref<8x128xf32, #tpu.memory_space<vmem>>, vector<16xf32>,
          %get3A_1497 = arith.index_cast %scan3A_1148 : i32 to index
          %get3A_1498 = arith.constant 80 : index
          %get3A_1499 = tpu.vector_load %arg5[%get3A_1497, %get3A_1498] {strides = array<i32>} : memref<1000x128xf32, #tpu.memory_space<vmem>>, vector<16xf32>,
          %swap3A_1500 = arith.constant 4 : i32
          %swap3A_1501 = arith.index_cast %swap3A_1500 : i32 to index
          %swap3A_1502 = arith.constant 80 : index
          %swap3A_1503 = tpu.vector_load %arg8[%swap3A_1501, %swap3A_1502] {strides = array<i32>} : memref<8x128xf32, #tpu.memory_space<vmem>>, vector<16xf32>,
          tpu.vector_store %arg8[%swap3A_1501, %swap3A_1502], %get3A_1443 {strides = array<i32>} : memref<8x128xf32, #tpu.memory_space<vmem>>, vector<16xf32>,
          %get3A_1504 = arith.index_cast %scan3A_1148 : i32 to index
          %get3A_1505 = arith.constant 96 : index
          %get3A_1506 = tpu.vector_load %arg5[%get3A_1504, %get3A_1505] {strides = array<i32>} : memref<1000x128xf32, #tpu.memory_space<vmem>>, vector<16xf32>,
          %swap3A_1507 = arith.constant 4 : i32
          %swap3A_1508 = arith.index_cast %swap3A_1507 : i32 to index
          %swap3A_1509 = arith.constant 96 : index
          %swap3A_1510 = tpu.vector_load %arg8[%swap3A_1508, %swap3A_1509] {strides = array<i32>} : memref<8x128xf32, #tpu.memory_space<vmem>>, vector<16xf32>,
          tpu.vector_store %arg8[%swap3A_1508, %swap3A_1509], %get3A_1450 {strides = array<i32>} : memref<8x128xf32, #tpu.memory_space<vmem>>, vector<16xf32>,
          %get3A_1511 = arith.index_cast %scan3A_1148 : i32 to index
          %get3A_1512 = arith.constant 112 : index
          %get3A_1513 = tpu.vector_load %arg5[%get3A_1511, %get3A_1512] {strides = array<i32>} : memref<1000x128xf32, #tpu.memory_space<vmem>>, vector<16xf32>,
          %swap3A_1514 = arith.constant 4 : i32
          %swap3A_1515 = arith.index_cast %swap3A_1514 : i32 to index
          %swap3A_1516 = arith.constant 112 : index
          %swap3A_1517 = tpu.vector_load %arg8[%swap3A_1515, %swap3A_1516] {strides = array<i32>} : memref<8x128xf32, #tpu.memory_space<vmem>>, vector<16xf32>,
          tpu.vector_store %arg8[%swap3A_1515, %swap3A_1516], %get3A_1457 {strides = array<i32>} : memref<8x128xf32, #tpu.memory_space<vmem>>, vector<16xf32>,
          %get3A_1518 = arith.index_cast %scan3A_1149 : i32 to index
          %get3A_1519 = arith.constant 0 : index
          %get3A_1520 = tpu.vector_load %arg5[%get3A_1518, %get3A_1519] {strides = array<i32>} : memref<1000x128xf32, #tpu.memory_space<vmem>>, vector<16xf32>,
          %swap3A_1521 = arith.constant 5 : i32
          %swap3A_1522 = arith.index_cast %swap3A_1521 : i32 to index
          %swap3A_1523 = arith.constant 0 : index
          %swap3A_1524 = tpu.vector_load %arg8[%swap3A_1522, %swap3A_1523] {strides = array<i32>} : memref<8x128xf32, #tpu.memory_space<vmem>>, vector<16xf32>,
          tpu.vector_store %arg8[%swap3A_1522, %swap3A_1523], %get3A_1464 {strides = array<i32>} : memref<8x128xf32, #tpu.memory_space<vmem>>, vector<16xf32>,
          %get3A_1525 = arith.index_cast %scan3A_1149 : i32 to index
          %get3A_1526 = arith.constant 16 : index
          %get3A_1527 = tpu.vector_load %arg5[%get3A_1525, %get3A_1526] {strides = array<i32>} : memref<1000x128xf32, #tpu.memory_space<vmem>>, vector<16xf32>,
          %swap3A_1528 = arith.constant 5 : i32
          %swap3A_1529 = arith.index_cast %swap3A_1528 : i32 to index
          %swap3A_1530 = arith.constant 16 : index
          %swap3A_1531 = tpu.vector_load %arg8[%swap3A_1529, %swap3A_1530] {strides = array<i32>} : memref<8x128xf32, #tpu.memory_space<vmem>>, vector<16xf32>,
          tpu.vector_store %arg8[%swap3A_1529, %swap3A_1530], %get3A_1471 {strides = array<i32>} : memref<8x128xf32, #tpu.memory_space<vmem>>, vector<16xf32>,
          %get3A_1532 = arith.index_cast %scan3A_1149 : i32 to index
          %get3A_1533 = arith.constant 32 : index
          %get3A_1534 = tpu.vector_load %arg5[%get3A_1532, %get3A_1533] {strides = array<i32>} : memref<1000x128xf32, #tpu.memory_space<vmem>>, vector<16xf32>,
          %swap3A_1535 = arith.constant 5 : i32
          %swap3A_1536 = arith.index_cast %swap3A_1535 : i32 to index
          %swap3A_1537 = arith.constant 32 : index
          %swap3A_1538 = tpu.vector_load %arg8[%swap3A_1536, %swap3A_1537] {strides = array<i32>} : memref<8x128xf32, #tpu.memory_space<vmem>>, vector<16xf32>,
          tpu.vector_store %arg8[%swap3A_1536, %swap3A_1537], %get3A_1478 {strides = array<i32>} : memref<8x128xf32, #tpu.memory_space<vmem>>, vector<16xf32>,
          %get3A_1539 = arith.index_cast %scan3A_1149 : i32 to index
          %get3A_1540 = arith.constant 48 : index
          %get3A_1541 = tpu.vector_load %arg5[%get3A_1539, %get3A_1540] {strides = array<i32>} : memref<1000x128xf32, #tpu.memory_space<vmem>>, vector<16xf32>,
          %swap3A_1542 = arith.constant 5 : i32
          %swap3A_1543 = arith.index_cast %swap3A_1542 : i32 to index
          %swap3A_1544 = arith.constant 48 : index
          %swap3A_1545 = tpu.vector_load %arg8[%swap3A_1543, %swap3A_1544] {strides = array<i32>} : memref<8x128xf32, #tpu.memory_space<vmem>>, vector<16xf32>,
          tpu.vector_store %arg8[%swap3A_1543, %swap3A_1544], %get3A_1485 {strides = array<i32>} : memref<8x128xf32, #tpu.memory_space<vmem>>, vector<16xf32>,
          %get3A_1546 = arith.index_cast %scan3A_1149 : i32 to index
          %get3A_1547 = arith.constant 64 : index
          %get3A_1548 = tpu.vector_load %arg5[%get3A_1546, %get3A_1547] {strides = array<i32>} : memref<1000x128xf32, #tpu.memory_space<vmem>>, vector<16xf32>,
          %swap3A_1549 = arith.constant 5 : i32
          %swap3A_1550 = arith.index_cast %swap3A_1549 : i32 to index
          %swap3A_1551 = arith.constant 64 : index
          %swap3A_1552 = tpu.vector_load %arg8[%swap3A_1550, %swap3A_1551] {strides = array<i32>} : memref<8x128xf32, #tpu.memory_space<vmem>>, vector<16xf32>,
          tpu.vector_store %arg8[%swap3A_1550, %swap3A_1551], %get3A_1492 {strides = array<i32>} : memref<8x128xf32, #tpu.memory_space<vmem>>, vector<16xf32>,
          %get3A_1553 = arith.index_cast %scan3A_1149 : i32 to index
          %get3A_1554 = arith.constant 80 : index
          %get3A_1555 = tpu.vector_load %arg5[%get3A_1553, %get3A_1554] {strides = array<i32>} : memref<1000x128xf32, #tpu.memory_space<vmem>>, vector<16xf32>,
          %swap3A_1556 = arith.constant 5 : i32
          %swap3A_1557 = arith.index_cast %swap3A_1556 : i32 to index
          %swap3A_1558 = arith.constant 80 : index
          %swap3A_1559 = tpu.vector_load %arg8[%swap3A_1557, %swap3A_1558] {strides = array<i32>} : memref<8x128xf32, #tpu.memory_space<vmem>>, vector<16xf32>,
          tpu.vector_store %arg8[%swap3A_1557, %swap3A_1558], %get3A_1499 {strides = array<i32>} : memref<8x128xf32, #tpu.memory_space<vmem>>, vector<16xf32>,
          %get3A_1560 = arith.index_cast %scan3A_1149 : i32 to index
          %get3A_1561 = arith.constant 96 : index
          %get3A_1562 = tpu.vector_load %arg5[%get3A_1560, %get3A_1561] {strides = array<i32>} : memref<1000x128xf32, #tpu.memory_space<vmem>>, vector<16xf32>,
          %swap3A_1563 = arith.constant 5 : i32
          %swap3A_1564 = arith.index_cast %swap3A_1563 : i32 to index
          %swap3A_1565 = arith.constant 96 : index
          %swap3A_1566 = tpu.vector_load %arg8[%swap3A_1564, %swap3A_1565] {strides = array<i32>} : memref<8x128xf32, #tpu.memory_space<vmem>>, vector<16xf32>,
          tpu.vector_store %arg8[%swap3A_1564, %swap3A_1565], %get3A_1506 {strides = array<i32>} : memref<8x128xf32, #tpu.memory_space<vmem>>, vector<16xf32>,
          %get3A_1567 = arith.index_cast %scan3A_1149 : i32 to index
          %get3A_1568 = arith.constant 112 : index
          %get3A_1569 = tpu.vector_load %arg5[%get3A_1567, %get3A_1568] {strides = array<i32>} : memref<1000x128xf32, #tpu.memory_space<vmem>>, vector<16xf32>,
          %swap3A_1570 = arith.constant 5 : i32
          %swap3A_1571 = arith.index_cast %swap3A_1570 : i32 to index
          %swap3A_1572 = arith.constant 112 : index
          %swap3A_1573 = tpu.vector_load %arg8[%swap3A_1571, %swap3A_1572] {strides = array<i32>} : memref<8x128xf32, #tpu.memory_space<vmem>>, vector<16xf32>,
          tpu.vector_store %arg8[%swap3A_1571, %swap3A_1572], %get3A_1513 {strides = array<i32>} : memref<8x128xf32, #tpu.memory_space<vmem>>, vector<16xf32>,
          %get3A_1574 = arith.index_cast %scan3A_1150 : i32 to index
          %get3A_1575 = arith.constant 0 : index
          %get3A_1576 = tpu.vector_load %arg5[%get3A_1574, %get3A_1575] {strides = array<i32>} : memref<1000x128xf32, #tpu.memory_space<vmem>>, vector<16xf32>,
          %swap3A_1577 = arith.constant 6 : i32
          %swap3A_1578 = arith.index_cast %swap3A_1577 : i32 to index
          %swap3A_1579 = arith.constant 0 : index
          %swap3A_1580 = tpu.vector_load %arg8[%swap3A_1578, %swap3A_1579] {strides = array<i32>} : memref<8x128xf32, #tpu.memory_space<vmem>>, vector<16xf32>,
          tpu.vector_store %arg8[%swap3A_1578, %swap3A_1579], %get3A_1520 {strides = array<i32>} : memref<8x128xf32, #tpu.memory_space<vmem>>, vector<16xf32>,
          %get3A_1581 = arith.index_cast %scan3A_1150 : i32 to index
          %get3A_1582 = arith.constant 16 : index
          %get3A_1583 = tpu.vector_load %arg5[%get3A_1581, %get3A_1582] {strides = array<i32>} : memref<1000x128xf32, #tpu.memory_space<vmem>>, vector<16xf32>,
          %swap3A_1584 = arith.constant 6 : i32
          %swap3A_1585 = arith.index_cast %swap3A_1584 : i32 to index
          %swap3A_1586 = arith.constant 16 : index
          %swap3A_1587 = tpu.vector_load %arg8[%swap3A_1585, %swap3A_1586] {strides = array<i32>} : memref<8x128xf32, #tpu.memory_space<vmem>>, vector<16xf32>,
          tpu.vector_store %arg8[%swap3A_1585, %swap3A_1586], %get3A_1527 {strides = array<i32>} : memref<8x128xf32, #tpu.memory_space<vmem>>, vector<16xf32>,
          %get3A_1588 = arith.index_cast %scan3A_1150 : i32 to index
          %get3A_1589 = arith.constant 32 : index
          %get3A_1590 = tpu.vector_load %arg5[%get3A_1588, %get3A_1589] {strides = array<i32>} : memref<1000x128xf32, #tpu.memory_space<vmem>>, vector<16xf32>,
          %swap3A_1591 = arith.constant 6 : i32
          %swap3A_1592 = arith.index_cast %swap3A_1591 : i32 to index
          %swap3A_1593 = arith.constant 32 : index
          %swap3A_1594 = tpu.vector_load %arg8[%swap3A_1592, %swap3A_1593] {strides = array<i32>} : memref<8x128xf32, #tpu.memory_space<vmem>>, vector<16xf32>,
          tpu.vector_store %arg8[%swap3A_1592, %swap3A_1593], %get3A_1534 {strides = array<i32>} : memref<8x128xf32, #tpu.memory_space<vmem>>, vector<16xf32>,
          %get3A_1595 = arith.index_cast %scan3A_1150 : i32 to index
          %get3A_1596 = arith.constant 48 : index
          %get3A_1597 = tpu.vector_load %arg5[%get3A_1595, %get3A_1596] {strides = array<i32>} : memref<1000x128xf32, #tpu.memory_space<vmem>>, vector<16xf32>,
          %swap3A_1598 = arith.constant 6 : i32
          %swap3A_1599 = arith.index_cast %swap3A_1598 : i32 to index
          %swap3A_1600 = arith.constant 48 : index
          %swap3A_1601 = tpu.vector_load %arg8[%swap3A_1599, %swap3A_1600] {strides = array<i32>} : memref<8x128xf32, #tpu.memory_space<vmem>>, vector<16xf32>,
          tpu.vector_store %arg8[%swap3A_1599, %swap3A_1600], %get3A_1541 {strides = array<i32>} : memref<8x128xf32, #tpu.memory_space<vmem>>, vector<16xf32>,
          %get3A_1602 = arith.index_cast %scan3A_1150 : i32 to index
          %get3A_1603 = arith.constant 64 : index
          %get3A_1604 = tpu.vector_load %arg5[%get3A_1602, %get3A_1603] {strides = array<i32>} : memref<1000x128xf32, #tpu.memory_space<vmem>>, vector<16xf32>,
          %swap3A_1605 = arith.constant 6 : i32
          %swap3A_1606 = arith.index_cast %swap3A_1605 : i32 to index
          %swap3A_1607 = arith.constant 64 : index
          %swap3A_1608 = tpu.vector_load %arg8[%swap3A_1606, %swap3A_1607] {strides = array<i32>} : memref<8x128xf32, #tpu.memory_space<vmem>>, vector<16xf32>,
          tpu.vector_store %arg8[%swap3A_1606, %swap3A_1607], %get3A_1548 {strides = array<i32>} : memref<8x128xf32, #tpu.memory_space<vmem>>, vector<16xf32>,
          %get3A_1609 = arith.index_cast %scan3A_1150 : i32 to index
          %get3A_1610 = arith.constant 80 : index
          %get3A_1611 = tpu.vector_load %arg5[%get3A_1609, %get3A_1610] {strides = array<i32>} : memref<1000x128xf32, #tpu.memory_space<vmem>>, vector<16xf32>,
          %swap3A_1612 = arith.constant 6 : i32
          %swap3A_1613 = arith.index_cast %swap3A_1612 : i32 to index
          %swap3A_1614 = arith.constant 80 : index
          %swap3A_1615 = tpu.vector_load %arg8[%swap3A_1613, %swap3A_1614] {strides = array<i32>} : memref<8x128xf32, #tpu.memory_space<vmem>>, vector<16xf32>,
          tpu.vector_store %arg8[%swap3A_1613, %swap3A_1614], %get3A_1555 {strides = array<i32>} : memref<8x128xf32, #tpu.memory_space<vmem>>, vector<16xf32>,
          %get3A_1616 = arith.index_cast %scan3A_1150 : i32 to index
          %get3A_1617 = arith.constant 96 : index
          %get3A_1618 = tpu.vector_load %arg5[%get3A_1616, %get3A_1617] {strides = array<i32>} : memref<1000x128xf32, #tpu.memory_space<vmem>>, vector<16xf32>,
          %swap3A_1619 = arith.constant 6 : i32
          %swap3A_1620 = arith.index_cast %swap3A_1619 : i32 to index
          %swap3A_1621 = arith.constant 96 : index
          %swap3A_1622 = tpu.vector_load %arg8[%swap3A_1620, %swap3A_1621] {strides = array<i32>} : memref<8x128xf32, #tpu.memory_space<vmem>>, vector<16xf32>,
          tpu.vector_store %arg8[%swap3A_1620, %swap3A_1621], %get3A_1562 {strides = array<i32>} : memref<8x128xf32, #tpu.memory_space<vmem>>, vector<16xf32>,
          %get3A_1623 = arith.index_cast %scan3A_1150 : i32 to index
          %get3A_1624 = arith.constant 112 : index
          %get3A_1625 = tpu.vector_load %arg5[%get3A_1623, %get3A_1624] {strides = array<i32>} : memref<1000x128xf32, #tpu.memory_space<vmem>>, vector<16xf32>,
          %swap3A_1626 = arith.constant 6 : i32
          %swap3A_1627 = arith.index_cast %swap3A_1626 : i32 to index
          %swap3A_1628 = arith.constant 112 : index
          %swap3A_1629 = tpu.vector_load %arg8[%swap3A_1627, %swap3A_1628] {strides = array<i32>} : memref<8x128xf32, #tpu.memory_space<vmem>>, vector<16xf32>,
          tpu.vector_store %arg8[%swap3A_1627, %swap3A_1628], %get3A_1569 {strides = array<i32>} : memref<8x128xf32, #tpu.memory_space<vmem>>, vector<16xf32>,
          %swap3A_1630 = arith.constant 7 : i32
          %swap3A_1631 = arith.index_cast %swap3A_1630 : i32 to index
          %swap3A_1632 = arith.constant 0 : index
          %swap3A_1633 = tpu.vector_load %arg8[%swap3A_1631, %swap3A_1632] {strides = array<i32>} : memref<8x128xf32, #tpu.memory_space<vmem>>, vector<16xf32>,
          tpu.vector_store %arg8[%swap3A_1631, %swap3A_1632], %get3A_1576 {strides = array<i32>} : memref<8x128xf32, #tpu.memory_space<vmem>>, vector<16xf32>,
          %swap3A_1634 = arith.constant 7 : i32
          %swap3A_1635 = arith.index_cast %swap3A_1634 : i32 to index
          %swap3A_1636 = arith.constant 16 : index
          %swap3A_1637 = tpu.vector_load %arg8[%swap3A_1635, %swap3A_1636] {strides = array<i32>} : memref<8x128xf32, #tpu.memory_space<vmem>>, vector<16xf32>,
          tpu.vector_store %arg8[%swap3A_1635, %swap3A_1636], %get3A_1583 {strides = array<i32>} : memref<8x128xf32, #tpu.memory_space<vmem>>, vector<16xf32>,
          %swap3A_1638 = arith.constant 7 : i32
          %swap3A_1639 = arith.index_cast %swap3A_1638 : i32 to index
          %swap3A_1640 = arith.constant 32 : index
          %swap3A_1641 = tpu.vector_load %arg8[%swap3A_1639, %swap3A_1640] {strides = array<i32>} : memref<8x128xf32, #tpu.memory_space<vmem>>, vector<16xf32>,
          tpu.vector_store %arg8[%swap3A_1639, %swap3A_1640], %get3A_1590 {strides = array<i32>} : memref<8x128xf32, #tpu.memory_space<vmem>>, vector<16xf32>,
          %swap3A_1642 = arith.constant 7 : i32
          %swap3A_1643 = arith.index_cast %swap3A_1642 : i32 to index
          %swap3A_1644 = arith.constant 48 : index
          %swap3A_1645 = tpu.vector_load %arg8[%swap3A_1643, %swap3A_1644] {strides = array<i32>} : memref<8x128xf32, #tpu.memory_space<vmem>>, vector<16xf32>,
          tpu.vector_store %arg8[%swap3A_1643, %swap3A_1644], %get3A_1597 {strides = array<i32>} : memref<8x128xf32, #tpu.memory_space<vmem>>, vector<16xf32>,
          %swap3A_1646 = arith.constant 7 : i32
          %swap3A_1647 = arith.index_cast %swap3A_1646 : i32 to index
          %swap3A_1648 = arith.constant 64 : index
          %swap3A_1649 = tpu.vector_load %arg8[%swap3A_1647, %swap3A_1648] {strides = array<i32>} : memref<8x128xf32, #tpu.memory_space<vmem>>, vector<16xf32>,
          tpu.vector_store %arg8[%swap3A_1647, %swap3A_1648], %get3A_1604 {strides = array<i32>} : memref<8x128xf32, #tpu.memory_space<vmem>>, vector<16xf32>,
          %swap3A_1650 = arith.constant 7 : i32
          %swap3A_1651 = arith.index_cast %swap3A_1650 : i32 to index
          %swap3A_1652 = arith.constant 80 : index
          %swap3A_1653 = tpu.vector_load %arg8[%swap3A_1651, %swap3A_1652] {strides = array<i32>} : memref<8x128xf32, #tpu.memory_space<vmem>>, vector<16xf32>,
          tpu.vector_store %arg8[%swap3A_1651, %swap3A_1652], %get3A_1611 {strides = array<i32>} : memref<8x128xf32, #tpu.memory_space<vmem>>, vector<16xf32>,
          %swap3A_1654 = arith.constant 7 : i32
          %swap3A_1655 = arith.index_cast %swap3A_1654 : i32 to index
          %swap3A_1656 = arith.constant 96 : index
          %swap3A_1657 = tpu.vector_load %arg8[%swap3A_1655, %swap3A_1656] {strides = array<i32>} : memref<8x128xf32, #tpu.memory_space<vmem>>, vector<16xf32>,
          tpu.vector_store %arg8[%swap3A_1655, %swap3A_1656], %get3A_1618 {strides = array<i32>} : memref<8x128xf32, #tpu.memory_space<vmem>>, vector<16xf32>,
          %swap3A_1658 = arith.constant 7 : i32
          %swap3A_1659 = arith.index_cast %swap3A_1658 : i32 to index
          %swap3A_1660 = arith.constant 112 : index
          %swap3A_1661 = tpu.vector_load %arg8[%swap3A_1659, %swap3A_1660] {strides = array<i32>} : memref<8x128xf32, #tpu.memory_space<vmem>>, vector<16xf32>,
          tpu.vector_store %arg8[%swap3A_1659, %swap3A_1660], %get3A_1625 {strides = array<i32>} : memref<8x128xf32, #tpu.memory_space<vmem>>, vector<16xf32>,
          %mul3A_1662 = arith.constant 8 : i32
          %mul3A_1663 = arith.muli %add3A_1207, %mul3A_1662 : i32
          %dma_start3A_1664 = tpu.memref_slice %arg4[%mul3A_1663, %mul3A_11] : memref<10000x16384xf32, #tpu.memory_space<hbm>> -> memref<8x128xf32, #tpu.memory_space<hbm>>
          %dma_start3A_1665 = tpu.memref_slice %arg4[%mul3A_1663, %mul3A_11] : memref<10000x16384xf32, #tpu.memory_space<hbm>> -> memref<8x128xf32, #tpu.memory_space<hbm>>
          tpu.enqueue_dma source(%arg8 : memref<8x128xf32, #tpu.memory_space<vmem>>) target(%dma_start3A_1665 : memref<8x128xf32, #tpu.memory_space<hbm>>) target_semaphore(%arg11 : memref<!tpu.dma_semaphore, #tpu.memory_space<semaphore_mem>>)
          %mul3A_1666 = arith.constant 2 : i32
          %mul3A_1667 = arith.muli %add3A_1030, %mul3A_1666 : i32
          %mul3A_1668 = arith.constant 25 : i32
          %mul3A_1669 = arith.muli %mul3A_1667, %mul3A_1668 : i32
          %mul3A_1670 = arith.constant 2 : i32
          %mul3A_1671 = arith.muli %scan3A_1142, %mul3A_1670 : i32
          %add3A_1672 = arith.addi %mul3A_1669, %mul3A_1671 : i32
          %add3A_1673 = arith.constant 1 : i32
          %add3A_1674 = arith.addi %add3A_1672, %add3A_1673 : i32
          %dma_wait3A_1675 = arith.constant 0 : i32
          %dma_wait3A_1676 = arith.constant 0 : i32
          %dma_wait3A_1677 = tpu.memref_slice %arg4[%dma_wait3A_1675, %dma_wait3A_1676] : memref<10000x16384xf32, #tpu.memory_space<hbm>> -> memref<8x128xf32, #tpu.memory_space<hbm>>
          %dma_wait3A_1678 = arith.constant 0 : i32
          %dma_wait3A_1679 = arith.constant 0 : i32
          %dma_wait3A_1680 = tpu.memref_slice %arg4[%dma_wait3A_1678, %dma_wait3A_1679] : memref<10000x16384xf32, #tpu.memory_space<hbm>> -> memref<8x128xf32, #tpu.memory_space<hbm>>
          tpu.wait_dma2 semaphore(%arg12 : memref<!tpu.dma_semaphore, #tpu.memory_space<semaphore_mem>>) src(%arg9 : memref<8x128xf32, #tpu.memory_space<vmem>>) dst(%dma_wait3A_1680 : memref<8x128xf32, #tpu.memory_space<hbm>>)
          %get3A_1681 = arith.index_cast %scan3A_1151 : i32 to index
          %get3A_1682 = arith.constant 0 : index
          %get3A_1683 = tpu.vector_load %arg5[%get3A_1681, %get3A_1682] {strides = array<i32>} : memref<1000x128xf32, #tpu.memory_space<vmem>>, vector<16xf32>,
          %get3A_1684 = arith.index_cast %scan3A_1151 : i32 to index
          %get3A_1685 = arith.constant 16 : index
          %get3A_1686 = tpu.vector_load %arg5[%get3A_1684, %get3A_1685] {strides = array<i32>} : memref<1000x128xf32, #tpu.memory_space<vmem>>, vector<16xf32>,
          %get3A_1687 = arith.index_cast %scan3A_1151 : i32 to index
          %get3A_1688 = arith.constant 32 : index
          %get3A_1689 = tpu.vector_load %arg5[%get3A_1687, %get3A_1688] {strides = array<i32>} : memref<1000x128xf32, #tpu.memory_space<vmem>>, vector<16xf32>,
          %get3A_1690 = arith.index_cast %scan3A_1151 : i32 to index
          %get3A_1691 = arith.constant 48 : index
          %get3A_1692 = tpu.vector_load %arg5[%get3A_1690, %get3A_1691] {strides = array<i32>} : memref<1000x128xf32, #tpu.memory_space<vmem>>, vector<16xf32>,
          %get3A_1693 = arith.index_cast %scan3A_1151 : i32 to index
          %get3A_1694 = arith.constant 64 : index
          %get3A_1695 = tpu.vector_load %arg5[%get3A_1693, %get3A_1694] {strides = array<i32>} : memref<1000x128xf32, #tpu.memory_space<vmem>>, vector<16xf32>,
          %get3A_1696 = arith.index_cast %scan3A_1151 : i32 to index
          %get3A_1697 = arith.constant 80 : index
          %get3A_1698 = tpu.vector_load %arg5[%get3A_1696, %get3A_1697] {strides = array<i32>} : memref<1000x128xf32, #tpu.memory_space<vmem>>, vector<16xf32>,
          %get3A_1699 = arith.index_cast %scan3A_1151 : i32 to index
          %get3A_1700 = arith.constant 96 : index
          %get3A_1701 = tpu.vector_load %arg5[%get3A_1699, %get3A_1700] {strides = array<i32>} : memref<1000x128xf32, #tpu.memory_space<vmem>>, vector<16xf32>,
          %get3A_1702 = arith.index_cast %scan3A_1151 : i32 to index
          %get3A_1703 = arith.constant 112 : index
          %get3A_1704 = tpu.vector_load %arg5[%get3A_1702, %get3A_1703] {strides = array<i32>} : memref<1000x128xf32, #tpu.memory_space<vmem>>, vector<16xf32>,
          %get3A_1705 = arith.index_cast %scan3A_1152 : i32 to index
          %get3A_1706 = arith.constant 0 : index
          %get3A_1707 = tpu.vector_load %arg5[%get3A_1705, %get3A_1706] {strides = array<i32>} : memref<1000x128xf32, #tpu.memory_space<vmem>>, vector<16xf32>,
          %swap3A_1708 = arith.constant 0 : i32
          %swap3A_1709 = arith.index_cast %swap3A_1708 : i32 to index
          %swap3A_1710 = arith.constant 0 : index
          %swap3A_1711 = tpu.vector_load %arg9[%swap3A_1709, %swap3A_1710] {strides = array<i32>} : memref<8x128xf32, #tpu.memory_space<vmem>>, vector<16xf32>,
          tpu.vector_store %arg9[%swap3A_1709, %swap3A_1710], %get3A_1683 {strides = array<i32>} : memref<8x128xf32, #tpu.memory_space<vmem>>, vector<16xf32>,
          %get3A_1712 = arith.index_cast %scan3A_1152 : i32 to index
          %get3A_1713 = arith.constant 16 : index
          %get3A_1714 = tpu.vector_load %arg5[%get3A_1712, %get3A_1713] {strides = array<i32>} : memref<1000x128xf32, #tpu.memory_space<vmem>>, vector<16xf32>,
          %swap3A_1715 = arith.constant 0 : i32
          %swap3A_1716 = arith.index_cast %swap3A_1715 : i32 to index
          %swap3A_1717 = arith.constant 16 : index
          %swap3A_1718 = tpu.vector_load %arg9[%swap3A_1716, %swap3A_1717] {strides = array<i32>} : memref<8x128xf32, #tpu.memory_space<vmem>>, vector<16xf32>,
          tpu.vector_store %arg9[%swap3A_1716, %swap3A_1717], %get3A_1686 {strides = array<i32>} : memref<8x128xf32, #tpu.memory_space<vmem>>, vector<16xf32>,
          %get3A_1719 = arith.index_cast %scan3A_1152 : i32 to index
          %get3A_1720 = arith.constant 32 : index
          %get3A_1721 = tpu.vector_load %arg5[%get3A_1719, %get3A_1720] {strides = array<i32>} : memref<1000x128xf32, #tpu.memory_space<vmem>>, vector<16xf32>,
          %swap3A_1722 = arith.constant 0 : i32
          %swap3A_1723 = arith.index_cast %swap3A_1722 : i32 to index
          %swap3A_1724 = arith.constant 32 : index
          %swap3A_1725 = tpu.vector_load %arg9[%swap3A_1723, %swap3A_1724] {strides = array<i32>} : memref<8x128xf32, #tpu.memory_space<vmem>>, vector<16xf32>,
          tpu.vector_store %arg9[%swap3A_1723, %swap3A_1724], %get3A_1689 {strides = array<i32>} : memref<8x128xf32, #tpu.memory_space<vmem>>, vector<16xf32>,
          %get3A_1726 = arith.index_cast %scan3A_1152 : i32 to index
          %get3A_1727 = arith.constant 48 : index
          %get3A_1728 = tpu.vector_load %arg5[%get3A_1726, %get3A_1727] {strides = array<i32>} : memref<1000x128xf32, #tpu.memory_space<vmem>>, vector<16xf32>,
          %swap3A_1729 = arith.constant 0 : i32
          %swap3A_1730 = arith.index_cast %swap3A_1729 : i32 to index
          %swap3A_1731 = arith.constant 48 : index
          %swap3A_1732 = tpu.vector_load %arg9[%swap3A_1730, %swap3A_1731] {strides = array<i32>} : memref<8x128xf32, #tpu.memory_space<vmem>>, vector<16xf32>,
          tpu.vector_store %arg9[%swap3A_1730, %swap3A_1731], %get3A_1692 {strides = array<i32>} : memref<8x128xf32, #tpu.memory_space<vmem>>, vector<16xf32>,
          %get3A_1733 = arith.index_cast %scan3A_1152 : i32 to index
          %get3A_1734 = arith.constant 64 : index
          %get3A_1735 = tpu.vector_load %arg5[%get3A_1733, %get3A_1734] {strides = array<i32>} : memref<1000x128xf32, #tpu.memory_space<vmem>>, vector<16xf32>,
          %swap3A_1736 = arith.constant 0 : i32
          %swap3A_1737 = arith.index_cast %swap3A_1736 : i32 to index
          %swap3A_1738 = arith.constant 64 : index
          %swap3A_1739 = tpu.vector_load %arg9[%swap3A_1737, %swap3A_1738] {strides = array<i32>} : memref<8x128xf32, #tpu.memory_space<vmem>>, vector<16xf32>,
          tpu.vector_store %arg9[%swap3A_1737, %swap3A_1738], %get3A_1695 {strides = array<i32>} : memref<8x128xf32, #tpu.memory_space<vmem>>, vector<16xf32>,
          %get3A_1740 = arith.index_cast %scan3A_1152 : i32 to index
          %get3A_1741 = arith.constant 80 : index
          %get3A_1742 = tpu.vector_load %arg5[%get3A_1740, %get3A_1741] {strides = array<i32>} : memref<1000x128xf32, #tpu.memory_space<vmem>>, vector<16xf32>,
          %swap3A_1743 = arith.constant 0 : i32
          %swap3A_1744 = arith.index_cast %swap3A_1743 : i32 to index
          %swap3A_1745 = arith.constant 80 : index
          %swap3A_1746 = tpu.vector_load %arg9[%swap3A_1744, %swap3A_1745] {strides = array<i32>} : memref<8x128xf32, #tpu.memory_space<vmem>>, vector<16xf32>,
          tpu.vector_store %arg9[%swap3A_1744, %swap3A_1745], %get3A_1698 {strides = array<i32>} : memref<8x128xf32, #tpu.memory_space<vmem>>, vector<16xf32>,
          %get3A_1747 = arith.index_cast %scan3A_1152 : i32 to index
          %get3A_1748 = arith.constant 96 : index
          %get3A_1749 = tpu.vector_load %arg5[%get3A_1747, %get3A_1748] {strides = array<i32>} : memref<1000x128xf32, #tpu.memory_space<vmem>>, vector<16xf32>,
          %swap3A_1750 = arith.constant 0 : i32
          %swap3A_1751 = arith.index_cast %swap3A_1750 : i32 to index
          %swap3A_1752 = arith.constant 96 : index
          %swap3A_1753 = tpu.vector_load %arg9[%swap3A_1751, %swap3A_1752] {strides = array<i32>} : memref<8x128xf32, #tpu.memory_space<vmem>>, vector<16xf32>,
          tpu.vector_store %arg9[%swap3A_1751, %swap3A_1752], %get3A_1701 {strides = array<i32>} : memref<8x128xf32, #tpu.memory_space<vmem>>, vector<16xf32>,
          %get3A_1754 = arith.index_cast %scan3A_1152 : i32 to index
          %get3A_1755 = arith.constant 112 : index
          %get3A_1756 = tpu.vector_load %arg5[%get3A_1754, %get3A_1755] {strides = array<i32>} : memref<1000x128xf32, #tpu.memory_space<vmem>>, vector<16xf32>,
          %swap3A_1757 = arith.constant 0 : i32
          %swap3A_1758 = arith.index_cast %swap3A_1757 : i32 to index
          %swap3A_1759 = arith.constant 112 : index
          %swap3A_1760 = tpu.vector_load %arg9[%swap3A_1758, %swap3A_1759] {strides = array<i32>} : memref<8x128xf32, #tpu.memory_space<vmem>>, vector<16xf32>,
          tpu.vector_store %arg9[%swap3A_1758, %swap3A_1759], %get3A_1704 {strides = array<i32>} : memref<8x128xf32, #tpu.memory_space<vmem>>, vector<16xf32>,
          %get3A_1761 = arith.index_cast %scan3A_1153 : i32 to index
          %get3A_1762 = arith.constant 0 : index
          %get3A_1763 = tpu.vector_load %arg5[%get3A_1761, %get3A_1762] {strides = array<i32>} : memref<1000x128xf32, #tpu.memory_space<vmem>>, vector<16xf32>,
          %swap3A_1764 = arith.constant 1 : i32
          %swap3A_1765 = arith.index_cast %swap3A_1764 : i32 to index
          %swap3A_1766 = arith.constant 0 : index
          %swap3A_1767 = tpu.vector_load %arg9[%swap3A_1765, %swap3A_1766] {strides = array<i32>} : memref<8x128xf32, #tpu.memory_space<vmem>>, vector<16xf32>,
          tpu.vector_store %arg9[%swap3A_1765, %swap3A_1766], %get3A_1707 {strides = array<i32>} : memref<8x128xf32, #tpu.memory_space<vmem>>, vector<16xf32>,
          %get3A_1768 = arith.index_cast %scan3A_1153 : i32 to index
          %get3A_1769 = arith.constant 16 : index
          %get3A_1770 = tpu.vector_load %arg5[%get3A_1768, %get3A_1769] {strides = array<i32>} : memref<1000x128xf32, #tpu.memory_space<vmem>>, vector<16xf32>,
          %swap3A_1771 = arith.constant 1 : i32
          %swap3A_1772 = arith.index_cast %swap3A_1771 : i32 to index
          %swap3A_1773 = arith.constant 16 : index
          %swap3A_1774 = tpu.vector_load %arg9[%swap3A_1772, %swap3A_1773] {strides = array<i32>} : memref<8x128xf32, #tpu.memory_space<vmem>>, vector<16xf32>,
          tpu.vector_store %arg9[%swap3A_1772, %swap3A_1773], %get3A_1714 {strides = array<i32>} : memref<8x128xf32, #tpu.memory_space<vmem>>, vector<16xf32>,
          %get3A_1775 = arith.index_cast %scan3A_1153 : i32 to index
          %get3A_1776 = arith.constant 32 : index
          %get3A_1777 = tpu.vector_load %arg5[%get3A_1775, %get3A_1776] {strides = array<i32>} : memref<1000x128xf32, #tpu.memory_space<vmem>>, vector<16xf32>,
          %swap3A_1778 = arith.constant 1 : i32
          %swap3A_1779 = arith.index_cast %swap3A_1778 : i32 to index
          %swap3A_1780 = arith.constant 32 : index
          %swap3A_1781 = tpu.vector_load %arg9[%swap3A_1779, %swap3A_1780] {strides = array<i32>} : memref<8x128xf32, #tpu.memory_space<vmem>>, vector<16xf32>,
          tpu.vector_store %arg9[%swap3A_1779, %swap3A_1780], %get3A_1721 {strides = array<i32>} : memref<8x128xf32, #tpu.memory_space<vmem>>, vector<16xf32>,
          %get3A_1782 = arith.index_cast %scan3A_1153 : i32 to index
          %get3A_1783 = arith.constant 48 : index
          %get3A_1784 = tpu.vector_load %arg5[%get3A_1782, %get3A_1783] {strides = array<i32>} : memref<1000x128xf32, #tpu.memory_space<vmem>>, vector<16xf32>,
          %swap3A_1785 = arith.constant 1 : i32
          %swap3A_1786 = arith.index_cast %swap3A_1785 : i32 to index
          %swap3A_1787 = arith.constant 48 : index
          %swap3A_1788 = tpu.vector_load %arg9[%swap3A_1786, %swap3A_1787] {strides = array<i32>} : memref<8x128xf32, #tpu.memory_space<vmem>>, vector<16xf32>,
          tpu.vector_store %arg9[%swap3A_1786, %swap3A_1787], %get3A_1728 {strides = array<i32>} : memref<8x128xf32, #tpu.memory_space<vmem>>, vector<16xf32>,
          %get3A_1789 = arith.index_cast %scan3A_1153 : i32 to index
          %get3A_1790 = arith.constant 64 : index
          %get3A_1791 = tpu.vector_load %arg5[%get3A_1789, %get3A_1790] {strides = array<i32>} : memref<1000x128xf32, #tpu.memory_space<vmem>>, vector<16xf32>,
          %swap3A_1792 = arith.constant 1 : i32
          %swap3A_1793 = arith.index_cast %swap3A_1792 : i32 to index
          %swap3A_1794 = arith.constant 64 : index
          %swap3A_1795 = tpu.vector_load %arg9[%swap3A_1793, %swap3A_1794] {strides = array<i32>} : memref<8x128xf32, #tpu.memory_space<vmem>>, vector<16xf32>,
          tpu.vector_store %arg9[%swap3A_1793, %swap3A_1794], %get3A_1735 {strides = array<i32>} : memref<8x128xf32, #tpu.memory_space<vmem>>, vector<16xf32>,
          %get3A_1796 = arith.index_cast %scan3A_1153 : i32 to index
          %get3A_1797 = arith.constant 80 : index
          %get3A_1798 = tpu.vector_load %arg5[%get3A_1796, %get3A_1797] {strides = array<i32>} : memref<1000x128xf32, #tpu.memory_space<vmem>>, vector<16xf32>,
          %swap3A_1799 = arith.constant 1 : i32
          %swap3A_1800 = arith.index_cast %swap3A_1799 : i32 to index
          %swap3A_1801 = arith.constant 80 : index
          %swap3A_1802 = tpu.vector_load %arg9[%swap3A_1800, %swap3A_1801] {strides = array<i32>} : memref<8x128xf32, #tpu.memory_space<vmem>>, vector<16xf32>,
          tpu.vector_store %arg9[%swap3A_1800, %swap3A_1801], %get3A_1742 {strides = array<i32>} : memref<8x128xf32, #tpu.memory_space<vmem>>, vector<16xf32>,
          %get3A_1803 = arith.index_cast %scan3A_1153 : i32 to index
          %get3A_1804 = arith.constant 96 : index
          %get3A_1805 = tpu.vector_load %arg5[%get3A_1803, %get3A_1804] {strides = array<i32>} : memref<1000x128xf32, #tpu.memory_space<vmem>>, vector<16xf32>,
          %swap3A_1806 = arith.constant 1 : i32
          %swap3A_1807 = arith.index_cast %swap3A_1806 : i32 to index
          %swap3A_1808 = arith.constant 96 : index
          %swap3A_1809 = tpu.vector_load %arg9[%swap3A_1807, %swap3A_1808] {strides = array<i32>} : memref<8x128xf32, #tpu.memory_space<vmem>>, vector<16xf32>,
          tpu.vector_store %arg9[%swap3A_1807, %swap3A_1808], %get3A_1749 {strides = array<i32>} : memref<8x128xf32, #tpu.memory_space<vmem>>, vector<16xf32>,
          %get3A_1810 = arith.index_cast %scan3A_1153 : i32 to index
          %get3A_1811 = arith.constant 112 : index
          %get3A_1812 = tpu.vector_load %arg5[%get3A_1810, %get3A_1811] {strides = array<i32>} : memref<1000x128xf32, #tpu.memory_space<vmem>>, vector<16xf32>,
          %swap3A_1813 = arith.constant 1 : i32
          %swap3A_1814 = arith.index_cast %swap3A_1813 : i32 to index
          %swap3A_1815 = arith.constant 112 : index
          %swap3A_1816 = tpu.vector_load %arg9[%swap3A_1814, %swap3A_1815] {strides = array<i32>} : memref<8x128xf32, #tpu.memory_space<vmem>>, vector<16xf32>,
          tpu.vector_store %arg9[%swap3A_1814, %swap3A_1815], %get3A_1756 {strides = array<i32>} : memref<8x128xf32, #tpu.memory_space<vmem>>, vector<16xf32>,
          %get3A_1817 = arith.index_cast %scan3A_1154 : i32 to index
          %get3A_1818 = arith.constant 0 : index
          %get3A_1819 = tpu.vector_load %arg5[%get3A_1817, %get3A_1818] {strides = array<i32>} : memref<1000x128xf32, #tpu.memory_space<vmem>>, vector<16xf32>,
          %swap3A_1820 = arith.constant 2 : i32
          %swap3A_1821 = arith.index_cast %swap3A_1820 : i32 to index
          %swap3A_1822 = arith.constant 0 : index
          %swap3A_1823 = tpu.vector_load %arg9[%swap3A_1821, %swap3A_1822] {strides = array<i32>} : memref<8x128xf32, #tpu.memory_space<vmem>>, vector<16xf32>,
          tpu.vector_store %arg9[%swap3A_1821, %swap3A_1822], %get3A_1763 {strides = array<i32>} : memref<8x128xf32, #tpu.memory_space<vmem>>, vector<16xf32>,
          %get3A_1824 = arith.index_cast %scan3A_1154 : i32 to index
          %get3A_1825 = arith.constant 16 : index
          %get3A_1826 = tpu.vector_load %arg5[%get3A_1824, %get3A_1825] {strides = array<i32>} : memref<1000x128xf32, #tpu.memory_space<vmem>>, vector<16xf32>,
          %swap3A_1827 = arith.constant 2 : i32
          %swap3A_1828 = arith.index_cast %swap3A_1827 : i32 to index
          %swap3A_1829 = arith.constant 16 : index
          %swap3A_1830 = tpu.vector_load %arg9[%swap3A_1828, %swap3A_1829] {strides = array<i32>} : memref<8x128xf32, #tpu.memory_space<vmem>>, vector<16xf32>,
          tpu.vector_store %arg9[%swap3A_1828, %swap3A_1829], %get3A_1770 {strides = array<i32>} : memref<8x128xf32, #tpu.memory_space<vmem>>, vector<16xf32>,
          %get3A_1831 = arith.index_cast %scan3A_1154 : i32 to index
          %get3A_1832 = arith.constant 32 : index
          %get3A_1833 = tpu.vector_load %arg5[%get3A_1831, %get3A_1832] {strides = array<i32>} : memref<1000x128xf32, #tpu.memory_space<vmem>>, vector<16xf32>,
          %swap3A_1834 = arith.constant 2 : i32
          %swap3A_1835 = arith.index_cast %swap3A_1834 : i32 to index
          %swap3A_1836 = arith.constant 32 : index
          %swap3A_1837 = tpu.vector_load %arg9[%swap3A_1835, %swap3A_1836] {strides = array<i32>} : memref<8x128xf32, #tpu.memory_space<vmem>>, vector<16xf32>,
          tpu.vector_store %arg9[%swap3A_1835, %swap3A_1836], %get3A_1777 {strides = array<i32>} : memref<8x128xf32, #tpu.memory_space<vmem>>, vector<16xf32>,
          %get3A_1838 = arith.index_cast %scan3A_1154 : i32 to index
          %get3A_1839 = arith.constant 48 : index
          %get3A_1840 = tpu.vector_load %arg5[%get3A_1838, %get3A_1839] {strides = array<i32>} : memref<1000x128xf32, #tpu.memory_space<vmem>>, vector<16xf32>,
          %swap3A_1841 = arith.constant 2 : i32
          %swap3A_1842 = arith.index_cast %swap3A_1841 : i32 to index
          %swap3A_1843 = arith.constant 48 : index
          %swap3A_1844 = tpu.vector_load %arg9[%swap3A_1842, %swap3A_1843] {strides = array<i32>} : memref<8x128xf32, #tpu.memory_space<vmem>>, vector<16xf32>,
          tpu.vector_store %arg9[%swap3A_1842, %swap3A_1843], %get3A_1784 {strides = array<i32>} : memref<8x128xf32, #tpu.memory_space<vmem>>, vector<16xf32>,
          %get3A_1845 = arith.index_cast %scan3A_1154 : i32 to index
          %get3A_1846 = arith.constant 64 : index
          %get3A_1847 = tpu.vector_load %arg5[%get3A_1845, %get3A_1846] {strides = array<i32>} : memref<1000x128xf32, #tpu.memory_space<vmem>>, vector<16xf32>,
          %swap3A_1848 = arith.constant 2 : i32
          %swap3A_1849 = arith.index_cast %swap3A_1848 : i32 to index
          %swap3A_1850 = arith.constant 64 : index
          %swap3A_1851 = tpu.vector_load %arg9[%swap3A_1849, %swap3A_1850] {strides = array<i32>} : memref<8x128xf32, #tpu.memory_space<vmem>>, vector<16xf32>,
          tpu.vector_store %arg9[%swap3A_1849, %swap3A_1850], %get3A_1791 {strides = array<i32>} : memref<8x128xf32, #tpu.memory_space<vmem>>, vector<16xf32>,
          %get3A_1852 = arith.index_cast %scan3A_1154 : i32 to index
          %get3A_1853 = arith.constant 80 : index
          %get3A_1854 = tpu.vector_load %arg5[%get3A_1852, %get3A_1853] {strides = array<i32>} : memref<1000x128xf32, #tpu.memory_space<vmem>>, vector<16xf32>,
          %swap3A_1855 = arith.constant 2 : i32
          %swap3A_1856 = arith.index_cast %swap3A_1855 : i32 to index
          %swap3A_1857 = arith.constant 80 : index
          %swap3A_1858 = tpu.vector_load %arg9[%swap3A_1856, %swap3A_1857] {strides = array<i32>} : memref<8x128xf32, #tpu.memory_space<vmem>>, vector<16xf32>,
          tpu.vector_store %arg9[%swap3A_1856, %swap3A_1857], %get3A_1798 {strides = array<i32>} : memref<8x128xf32, #tpu.memory_space<vmem>>, vector<16xf32>,
          %get3A_1859 = arith.index_cast %scan3A_1154 : i32 to index
          %get3A_1860 = arith.constant 96 : index
          %get3A_1861 = tpu.vector_load %arg5[%get3A_1859, %get3A_1860] {strides = array<i32>} : memref<1000x128xf32, #tpu.memory_space<vmem>>, vector<16xf32>,
          %swap3A_1862 = arith.constant 2 : i32
          %swap3A_1863 = arith.index_cast %swap3A_1862 : i32 to index
          %swap3A_1864 = arith.constant 96 : index
          %swap3A_1865 = tpu.vector_load %arg9[%swap3A_1863, %swap3A_1864] {strides = array<i32>} : memref<8x128xf32, #tpu.memory_space<vmem>>, vector<16xf32>,
          tpu.vector_store %arg9[%swap3A_1863, %swap3A_1864], %get3A_1805 {strides = array<i32>} : memref<8x128xf32, #tpu.memory_space<vmem>>, vector<16xf32>,
          %get3A_1866 = arith.index_cast %scan3A_1154 : i32 to index
          %get3A_1867 = arith.constant 112 : index
          %get3A_1868 = tpu.vector_load %arg5[%get3A_1866, %get3A_1867] {strides = array<i32>} : memref<1000x128xf32, #tpu.memory_space<vmem>>, vector<16xf32>,
          %swap3A_1869 = arith.constant 2 : i32
          %swap3A_1870 = arith.index_cast %swap3A_1869 : i32 to index
          %swap3A_1871 = arith.constant 112 : index
          %swap3A_1872 = tpu.vector_load %arg9[%swap3A_1870, %swap3A_1871] {strides = array<i32>} : memref<8x128xf32, #tpu.memory_space<vmem>>, vector<16xf32>,
          tpu.vector_store %arg9[%swap3A_1870, %swap3A_1871], %get3A_1812 {strides = array<i32>} : memref<8x128xf32, #tpu.memory_space<vmem>>, vector<16xf32>,
          %get3A_1873 = arith.index_cast %scan3A_1155 : i32 to index
          %get3A_1874 = arith.constant 0 : index
          %get3A_1875 = tpu.vector_load %arg5[%get3A_1873, %get3A_1874] {strides = array<i32>} : memref<1000x128xf32, #tpu.memory_space<vmem>>, vector<16xf32>,
          %swap3A_1876 = arith.constant 3 : i32
          %swap3A_1877 = arith.index_cast %swap3A_1876 : i32 to index
          %swap3A_1878 = arith.constant 0 : index
          %swap3A_1879 = tpu.vector_load %arg9[%swap3A_1877, %swap3A_1878] {strides = array<i32>} : memref<8x128xf32, #tpu.memory_space<vmem>>, vector<16xf32>,
          tpu.vector_store %arg9[%swap3A_1877, %swap3A_1878], %get3A_1819 {strides = array<i32>} : memref<8x128xf32, #tpu.memory_space<vmem>>, vector<16xf32>,
          %get3A_1880 = arith.index_cast %scan3A_1155 : i32 to index
          %get3A_1881 = arith.constant 16 : index
          %get3A_1882 = tpu.vector_load %arg5[%get3A_1880, %get3A_1881] {strides = array<i32>} : memref<1000x128xf32, #tpu.memory_space<vmem>>, vector<16xf32>,
          %swap3A_1883 = arith.constant 3 : i32
          %swap3A_1884 = arith.index_cast %swap3A_1883 : i32 to index
          %swap3A_1885 = arith.constant 16 : index
          %swap3A_1886 = tpu.vector_load %arg9[%swap3A_1884, %swap3A_1885] {strides = array<i32>} : memref<8x128xf32, #tpu.memory_space<vmem>>, vector<16xf32>,
          tpu.vector_store %arg9[%swap3A_1884, %swap3A_1885], %get3A_1826 {strides = array<i32>} : memref<8x128xf32, #tpu.memory_space<vmem>>, vector<16xf32>,
          %get3A_1887 = arith.index_cast %scan3A_1155 : i32 to index
          %get3A_1888 = arith.constant 32 : index
          %get3A_1889 = tpu.vector_load %arg5[%get3A_1887, %get3A_1888] {strides = array<i32>} : memref<1000x128xf32, #tpu.memory_space<vmem>>, vector<16xf32>,
          %swap3A_1890 = arith.constant 3 : i32
          %swap3A_1891 = arith.index_cast %swap3A_1890 : i32 to index
          %swap3A_1892 = arith.constant 32 : index
          %swap3A_1893 = tpu.vector_load %arg9[%swap3A_1891, %swap3A_1892] {strides = array<i32>} : memref<8x128xf32, #tpu.memory_space<vmem>>, vector<16xf32>,
          tpu.vector_store %arg9[%swap3A_1891, %swap3A_1892], %get3A_1833 {strides = array<i32>} : memref<8x128xf32, #tpu.memory_space<vmem>>, vector<16xf32>,
          %get3A_1894 = arith.index_cast %scan3A_1155 : i32 to index
          %get3A_1895 = arith.constant 48 : index
          %get3A_1896 = tpu.vector_load %arg5[%get3A_1894, %get3A_1895] {strides = array<i32>} : memref<1000x128xf32, #tpu.memory_space<vmem>>, vector<16xf32>,
          %swap3A_1897 = arith.constant 3 : i32
          %swap3A_1898 = arith.index_cast %swap3A_1897 : i32 to index
          %swap3A_1899 = arith.constant 48 : index
          %swap3A_1900 = tpu.vector_load %arg9[%swap3A_1898, %swap3A_1899] {strides = array<i32>} : memref<8x128xf32, #tpu.memory_space<vmem>>, vector<16xf32>,
          tpu.vector_store %arg9[%swap3A_1898, %swap3A_1899], %get3A_1840 {strides = array<i32>} : memref<8x128xf32, #tpu.memory_space<vmem>>, vector<16xf32>,
          %get3A_1901 = arith.index_cast %scan3A_1155 : i32 to index
          %get3A_1902 = arith.constant 64 : index
          %get3A_1903 = tpu.vector_load %arg5[%get3A_1901, %get3A_1902] {strides = array<i32>} : memref<1000x128xf32, #tpu.memory_space<vmem>>, vector<16xf32>,
          %swap3A_1904 = arith.constant 3 : i32
          %swap3A_1905 = arith.index_cast %swap3A_1904 : i32 to index
          %swap3A_1906 = arith.constant 64 : index
          %swap3A_1907 = tpu.vector_load %arg9[%swap3A_1905, %swap3A_1906] {strides = array<i32>} : memref<8x128xf32, #tpu.memory_space<vmem>>, vector<16xf32>,
          tpu.vector_store %arg9[%swap3A_1905, %swap3A_1906], %get3A_1847 {strides = array<i32>} : memref<8x128xf32, #tpu.memory_space<vmem>>, vector<16xf32>,
          %get3A_1908 = arith.index_cast %scan3A_1155 : i32 to index
          %get3A_1909 = arith.constant 80 : index
          %get3A_1910 = tpu.vector_load %arg5[%get3A_1908, %get3A_1909] {strides = array<i32>} : memref<1000x128xf32, #tpu.memory_space<vmem>>, vector<16xf32>,
          %swap3A_1911 = arith.constant 3 : i32
          %swap3A_1912 = arith.index_cast %swap3A_1911 : i32 to index
          %swap3A_1913 = arith.constant 80 : index
          %swap3A_1914 = tpu.vector_load %arg9[%swap3A_1912, %swap3A_1913] {strides = array<i32>} : memref<8x128xf32, #tpu.memory_space<vmem>>, vector<16xf32>,
          tpu.vector_store %arg9[%swap3A_1912, %swap3A_1913], %get3A_1854 {strides = array<i32>} : memref<8x128xf32, #tpu.memory_space<vmem>>, vector<16xf32>,
          %get3A_1915 = arith.index_cast %scan3A_1155 : i32 to index
          %get3A_1916 = arith.constant 96 : index
          %get3A_1917 = tpu.vector_load %arg5[%get3A_1915, %get3A_1916] {strides = array<i32>} : memref<1000x128xf32, #tpu.memory_space<vmem>>, vector<16xf32>,
          %swap3A_1918 = arith.constant 3 : i32
          %swap3A_1919 = arith.index_cast %swap3A_1918 : i32 to index
          %swap3A_1920 = arith.constant 96 : index
          %swap3A_1921 = tpu.vector_load %arg9[%swap3A_1919, %swap3A_1920] {strides = array<i32>} : memref<8x128xf32, #tpu.memory_space<vmem>>, vector<16xf32>,
          tpu.vector_store %arg9[%swap3A_1919, %swap3A_1920], %get3A_1861 {strides = array<i32>} : memref<8x128xf32, #tpu.memory_space<vmem>>, vector<16xf32>,
          %get3A_1922 = arith.index_cast %scan3A_1155 : i32 to index
          %get3A_1923 = arith.constant 112 : index
          %get3A_1924 = tpu.vector_load %arg5[%get3A_1922, %get3A_1923] {strides = array<i32>} : memref<1000x128xf32, #tpu.memory_space<vmem>>, vector<16xf32>,
          %swap3A_1925 = arith.constant 3 : i32
          %swap3A_1926 = arith.index_cast %swap3A_1925 : i32 to index
          %swap3A_1927 = arith.constant 112 : index
          %swap3A_1928 = tpu.vector_load %arg9[%swap3A_1926, %swap3A_1927] {strides = array<i32>} : memref<8x128xf32, #tpu.memory_space<vmem>>, vector<16xf32>,
          tpu.vector_store %arg9[%swap3A_1926, %swap3A_1927], %get3A_1868 {strides = array<i32>} : memref<8x128xf32, #tpu.memory_space<vmem>>, vector<16xf32>,
          %get3A_1929 = arith.index_cast %scan3A_1156 : i32 to index
          %get3A_1930 = arith.constant 0 : index
          %get3A_1931 = tpu.vector_load %arg5[%get3A_1929, %get3A_1930] {strides = array<i32>} : memref<1000x128xf32, #tpu.memory_space<vmem>>, vector<16xf32>,
          %swap3A_1932 = arith.constant 4 : i32
          %swap3A_1933 = arith.index_cast %swap3A_1932 : i32 to index
          %swap3A_1934 = arith.constant 0 : index
          %swap3A_1935 = tpu.vector_load %arg9[%swap3A_1933, %swap3A_1934] {strides = array<i32>} : memref<8x128xf32, #tpu.memory_space<vmem>>, vector<16xf32>,
          tpu.vector_store %arg9[%swap3A_1933, %swap3A_1934], %get3A_1875 {strides = array<i32>} : memref<8x128xf32, #tpu.memory_space<vmem>>, vector<16xf32>,
          %get3A_1936 = arith.index_cast %scan3A_1156 : i32 to index
          %get3A_1937 = arith.constant 16 : index
          %get3A_1938 = tpu.vector_load %arg5[%get3A_1936, %get3A_1937] {strides = array<i32>} : memref<1000x128xf32, #tpu.memory_space<vmem>>, vector<16xf32>,
          %swap3A_1939 = arith.constant 4 : i32
          %swap3A_1940 = arith.index_cast %swap3A_1939 : i32 to index
          %swap3A_1941 = arith.constant 16 : index
          %swap3A_1942 = tpu.vector_load %arg9[%swap3A_1940, %swap3A_1941] {strides = array<i32>} : memref<8x128xf32, #tpu.memory_space<vmem>>, vector<16xf32>,
          tpu.vector_store %arg9[%swap3A_1940, %swap3A_1941], %get3A_1882 {strides = array<i32>} : memref<8x128xf32, #tpu.memory_space<vmem>>, vector<16xf32>,
          %get3A_1943 = arith.index_cast %scan3A_1156 : i32 to index
          %get3A_1944 = arith.constant 32 : index
          %get3A_1945 = tpu.vector_load %arg5[%get3A_1943, %get3A_1944] {strides = array<i32>} : memref<1000x128xf32, #tpu.memory_space<vmem>>, vector<16xf32>,
          %swap3A_1946 = arith.constant 4 : i32
          %swap3A_1947 = arith.index_cast %swap3A_1946 : i32 to index
          %swap3A_1948 = arith.constant 32 : index
          %swap3A_1949 = tpu.vector_load %arg9[%swap3A_1947, %swap3A_1948] {strides = array<i32>} : memref<8x128xf32, #tpu.memory_space<vmem>>, vector<16xf32>,
          tpu.vector_store %arg9[%swap3A_1947, %swap3A_1948], %get3A_1889 {strides = array<i32>} : memref<8x128xf32, #tpu.memory_space<vmem>>, vector<16xf32>,
          %get3A_1950 = arith.index_cast %scan3A_1156 : i32 to index
          %get3A_1951 = arith.constant 48 : index
          %get3A_1952 = tpu.vector_load %arg5[%get3A_1950, %get3A_1951] {strides = array<i32>} : memref<1000x128xf32, #tpu.memory_space<vmem>>, vector<16xf32>,
          %swap3A_1953 = arith.constant 4 : i32
          %swap3A_1954 = arith.index_cast %swap3A_1953 : i32 to index
          %swap3A_1955 = arith.constant 48 : index
          %swap3A_1956 = tpu.vector_load %arg9[%swap3A_1954, %swap3A_1955] {strides = array<i32>} : memref<8x128xf32, #tpu.memory_space<vmem>>, vector<16xf32>,
          tpu.vector_store %arg9[%swap3A_1954, %swap3A_1955], %get3A_1896 {strides = array<i32>} : memref<8x128xf32, #tpu.memory_space<vmem>>, vector<16xf32>,
          %get3A_1957 = arith.index_cast %scan3A_1156 : i32 to index
          %get3A_1958 = arith.constant 64 : index
          %get3A_1959 = tpu.vector_load %arg5[%get3A_1957, %get3A_1958] {strides = array<i32>} : memref<1000x128xf32, #tpu.memory_space<vmem>>, vector<16xf32>,
          %swap3A_1960 = arith.constant 4 : i32
          %swap3A_1961 = arith.index_cast %swap3A_1960 : i32 to index
          %swap3A_1962 = arith.constant 64 : index
          %swap3A_1963 = tpu.vector_load %arg9[%swap3A_1961, %swap3A_1962] {strides = array<i32>} : memref<8x128xf32, #tpu.memory_space<vmem>>, vector<16xf32>,
          tpu.vector_store %arg9[%swap3A_1961, %swap3A_1962], %get3A_1903 {strides = array<i32>} : memref<8x128xf32, #tpu.memory_space<vmem>>, vector<16xf32>,
          %get3A_1964 = arith.index_cast %scan3A_1156 : i32 to index
          %get3A_1965 = arith.constant 80 : index
          %get3A_1966 = tpu.vector_load %arg5[%get3A_1964, %get3A_1965] {strides = array<i32>} : memref<1000x128xf32, #tpu.memory_space<vmem>>, vector<16xf32>,
          %swap3A_1967 = arith.constant 4 : i32
          %swap3A_1968 = arith.index_cast %swap3A_1967 : i32 to index
          %swap3A_1969 = arith.constant 80 : index
          %swap3A_1970 = tpu.vector_load %arg9[%swap3A_1968, %swap3A_1969] {strides = array<i32>} : memref<8x128xf32, #tpu.memory_space<vmem>>, vector<16xf32>,
          tpu.vector_store %arg9[%swap3A_1968, %swap3A_1969], %get3A_1910 {strides = array<i32>} : memref<8x128xf32, #tpu.memory_space<vmem>>, vector<16xf32>,
          %get3A_1971 = arith.index_cast %scan3A_1156 : i32 to index
          %get3A_1972 = arith.constant 96 : index
          %get3A_1973 = tpu.vector_load %arg5[%get3A_1971, %get3A_1972] {strides = array<i32>} : memref<1000x128xf32, #tpu.memory_space<vmem>>, vector<16xf32>,
          %swap3A_1974 = arith.constant 4 : i32
          %swap3A_1975 = arith.index_cast %swap3A_1974 : i32 to index
          %swap3A_1976 = arith.constant 96 : index
          %swap3A_1977 = tpu.vector_load %arg9[%swap3A_1975, %swap3A_1976] {strides = array<i32>} : memref<8x128xf32, #tpu.memory_space<vmem>>, vector<16xf32>,
          tpu.vector_store %arg9[%swap3A_1975, %swap3A_1976], %get3A_1917 {strides = array<i32>} : memref<8x128xf32, #tpu.memory_space<vmem>>, vector<16xf32>,
          %get3A_1978 = arith.index_cast %scan3A_1156 : i32 to index
          %get3A_1979 = arith.constant 112 : index
          %get3A_1980 = tpu.vector_load %arg5[%get3A_1978, %get3A_1979] {strides = array<i32>} : memref<1000x128xf32, #tpu.memory_space<vmem>>, vector<16xf32>,
          %swap3A_1981 = arith.constant 4 : i32
          %swap3A_1982 = arith.index_cast %swap3A_1981 : i32 to index
          %swap3A_1983 = arith.constant 112 : index
          %swap3A_1984 = tpu.vector_load %arg9[%swap3A_1982, %swap3A_1983] {strides = array<i32>} : memref<8x128xf32, #tpu.memory_space<vmem>>, vector<16xf32>,
          tpu.vector_store %arg9[%swap3A_1982, %swap3A_1983], %get3A_1924 {strides = array<i32>} : memref<8x128xf32, #tpu.memory_space<vmem>>, vector<16xf32>,
          %get3A_1985 = arith.index_cast %scan3A_1157 : i32 to index
          %get3A_1986 = arith.constant 0 : index
          %get3A_1987 = tpu.vector_load %arg5[%get3A_1985, %get3A_1986] {strides = array<i32>} : memref<1000x128xf32, #tpu.memory_space<vmem>>, vector<16xf32>,
          %swap3A_1988 = arith.constant 5 : i32
          %swap3A_1989 = arith.index_cast %swap3A_1988 : i32 to index
          %swap3A_1990 = arith.constant 0 : index
          %swap3A_1991 = tpu.vector_load %arg9[%swap3A_1989, %swap3A_1990] {strides = array<i32>} : memref<8x128xf32, #tpu.memory_space<vmem>>, vector<16xf32>,
          tpu.vector_store %arg9[%swap3A_1989, %swap3A_1990], %get3A_1931 {strides = array<i32>} : memref<8x128xf32, #tpu.memory_space<vmem>>, vector<16xf32>,
          %get3A_1992 = arith.index_cast %scan3A_1157 : i32 to index
          %get3A_1993 = arith.constant 16 : index
          %get3A_1994 = tpu.vector_load %arg5[%get3A_1992, %get3A_1993] {strides = array<i32>} : memref<1000x128xf32, #tpu.memory_space<vmem>>, vector<16xf32>,
          %swap3A_1995 = arith.constant 5 : i32
          %swap3A_1996 = arith.index_cast %swap3A_1995 : i32 to index
          %swap3A_1997 = arith.constant 16 : index
          %swap3A_1998 = tpu.vector_load %arg9[%swap3A_1996, %swap3A_1997] {strides = array<i32>} : memref<8x128xf32, #tpu.memory_space<vmem>>, vector<16xf32>,
          tpu.vector_store %arg9[%swap3A_1996, %swap3A_1997], %get3A_1938 {strides = array<i32>} : memref<8x128xf32, #tpu.memory_space<vmem>>, vector<16xf32>,
          %get3A_1999 = arith.index_cast %scan3A_1157 : i32 to index
          %get3A_2000 = arith.constant 32 : index
          %get3A_2001 = tpu.vector_load %arg5[%get3A_1999, %get3A_2000] {strides = array<i32>} : memref<1000x128xf32, #tpu.memory_space<vmem>>, vector<16xf32>,
          %swap3A_2002 = arith.constant 5 : i32
          %swap3A_2003 = arith.index_cast %swap3A_2002 : i32 to index
          %swap3A_2004 = arith.constant 32 : index
          %swap3A_2005 = tpu.vector_load %arg9[%swap3A_2003, %swap3A_2004] {strides = array<i32>} : memref<8x128xf32, #tpu.memory_space<vmem>>, vector<16xf32>,
          tpu.vector_store %arg9[%swap3A_2003, %swap3A_2004], %get3A_1945 {strides = array<i32>} : memref<8x128xf32, #tpu.memory_space<vmem>>, vector<16xf32>,
          %get3A_2006 = arith.index_cast %scan3A_1157 : i32 to index
          %get3A_2007 = arith.constant 48 : index
          %get3A_2008 = tpu.vector_load %arg5[%get3A_2006, %get3A_2007] {strides = array<i32>} : memref<1000x128xf32, #tpu.memory_space<vmem>>, vector<16xf32>,
          %swap3A_2009 = arith.constant 5 : i32
          %swap3A_2010 = arith.index_cast %swap3A_2009 : i32 to index
          %swap3A_2011 = arith.constant 48 : index
          %swap3A_2012 = tpu.vector_load %arg9[%swap3A_2010, %swap3A_2011] {strides = array<i32>} : memref<8x128xf32, #tpu.memory_space<vmem>>, vector<16xf32>,
          tpu.vector_store %arg9[%swap3A_2010, %swap3A_2011], %get3A_1952 {strides = array<i32>} : memref<8x128xf32, #tpu.memory_space<vmem>>, vector<16xf32>,
          %get3A_2013 = arith.index_cast %scan3A_1157 : i32 to index
          %get3A_2014 = arith.constant 64 : index
          %get3A_2015 = tpu.vector_load %arg5[%get3A_2013, %get3A_2014] {strides = array<i32>} : memref<1000x128xf32, #tpu.memory_space<vmem>>, vector<16xf32>,
          %swap3A_2016 = arith.constant 5 : i32
          %swap3A_2017 = arith.index_cast %swap3A_2016 : i32 to index
          %swap3A_2018 = arith.constant 64 : index
          %swap3A_2019 = tpu.vector_load %arg9[%swap3A_2017, %swap3A_2018] {strides = array<i32>} : memref<8x128xf32, #tpu.memory_space<vmem>>, vector<16xf32>,
          tpu.vector_store %arg9[%swap3A_2017, %swap3A_2018], %get3A_1959 {strides = array<i32>} : memref<8x128xf32, #tpu.memory_space<vmem>>, vector<16xf32>,
          %get3A_2020 = arith.index_cast %scan3A_1157 : i32 to index
          %get3A_2021 = arith.constant 80 : index
          %get3A_2022 = tpu.vector_load %arg5[%get3A_2020, %get3A_2021] {strides = array<i32>} : memref<1000x128xf32, #tpu.memory_space<vmem>>, vector<16xf32>,
          %swap3A_2023 = arith.constant 5 : i32
          %swap3A_2024 = arith.index_cast %swap3A_2023 : i32 to index
          %swap3A_2025 = arith.constant 80 : index
          %swap3A_2026 = tpu.vector_load %arg9[%swap3A_2024, %swap3A_2025] {strides = array<i32>} : memref<8x128xf32, #tpu.memory_space<vmem>>, vector<16xf32>,
          tpu.vector_store %arg9[%swap3A_2024, %swap3A_2025], %get3A_1966 {strides = array<i32>} : memref<8x128xf32, #tpu.memory_space<vmem>>, vector<16xf32>,
          %get3A_2027 = arith.index_cast %scan3A_1157 : i32 to index
          %get3A_2028 = arith.constant 96 : index
          %get3A_2029 = tpu.vector_load %arg5[%get3A_2027, %get3A_2028] {strides = array<i32>} : memref<1000x128xf32, #tpu.memory_space<vmem>>, vector<16xf32>,
          %swap3A_2030 = arith.constant 5 : i32
          %swap3A_2031 = arith.index_cast %swap3A_2030 : i32 to index
          %swap3A_2032 = arith.constant 96 : index
          %swap3A_2033 = tpu.vector_load %arg9[%swap3A_2031, %swap3A_2032] {strides = array<i32>} : memref<8x128xf32, #tpu.memory_space<vmem>>, vector<16xf32>,
          tpu.vector_store %arg9[%swap3A_2031, %swap3A_2032], %get3A_1973 {strides = array<i32>} : memref<8x128xf32, #tpu.memory_space<vmem>>, vector<16xf32>,
          %get3A_2034 = arith.index_cast %scan3A_1157 : i32 to index
          %get3A_2035 = arith.constant 112 : index
          %get3A_2036 = tpu.vector_load %arg5[%get3A_2034, %get3A_2035] {strides = array<i32>} : memref<1000x128xf32, #tpu.memory_space<vmem>>, vector<16xf32>,
          %swap3A_2037 = arith.constant 5 : i32
          %swap3A_2038 = arith.index_cast %swap3A_2037 : i32 to index
          %swap3A_2039 = arith.constant 112 : index
          %swap3A_2040 = tpu.vector_load %arg9[%swap3A_2038, %swap3A_2039] {strides = array<i32>} : memref<8x128xf32, #tpu.memory_space<vmem>>, vector<16xf32>,
          tpu.vector_store %arg9[%swap3A_2038, %swap3A_2039], %get3A_1980 {strides = array<i32>} : memref<8x128xf32, #tpu.memory_space<vmem>>, vector<16xf32>,
          %get3A_2041 = arith.index_cast %scan3A_1158 : i32 to index
          %get3A_2042 = arith.constant 0 : index
          %get3A_2043 = tpu.vector_load %arg5[%get3A_2041, %get3A_2042] {strides = array<i32>} : memref<1000x128xf32, #tpu.memory_space<vmem>>, vector<16xf32>,
          %swap3A_2044 = arith.constant 6 : i32
          %swap3A_2045 = arith.index_cast %swap3A_2044 : i32 to index
          %swap3A_2046 = arith.constant 0 : index
          %swap3A_2047 = tpu.vector_load %arg9[%swap3A_2045, %swap3A_2046] {strides = array<i32>} : memref<8x128xf32, #tpu.memory_space<vmem>>, vector<16xf32>,
          tpu.vector_store %arg9[%swap3A_2045, %swap3A_2046], %get3A_1987 {strides = array<i32>} : memref<8x128xf32, #tpu.memory_space<vmem>>, vector<16xf32>,
          %get3A_2048 = arith.index_cast %scan3A_1158 : i32 to index
          %get3A_2049 = arith.constant 16 : index
          %get3A_2050 = tpu.vector_load %arg5[%get3A_2048, %get3A_2049] {strides = array<i32>} : memref<1000x128xf32, #tpu.memory_space<vmem>>, vector<16xf32>,
          %swap3A_2051 = arith.constant 6 : i32
          %swap3A_2052 = arith.index_cast %swap3A_2051 : i32 to index
          %swap3A_2053 = arith.constant 16 : index
          %swap3A_2054 = tpu.vector_load %arg9[%swap3A_2052, %swap3A_2053] {strides = array<i32>} : memref<8x128xf32, #tpu.memory_space<vmem>>, vector<16xf32>,
          tpu.vector_store %arg9[%swap3A_2052, %swap3A_2053], %get3A_1994 {strides = array<i32>} : memref<8x128xf32, #tpu.memory_space<vmem>>, vector<16xf32>,
          %get3A_2055 = arith.index_cast %scan3A_1158 : i32 to index
          %get3A_2056 = arith.constant 32 : index
          %get3A_2057 = tpu.vector_load %arg5[%get3A_2055, %get3A_2056] {strides = array<i32>} : memref<1000x128xf32, #tpu.memory_space<vmem>>, vector<16xf32>,
          %swap3A_2058 = arith.constant 6 : i32
          %swap3A_2059 = arith.index_cast %swap3A_2058 : i32 to index
          %swap3A_2060 = arith.constant 32 : index
          %swap3A_2061 = tpu.vector_load %arg9[%swap3A_2059, %swap3A_2060] {strides = array<i32>} : memref<8x128xf32, #tpu.memory_space<vmem>>, vector<16xf32>,
          tpu.vector_store %arg9[%swap3A_2059, %swap3A_2060], %get3A_2001 {strides = array<i32>} : memref<8x128xf32, #tpu.memory_space<vmem>>, vector<16xf32>,
          %get3A_2062 = arith.index_cast %scan3A_1158 : i32 to index
          %get3A_2063 = arith.constant 48 : index
          %get3A_2064 = tpu.vector_load %arg5[%get3A_2062, %get3A_2063] {strides = array<i32>} : memref<1000x128xf32, #tpu.memory_space<vmem>>, vector<16xf32>,
          %swap3A_2065 = arith.constant 6 : i32
          %swap3A_2066 = arith.index_cast %swap3A_2065 : i32 to index
          %swap3A_2067 = arith.constant 48 : index
          %swap3A_2068 = tpu.vector_load %arg9[%swap3A_2066, %swap3A_2067] {strides = array<i32>} : memref<8x128xf32, #tpu.memory_space<vmem>>, vector<16xf32>,
          tpu.vector_store %arg9[%swap3A_2066, %swap3A_2067], %get3A_2008 {strides = array<i32>} : memref<8x128xf32, #tpu.memory_space<vmem>>, vector<16xf32>,
          %get3A_2069 = arith.index_cast %scan3A_1158 : i32 to index
          %get3A_2070 = arith.constant 64 : index
          %get3A_2071 = tpu.vector_load %arg5[%get3A_2069, %get3A_2070] {strides = array<i32>} : memref<1000x128xf32, #tpu.memory_space<vmem>>, vector<16xf32>,
          %swap3A_2072 = arith.constant 6 : i32
          %swap3A_2073 = arith.index_cast %swap3A_2072 : i32 to index
          %swap3A_2074 = arith.constant 64 : index
          %swap3A_2075 = tpu.vector_load %arg9[%swap3A_2073, %swap3A_2074] {strides = array<i32>} : memref<8x128xf32, #tpu.memory_space<vmem>>, vector<16xf32>,
          tpu.vector_store %arg9[%swap3A_2073, %swap3A_2074], %get3A_2015 {strides = array<i32>} : memref<8x128xf32, #tpu.memory_space<vmem>>, vector<16xf32>,
          %get3A_2076 = arith.index_cast %scan3A_1158 : i32 to index
          %get3A_2077 = arith.constant 80 : index
          %get3A_2078 = tpu.vector_load %arg5[%get3A_2076, %get3A_2077] {strides = array<i32>} : memref<1000x128xf32, #tpu.memory_space<vmem>>, vector<16xf32>,
          %swap3A_2079 = arith.constant 6 : i32
          %swap3A_2080 = arith.index_cast %swap3A_2079 : i32 to index
          %swap3A_2081 = arith.constant 80 : index
          %swap3A_2082 = tpu.vector_load %arg9[%swap3A_2080, %swap3A_2081] {strides = array<i32>} : memref<8x128xf32, #tpu.memory_space<vmem>>, vector<16xf32>,
          tpu.vector_store %arg9[%swap3A_2080, %swap3A_2081], %get3A_2022 {strides = array<i32>} : memref<8x128xf32, #tpu.memory_space<vmem>>, vector<16xf32>,
          %get3A_2083 = arith.index_cast %scan3A_1158 : i32 to index
          %get3A_2084 = arith.constant 96 : index
          %get3A_2085 = tpu.vector_load %arg5[%get3A_2083, %get3A_2084] {strides = array<i32>} : memref<1000x128xf32, #tpu.memory_space<vmem>>, vector<16xf32>,
          %swap3A_2086 = arith.constant 6 : i32
          %swap3A_2087 = arith.index_cast %swap3A_2086 : i32 to index
          %swap3A_2088 = arith.constant 96 : index
          %swap3A_2089 = tpu.vector_load %arg9[%swap3A_2087, %swap3A_2088] {strides = array<i32>} : memref<8x128xf32, #tpu.memory_space<vmem>>, vector<16xf32>,
          tpu.vector_store %arg9[%swap3A_2087, %swap3A_2088], %get3A_2029 {strides = array<i32>} : memref<8x128xf32, #tpu.memory_space<vmem>>, vector<16xf32>,
          %get3A_2090 = arith.index_cast %scan3A_1158 : i32 to index
          %get3A_2091 = arith.constant 112 : index
          %get3A_2092 = tpu.vector_load %arg5[%get3A_2090, %get3A_2091] {strides = array<i32>} : memref<1000x128xf32, #tpu.memory_space<vmem>>, vector<16xf32>,
          %swap3A_2093 = arith.constant 6 : i32
          %swap3A_2094 = arith.index_cast %swap3A_2093 : i32 to index
          %swap3A_2095 = arith.constant 112 : index
          %swap3A_2096 = tpu.vector_load %arg9[%swap3A_2094, %swap3A_2095] {strides = array<i32>} : memref<8x128xf32, #tpu.memory_space<vmem>>, vector<16xf32>,
          tpu.vector_store %arg9[%swap3A_2094, %swap3A_2095], %get3A_2036 {strides = array<i32>} : memref<8x128xf32, #tpu.memory_space<vmem>>, vector<16xf32>,
          %swap3A_2097 = arith.constant 7 : i32
          %swap3A_2098 = arith.index_cast %swap3A_2097 : i32 to index
          %swap3A_2099 = arith.constant 0 : index
          %swap3A_2100 = tpu.vector_load %arg9[%swap3A_2098, %swap3A_2099] {strides = array<i32>} : memref<8x128xf32, #tpu.memory_space<vmem>>, vector<16xf32>,
          tpu.vector_store %arg9[%swap3A_2098, %swap3A_2099], %get3A_2043 {strides = array<i32>} : memref<8x128xf32, #tpu.memory_space<vmem>>, vector<16xf32>,
          %swap3A_2101 = arith.constant 7 : i32
          %swap3A_2102 = arith.index_cast %swap3A_2101 : i32 to index
          %swap3A_2103 = arith.constant 16 : index
          %swap3A_2104 = tpu.vector_load %arg9[%swap3A_2102, %swap3A_2103] {strides = array<i32>} : memref<8x128xf32, #tpu.memory_space<vmem>>, vector<16xf32>,
          tpu.vector_store %arg9[%swap3A_2102, %swap3A_2103], %get3A_2050 {strides = array<i32>} : memref<8x128xf32, #tpu.memory_space<vmem>>, vector<16xf32>,
          %swap3A_2105 = arith.constant 7 : i32
          %swap3A_2106 = arith.index_cast %swap3A_2105 : i32 to index
          %swap3A_2107 = arith.constant 32 : index
          %swap3A_2108 = tpu.vector_load %arg9[%swap3A_2106, %swap3A_2107] {strides = array<i32>} : memref<8x128xf32, #tpu.memory_space<vmem>>, vector<16xf32>,
          tpu.vector_store %arg9[%swap3A_2106, %swap3A_2107], %get3A_2057 {strides = array<i32>} : memref<8x128xf32, #tpu.memory_space<vmem>>, vector<16xf32>,
          %swap3A_2109 = arith.constant 7 : i32
          %swap3A_2110 = arith.index_cast %swap3A_2109 : i32 to index
          %swap3A_2111 = arith.constant 48 : index
          %swap3A_2112 = tpu.vector_load %arg9[%swap3A_2110, %swap3A_2111] {strides = array<i32>} : memref<8x128xf32, #tpu.memory_space<vmem>>, vector<16xf32>,
          tpu.vector_store %arg9[%swap3A_2110, %swap3A_2111], %get3A_2064 {strides = array<i32>} : memref<8x128xf32, #tpu.memory_space<vmem>>, vector<16xf32>,
          %swap3A_2113 = arith.constant 7 : i32
          %swap3A_2114 = arith.index_cast %swap3A_2113 : i32 to index
          %swap3A_2115 = arith.constant 64 : index
          %swap3A_2116 = tpu.vector_load %arg9[%swap3A_2114, %swap3A_2115] {strides = array<i32>} : memref<8x128xf32, #tpu.memory_space<vmem>>, vector<16xf32>,
          tpu.vector_store %arg9[%swap3A_2114, %swap3A_2115], %get3A_2071 {strides = array<i32>} : memref<8x128xf32, #tpu.memory_space<vmem>>, vector<16xf32>,
          %swap3A_2117 = arith.constant 7 : i32
          %swap3A_2118 = arith.index_cast %swap3A_2117 : i32 to index
          %swap3A_2119 = arith.constant 80 : index
          %swap3A_2120 = tpu.vector_load %arg9[%swap3A_2118, %swap3A_2119] {strides = array<i32>} : memref<8x128xf32, #tpu.memory_space<vmem>>, vector<16xf32>,
          tpu.vector_store %arg9[%swap3A_2118, %swap3A_2119], %get3A_2078 {strides = array<i32>} : memref<8x128xf32, #tpu.memory_space<vmem>>, vector<16xf32>,
          %swap3A_2121 = arith.constant 7 : i32
          %swap3A_2122 = arith.index_cast %swap3A_2121 : i32 to index
          %swap3A_2123 = arith.constant 96 : index
          %swap3A_2124 = tpu.vector_load %arg9[%swap3A_2122, %swap3A_2123] {strides = array<i32>} : memref<8x128xf32, #tpu.memory_space<vmem>>, vector<16xf32>,
          tpu.vector_store %arg9[%swap3A_2122, %swap3A_2123], %get3A_2085 {strides = array<i32>} : memref<8x128xf32, #tpu.memory_space<vmem>>, vector<16xf32>,
          %swap3A_2125 = arith.constant 7 : i32
          %swap3A_2126 = arith.index_cast %swap3A_2125 : i32 to index
          %swap3A_2127 = arith.constant 112 : index
          %swap3A_2128 = tpu.vector_load %arg9[%swap3A_2126, %swap3A_2127] {strides = array<i32>} : memref<8x128xf32, #tpu.memory_space<vmem>>, vector<16xf32>,
          tpu.vector_store %arg9[%swap3A_2126, %swap3A_2127], %get3A_2092 {strides = array<i32>} : memref<8x128xf32, #tpu.memory_space<vmem>>, vector<16xf32>,
          %mul3A_2129 = arith.constant 8 : i32
          %mul3A_2130 = arith.muli %add3A_1674, %mul3A_2129 : i32
          %dma_start3A_2131 = tpu.memref_slice %arg4[%mul3A_2130, %mul3A_11] : memref<10000x16384xf32, #tpu.memory_space<hbm>> -> memref<8x128xf32, #tpu.memory_space<hbm>>
          %dma_start3A_2132 = tpu.memref_slice %arg4[%mul3A_2130, %mul3A_11] : memref<10000x16384xf32, #tpu.memory_space<hbm>> -> memref<8x128xf32, #tpu.memory_space<hbm>>
          tpu.enqueue_dma source(%arg9 : memref<8x128xf32, #tpu.memory_space<vmem>>) target(%dma_start3A_2132 : memref<8x128xf32, #tpu.memory_space<hbm>>) target_semaphore(%arg12 : memref<!tpu.dma_semaphore, #tpu.memory_space<semaphore_mem>>)
          scf.yield %squeeze3A_1168, %squeeze3A_1170, %squeeze3A_1172, %squeeze3A_1174, %squeeze3A_1176, %squeeze3A_1178, %squeeze3A_1180, %squeeze3A_1182, %squeeze3A_1184, %squeeze3A_1186, %squeeze3A_1188, %squeeze3A_1190, %squeeze3A_1192, %squeeze3A_1194, %squeeze3A_1196, %squeeze3A_1198 : i32, i32, i32, i32, i32, i32, i32, i32, i32, i32, i32, i32, i32, i32, i32, i32
        }
        %scan3A_1082 = arith.constant 25 : i32
        %mul3A_1083 = arith.constant 2 : i32
        %mul3A_1084 = arith.muli %mul3A_1083, %scan3A_1026 : i32
        %add3A_1085 = arith.constant 2 : i32
        %add3A_1086 = arith.addi %mul3A_1084, %add3A_1085 : i32
        %dma_wait3A_1087 = arith.constant 0 : i32
        %dma_wait3A_1088 = tpu.memref_slice %arg6[%dma_wait3A_1087] : memref<416xi32, #tpu.memory_space<vmem>> -> memref<400xi32, #tpu.memory_space<vmem>>
        %dma_wait3A_1089 = arith.constant 0 : i32
        %dma_wait3A_1090 = tpu.memref_slice %arg3[%dma_wait3A_1089] : memref<10000xi32, #tpu.memory_space<hbm>> -> memref<400xi32, #tpu.memory_space<hbm>>
        %dma_wait3A_1091 = arith.constant 0 : i32
        %dma_wait3A_1092 = tpu.memref_slice %arg6[%dma_wait3A_1091] : memref<416xi32, #tpu.memory_space<vmem>> -> memref<400xi32, #tpu.memory_space<vmem>>
        %dma_wait3A_1093 = arith.constant 0 : i32
        %dma_wait3A_1094 = tpu.memref_slice %arg3[%dma_wait3A_1093] : memref<10000xi32, #tpu.memory_space<hbm>> -> memref<400xi32, #tpu.memory_space<hbm>>
        tpu.wait_dma2 semaphore(%arg10 : memref<!tpu.dma_semaphore, #tpu.memory_space<semaphore_mem>>) src(%dma_wait3A_1094 : memref<400xi32, #tpu.memory_space<hbm>>) dst(%dma_wait3A_1092 : memref<400xi32, #tpu.memory_space<vmem>>)
        %add3A_1095 = arith.constant 1 : i32
        %add3A_1096 = arith.addi %add3A_1086, %add3A_1095 : i32
        %lt3A_1097 = arith.constant 25 : i32
        %lt3A_1098 = arith.cmpi slt, %add3A_1096, %lt3A_1097 : i32
        %convert_element_type3A_1099 = arith.extui %lt3A_1098 : i1 to i32
        %cond3A_1100 = arith.constant 0 : i32
        %cond3A_1101 = arith.cmpi ne, %convert_element_type3A_1099, %cond3A_1100 : i32
        scf.if %cond3A_1101 {
          %add3A_1142 = arith.constant 1 : i32
          %add3A_1143 = arith.addi %add3A_1086, %add3A_1142 : i32
          %mul3A_1144 = arith.constant 400 : i32
          %mul3A_1145 = arith.muli %add3A_1143, %mul3A_1144 : i32
          %dma_start3A_1146 = arith.constant 0 : i32
          %dma_start3A_1147 = tpu.memref_slice %arg7[%dma_start3A_1146] : memref<416xi32, #tpu.memory_space<vmem>> -> memref<400xi32, #tpu.memory_space<vmem>>
          %dma_start3A_1148 = tpu.memref_slice %arg3[%mul3A_1145] : memref<10000xi32, #tpu.memory_space<hbm>> -> memref<400xi32, #tpu.memory_space<hbm>>
          %dma_start3A_1149 = arith.constant 0 : i32
          %dma_start3A_1150 = tpu.memref_slice %arg7[%dma_start3A_1149] : memref<416xi32, #tpu.memory_space<vmem>> -> memref<400xi32, #tpu.memory_space<vmem>>
          %dma_start3A_1151 = tpu.memref_slice %arg3[%mul3A_1145] : memref<10000xi32, #tpu.memory_space<hbm>> -> memref<400xi32, #tpu.memory_space<hbm>>
          tpu.enqueue_dma source(%dma_start3A_1151 : memref<400xi32, #tpu.memory_space<hbm>>) target(%dma_start3A_1150 : memref<400xi32, #tpu.memory_space<vmem>>) target_semaphore(%arg10 : memref<!tpu.dma_semaphore, #tpu.memory_space<semaphore_mem>>)
        } else {
        }
        %get3A_1102 = arith.constant 0 : index
        %get3A_1103 = tpu.vector_load %arg6[%get3A_1102] {strides = array<i32>} : memref<416xi32, #tpu.memory_space<vmem>>, vector<16xi32>,
        %slice3A_1104 = vector.extract_strided_slice %get3A_1103 {offsets = [0], sizes = [1], strides = [1]} : vector<16xi32> to vector<1xi32>
        %squeeze3A_1105 = vector.extract %slice3A_1104[0] : i32 from vector<1xi32>
        %slice3A_1106 = vector.extract_strided_slice %get3A_1103 {offsets = [1], sizes = [1], strides = [1]} : vector<16xi32> to vector<1xi32>
        %squeeze3A_1107 = vector.extract %slice3A_1106[0] : i32 from vector<1xi32>
        %slice3A_1108 = vector.extract_strided_slice %get3A_1103 {offsets = [2], sizes = [1], strides = [1]} : vector<16xi32> to vector<1xi32>
        %squeeze3A_1109 = vector.extract %slice3A_1108[0] : i32 from vector<1xi32>
        %slice3A_1110 = vector.extract_strided_slice %get3A_1103 {offsets = [3], sizes = [1], strides = [1]} : vector<16xi32> to vector<1xi32>
        %squeeze3A_1111 = vector.extract %slice3A_1110[0] : i32 from vector<1xi32>
        %slice3A_1112 = vector.extract_strided_slice %get3A_1103 {offsets = [4], sizes = [1], strides = [1]} : vector<16xi32> to vector<1xi32>
        %squeeze3A_1113 = vector.extract %slice3A_1112[0] : i32 from vector<1xi32>
        %slice3A_1114 = vector.extract_strided_slice %get3A_1103 {offsets = [5], sizes = [1], strides = [1]} : vector<16xi32> to vector<1xi32>
        %squeeze3A_1115 = vector.extract %slice3A_1114[0] : i32 from vector<1xi32>
        %slice3A_1116 = vector.extract_strided_slice %get3A_1103 {offsets = [6], sizes = [1], strides = [1]} : vector<16xi32> to vector<1xi32>
        %squeeze3A_1117 = vector.extract %slice3A_1116[0] : i32 from vector<1xi32>
        %slice3A_1118 = vector.extract_strided_slice %get3A_1103 {offsets = [7], sizes = [1], strides = [1]} : vector<16xi32> to vector<1xi32>
        %squeeze3A_1119 = vector.extract %slice3A_1118[0] : i32 from vector<1xi32>
        %slice3A_1120 = vector.extract_strided_slice %get3A_1103 {offsets = [8], sizes = [1], strides = [1]} : vector<16xi32> to vector<1xi32>
        %squeeze3A_1121 = vector.extract %slice3A_1120[0] : i32 from vector<1xi32>
        %slice3A_1122 = vector.extract_strided_slice %get3A_1103 {offsets = [9], sizes = [1], strides = [1]} : vector<16xi32> to vector<1xi32>
        %squeeze3A_1123 = vector.extract %slice3A_1122[0] : i32 from vector<1xi32>
        %slice3A_1124 = vector.extract_strided_slice %get3A_1103 {offsets = [10], sizes = [1], strides = [1]} : vector<16xi32> to vector<1xi32>
        %squeeze3A_1125 = vector.extract %slice3A_1124[0] : i32 from vector<1xi32>
        %slice3A_1126 = vector.extract_strided_slice %get3A_1103 {offsets = [11], sizes = [1], strides = [1]} : vector<16xi32> to vector<1xi32>
        %squeeze3A_1127 = vector.extract %slice3A_1126[0] : i32 from vector<1xi32>
        %slice3A_1128 = vector.extract_strided_slice %get3A_1103 {offsets = [12], sizes = [1], strides = [1]} : vector<16xi32> to vector<1xi32>
        %squeeze3A_1129 = vector.extract %slice3A_1128[0] : i32 from vector<1xi32>
        %slice3A_1130 = vector.extract_strided_slice %get3A_1103 {offsets = [13], sizes = [1], strides = [1]} : vector<16xi32> to vector<1xi32>
        %squeeze3A_1131 = vector.extract %slice3A_1130[0] : i32 from vector<1xi32>
        %slice3A_1132 = vector.extract_strided_slice %get3A_1103 {offsets = [14], sizes = [1], strides = [1]} : vector<16xi32> to vector<1xi32>
        %squeeze3A_1133 = vector.extract %slice3A_1132[0] : i32 from vector<1xi32>
        %slice3A_1134 = vector.extract_strided_slice %get3A_1103 {offsets = [15], sizes = [1], strides = [1]} : vector<16xi32> to vector<1xi32>
        %squeeze3A_1135 = vector.extract %slice3A_1134[0] : i32 from vector<1xi32>
        %scan3A_1136 = arith.constant 0 : i32
        %scan3A_1137 = arith.constant 25 : i32
        %scan3A_1138 = arith.addi %scan3A_1136, %scan3A_1137 : i32
        %scan3A_1139 = arith.constant 1 : i32
        %scan3A_1140:16 = scf.for %scan3A_1142 = %scan3A_1136 to %scan3A_1138 step %scan3A_1139 iter_args(%scan3A_1143 = %squeeze3A_1105, %scan3A_1144 = %squeeze3A_1107, %scan3A_1145 = %squeeze3A_1109, %scan3A_1146 = %squeeze3A_1111, %scan3A_1147 = %squeeze3A_1113, %scan3A_1148 = %squeeze3A_1115, %scan3A_1149 = %squeeze3A_1117, %scan3A_1150 = %squeeze3A_1119, %scan3A_1151 = %squeeze3A_1121, %scan3A_1152 = %squeeze3A_1123, %scan3A_1153 = %squeeze3A_1125, %scan3A_1154 = %squeeze3A_1127, %scan3A_1155 = %squeeze3A_1129, %scan3A_1156 = %squeeze3A_1131, %scan3A_1157 = %squeeze3A_1133, %scan3A_1158 = %squeeze3A_1135) -> (i32, i32, i32, i32, i32, i32, i32, i32, i32, i32, i32, i32, i32, i32, i32, i32)  : i32 {
          %add3A_1159 = arith.constant 1 : i32
          %add3A_1160 = arith.addi %scan3A_1142, %add3A_1159 : i32
          %mul3A_1161 = arith.constant 2 : i32
          %mul3A_1162 = arith.muli %add3A_1160, %mul3A_1161 : i32
          %mul3A_1163 = arith.constant 8 : i32
          %mul3A_1164 = arith.muli %mul3A_1162, %mul3A_1163 : i32
          %get3A_1165 = arith.index_cast %mul3A_1164 : i32 to index
          %get3A_1166 = tpu.vector_load %arg6[%get3A_1165] {strides = array<i32>} : memref<416xi32, #tpu.memory_space<vmem>>, vector<16xi32>,
          %slice3A_1167 = vector.extract_strided_slice %get3A_1166 {offsets = [0], sizes = [1], strides = [1]} : vector<16xi32> to vector<1xi32>
          %squeeze3A_1168 = vector.extract %slice3A_1167[0] : i32 from vector<1xi32>
          %slice3A_1169 = vector.extract_strided_slice %get3A_1166 {offsets = [1], sizes = [1], strides = [1]} : vector<16xi32> to vector<1xi32>
          %squeeze3A_1170 = vector.extract %slice3A_1169[0] : i32 from vector<1xi32>
          %slice3A_1171 = vector.extract_strided_slice %get3A_1166 {offsets = [2], sizes = [1], strides = [1]} : vector<16xi32> to vector<1xi32>
          %squeeze3A_1172 = vector.extract %slice3A_1171[0] : i32 from vector<1xi32>
          %slice3A_1173 = vector.extract_strided_slice %get3A_1166 {offsets = [3], sizes = [1], strides = [1]} : vector<16xi32> to vector<1xi32>
          %squeeze3A_1174 = vector.extract %slice3A_1173[0] : i32 from vector<1xi32>
          %slice3A_1175 = vector.extract_strided_slice %get3A_1166 {offsets = [4], sizes = [1], strides = [1]} : vector<16xi32> to vector<1xi32>
          %squeeze3A_1176 = vector.extract %slice3A_1175[0] : i32 from vector<1xi32>
          %slice3A_1177 = vector.extract_strided_slice %get3A_1166 {offsets = [5], sizes = [1], strides = [1]} : vector<16xi32> to vector<1xi32>
          %squeeze3A_1178 = vector.extract %slice3A_1177[0] : i32 from vector<1xi32>
          %slice3A_1179 = vector.extract_strided_slice %get3A_1166 {offsets = [6], sizes = [1], strides = [1]} : vector<16xi32> to vector<1xi32>
          %squeeze3A_1180 = vector.extract %slice3A_1179[0] : i32 from vector<1xi32>
          %slice3A_1181 = vector.extract_strided_slice %get3A_1166 {offsets = [7], sizes = [1], strides = [1]} : vector<16xi32> to vector<1xi32>
          %squeeze3A_1182 = vector.extract %slice3A_1181[0] : i32 from vector<1xi32>
          %slice3A_1183 = vector.extract_strided_slice %get3A_1166 {offsets = [8], sizes = [1], strides = [1]} : vector<16xi32> to vector<1xi32>
          %squeeze3A_1184 = vector.extract %slice3A_1183[0] : i32 from vector<1xi32>
          %slice3A_1185 = vector.extract_strided_slice %get3A_1166 {offsets = [9], sizes = [1], strides = [1]} : vector<16xi32> to vector<1xi32>
          %squeeze3A_1186 = vector.extract %slice3A_1185[0] : i32 from vector<1xi32>
          %slice3A_1187 = vector.extract_strided_slice %get3A_1166 {offsets = [10], sizes = [1], strides = [1]} : vector<16xi32> to vector<1xi32>
          %squeeze3A_1188 = vector.extract %slice3A_1187[0] : i32 from vector<1xi32>
          %slice3A_1189 = vector.extract_strided_slice %get3A_1166 {offsets = [11], sizes = [1], strides = [1]} : vector<16xi32> to vector<1xi32>
          %squeeze3A_1190 = vector.extract %slice3A_1189[0] : i32 from vector<1xi32>
          %slice3A_1191 = vector.extract_strided_slice %get3A_1166 {offsets = [12], sizes = [1], strides = [1]} : vector<16xi32> to vector<1xi32>
          %squeeze3A_1192 = vector.extract %slice3A_1191[0] : i32 from vector<1xi32>
          %slice3A_1193 = vector.extract_strided_slice %get3A_1166 {offsets = [13], sizes = [1], strides = [1]} : vector<16xi32> to vector<1xi32>
          %squeeze3A_1194 = vector.extract %slice3A_1193[0] : i32 from vector<1xi32>
          %slice3A_1195 = vector.extract_strided_slice %get3A_1166 {offsets = [14], sizes = [1], strides = [1]} : vector<16xi32> to vector<1xi32>
          %squeeze3A_1196 = vector.extract %slice3A_1195[0] : i32 from vector<1xi32>
          %slice3A_1197 = vector.extract_strided_slice %get3A_1166 {offsets = [15], sizes = [1], strides = [1]} : vector<16xi32> to vector<1xi32>
          %squeeze3A_1198 = vector.extract %slice3A_1197[0] : i32 from vector<1xi32>
          %mul3A_1199 = arith.constant 2 : i32
          %mul3A_1200 = arith.muli %add3A_1086, %mul3A_1199 : i32
          %mul3A_1201 = arith.constant 25 : i32
          %mul3A_1202 = arith.muli %mul3A_1200, %mul3A_1201 : i32
          %mul3A_1203 = arith.constant 2 : i32
          %mul3A_1204 = arith.muli %scan3A_1142, %mul3A_1203 : i32
          %add3A_1205 = arith.addi %mul3A_1202, %mul3A_1204 : i32
          %add3A_1206 = arith.constant 0 : i32
          %add3A_1207 = arith.addi %add3A_1205, %add3A_1206 : i32
          %dma_wait3A_1208 = arith.constant 0 : i32
          %dma_wait3A_1209 = arith.constant 0 : i32
          %dma_wait3A_1210 = tpu.memref_slice %arg4[%dma_wait3A_1208, %dma_wait3A_1209] : memref<10000x16384xf32, #tpu.memory_space<hbm>> -> memref<8x128xf32, #tpu.memory_space<hbm>>
          %dma_wait3A_1211 = arith.constant 0 : i32
          %dma_wait3A_1212 = arith.constant 0 : i32
          %dma_wait3A_1213 = tpu.memref_slice %arg4[%dma_wait3A_1211, %dma_wait3A_1212] : memref<10000x16384xf32, #tpu.memory_space<hbm>> -> memref<8x128xf32, #tpu.memory_space<hbm>>
          tpu.wait_dma2 semaphore(%arg11 : memref<!tpu.dma_semaphore, #tpu.memory_space<semaphore_mem>>) src(%arg8 : memref<8x128xf32, #tpu.memory_space<vmem>>) dst(%dma_wait3A_1213 : memref<8x128xf32, #tpu.memory_space<hbm>>)
          %get3A_1214 = arith.index_cast %scan3A_1143 : i32 to index
          %get3A_1215 = arith.constant 0 : index
          %get3A_1216 = tpu.vector_load %arg5[%get3A_1214, %get3A_1215] {strides = array<i32>} : memref<1000x128xf32, #tpu.memory_space<vmem>>, vector<16xf32>,
          %get3A_1217 = arith.index_cast %scan3A_1143 : i32 to index
          %get3A_1218 = arith.constant 16 : index
          %get3A_1219 = tpu.vector_load %arg5[%get3A_1217, %get3A_1218] {strides = array<i32>} : memref<1000x128xf32, #tpu.memory_space<vmem>>, vector<16xf32>,
          %get3A_1220 = arith.index_cast %scan3A_1143 : i32 to index
          %get3A_1221 = arith.constant 32 : index
          %get3A_1222 = tpu.vector_load %arg5[%get3A_1220, %get3A_1221] {strides = array<i32>} : memref<1000x128xf32, #tpu.memory_space<vmem>>, vector<16xf32>,
          %get3A_1223 = arith.index_cast %scan3A_1143 : i32 to index
          %get3A_1224 = arith.constant 48 : index
          %get3A_1225 = tpu.vector_load %arg5[%get3A_1223, %get3A_1224] {strides = array<i32>} : memref<1000x128xf32, #tpu.memory_space<vmem>>, vector<16xf32>,
          %get3A_1226 = arith.index_cast %scan3A_1143 : i32 to index
          %get3A_1227 = arith.constant 64 : index
          %get3A_1228 = tpu.vector_load %arg5[%get3A_1226, %get3A_1227] {strides = array<i32>} : memref<1000x128xf32, #tpu.memory_space<vmem>>, vector<16xf32>,
          %get3A_1229 = arith.index_cast %scan3A_1143 : i32 to index
          %get3A_1230 = arith.constant 80 : index
          %get3A_1231 = tpu.vector_load %arg5[%get3A_1229, %get3A_1230] {strides = array<i32>} : memref<1000x128xf32, #tpu.memory_space<vmem>>, vector<16xf32>,
          %get3A_1232 = arith.index_cast %scan3A_1143 : i32 to index
          %get3A_1233 = arith.constant 96 : index
          %get3A_1234 = tpu.vector_load %arg5[%get3A_1232, %get3A_1233] {strides = array<i32>} : memref<1000x128xf32, #tpu.memory_space<vmem>>, vector<16xf32>,
          %get3A_1235 = arith.index_cast %scan3A_1143 : i32 to index
          %get3A_1236 = arith.constant 112 : index
          %get3A_1237 = tpu.vector_load %arg5[%get3A_1235, %get3A_1236] {strides = array<i32>} : memref<1000x128xf32, #tpu.memory_space<vmem>>, vector<16xf32>,
          %get3A_1238 = arith.index_cast %scan3A_1144 : i32 to index
          %get3A_1239 = arith.constant 0 : index
          %get3A_1240 = tpu.vector_load %arg5[%get3A_1238, %get3A_1239] {strides = array<i32>} : memref<1000x128xf32, #tpu.memory_space<vmem>>, vector<16xf32>,
          %swap3A_1241 = arith.constant 0 : i32
          %swap3A_1242 = arith.index_cast %swap3A_1241 : i32 to index
          %swap3A_1243 = arith.constant 0 : index
          %swap3A_1244 = tpu.vector_load %arg8[%swap3A_1242, %swap3A_1243] {strides = array<i32>} : memref<8x128xf32, #tpu.memory_space<vmem>>, vector<16xf32>,
          tpu.vector_store %arg8[%swap3A_1242, %swap3A_1243], %get3A_1216 {strides = array<i32>} : memref<8x128xf32, #tpu.memory_space<vmem>>, vector<16xf32>,
          %get3A_1245 = arith.index_cast %scan3A_1144 : i32 to index
          %get3A_1246 = arith.constant 16 : index
          %get3A_1247 = tpu.vector_load %arg5[%get3A_1245, %get3A_1246] {strides = array<i32>} : memref<1000x128xf32, #tpu.memory_space<vmem>>, vector<16xf32>,
          %swap3A_1248 = arith.constant 0 : i32
          %swap3A_1249 = arith.index_cast %swap3A_1248 : i32 to index
          %swap3A_1250 = arith.constant 16 : index
          %swap3A_1251 = tpu.vector_load %arg8[%swap3A_1249, %swap3A_1250] {strides = array<i32>} : memref<8x128xf32, #tpu.memory_space<vmem>>, vector<16xf32>,
          tpu.vector_store %arg8[%swap3A_1249, %swap3A_1250], %get3A_1219 {strides = array<i32>} : memref<8x128xf32, #tpu.memory_space<vmem>>, vector<16xf32>,
          %get3A_1252 = arith.index_cast %scan3A_1144 : i32 to index
          %get3A_1253 = arith.constant 32 : index
          %get3A_1254 = tpu.vector_load %arg5[%get3A_1252, %get3A_1253] {strides = array<i32>} : memref<1000x128xf32, #tpu.memory_space<vmem>>, vector<16xf32>,
          %swap3A_1255 = arith.constant 0 : i32
          %swap3A_1256 = arith.index_cast %swap3A_1255 : i32 to index
          %swap3A_1257 = arith.constant 32 : index
          %swap3A_1258 = tpu.vector_load %arg8[%swap3A_1256, %swap3A_1257] {strides = array<i32>} : memref<8x128xf32, #tpu.memory_space<vmem>>, vector<16xf32>,
          tpu.vector_store %arg8[%swap3A_1256, %swap3A_1257], %get3A_1222 {strides = array<i32>} : memref<8x128xf32, #tpu.memory_space<vmem>>, vector<16xf32>,
          %get3A_1259 = arith.index_cast %scan3A_1144 : i32 to index
          %get3A_1260 = arith.constant 48 : index
          %get3A_1261 = tpu.vector_load %arg5[%get3A_1259, %get3A_1260] {strides = array<i32>} : memref<1000x128xf32, #tpu.memory_space<vmem>>, vector<16xf32>,
          %swap3A_1262 = arith.constant 0 : i32
          %swap3A_1263 = arith.index_cast %swap3A_1262 : i32 to index
          %swap3A_1264 = arith.constant 48 : index
          %swap3A_1265 = tpu.vector_load %arg8[%swap3A_1263, %swap3A_1264] {strides = array<i32>} : memref<8x128xf32, #tpu.memory_space<vmem>>, vector<16xf32>,
          tpu.vector_store %arg8[%swap3A_1263, %swap3A_1264], %get3A_1225 {strides = array<i32>} : memref<8x128xf32, #tpu.memory_space<vmem>>, vector<16xf32>,
          %get3A_1266 = arith.index_cast %scan3A_1144 : i32 to index
          %get3A_1267 = arith.constant 64 : index
          %get3A_1268 = tpu.vector_load %arg5[%get3A_1266, %get3A_1267] {strides = array<i32>} : memref<1000x128xf32, #tpu.memory_space<vmem>>, vector<16xf32>,
          %swap3A_1269 = arith.constant 0 : i32
          %swap3A_1270 = arith.index_cast %swap3A_1269 : i32 to index
          %swap3A_1271 = arith.constant 64 : index
          %swap3A_1272 = tpu.vector_load %arg8[%swap3A_1270, %swap3A_1271] {strides = array<i32>} : memref<8x128xf32, #tpu.memory_space<vmem>>, vector<16xf32>,
          tpu.vector_store %arg8[%swap3A_1270, %swap3A_1271], %get3A_1228 {strides = array<i32>} : memref<8x128xf32, #tpu.memory_space<vmem>>, vector<16xf32>,
          %get3A_1273 = arith.index_cast %scan3A_1144 : i32 to index
          %get3A_1274 = arith.constant 80 : index
          %get3A_1275 = tpu.vector_load %arg5[%get3A_1273, %get3A_1274] {strides = array<i32>} : memref<1000x128xf32, #tpu.memory_space<vmem>>, vector<16xf32>,
          %swap3A_1276 = arith.constant 0 : i32
          %swap3A_1277 = arith.index_cast %swap3A_1276 : i32 to index
          %swap3A_1278 = arith.constant 80 : index
          %swap3A_1279 = tpu.vector_load %arg8[%swap3A_1277, %swap3A_1278] {strides = array<i32>} : memref<8x128xf32, #tpu.memory_space<vmem>>, vector<16xf32>,
          tpu.vector_store %arg8[%swap3A_1277, %swap3A_1278], %get3A_1231 {strides = array<i32>} : memref<8x128xf32, #tpu.memory_space<vmem>>, vector<16xf32>,
          %get3A_1280 = arith.index_cast %scan3A_1144 : i32 to index
          %get3A_1281 = arith.constant 96 : index
          %get3A_1282 = tpu.vector_load %arg5[%get3A_1280, %get3A_1281] {strides = array<i32>} : memref<1000x128xf32, #tpu.memory_space<vmem>>, vector<16xf32>,
          %swap3A_1283 = arith.constant 0 : i32
          %swap3A_1284 = arith.index_cast %swap3A_1283 : i32 to index
          %swap3A_1285 = arith.constant 96 : index
          %swap3A_1286 = tpu.vector_load %arg8[%swap3A_1284, %swap3A_1285] {strides = array<i32>} : memref<8x128xf32, #tpu.memory_space<vmem>>, vector<16xf32>,
          tpu.vector_store %arg8[%swap3A_1284, %swap3A_1285], %get3A_1234 {strides = array<i32>} : memref<8x128xf32, #tpu.memory_space<vmem>>, vector<16xf32>,
          %get3A_1287 = arith.index_cast %scan3A_1144 : i32 to index
          %get3A_1288 = arith.constant 112 : index
          %get3A_1289 = tpu.vector_load %arg5[%get3A_1287, %get3A_1288] {strides = array<i32>} : memref<1000x128xf32, #tpu.memory_space<vmem>>, vector<16xf32>,
          %swap3A_1290 = arith.constant 0 : i32
          %swap3A_1291 = arith.index_cast %swap3A_1290 : i32 to index
          %swap3A_1292 = arith.constant 112 : index
          %swap3A_1293 = tpu.vector_load %arg8[%swap3A_1291, %swap3A_1292] {strides = array<i32>} : memref<8x128xf32, #tpu.memory_space<vmem>>, vector<16xf32>,
          tpu.vector_store %arg8[%swap3A_1291, %swap3A_1292], %get3A_1237 {strides = array<i32>} : memref<8x128xf32, #tpu.memory_space<vmem>>, vector<16xf32>,
          %get3A_1294 = arith.index_cast %scan3A_1145 : i32 to index
          %get3A_1295 = arith.constant 0 : index
          %get3A_1296 = tpu.vector_load %arg5[%get3A_1294, %get3A_1295] {strides = array<i32>} : memref<1000x128xf32, #tpu.memory_space<vmem>>, vector<16xf32>,
          %swap3A_1297 = arith.constant 1 : i32
          %swap3A_1298 = arith.index_cast %swap3A_1297 : i32 to index
          %swap3A_1299 = arith.constant 0 : index
          %swap3A_1300 = tpu.vector_load %arg8[%swap3A_1298, %swap3A_1299] {strides = array<i32>} : memref<8x128xf32, #tpu.memory_space<vmem>>, vector<16xf32>,
          tpu.vector_store %arg8[%swap3A_1298, %swap3A_1299], %get3A_1240 {strides = array<i32>} : memref<8x128xf32, #tpu.memory_space<vmem>>, vector<16xf32>,
          %get3A_1301 = arith.index_cast %scan3A_1145 : i32 to index
          %get3A_1302 = arith.constant 16 : index
          %get3A_1303 = tpu.vector_load %arg5[%get3A_1301, %get3A_1302] {strides = array<i32>} : memref<1000x128xf32, #tpu.memory_space<vmem>>, vector<16xf32>,
          %swap3A_1304 = arith.constant 1 : i32
          %swap3A_1305 = arith.index_cast %swap3A_1304 : i32 to index
          %swap3A_1306 = arith.constant 16 : index
          %swap3A_1307 = tpu.vector_load %arg8[%swap3A_1305, %swap3A_1306] {strides = array<i32>} : memref<8x128xf32, #tpu.memory_space<vmem>>, vector<16xf32>,
          tpu.vector_store %arg8[%swap3A_1305, %swap3A_1306], %get3A_1247 {strides = array<i32>} : memref<8x128xf32, #tpu.memory_space<vmem>>, vector<16xf32>,
          %get3A_1308 = arith.index_cast %scan3A_1145 : i32 to index
          %get3A_1309 = arith.constant 32 : index
          %get3A_1310 = tpu.vector_load %arg5[%get3A_1308, %get3A_1309] {strides = array<i32>} : memref<1000x128xf32, #tpu.memory_space<vmem>>, vector<16xf32>,
          %swap3A_1311 = arith.constant 1 : i32
          %swap3A_1312 = arith.index_cast %swap3A_1311 : i32 to index
          %swap3A_1313 = arith.constant 32 : index
          %swap3A_1314 = tpu.vector_load %arg8[%swap3A_1312, %swap3A_1313] {strides = array<i32>} : memref<8x128xf32, #tpu.memory_space<vmem>>, vector<16xf32>,
          tpu.vector_store %arg8[%swap3A_1312, %swap3A_1313], %get3A_1254 {strides = array<i32>} : memref<8x128xf32, #tpu.memory_space<vmem>>, vector<16xf32>,
          %get3A_1315 = arith.index_cast %scan3A_1145 : i32 to index
          %get3A_1316 = arith.constant 48 : index
          %get3A_1317 = tpu.vector_load %arg5[%get3A_1315, %get3A_1316] {strides = array<i32>} : memref<1000x128xf32, #tpu.memory_space<vmem>>, vector<16xf32>,
          %swap3A_1318 = arith.constant 1 : i32
          %swap3A_1319 = arith.index_cast %swap3A_1318 : i32 to index
          %swap3A_1320 = arith.constant 48 : index
          %swap3A_1321 = tpu.vector_load %arg8[%swap3A_1319, %swap3A_1320] {strides = array<i32>} : memref<8x128xf32, #tpu.memory_space<vmem>>, vector<16xf32>,
          tpu.vector_store %arg8[%swap3A_1319, %swap3A_1320], %get3A_1261 {strides = array<i32>} : memref<8x128xf32, #tpu.memory_space<vmem>>, vector<16xf32>,
          %get3A_1322 = arith.index_cast %scan3A_1145 : i32 to index
          %get3A_1323 = arith.constant 64 : index
          %get3A_1324 = tpu.vector_load %arg5[%get3A_1322, %get3A_1323] {strides = array<i32>} : memref<1000x128xf32, #tpu.memory_space<vmem>>, vector<16xf32>,
          %swap3A_1325 = arith.constant 1 : i32
          %swap3A_1326 = arith.index_cast %swap3A_1325 : i32 to index
          %swap3A_1327 = arith.constant 64 : index
          %swap3A_1328 = tpu.vector_load %arg8[%swap3A_1326, %swap3A_1327] {strides = array<i32>} : memref<8x128xf32, #tpu.memory_space<vmem>>, vector<16xf32>,
          tpu.vector_store %arg8[%swap3A_1326, %swap3A_1327], %get3A_1268 {strides = array<i32>} : memref<8x128xf32, #tpu.memory_space<vmem>>, vector<16xf32>,
          %get3A_1329 = arith.index_cast %scan3A_1145 : i32 to index
          %get3A_1330 = arith.constant 80 : index
          %get3A_1331 = tpu.vector_load %arg5[%get3A_1329, %get3A_1330] {strides = array<i32>} : memref<1000x128xf32, #tpu.memory_space<vmem>>, vector<16xf32>,
          %swap3A_1332 = arith.constant 1 : i32
          %swap3A_1333 = arith.index_cast %swap3A_1332 : i32 to index
          %swap3A_1334 = arith.constant 80 : index
          %swap3A_1335 = tpu.vector_load %arg8[%swap3A_1333, %swap3A_1334] {strides = array<i32>} : memref<8x128xf32, #tpu.memory_space<vmem>>, vector<16xf32>,
          tpu.vector_store %arg8[%swap3A_1333, %swap3A_1334], %get3A_1275 {strides = array<i32>} : memref<8x128xf32, #tpu.memory_space<vmem>>, vector<16xf32>,
          %get3A_1336 = arith.index_cast %scan3A_1145 : i32 to index
          %get3A_1337 = arith.constant 96 : index
          %get3A_1338 = tpu.vector_load %arg5[%get3A_1336, %get3A_1337] {strides = array<i32>} : memref<1000x128xf32, #tpu.memory_space<vmem>>, vector<16xf32>,
          %swap3A_1339 = arith.constant 1 : i32
          %swap3A_1340 = arith.index_cast %swap3A_1339 : i32 to index
          %swap3A_1341 = arith.constant 96 : index
          %swap3A_1342 = tpu.vector_load %arg8[%swap3A_1340, %swap3A_1341] {strides = array<i32>} : memref<8x128xf32, #tpu.memory_space<vmem>>, vector<16xf32>,
          tpu.vector_store %arg8[%swap3A_1340, %swap3A_1341], %get3A_1282 {strides = array<i32>} : memref<8x128xf32, #tpu.memory_space<vmem>>, vector<16xf32>,
          %get3A_1343 = arith.index_cast %scan3A_1145 : i32 to index
          %get3A_1344 = arith.constant 112 : index
          %get3A_1345 = tpu.vector_load %arg5[%get3A_1343, %get3A_1344] {strides = array<i32>} : memref<1000x128xf32, #tpu.memory_space<vmem>>, vector<16xf32>,
          %swap3A_1346 = arith.constant 1 : i32
          %swap3A_1347 = arith.index_cast %swap3A_1346 : i32 to index
          %swap3A_1348 = arith.constant 112 : index
          %swap3A_1349 = tpu.vector_load %arg8[%swap3A_1347, %swap3A_1348] {strides = array<i32>} : memref<8x128xf32, #tpu.memory_space<vmem>>, vector<16xf32>,
          tpu.vector_store %arg8[%swap3A_1347, %swap3A_1348], %get3A_1289 {strides = array<i32>} : memref<8x128xf32, #tpu.memory_space<vmem>>, vector<16xf32>,
          %get3A_1350 = arith.index_cast %scan3A_1146 : i32 to index
          %get3A_1351 = arith.constant 0 : index
          %get3A_1352 = tpu.vector_load %arg5[%get3A_1350, %get3A_1351] {strides = array<i32>} : memref<1000x128xf32, #tpu.memory_space<vmem>>, vector<16xf32>,
          %swap3A_1353 = arith.constant 2 : i32
          %swap3A_1354 = arith.index_cast %swap3A_1353 : i32 to index
          %swap3A_1355 = arith.constant 0 : index
          %swap3A_1356 = tpu.vector_load %arg8[%swap3A_1354, %swap3A_1355] {strides = array<i32>} : memref<8x128xf32, #tpu.memory_space<vmem>>, vector<16xf32>,
          tpu.vector_store %arg8[%swap3A_1354, %swap3A_1355], %get3A_1296 {strides = array<i32>} : memref<8x128xf32, #tpu.memory_space<vmem>>, vector<16xf32>,
          %get3A_1357 = arith.index_cast %scan3A_1146 : i32 to index
          %get3A_1358 = arith.constant 16 : index
          %get3A_1359 = tpu.vector_load %arg5[%get3A_1357, %get3A_1358] {strides = array<i32>} : memref<1000x128xf32, #tpu.memory_space<vmem>>, vector<16xf32>,
          %swap3A_1360 = arith.constant 2 : i32
          %swap3A_1361 = arith.index_cast %swap3A_1360 : i32 to index
          %swap3A_1362 = arith.constant 16 : index
          %swap3A_1363 = tpu.vector_load %arg8[%swap3A_1361, %swap3A_1362] {strides = array<i32>} : memref<8x128xf32, #tpu.memory_space<vmem>>, vector<16xf32>,
          tpu.vector_store %arg8[%swap3A_1361, %swap3A_1362], %get3A_1303 {strides = array<i32>} : memref<8x128xf32, #tpu.memory_space<vmem>>, vector<16xf32>,
          %get3A_1364 = arith.index_cast %scan3A_1146 : i32 to index
          %get3A_1365 = arith.constant 32 : index
          %get3A_1366 = tpu.vector_load %arg5[%get3A_1364, %get3A_1365] {strides = array<i32>} : memref<1000x128xf32, #tpu.memory_space<vmem>>, vector<16xf32>,
          %swap3A_1367 = arith.constant 2 : i32
          %swap3A_1368 = arith.index_cast %swap3A_1367 : i32 to index
          %swap3A_1369 = arith.constant 32 : index
          %swap3A_1370 = tpu.vector_load %arg8[%swap3A_1368, %swap3A_1369] {strides = array<i32>} : memref<8x128xf32, #tpu.memory_space<vmem>>, vector<16xf32>,
          tpu.vector_store %arg8[%swap3A_1368, %swap3A_1369], %get3A_1310 {strides = array<i32>} : memref<8x128xf32, #tpu.memory_space<vmem>>, vector<16xf32>,
          %get3A_1371 = arith.index_cast %scan3A_1146 : i32 to index
          %get3A_1372 = arith.constant 48 : index
          %get3A_1373 = tpu.vector_load %arg5[%get3A_1371, %get3A_1372] {strides = array<i32>} : memref<1000x128xf32, #tpu.memory_space<vmem>>, vector<16xf32>,
          %swap3A_1374 = arith.constant 2 : i32
          %swap3A_1375 = arith.index_cast %swap3A_1374 : i32 to index
          %swap3A_1376 = arith.constant 48 : index
          %swap3A_1377 = tpu.vector_load %arg8[%swap3A_1375, %swap3A_1376] {strides = array<i32>} : memref<8x128xf32, #tpu.memory_space<vmem>>, vector<16xf32>,
          tpu.vector_store %arg8[%swap3A_1375, %swap3A_1376], %get3A_1317 {strides = array<i32>} : memref<8x128xf32, #tpu.memory_space<vmem>>, vector<16xf32>,
          %get3A_1378 = arith.index_cast %scan3A_1146 : i32 to index
          %get3A_1379 = arith.constant 64 : index
          %get3A_1380 = tpu.vector_load %arg5[%get3A_1378, %get3A_1379] {strides = array<i32>} : memref<1000x128xf32, #tpu.memory_space<vmem>>, vector<16xf32>,
          %swap3A_1381 = arith.constant 2 : i32
          %swap3A_1382 = arith.index_cast %swap3A_1381 : i32 to index
          %swap3A_1383 = arith.constant 64 : index
          %swap3A_1384 = tpu.vector_load %arg8[%swap3A_1382, %swap3A_1383] {strides = array<i32>} : memref<8x128xf32, #tpu.memory_space<vmem>>, vector<16xf32>,
          tpu.vector_store %arg8[%swap3A_1382, %swap3A_1383], %get3A_1324 {strides = array<i32>} : memref<8x128xf32, #tpu.memory_space<vmem>>, vector<16xf32>,
          %get3A_1385 = arith.index_cast %scan3A_1146 : i32 to index
          %get3A_1386 = arith.constant 80 : index
          %get3A_1387 = tpu.vector_load %arg5[%get3A_1385, %get3A_1386] {strides = array<i32>} : memref<1000x128xf32, #tpu.memory_space<vmem>>, vector<16xf32>,
          %swap3A_1388 = arith.constant 2 : i32
          %swap3A_1389 = arith.index_cast %swap3A_1388 : i32 to index
          %swap3A_1390 = arith.constant 80 : index
          %swap3A_1391 = tpu.vector_load %arg8[%swap3A_1389, %swap3A_1390] {strides = array<i32>} : memref<8x128xf32, #tpu.memory_space<vmem>>, vector<16xf32>,
          tpu.vector_store %arg8[%swap3A_1389, %swap3A_1390], %get3A_1331 {strides = array<i32>} : memref<8x128xf32, #tpu.memory_space<vmem>>, vector<16xf32>,
          %get3A_1392 = arith.index_cast %scan3A_1146 : i32 to index
          %get3A_1393 = arith.constant 96 : index
          %get3A_1394 = tpu.vector_load %arg5[%get3A_1392, %get3A_1393] {strides = array<i32>} : memref<1000x128xf32, #tpu.memory_space<vmem>>, vector<16xf32>,
          %swap3A_1395 = arith.constant 2 : i32
          %swap3A_1396 = arith.index_cast %swap3A_1395 : i32 to index
          %swap3A_1397 = arith.constant 96 : index
          %swap3A_1398 = tpu.vector_load %arg8[%swap3A_1396, %swap3A_1397] {strides = array<i32>} : memref<8x128xf32, #tpu.memory_space<vmem>>, vector<16xf32>,
          tpu.vector_store %arg8[%swap3A_1396, %swap3A_1397], %get3A_1338 {strides = array<i32>} : memref<8x128xf32, #tpu.memory_space<vmem>>, vector<16xf32>,
          %get3A_1399 = arith.index_cast %scan3A_1146 : i32 to index
          %get3A_1400 = arith.constant 112 : index
          %get3A_1401 = tpu.vector_load %arg5[%get3A_1399, %get3A_1400] {strides = array<i32>} : memref<1000x128xf32, #tpu.memory_space<vmem>>, vector<16xf32>,
          %swap3A_1402 = arith.constant 2 : i32
          %swap3A_1403 = arith.index_cast %swap3A_1402 : i32 to index
          %swap3A_1404 = arith.constant 112 : index
          %swap3A_1405 = tpu.vector_load %arg8[%swap3A_1403, %swap3A_1404] {strides = array<i32>} : memref<8x128xf32, #tpu.memory_space<vmem>>, vector<16xf32>,
          tpu.vector_store %arg8[%swap3A_1403, %swap3A_1404], %get3A_1345 {strides = array<i32>} : memref<8x128xf32, #tpu.memory_space<vmem>>, vector<16xf32>,
          %get3A_1406 = arith.index_cast %scan3A_1147 : i32 to index
          %get3A_1407 = arith.constant 0 : index
          %get3A_1408 = tpu.vector_load %arg5[%get3A_1406, %get3A_1407] {strides = array<i32>} : memref<1000x128xf32, #tpu.memory_space<vmem>>, vector<16xf32>,
          %swap3A_1409 = arith.constant 3 : i32
          %swap3A_1410 = arith.index_cast %swap3A_1409 : i32 to index
          %swap3A_1411 = arith.constant 0 : index
          %swap3A_1412 = tpu.vector_load %arg8[%swap3A_1410, %swap3A_1411] {strides = array<i32>} : memref<8x128xf32, #tpu.memory_space<vmem>>, vector<16xf32>,
          tpu.vector_store %arg8[%swap3A_1410, %swap3A_1411], %get3A_1352 {strides = array<i32>} : memref<8x128xf32, #tpu.memory_space<vmem>>, vector<16xf32>,
          %get3A_1413 = arith.index_cast %scan3A_1147 : i32 to index
          %get3A_1414 = arith.constant 16 : index
          %get3A_1415 = tpu.vector_load %arg5[%get3A_1413, %get3A_1414] {strides = array<i32>} : memref<1000x128xf32, #tpu.memory_space<vmem>>, vector<16xf32>,
          %swap3A_1416 = arith.constant 3 : i32
          %swap3A_1417 = arith.index_cast %swap3A_1416 : i32 to index
          %swap3A_1418 = arith.constant 16 : index
          %swap3A_1419 = tpu.vector_load %arg8[%swap3A_1417, %swap3A_1418] {strides = array<i32>} : memref<8x128xf32, #tpu.memory_space<vmem>>, vector<16xf32>,
          tpu.vector_store %arg8[%swap3A_1417, %swap3A_1418], %get3A_1359 {strides = array<i32>} : memref<8x128xf32, #tpu.memory_space<vmem>>, vector<16xf32>,
          %get3A_1420 = arith.index_cast %scan3A_1147 : i32 to index
          %get3A_1421 = arith.constant 32 : index
          %get3A_1422 = tpu.vector_load %arg5[%get3A_1420, %get3A_1421] {strides = array<i32>} : memref<1000x128xf32, #tpu.memory_space<vmem>>, vector<16xf32>,
          %swap3A_1423 = arith.constant 3 : i32
          %swap3A_1424 = arith.index_cast %swap3A_1423 : i32 to index
          %swap3A_1425 = arith.constant 32 : index
          %swap3A_1426 = tpu.vector_load %arg8[%swap3A_1424, %swap3A_1425] {strides = array<i32>} : memref<8x128xf32, #tpu.memory_space<vmem>>, vector<16xf32>,
          tpu.vector_store %arg8[%swap3A_1424, %swap3A_1425], %get3A_1366 {strides = array<i32>} : memref<8x128xf32, #tpu.memory_space<vmem>>, vector<16xf32>,
          %get3A_1427 = arith.index_cast %scan3A_1147 : i32 to index
          %get3A_1428 = arith.constant 48 : index
          %get3A_1429 = tpu.vector_load %arg5[%get3A_1427, %get3A_1428] {strides = array<i32>} : memref<1000x128xf32, #tpu.memory_space<vmem>>, vector<16xf32>,
          %swap3A_1430 = arith.constant 3 : i32
          %swap3A_1431 = arith.index_cast %swap3A_1430 : i32 to index
          %swap3A_1432 = arith.constant 48 : index
          %swap3A_1433 = tpu.vector_load %arg8[%swap3A_1431, %swap3A_1432] {strides = array<i32>} : memref<8x128xf32, #tpu.memory_space<vmem>>, vector<16xf32>,
          tpu.vector_store %arg8[%swap3A_1431, %swap3A_1432], %get3A_1373 {strides = array<i32>} : memref<8x128xf32, #tpu.memory_space<vmem>>, vector<16xf32>,
          %get3A_1434 = arith.index_cast %scan3A_1147 : i32 to index
          %get3A_1435 = arith.constant 64 : index
          %get3A_1436 = tpu.vector_load %arg5[%get3A_1434, %get3A_1435] {strides = array<i32>} : memref<1000x128xf32, #tpu.memory_space<vmem>>, vector<16xf32>,
          %swap3A_1437 = arith.constant 3 : i32
          %swap3A_1438 = arith.index_cast %swap3A_1437 : i32 to index
          %swap3A_1439 = arith.constant 64 : index
          %swap3A_1440 = tpu.vector_load %arg8[%swap3A_1438, %swap3A_1439] {strides = array<i32>} : memref<8x128xf32, #tpu.memory_space<vmem>>, vector<16xf32>,
          tpu.vector_store %arg8[%swap3A_1438, %swap3A_1439], %get3A_1380 {strides = array<i32>} : memref<8x128xf32, #tpu.memory_space<vmem>>, vector<16xf32>,
          %get3A_1441 = arith.index_cast %scan3A_1147 : i32 to index
          %get3A_1442 = arith.constant 80 : index
          %get3A_1443 = tpu.vector_load %arg5[%get3A_1441, %get3A_1442] {strides = array<i32>} : memref<1000x128xf32, #tpu.memory_space<vmem>>, vector<16xf32>,
          %swap3A_1444 = arith.constant 3 : i32
          %swap3A_1445 = arith.index_cast %swap3A_1444 : i32 to index
          %swap3A_1446 = arith.constant 80 : index
          %swap3A_1447 = tpu.vector_load %arg8[%swap3A_1445, %swap3A_1446] {strides = array<i32>} : memref<8x128xf32, #tpu.memory_space<vmem>>, vector<16xf32>,
          tpu.vector_store %arg8[%swap3A_1445, %swap3A_1446], %get3A_1387 {strides = array<i32>} : memref<8x128xf32, #tpu.memory_space<vmem>>, vector<16xf32>,
          %get3A_1448 = arith.index_cast %scan3A_1147 : i32 to index
          %get3A_1449 = arith.constant 96 : index
          %get3A_1450 = tpu.vector_load %arg5[%get3A_1448, %get3A_1449] {strides = array<i32>} : memref<1000x128xf32, #tpu.memory_space<vmem>>, vector<16xf32>,
          %swap3A_1451 = arith.constant 3 : i32
          %swap3A_1452 = arith.index_cast %swap3A_1451 : i32 to index
          %swap3A_1453 = arith.constant 96 : index
          %swap3A_1454 = tpu.vector_load %arg8[%swap3A_1452, %swap3A_1453] {strides = array<i32>} : memref<8x128xf32, #tpu.memory_space<vmem>>, vector<16xf32>,
          tpu.vector_store %arg8[%swap3A_1452, %swap3A_1453], %get3A_1394 {strides = array<i32>} : memref<8x128xf32, #tpu.memory_space<vmem>>, vector<16xf32>,
          %get3A_1455 = arith.index_cast %scan3A_1147 : i32 to index
          %get3A_1456 = arith.constant 112 : index
          %get3A_1457 = tpu.vector_load %arg5[%get3A_1455, %get3A_1456] {strides = array<i32>} : memref<1000x128xf32, #tpu.memory_space<vmem>>, vector<16xf32>,
          %swap3A_1458 = arith.constant 3 : i32
          %swap3A_1459 = arith.index_cast %swap3A_1458 : i32 to index
          %swap3A_1460 = arith.constant 112 : index
          %swap3A_1461 = tpu.vector_load %arg8[%swap3A_1459, %swap3A_1460] {strides = array<i32>} : memref<8x128xf32, #tpu.memory_space<vmem>>, vector<16xf32>,
          tpu.vector_store %arg8[%swap3A_1459, %swap3A_1460], %get3A_1401 {strides = array<i32>} : memref<8x128xf32, #tpu.memory_space<vmem>>, vector<16xf32>,
          %get3A_1462 = arith.index_cast %scan3A_1148 : i32 to index
          %get3A_1463 = arith.constant 0 : index
          %get3A_1464 = tpu.vector_load %arg5[%get3A_1462, %get3A_1463] {strides = array<i32>} : memref<1000x128xf32, #tpu.memory_space<vmem>>, vector<16xf32>,
          %swap3A_1465 = arith.constant 4 : i32
          %swap3A_1466 = arith.index_cast %swap3A_1465 : i32 to index
          %swap3A_1467 = arith.constant 0 : index
          %swap3A_1468 = tpu.vector_load %arg8[%swap3A_1466, %swap3A_1467] {strides = array<i32>} : memref<8x128xf32, #tpu.memory_space<vmem>>, vector<16xf32>,
          tpu.vector_store %arg8[%swap3A_1466, %swap3A_1467], %get3A_1408 {strides = array<i32>} : memref<8x128xf32, #tpu.memory_space<vmem>>, vector<16xf32>,
          %get3A_1469 = arith.index_cast %scan3A_1148 : i32 to index
          %get3A_1470 = arith.constant 16 : index
          %get3A_1471 = tpu.vector_load %arg5[%get3A_1469, %get3A_1470] {strides = array<i32>} : memref<1000x128xf32, #tpu.memory_space<vmem>>, vector<16xf32>,
          %swap3A_1472 = arith.constant 4 : i32
          %swap3A_1473 = arith.index_cast %swap3A_1472 : i32 to index
          %swap3A_1474 = arith.constant 16 : index
          %swap3A_1475 = tpu.vector_load %arg8[%swap3A_1473, %swap3A_1474] {strides = array<i32>} : memref<8x128xf32, #tpu.memory_space<vmem>>, vector<16xf32>,
          tpu.vector_store %arg8[%swap3A_1473, %swap3A_1474], %get3A_1415 {strides = array<i32>} : memref<8x128xf32, #tpu.memory_space<vmem>>, vector<16xf32>,
          %get3A_1476 = arith.index_cast %scan3A_1148 : i32 to index
          %get3A_1477 = arith.constant 32 : index
          %get3A_1478 = tpu.vector_load %arg5[%get3A_1476, %get3A_1477] {strides = array<i32>} : memref<1000x128xf32, #tpu.memory_space<vmem>>, vector<16xf32>,
          %swap3A_1479 = arith.constant 4 : i32
          %swap3A_1480 = arith.index_cast %swap3A_1479 : i32 to index
          %swap3A_1481 = arith.constant 32 : index
          %swap3A_1482 = tpu.vector_load %arg8[%swap3A_1480, %swap3A_1481] {strides = array<i32>} : memref<8x128xf32, #tpu.memory_space<vmem>>, vector<16xf32>,
          tpu.vector_store %arg8[%swap3A_1480, %swap3A_1481], %get3A_1422 {strides = array<i32>} : memref<8x128xf32, #tpu.memory_space<vmem>>, vector<16xf32>,
          %get3A_1483 = arith.index_cast %scan3A_1148 : i32 to index
          %get3A_1484 = arith.constant 48 : index
          %get3A_1485 = tpu.vector_load %arg5[%get3A_1483, %get3A_1484] {strides = array<i32>} : memref<1000x128xf32, #tpu.memory_space<vmem>>, vector<16xf32>,
          %swap3A_1486 = arith.constant 4 : i32
          %swap3A_1487 = arith.index_cast %swap3A_1486 : i32 to index
          %swap3A_1488 = arith.constant 48 : index
          %swap3A_1489 = tpu.vector_load %arg8[%swap3A_1487, %swap3A_1488] {strides = array<i32>} : memref<8x128xf32, #tpu.memory_space<vmem>>, vector<16xf32>,
          tpu.vector_store %arg8[%swap3A_1487, %swap3A_1488], %get3A_1429 {strides = array<i32>} : memref<8x128xf32, #tpu.memory_space<vmem>>, vector<16xf32>,
          %get3A_1490 = arith.index_cast %scan3A_1148 : i32 to index
          %get3A_1491 = arith.constant 64 : index
          %get3A_1492 = tpu.vector_load %arg5[%get3A_1490, %get3A_1491] {strides = array<i32>} : memref<1000x128xf32, #tpu.memory_space<vmem>>, vector<16xf32>,
          %swap3A_1493 = arith.constant 4 : i32
          %swap3A_1494 = arith.index_cast %swap3A_1493 : i32 to index
          %swap3A_1495 = arith.constant 64 : index
          %swap3A_1496 = tpu.vector_load %arg8[%swap3A_1494, %swap3A_1495] {strides = array<i32>} : memref<8x128xf32, #tpu.memory_space<vmem>>, vector<16xf32>,
          tpu.vector_store %arg8[%swap3A_1494, %swap3A_1495], %get3A_1436 {strides = array<i32>} : memref<8x128xf32, #tpu.memory_space<vmem>>, vector<16xf32>,
          %get3A_1497 = arith.index_cast %scan3A_1148 : i32 to index
          %get3A_1498 = arith.constant 80 : index
          %get3A_1499 = tpu.vector_load %arg5[%get3A_1497, %get3A_1498] {strides = array<i32>} : memref<1000x128xf32, #tpu.memory_space<vmem>>, vector<16xf32>,
          %swap3A_1500 = arith.constant 4 : i32
          %swap3A_1501 = arith.index_cast %swap3A_1500 : i32 to index
          %swap3A_1502 = arith.constant 80 : index
          %swap3A_1503 = tpu.vector_load %arg8[%swap3A_1501, %swap3A_1502] {strides = array<i32>} : memref<8x128xf32, #tpu.memory_space<vmem>>, vector<16xf32>,
          tpu.vector_store %arg8[%swap3A_1501, %swap3A_1502], %get3A_1443 {strides = array<i32>} : memref<8x128xf32, #tpu.memory_space<vmem>>, vector<16xf32>,
          %get3A_1504 = arith.index_cast %scan3A_1148 : i32 to index
          %get3A_1505 = arith.constant 96 : index
          %get3A_1506 = tpu.vector_load %arg5[%get3A_1504, %get3A_1505] {strides = array<i32>} : memref<1000x128xf32, #tpu.memory_space<vmem>>, vector<16xf32>,
          %swap3A_1507 = arith.constant 4 : i32
          %swap3A_1508 = arith.index_cast %swap3A_1507 : i32 to index
          %swap3A_1509 = arith.constant 96 : index
          %swap3A_1510 = tpu.vector_load %arg8[%swap3A_1508, %swap3A_1509] {strides = array<i32>} : memref<8x128xf32, #tpu.memory_space<vmem>>, vector<16xf32>,
          tpu.vector_store %arg8[%swap3A_1508, %swap3A_1509], %get3A_1450 {strides = array<i32>} : memref<8x128xf32, #tpu.memory_space<vmem>>, vector<16xf32>,
          %get3A_1511 = arith.index_cast %scan3A_1148 : i32 to index
          %get3A_1512 = arith.constant 112 : index
          %get3A_1513 = tpu.vector_load %arg5[%get3A_1511, %get3A_1512] {strides = array<i32>} : memref<1000x128xf32, #tpu.memory_space<vmem>>, vector<16xf32>,
          %swap3A_1514 = arith.constant 4 : i32
          %swap3A_1515 = arith.index_cast %swap3A_1514 : i32 to index
          %swap3A_1516 = arith.constant 112 : index
          %swap3A_1517 = tpu.vector_load %arg8[%swap3A_1515, %swap3A_1516] {strides = array<i32>} : memref<8x128xf32, #tpu.memory_space<vmem>>, vector<16xf32>,
          tpu.vector_store %arg8[%swap3A_1515, %swap3A_1516], %get3A_1457 {strides = array<i32>} : memref<8x128xf32, #tpu.memory_space<vmem>>, vector<16xf32>,
          %get3A_1518 = arith.index_cast %scan3A_1149 : i32 to index
          %get3A_1519 = arith.constant 0 : index
          %get3A_1520 = tpu.vector_load %arg5[%get3A_1518, %get3A_1519] {strides = array<i32>} : memref<1000x128xf32, #tpu.memory_space<vmem>>, vector<16xf32>,
          %swap3A_1521 = arith.constant 5 : i32
          %swap3A_1522 = arith.index_cast %swap3A_1521 : i32 to index
          %swap3A_1523 = arith.constant 0 : index
          %swap3A_1524 = tpu.vector_load %arg8[%swap3A_1522, %swap3A_1523] {strides = array<i32>} : memref<8x128xf32, #tpu.memory_space<vmem>>, vector<16xf32>,
          tpu.vector_store %arg8[%swap3A_1522, %swap3A_1523], %get3A_1464 {strides = array<i32>} : memref<8x128xf32, #tpu.memory_space<vmem>>, vector<16xf32>,
          %get3A_1525 = arith.index_cast %scan3A_1149 : i32 to index
          %get3A_1526 = arith.constant 16 : index
          %get3A_1527 = tpu.vector_load %arg5[%get3A_1525, %get3A_1526] {strides = array<i32>} : memref<1000x128xf32, #tpu.memory_space<vmem>>, vector<16xf32>,
          %swap3A_1528 = arith.constant 5 : i32
          %swap3A_1529 = arith.index_cast %swap3A_1528 : i32 to index
          %swap3A_1530 = arith.constant 16 : index
          %swap3A_1531 = tpu.vector_load %arg8[%swap3A_1529, %swap3A_1530] {strides = array<i32>} : memref<8x128xf32, #tpu.memory_space<vmem>>, vector<16xf32>,
          tpu.vector_store %arg8[%swap3A_1529, %swap3A_1530], %get3A_1471 {strides = array<i32>} : memref<8x128xf32, #tpu.memory_space<vmem>>, vector<16xf32>,
          %get3A_1532 = arith.index_cast %scan3A_1149 : i32 to index
          %get3A_1533 = arith.constant 32 : index
          %get3A_1534 = tpu.vector_load %arg5[%get3A_1532, %get3A_1533] {strides = array<i32>} : memref<1000x128xf32, #tpu.memory_space<vmem>>, vector<16xf32>,
          %swap3A_1535 = arith.constant 5 : i32
          %swap3A_1536 = arith.index_cast %swap3A_1535 : i32 to index
          %swap3A_1537 = arith.constant 32 : index
          %swap3A_1538 = tpu.vector_load %arg8[%swap3A_1536, %swap3A_1537] {strides = array<i32>} : memref<8x128xf32, #tpu.memory_space<vmem>>, vector<16xf32>,
          tpu.vector_store %arg8[%swap3A_1536, %swap3A_1537], %get3A_1478 {strides = array<i32>} : memref<8x128xf32, #tpu.memory_space<vmem>>, vector<16xf32>,
          %get3A_1539 = arith.index_cast %scan3A_1149 : i32 to index
          %get3A_1540 = arith.constant 48 : index
          %get3A_1541 = tpu.vector_load %arg5[%get3A_1539, %get3A_1540] {strides = array<i32>} : memref<1000x128xf32, #tpu.memory_space<vmem>>, vector<16xf32>,
          %swap3A_1542 = arith.constant 5 : i32
          %swap3A_1543 = arith.index_cast %swap3A_1542 : i32 to index
          %swap3A_1544 = arith.constant 48 : index
          %swap3A_1545 = tpu.vector_load %arg8[%swap3A_1543, %swap3A_1544] {strides = array<i32>} : memref<8x128xf32, #tpu.memory_space<vmem>>, vector<16xf32>,
          tpu.vector_store %arg8[%swap3A_1543, %swap3A_1544], %get3A_1485 {strides = array<i32>} : memref<8x128xf32, #tpu.memory_space<vmem>>, vector<16xf32>,
          %get3A_1546 = arith.index_cast %scan3A_1149 : i32 to index
          %get3A_1547 = arith.constant 64 : index
          %get3A_1548 = tpu.vector_load %arg5[%get3A_1546, %get3A_1547] {strides = array<i32>} : memref<1000x128xf32, #tpu.memory_space<vmem>>, vector<16xf32>,
          %swap3A_1549 = arith.constant 5 : i32
          %swap3A_1550 = arith.index_cast %swap3A_1549 : i32 to index
          %swap3A_1551 = arith.constant 64 : index
          %swap3A_1552 = tpu.vector_load %arg8[%swap3A_1550, %swap3A_1551] {strides = array<i32>} : memref<8x128xf32, #tpu.memory_space<vmem>>, vector<16xf32>,
          tpu.vector_store %arg8[%swap3A_1550, %swap3A_1551], %get3A_1492 {strides = array<i32>} : memref<8x128xf32, #tpu.memory_space<vmem>>, vector<16xf32>,
          %get3A_1553 = arith.index_cast %scan3A_1149 : i32 to index
          %get3A_1554 = arith.constant 80 : index
          %get3A_1555 = tpu.vector_load %arg5[%get3A_1553, %get3A_1554] {strides = array<i32>} : memref<1000x128xf32, #tpu.memory_space<vmem>>, vector<16xf32>,
          %swap3A_1556 = arith.constant 5 : i32
          %swap3A_1557 = arith.index_cast %swap3A_1556 : i32 to index
          %swap3A_1558 = arith.constant 80 : index
          %swap3A_1559 = tpu.vector_load %arg8[%swap3A_1557, %swap3A_1558] {strides = array<i32>} : memref<8x128xf32, #tpu.memory_space<vmem>>, vector<16xf32>,
          tpu.vector_store %arg8[%swap3A_1557, %swap3A_1558], %get3A_1499 {strides = array<i32>} : memref<8x128xf32, #tpu.memory_space<vmem>>, vector<16xf32>,
          %get3A_1560 = arith.index_cast %scan3A_1149 : i32 to index
          %get3A_1561 = arith.constant 96 : index
          %get3A_1562 = tpu.vector_load %arg5[%get3A_1560, %get3A_1561] {strides = array<i32>} : memref<1000x128xf32, #tpu.memory_space<vmem>>, vector<16xf32>,
          %swap3A_1563 = arith.constant 5 : i32
          %swap3A_1564 = arith.index_cast %swap3A_1563 : i32 to index
          %swap3A_1565 = arith.constant 96 : index
          %swap3A_1566 = tpu.vector_load %arg8[%swap3A_1564, %swap3A_1565] {strides = array<i32>} : memref<8x128xf32, #tpu.memory_space<vmem>>, vector<16xf32>,
          tpu.vector_store %arg8[%swap3A_1564, %swap3A_1565], %get3A_1506 {strides = array<i32>} : memref<8x128xf32, #tpu.memory_space<vmem>>, vector<16xf32>,
          %get3A_1567 = arith.index_cast %scan3A_1149 : i32 to index
          %get3A_1568 = arith.constant 112 : index
          %get3A_1569 = tpu.vector_load %arg5[%get3A_1567, %get3A_1568] {strides = array<i32>} : memref<1000x128xf32, #tpu.memory_space<vmem>>, vector<16xf32>,
          %swap3A_1570 = arith.constant 5 : i32
          %swap3A_1571 = arith.index_cast %swap3A_1570 : i32 to index
          %swap3A_1572 = arith.constant 112 : index
          %swap3A_1573 = tpu.vector_load %arg8[%swap3A_1571, %swap3A_1572] {strides = array<i32>} : memref<8x128xf32, #tpu.memory_space<vmem>>, vector<16xf32>,
          tpu.vector_store %arg8[%swap3A_1571, %swap3A_1572], %get3A_1513 {strides = array<i32>} : memref<8x128xf32, #tpu.memory_space<vmem>>, vector<16xf32>,
          %get3A_1574 = arith.index_cast %scan3A_1150 : i32 to index
          %get3A_1575 = arith.constant 0 : index
          %get3A_1576 = tpu.vector_load %arg5[%get3A_1574, %get3A_1575] {strides = array<i32>} : memref<1000x128xf32, #tpu.memory_space<vmem>>, vector<16xf32>,
          %swap3A_1577 = arith.constant 6 : i32
          %swap3A_1578 = arith.index_cast %swap3A_1577 : i32 to index
          %swap3A_1579 = arith.constant 0 : index
          %swap3A_1580 = tpu.vector_load %arg8[%swap3A_1578, %swap3A_1579] {strides = array<i32>} : memref<8x128xf32, #tpu.memory_space<vmem>>, vector<16xf32>,
          tpu.vector_store %arg8[%swap3A_1578, %swap3A_1579], %get3A_1520 {strides = array<i32>} : memref<8x128xf32, #tpu.memory_space<vmem>>, vector<16xf32>,
          %get3A_1581 = arith.index_cast %scan3A_1150 : i32 to index
          %get3A_1582 = arith.constant 16 : index
          %get3A_1583 = tpu.vector_load %arg5[%get3A_1581, %get3A_1582] {strides = array<i32>} : memref<1000x128xf32, #tpu.memory_space<vmem>>, vector<16xf32>,
          %swap3A_1584 = arith.constant 6 : i32
          %swap3A_1585 = arith.index_cast %swap3A_1584 : i32 to index
          %swap3A_1586 = arith.constant 16 : index
          %swap3A_1587 = tpu.vector_load %arg8[%swap3A_1585, %swap3A_1586] {strides = array<i32>} : memref<8x128xf32, #tpu.memory_space<vmem>>, vector<16xf32>,
          tpu.vector_store %arg8[%swap3A_1585, %swap3A_1586], %get3A_1527 {strides = array<i32>} : memref<8x128xf32, #tpu.memory_space<vmem>>, vector<16xf32>,
          %get3A_1588 = arith.index_cast %scan3A_1150 : i32 to index
          %get3A_1589 = arith.constant 32 : index
          %get3A_1590 = tpu.vector_load %arg5[%get3A_1588, %get3A_1589] {strides = array<i32>} : memref<1000x128xf32, #tpu.memory_space<vmem>>, vector<16xf32>,
          %swap3A_1591 = arith.constant 6 : i32
          %swap3A_1592 = arith.index_cast %swap3A_1591 : i32 to index
          %swap3A_1593 = arith.constant 32 : index
          %swap3A_1594 = tpu.vector_load %arg8[%swap3A_1592, %swap3A_1593] {strides = array<i32>} : memref<8x128xf32, #tpu.memory_space<vmem>>, vector<16xf32>,
          tpu.vector_store %arg8[%swap3A_1592, %swap3A_1593], %get3A_1534 {strides = array<i32>} : memref<8x128xf32, #tpu.memory_space<vmem>>, vector<16xf32>,
          %get3A_1595 = arith.index_cast %scan3A_1150 : i32 to index
          %get3A_1596 = arith.constant 48 : index
          %get3A_1597 = tpu.vector_load %arg5[%get3A_1595, %get3A_1596] {strides = array<i32>} : memref<1000x128xf32, #tpu.memory_space<vmem>>, vector<16xf32>,
          %swap3A_1598 = arith.constant 6 : i32
          %swap3A_1599 = arith.index_cast %swap3A_1598 : i32 to index
          %swap3A_1600 = arith.constant 48 : index
          %swap3A_1601 = tpu.vector_load %arg8[%swap3A_1599, %swap3A_1600] {strides = array<i32>} : memref<8x128xf32, #tpu.memory_space<vmem>>, vector<16xf32>,
          tpu.vector_store %arg8[%swap3A_1599, %swap3A_1600], %get3A_1541 {strides = array<i32>} : memref<8x128xf32, #tpu.memory_space<vmem>>, vector<16xf32>,
          %get3A_1602 = arith.index_cast %scan3A_1150 : i32 to index
          %get3A_1603 = arith.constant 64 : index
          %get3A_1604 = tpu.vector_load %arg5[%get3A_1602, %get3A_1603] {strides = array<i32>} : memref<1000x128xf32, #tpu.memory_space<vmem>>, vector<16xf32>,
          %swap3A_1605 = arith.constant 6 : i32
          %swap3A_1606 = arith.index_cast %swap3A_1605 : i32 to index
          %swap3A_1607 = arith.constant 64 : index
          %swap3A_1608 = tpu.vector_load %arg8[%swap3A_1606, %swap3A_1607] {strides = array<i32>} : memref<8x128xf32, #tpu.memory_space<vmem>>, vector<16xf32>,
          tpu.vector_store %arg8[%swap3A_1606, %swap3A_1607], %get3A_1548 {strides = array<i32>} : memref<8x128xf32, #tpu.memory_space<vmem>>, vector<16xf32>,
          %get3A_1609 = arith.index_cast %scan3A_1150 : i32 to index
          %get3A_1610 = arith.constant 80 : index
          %get3A_1611 = tpu.vector_load %arg5[%get3A_1609, %get3A_1610] {strides = array<i32>} : memref<1000x128xf32, #tpu.memory_space<vmem>>, vector<16xf32>,
          %swap3A_1612 = arith.constant 6 : i32
          %swap3A_1613 = arith.index_cast %swap3A_1612 : i32 to index
          %swap3A_1614 = arith.constant 80 : index
          %swap3A_1615 = tpu.vector_load %arg8[%swap3A_1613, %swap3A_1614] {strides = array<i32>} : memref<8x128xf32, #tpu.memory_space<vmem>>, vector<16xf32>,
          tpu.vector_store %arg8[%swap3A_1613, %swap3A_1614], %get3A_1555 {strides = array<i32>} : memref<8x128xf32, #tpu.memory_space<vmem>>, vector<16xf32>,
          %get3A_1616 = arith.index_cast %scan3A_1150 : i32 to index
          %get3A_1617 = arith.constant 96 : index
          %get3A_1618 = tpu.vector_load %arg5[%get3A_1616, %get3A_1617] {strides = array<i32>} : memref<1000x128xf32, #tpu.memory_space<vmem>>, vector<16xf32>,
          %swap3A_1619 = arith.constant 6 : i32
          %swap3A_1620 = arith.index_cast %swap3A_1619 : i32 to index
          %swap3A_1621 = arith.constant 96 : index
          %swap3A_1622 = tpu.vector_load %arg8[%swap3A_1620, %swap3A_1621] {strides = array<i32>} : memref<8x128xf32, #tpu.memory_space<vmem>>, vector<16xf32>,
          tpu.vector_store %arg8[%swap3A_1620, %swap3A_1621], %get3A_1562 {strides = array<i32>} : memref<8x128xf32, #tpu.memory_space<vmem>>, vector<16xf32>,
          %get3A_1623 = arith.index_cast %scan3A_1150 : i32 to index
          %get3A_1624 = arith.constant 112 : index
          %get3A_1625 = tpu.vector_load %arg5[%get3A_1623, %get3A_1624] {strides = array<i32>} : memref<1000x128xf32, #tpu.memory_space<vmem>>, vector<16xf32>,
          %swap3A_1626 = arith.constant 6 : i32
          %swap3A_1627 = arith.index_cast %swap3A_1626 : i32 to index
          %swap3A_1628 = arith.constant 112 : index
          %swap3A_1629 = tpu.vector_load %arg8[%swap3A_1627, %swap3A_1628] {strides = array<i32>} : memref<8x128xf32, #tpu.memory_space<vmem>>, vector<16xf32>,
          tpu.vector_store %arg8[%swap3A_1627, %swap3A_1628], %get3A_1569 {strides = array<i32>} : memref<8x128xf32, #tpu.memory_space<vmem>>, vector<16xf32>,
          %swap3A_1630 = arith.constant 7 : i32
          %swap3A_1631 = arith.index_cast %swap3A_1630 : i32 to index
          %swap3A_1632 = arith.constant 0 : index
          %swap3A_1633 = tpu.vector_load %arg8[%swap3A_1631, %swap3A_1632] {strides = array<i32>} : memref<8x128xf32, #tpu.memory_space<vmem>>, vector<16xf32>,
          tpu.vector_store %arg8[%swap3A_1631, %swap3A_1632], %get3A_1576 {strides = array<i32>} : memref<8x128xf32, #tpu.memory_space<vmem>>, vector<16xf32>,
          %swap3A_1634 = arith.constant 7 : i32
          %swap3A_1635 = arith.index_cast %swap3A_1634 : i32 to index
          %swap3A_1636 = arith.constant 16 : index
          %swap3A_1637 = tpu.vector_load %arg8[%swap3A_1635, %swap3A_1636] {strides = array<i32>} : memref<8x128xf32, #tpu.memory_space<vmem>>, vector<16xf32>,
          tpu.vector_store %arg8[%swap3A_1635, %swap3A_1636], %get3A_1583 {strides = array<i32>} : memref<8x128xf32, #tpu.memory_space<vmem>>, vector<16xf32>,
          %swap3A_1638 = arith.constant 7 : i32
          %swap3A_1639 = arith.index_cast %swap3A_1638 : i32 to index
          %swap3A_1640 = arith.constant 32 : index
          %swap3A_1641 = tpu.vector_load %arg8[%swap3A_1639, %swap3A_1640] {strides = array<i32>} : memref<8x128xf32, #tpu.memory_space<vmem>>, vector<16xf32>,
          tpu.vector_store %arg8[%swap3A_1639, %swap3A_1640], %get3A_1590 {strides = array<i32>} : memref<8x128xf32, #tpu.memory_space<vmem>>, vector<16xf32>,
          %swap3A_1642 = arith.constant 7 : i32
          %swap3A_1643 = arith.index_cast %swap3A_1642 : i32 to index
          %swap3A_1644 = arith.constant 48 : index
          %swap3A_1645 = tpu.vector_load %arg8[%swap3A_1643, %swap3A_1644] {strides = array<i32>} : memref<8x128xf32, #tpu.memory_space<vmem>>, vector<16xf32>,
          tpu.vector_store %arg8[%swap3A_1643, %swap3A_1644], %get3A_1597 {strides = array<i32>} : memref<8x128xf32, #tpu.memory_space<vmem>>, vector<16xf32>,
          %swap3A_1646 = arith.constant 7 : i32
          %swap3A_1647 = arith.index_cast %swap3A_1646 : i32 to index
          %swap3A_1648 = arith.constant 64 : index
          %swap3A_1649 = tpu.vector_load %arg8[%swap3A_1647, %swap3A_1648] {strides = array<i32>} : memref<8x128xf32, #tpu.memory_space<vmem>>, vector<16xf32>,
          tpu.vector_store %arg8[%swap3A_1647, %swap3A_1648], %get3A_1604 {strides = array<i32>} : memref<8x128xf32, #tpu.memory_space<vmem>>, vector<16xf32>,
          %swap3A_1650 = arith.constant 7 : i32
          %swap3A_1651 = arith.index_cast %swap3A_1650 : i32 to index
          %swap3A_1652 = arith.constant 80 : index
          %swap3A_1653 = tpu.vector_load %arg8[%swap3A_1651, %swap3A_1652] {strides = array<i32>} : memref<8x128xf32, #tpu.memory_space<vmem>>, vector<16xf32>,
          tpu.vector_store %arg8[%swap3A_1651, %swap3A_1652], %get3A_1611 {strides = array<i32>} : memref<8x128xf32, #tpu.memory_space<vmem>>, vector<16xf32>,
          %swap3A_1654 = arith.constant 7 : i32
          %swap3A_1655 = arith.index_cast %swap3A_1654 : i32 to index
          %swap3A_1656 = arith.constant 96 : index
          %swap3A_1657 = tpu.vector_load %arg8[%swap3A_1655, %swap3A_1656] {strides = array<i32>} : memref<8x128xf32, #tpu.memory_space<vmem>>, vector<16xf32>,
          tpu.vector_store %arg8[%swap3A_1655, %swap3A_1656], %get3A_1618 {strides = array<i32>} : memref<8x128xf32, #tpu.memory_space<vmem>>, vector<16xf32>,
          %swap3A_1658 = arith.constant 7 : i32
          %swap3A_1659 = arith.index_cast %swap3A_1658 : i32 to index
          %swap3A_1660 = arith.constant 112 : index
          %swap3A_1661 = tpu.vector_load %arg8[%swap3A_1659, %swap3A_1660] {strides = array<i32>} : memref<8x128xf32, #tpu.memory_space<vmem>>, vector<16xf32>,
          tpu.vector_store %arg8[%swap3A_1659, %swap3A_1660], %get3A_1625 {strides = array<i32>} : memref<8x128xf32, #tpu.memory_space<vmem>>, vector<16xf32>,
          %mul3A_1662 = arith.constant 8 : i32
          %mul3A_1663 = arith.muli %add3A_1207, %mul3A_1662 : i32
          %dma_start3A_1664 = tpu.memref_slice %arg4[%mul3A_1663, %mul3A_11] : memref<10000x16384xf32, #tpu.memory_space<hbm>> -> memref<8x128xf32, #tpu.memory_space<hbm>>
          %dma_start3A_1665 = tpu.memref_slice %arg4[%mul3A_1663, %mul3A_11] : memref<10000x16384xf32, #tpu.memory_space<hbm>> -> memref<8x128xf32, #tpu.memory_space<hbm>>
          tpu.enqueue_dma source(%arg8 : memref<8x128xf32, #tpu.memory_space<vmem>>) target(%dma_start3A_1665 : memref<8x128xf32, #tpu.memory_space<hbm>>) target_semaphore(%arg11 : memref<!tpu.dma_semaphore, #tpu.memory_space<semaphore_mem>>)
          %mul3A_1666 = arith.constant 2 : i32
          %mul3A_1667 = arith.muli %add3A_1086, %mul3A_1666 : i32
          %mul3A_1668 = arith.constant 25 : i32
          %mul3A_1669 = arith.muli %mul3A_1667, %mul3A_1668 : i32
          %mul3A_1670 = arith.constant 2 : i32
          %mul3A_1671 = arith.muli %scan3A_1142, %mul3A_1670 : i32
          %add3A_1672 = arith.addi %mul3A_1669, %mul3A_1671 : i32
          %add3A_1673 = arith.constant 1 : i32
          %add3A_1674 = arith.addi %add3A_1672, %add3A_1673 : i32
          %dma_wait3A_1675 = arith.constant 0 : i32
          %dma_wait3A_1676 = arith.constant 0 : i32
          %dma_wait3A_1677 = tpu.memref_slice %arg4[%dma_wait3A_1675, %dma_wait3A_1676] : memref<10000x16384xf32, #tpu.memory_space<hbm>> -> memref<8x128xf32, #tpu.memory_space<hbm>>
          %dma_wait3A_1678 = arith.constant 0 : i32
          %dma_wait3A_1679 = arith.constant 0 : i32
          %dma_wait3A_1680 = tpu.memref_slice %arg4[%dma_wait3A_1678, %dma_wait3A_1679] : memref<10000x16384xf32, #tpu.memory_space<hbm>> -> memref<8x128xf32, #tpu.memory_space<hbm>>
          tpu.wait_dma2 semaphore(%arg12 : memref<!tpu.dma_semaphore, #tpu.memory_space<semaphore_mem>>) src(%arg9 : memref<8x128xf32, #tpu.memory_space<vmem>>) dst(%dma_wait3A_1680 : memref<8x128xf32, #tpu.memory_space<hbm>>)
          %get3A_1681 = arith.index_cast %scan3A_1151 : i32 to index
          %get3A_1682 = arith.constant 0 : index
          %get3A_1683 = tpu.vector_load %arg5[%get3A_1681, %get3A_1682] {strides = array<i32>} : memref<1000x128xf32, #tpu.memory_space<vmem>>, vector<16xf32>,
          %get3A_1684 = arith.index_cast %scan3A_1151 : i32 to index
          %get3A_1685 = arith.constant 16 : index
          %get3A_1686 = tpu.vector_load %arg5[%get3A_1684, %get3A_1685] {strides = array<i32>} : memref<1000x128xf32, #tpu.memory_space<vmem>>, vector<16xf32>,
          %get3A_1687 = arith.index_cast %scan3A_1151 : i32 to index
          %get3A_1688 = arith.constant 32 : index
          %get3A_1689 = tpu.vector_load %arg5[%get3A_1687, %get3A_1688] {strides = array<i32>} : memref<1000x128xf32, #tpu.memory_space<vmem>>, vector<16xf32>,
          %get3A_1690 = arith.index_cast %scan3A_1151 : i32 to index
          %get3A_1691 = arith.constant 48 : index
          %get3A_1692 = tpu.vector_load %arg5[%get3A_1690, %get3A_1691] {strides = array<i32>} : memref<1000x128xf32, #tpu.memory_space<vmem>>, vector<16xf32>,
          %get3A_1693 = arith.index_cast %scan3A_1151 : i32 to index
          %get3A_1694 = arith.constant 64 : index
          %get3A_1695 = tpu.vector_load %arg5[%get3A_1693, %get3A_1694] {strides = array<i32>} : memref<1000x128xf32, #tpu.memory_space<vmem>>, vector<16xf32>,
          %get3A_1696 = arith.index_cast %scan3A_1151 : i32 to index
          %get3A_1697 = arith.constant 80 : index
          %get3A_1698 = tpu.vector_load %arg5[%get3A_1696, %get3A_1697] {strides = array<i32>} : memref<1000x128xf32, #tpu.memory_space<vmem>>, vector<16xf32>,
          %get3A_1699 = arith.index_cast %scan3A_1151 : i32 to index
          %get3A_1700 = arith.constant 96 : index
          %get3A_1701 = tpu.vector_load %arg5[%get3A_1699, %get3A_1700] {strides = array<i32>} : memref<1000x128xf32, #tpu.memory_space<vmem>>, vector<16xf32>,
          %get3A_1702 = arith.index_cast %scan3A_1151 : i32 to index
          %get3A_1703 = arith.constant 112 : index
          %get3A_1704 = tpu.vector_load %arg5[%get3A_1702, %get3A_1703] {strides = array<i32>} : memref<1000x128xf32, #tpu.memory_space<vmem>>, vector<16xf32>,
          %get3A_1705 = arith.index_cast %scan3A_1152 : i32 to index
          %get3A_1706 = arith.constant 0 : index
          %get3A_1707 = tpu.vector_load %arg5[%get3A_1705, %get3A_1706] {strides = array<i32>} : memref<1000x128xf32, #tpu.memory_space<vmem>>, vector<16xf32>,
          %swap3A_1708 = arith.constant 0 : i32
          %swap3A_1709 = arith.index_cast %swap3A_1708 : i32 to index
          %swap3A_1710 = arith.constant 0 : index
          %swap3A_1711 = tpu.vector_load %arg9[%swap3A_1709, %swap3A_1710] {strides = array<i32>} : memref<8x128xf32, #tpu.memory_space<vmem>>, vector<16xf32>,
          tpu.vector_store %arg9[%swap3A_1709, %swap3A_1710], %get3A_1683 {strides = array<i32>} : memref<8x128xf32, #tpu.memory_space<vmem>>, vector<16xf32>,
          %get3A_1712 = arith.index_cast %scan3A_1152 : i32 to index
          %get3A_1713 = arith.constant 16 : index
          %get3A_1714 = tpu.vector_load %arg5[%get3A_1712, %get3A_1713] {strides = array<i32>} : memref<1000x128xf32, #tpu.memory_space<vmem>>, vector<16xf32>,
          %swap3A_1715 = arith.constant 0 : i32
          %swap3A_1716 = arith.index_cast %swap3A_1715 : i32 to index
          %swap3A_1717 = arith.constant 16 : index
          %swap3A_1718 = tpu.vector_load %arg9[%swap3A_1716, %swap3A_1717] {strides = array<i32>} : memref<8x128xf32, #tpu.memory_space<vmem>>, vector<16xf32>,
          tpu.vector_store %arg9[%swap3A_1716, %swap3A_1717], %get3A_1686 {strides = array<i32>} : memref<8x128xf32, #tpu.memory_space<vmem>>, vector<16xf32>,
          %get3A_1719 = arith.index_cast %scan3A_1152 : i32 to index
          %get3A_1720 = arith.constant 32 : index
          %get3A_1721 = tpu.vector_load %arg5[%get3A_1719, %get3A_1720] {strides = array<i32>} : memref<1000x128xf32, #tpu.memory_space<vmem>>, vector<16xf32>,
          %swap3A_1722 = arith.constant 0 : i32
          %swap3A_1723 = arith.index_cast %swap3A_1722 : i32 to index
          %swap3A_1724 = arith.constant 32 : index
          %swap3A_1725 = tpu.vector_load %arg9[%swap3A_1723, %swap3A_1724] {strides = array<i32>} : memref<8x128xf32, #tpu.memory_space<vmem>>, vector<16xf32>,
          tpu.vector_store %arg9[%swap3A_1723, %swap3A_1724], %get3A_1689 {strides = array<i32>} : memref<8x128xf32, #tpu.memory_space<vmem>>, vector<16xf32>,
          %get3A_1726 = arith.index_cast %scan3A_1152 : i32 to index
          %get3A_1727 = arith.constant 48 : index
          %get3A_1728 = tpu.vector_load %arg5[%get3A_1726, %get3A_1727] {strides = array<i32>} : memref<1000x128xf32, #tpu.memory_space<vmem>>, vector<16xf32>,
          %swap3A_1729 = arith.constant 0 : i32
          %swap3A_1730 = arith.index_cast %swap3A_1729 : i32 to index
          %swap3A_1731 = arith.constant 48 : index
          %swap3A_1732 = tpu.vector_load %arg9[%swap3A_1730, %swap3A_1731] {strides = array<i32>} : memref<8x128xf32, #tpu.memory_space<vmem>>, vector<16xf32>,
          tpu.vector_store %arg9[%swap3A_1730, %swap3A_1731], %get3A_1692 {strides = array<i32>} : memref<8x128xf32, #tpu.memory_space<vmem>>, vector<16xf32>,
          %get3A_1733 = arith.index_cast %scan3A_1152 : i32 to index
          %get3A_1734 = arith.constant 64 : index
          %get3A_1735 = tpu.vector_load %arg5[%get3A_1733, %get3A_1734] {strides = array<i32>} : memref<1000x128xf32, #tpu.memory_space<vmem>>, vector<16xf32>,
          %swap3A_1736 = arith.constant 0 : i32
          %swap3A_1737 = arith.index_cast %swap3A_1736 : i32 to index
          %swap3A_1738 = arith.constant 64 : index
          %swap3A_1739 = tpu.vector_load %arg9[%swap3A_1737, %swap3A_1738] {strides = array<i32>} : memref<8x128xf32, #tpu.memory_space<vmem>>, vector<16xf32>,
          tpu.vector_store %arg9[%swap3A_1737, %swap3A_1738], %get3A_1695 {strides = array<i32>} : memref<8x128xf32, #tpu.memory_space<vmem>>, vector<16xf32>,
          %get3A_1740 = arith.index_cast %scan3A_1152 : i32 to index
          %get3A_1741 = arith.constant 80 : index
          %get3A_1742 = tpu.vector_load %arg5[%get3A_1740, %get3A_1741] {strides = array<i32>} : memref<1000x128xf32, #tpu.memory_space<vmem>>, vector<16xf32>,
          %swap3A_1743 = arith.constant 0 : i32
          %swap3A_1744 = arith.index_cast %swap3A_1743 : i32 to index
          %swap3A_1745 = arith.constant 80 : index
          %swap3A_1746 = tpu.vector_load %arg9[%swap3A_1744, %swap3A_1745] {strides = array<i32>} : memref<8x128xf32, #tpu.memory_space<vmem>>, vector<16xf32>,
          tpu.vector_store %arg9[%swap3A_1744, %swap3A_1745], %get3A_1698 {strides = array<i32>} : memref<8x128xf32, #tpu.memory_space<vmem>>, vector<16xf32>,
          %get3A_1747 = arith.index_cast %scan3A_1152 : i32 to index
          %get3A_1748 = arith.constant 96 : index
          %get3A_1749 = tpu.vector_load %arg5[%get3A_1747, %get3A_1748] {strides = array<i32>} : memref<1000x128xf32, #tpu.memory_space<vmem>>, vector<16xf32>,
          %swap3A_1750 = arith.constant 0 : i32
          %swap3A_1751 = arith.index_cast %swap3A_1750 : i32 to index
          %swap3A_1752 = arith.constant 96 : index
          %swap3A_1753 = tpu.vector_load %arg9[%swap3A_1751, %swap3A_1752] {strides = array<i32>} : memref<8x128xf32, #tpu.memory_space<vmem>>, vector<16xf32>,
          tpu.vector_store %arg9[%swap3A_1751, %swap3A_1752], %get3A_1701 {strides = array<i32>} : memref<8x128xf32, #tpu.memory_space<vmem>>, vector<16xf32>,
          %get3A_1754 = arith.index_cast %scan3A_1152 : i32 to index
          %get3A_1755 = arith.constant 112 : index
          %get3A_1756 = tpu.vector_load %arg5[%get3A_1754, %get3A_1755] {strides = array<i32>} : memref<1000x128xf32, #tpu.memory_space<vmem>>, vector<16xf32>,
          %swap3A_1757 = arith.constant 0 : i32
          %swap3A_1758 = arith.index_cast %swap3A_1757 : i32 to index
          %swap3A_1759 = arith.constant 112 : index
          %swap3A_1760 = tpu.vector_load %arg9[%swap3A_1758, %swap3A_1759] {strides = array<i32>} : memref<8x128xf32, #tpu.memory_space<vmem>>, vector<16xf32>,
          tpu.vector_store %arg9[%swap3A_1758, %swap3A_1759], %get3A_1704 {strides = array<i32>} : memref<8x128xf32, #tpu.memory_space<vmem>>, vector<16xf32>,
          %get3A_1761 = arith.index_cast %scan3A_1153 : i32 to index
          %get3A_1762 = arith.constant 0 : index
          %get3A_1763 = tpu.vector_load %arg5[%get3A_1761, %get3A_1762] {strides = array<i32>} : memref<1000x128xf32, #tpu.memory_space<vmem>>, vector<16xf32>,
          %swap3A_1764 = arith.constant 1 : i32
          %swap3A_1765 = arith.index_cast %swap3A_1764 : i32 to index
          %swap3A_1766 = arith.constant 0 : index
          %swap3A_1767 = tpu.vector_load %arg9[%swap3A_1765, %swap3A_1766] {strides = array<i32>} : memref<8x128xf32, #tpu.memory_space<vmem>>, vector<16xf32>,
          tpu.vector_store %arg9[%swap3A_1765, %swap3A_1766], %get3A_1707 {strides = array<i32>} : memref<8x128xf32, #tpu.memory_space<vmem>>, vector<16xf32>,
          %get3A_1768 = arith.index_cast %scan3A_1153 : i32 to index
          %get3A_1769 = arith.constant 16 : index
          %get3A_1770 = tpu.vector_load %arg5[%get3A_1768, %get3A_1769] {strides = array<i32>} : memref<1000x128xf32, #tpu.memory_space<vmem>>, vector<16xf32>,
          %swap3A_1771 = arith.constant 1 : i32
          %swap3A_1772 = arith.index_cast %swap3A_1771 : i32 to index
          %swap3A_1773 = arith.constant 16 : index
          %swap3A_1774 = tpu.vector_load %arg9[%swap3A_1772, %swap3A_1773] {strides = array<i32>} : memref<8x128xf32, #tpu.memory_space<vmem>>, vector<16xf32>,
          tpu.vector_store %arg9[%swap3A_1772, %swap3A_1773], %get3A_1714 {strides = array<i32>} : memref<8x128xf32, #tpu.memory_space<vmem>>, vector<16xf32>,
          %get3A_1775 = arith.index_cast %scan3A_1153 : i32 to index
          %get3A_1776 = arith.constant 32 : index
          %get3A_1777 = tpu.vector_load %arg5[%get3A_1775, %get3A_1776] {strides = array<i32>} : memref<1000x128xf32, #tpu.memory_space<vmem>>, vector<16xf32>,
          %swap3A_1778 = arith.constant 1 : i32
          %swap3A_1779 = arith.index_cast %swap3A_1778 : i32 to index
          %swap3A_1780 = arith.constant 32 : index
          %swap3A_1781 = tpu.vector_load %arg9[%swap3A_1779, %swap3A_1780] {strides = array<i32>} : memref<8x128xf32, #tpu.memory_space<vmem>>, vector<16xf32>,
          tpu.vector_store %arg9[%swap3A_1779, %swap3A_1780], %get3A_1721 {strides = array<i32>} : memref<8x128xf32, #tpu.memory_space<vmem>>, vector<16xf32>,
          %get3A_1782 = arith.index_cast %scan3A_1153 : i32 to index
          %get3A_1783 = arith.constant 48 : index
          %get3A_1784 = tpu.vector_load %arg5[%get3A_1782, %get3A_1783] {strides = array<i32>} : memref<1000x128xf32, #tpu.memory_space<vmem>>, vector<16xf32>,
          %swap3A_1785 = arith.constant 1 : i32
          %swap3A_1786 = arith.index_cast %swap3A_1785 : i32 to index
          %swap3A_1787 = arith.constant 48 : index
          %swap3A_1788 = tpu.vector_load %arg9[%swap3A_1786, %swap3A_1787] {strides = array<i32>} : memref<8x128xf32, #tpu.memory_space<vmem>>, vector<16xf32>,
          tpu.vector_store %arg9[%swap3A_1786, %swap3A_1787], %get3A_1728 {strides = array<i32>} : memref<8x128xf32, #tpu.memory_space<vmem>>, vector<16xf32>,
          %get3A_1789 = arith.index_cast %scan3A_1153 : i32 to index
          %get3A_1790 = arith.constant 64 : index
          %get3A_1791 = tpu.vector_load %arg5[%get3A_1789, %get3A_1790] {strides = array<i32>} : memref<1000x128xf32, #tpu.memory_space<vmem>>, vector<16xf32>,
          %swap3A_1792 = arith.constant 1 : i32
          %swap3A_1793 = arith.index_cast %swap3A_1792 : i32 to index
          %swap3A_1794 = arith.constant 64 : index
          %swap3A_1795 = tpu.vector_load %arg9[%swap3A_1793, %swap3A_1794] {strides = array<i32>} : memref<8x128xf32, #tpu.memory_space<vmem>>, vector<16xf32>,
          tpu.vector_store %arg9[%swap3A_1793, %swap3A_1794], %get3A_1735 {strides = array<i32>} : memref<8x128xf32, #tpu.memory_space<vmem>>, vector<16xf32>,
          %get3A_1796 = arith.index_cast %scan3A_1153 : i32 to index
          %get3A_1797 = arith.constant 80 : index
          %get3A_1798 = tpu.vector_load %arg5[%get3A_1796, %get3A_1797] {strides = array<i32>} : memref<1000x128xf32, #tpu.memory_space<vmem>>, vector<16xf32>,
          %swap3A_1799 = arith.constant 1 : i32
          %swap3A_1800 = arith.index_cast %swap3A_1799 : i32 to index
          %swap3A_1801 = arith.constant 80 : index
          %swap3A_1802 = tpu.vector_load %arg9[%swap3A_1800, %swap3A_1801] {strides = array<i32>} : memref<8x128xf32, #tpu.memory_space<vmem>>, vector<16xf32>,
          tpu.vector_store %arg9[%swap3A_1800, %swap3A_1801], %get3A_1742 {strides = array<i32>} : memref<8x128xf32, #tpu.memory_space<vmem>>, vector<16xf32>,
          %get3A_1803 = arith.index_cast %scan3A_1153 : i32 to index
          %get3A_1804 = arith.constant 96 : index
          %get3A_1805 = tpu.vector_load %arg5[%get3A_1803, %get3A_1804] {strides = array<i32>} : memref<1000x128xf32, #tpu.memory_space<vmem>>, vector<16xf32>,
          %swap3A_1806 = arith.constant 1 : i32
          %swap3A_1807 = arith.index_cast %swap3A_1806 : i32 to index
          %swap3A_1808 = arith.constant 96 : index
          %swap3A_1809 = tpu.vector_load %arg9[%swap3A_1807, %swap3A_1808] {strides = array<i32>} : memref<8x128xf32, #tpu.memory_space<vmem>>, vector<16xf32>,
          tpu.vector_store %arg9[%swap3A_1807, %swap3A_1808], %get3A_1749 {strides = array<i32>} : memref<8x128xf32, #tpu.memory_space<vmem>>, vector<16xf32>,
          %get3A_1810 = arith.index_cast %scan3A_1153 : i32 to index
          %get3A_1811 = arith.constant 112 : index
          %get3A_1812 = tpu.vector_load %arg5[%get3A_1810, %get3A_1811] {strides = array<i32>} : memref<1000x128xf32, #tpu.memory_space<vmem>>, vector<16xf32>,
          %swap3A_1813 = arith.constant 1 : i32
          %swap3A_1814 = arith.index_cast %swap3A_1813 : i32 to index
          %swap3A_1815 = arith.constant 112 : index
          %swap3A_1816 = tpu.vector_load %arg9[%swap3A_1814, %swap3A_1815] {strides = array<i32>} : memref<8x128xf32, #tpu.memory_space<vmem>>, vector<16xf32>,
          tpu.vector_store %arg9[%swap3A_1814, %swap3A_1815], %get3A_1756 {strides = array<i32>} : memref<8x128xf32, #tpu.memory_space<vmem>>, vector<16xf32>,
          %get3A_1817 = arith.index_cast %scan3A_1154 : i32 to index
          %get3A_1818 = arith.constant 0 : index
          %get3A_1819 = tpu.vector_load %arg5[%get3A_1817, %get3A_1818] {strides = array<i32>} : memref<1000x128xf32, #tpu.memory_space<vmem>>, vector<16xf32>,
          %swap3A_1820 = arith.constant 2 : i32
          %swap3A_1821 = arith.index_cast %swap3A_1820 : i32 to index
          %swap3A_1822 = arith.constant 0 : index
          %swap3A_1823 = tpu.vector_load %arg9[%swap3A_1821, %swap3A_1822] {strides = array<i32>} : memref<8x128xf32, #tpu.memory_space<vmem>>, vector<16xf32>,
          tpu.vector_store %arg9[%swap3A_1821, %swap3A_1822], %get3A_1763 {strides = array<i32>} : memref<8x128xf32, #tpu.memory_space<vmem>>, vector<16xf32>,
          %get3A_1824 = arith.index_cast %scan3A_1154 : i32 to index
          %get3A_1825 = arith.constant 16 : index
          %get3A_1826 = tpu.vector_load %arg5[%get3A_1824, %get3A_1825] {strides = array<i32>} : memref<1000x128xf32, #tpu.memory_space<vmem>>, vector<16xf32>,
          %swap3A_1827 = arith.constant 2 : i32
          %swap3A_1828 = arith.index_cast %swap3A_1827 : i32 to index
          %swap3A_1829 = arith.constant 16 : index
          %swap3A_1830 = tpu.vector_load %arg9[%swap3A_1828, %swap3A_1829] {strides = array<i32>} : memref<8x128xf32, #tpu.memory_space<vmem>>, vector<16xf32>,
          tpu.vector_store %arg9[%swap3A_1828, %swap3A_1829], %get3A_1770 {strides = array<i32>} : memref<8x128xf32, #tpu.memory_space<vmem>>, vector<16xf32>,
          %get3A_1831 = arith.index_cast %scan3A_1154 : i32 to index
          %get3A_1832 = arith.constant 32 : index
          %get3A_1833 = tpu.vector_load %arg5[%get3A_1831, %get3A_1832] {strides = array<i32>} : memref<1000x128xf32, #tpu.memory_space<vmem>>, vector<16xf32>,
          %swap3A_1834 = arith.constant 2 : i32
          %swap3A_1835 = arith.index_cast %swap3A_1834 : i32 to index
          %swap3A_1836 = arith.constant 32 : index
          %swap3A_1837 = tpu.vector_load %arg9[%swap3A_1835, %swap3A_1836] {strides = array<i32>} : memref<8x128xf32, #tpu.memory_space<vmem>>, vector<16xf32>,
          tpu.vector_store %arg9[%swap3A_1835, %swap3A_1836], %get3A_1777 {strides = array<i32>} : memref<8x128xf32, #tpu.memory_space<vmem>>, vector<16xf32>,
          %get3A_1838 = arith.index_cast %scan3A_1154 : i32 to index
          %get3A_1839 = arith.constant 48 : index
          %get3A_1840 = tpu.vector_load %arg5[%get3A_1838, %get3A_1839] {strides = array<i32>} : memref<1000x128xf32, #tpu.memory_space<vmem>>, vector<16xf32>,
          %swap3A_1841 = arith.constant 2 : i32
          %swap3A_1842 = arith.index_cast %swap3A_1841 : i32 to index
          %swap3A_1843 = arith.constant 48 : index
          %swap3A_1844 = tpu.vector_load %arg9[%swap3A_1842, %swap3A_1843] {strides = array<i32>} : memref<8x128xf32, #tpu.memory_space<vmem>>, vector<16xf32>,
          tpu.vector_store %arg9[%swap3A_1842, %swap3A_1843], %get3A_1784 {strides = array<i32>} : memref<8x128xf32, #tpu.memory_space<vmem>>, vector<16xf32>,
          %get3A_1845 = arith.index_cast %scan3A_1154 : i32 to index
          %get3A_1846 = arith.constant 64 : index
          %get3A_1847 = tpu.vector_load %arg5[%get3A_1845, %get3A_1846] {strides = array<i32>} : memref<1000x128xf32, #tpu.memory_space<vmem>>, vector<16xf32>,
          %swap3A_1848 = arith.constant 2 : i32
          %swap3A_1849 = arith.index_cast %swap3A_1848 : i32 to index
          %swap3A_1850 = arith.constant 64 : index
          %swap3A_1851 = tpu.vector_load %arg9[%swap3A_1849, %swap3A_1850] {strides = array<i32>} : memref<8x128xf32, #tpu.memory_space<vmem>>, vector<16xf32>,
          tpu.vector_store %arg9[%swap3A_1849, %swap3A_1850], %get3A_1791 {strides = array<i32>} : memref<8x128xf32, #tpu.memory_space<vmem>>, vector<16xf32>,
          %get3A_1852 = arith.index_cast %scan3A_1154 : i32 to index
          %get3A_1853 = arith.constant 80 : index
          %get3A_1854 = tpu.vector_load %arg5[%get3A_1852, %get3A_1853] {strides = array<i32>} : memref<1000x128xf32, #tpu.memory_space<vmem>>, vector<16xf32>,
          %swap3A_1855 = arith.constant 2 : i32
          %swap3A_1856 = arith.index_cast %swap3A_1855 : i32 to index
          %swap3A_1857 = arith.constant 80 : index
          %swap3A_1858 = tpu.vector_load %arg9[%swap3A_1856, %swap3A_1857] {strides = array<i32>} : memref<8x128xf32, #tpu.memory_space<vmem>>, vector<16xf32>,
          tpu.vector_store %arg9[%swap3A_1856, %swap3A_1857], %get3A_1798 {strides = array<i32>} : memref<8x128xf32, #tpu.memory_space<vmem>>, vector<16xf32>,
          %get3A_1859 = arith.index_cast %scan3A_1154 : i32 to index
          %get3A_1860 = arith.constant 96 : index
          %get3A_1861 = tpu.vector_load %arg5[%get3A_1859, %get3A_1860] {strides = array<i32>} : memref<1000x128xf32, #tpu.memory_space<vmem>>, vector<16xf32>,
          %swap3A_1862 = arith.constant 2 : i32
          %swap3A_1863 = arith.index_cast %swap3A_1862 : i32 to index
          %swap3A_1864 = arith.constant 96 : index
          %swap3A_1865 = tpu.vector_load %arg9[%swap3A_1863, %swap3A_1864] {strides = array<i32>} : memref<8x128xf32, #tpu.memory_space<vmem>>, vector<16xf32>,
          tpu.vector_store %arg9[%swap3A_1863, %swap3A_1864], %get3A_1805 {strides = array<i32>} : memref<8x128xf32, #tpu.memory_space<vmem>>, vector<16xf32>,
          %get3A_1866 = arith.index_cast %scan3A_1154 : i32 to index
          %get3A_1867 = arith.constant 112 : index
          %get3A_1868 = tpu.vector_load %arg5[%get3A_1866, %get3A_1867] {strides = array<i32>} : memref<1000x128xf32, #tpu.memory_space<vmem>>, vector<16xf32>,
          %swap3A_1869 = arith.constant 2 : i32
          %swap3A_1870 = arith.index_cast %swap3A_1869 : i32 to index
          %swap3A_1871 = arith.constant 112 : index
          %swap3A_1872 = tpu.vector_load %arg9[%swap3A_1870, %swap3A_1871] {strides = array<i32>} : memref<8x128xf32, #tpu.memory_space<vmem>>, vector<16xf32>,
          tpu.vector_store %arg9[%swap3A_1870, %swap3A_1871], %get3A_1812 {strides = array<i32>} : memref<8x128xf32, #tpu.memory_space<vmem>>, vector<16xf32>,
          %get3A_1873 = arith.index_cast %scan3A_1155 : i32 to index
          %get3A_1874 = arith.constant 0 : index
          %get3A_1875 = tpu.vector_load %arg5[%get3A_1873, %get3A_1874] {strides = array<i32>} : memref<1000x128xf32, #tpu.memory_space<vmem>>, vector<16xf32>,
          %swap3A_1876 = arith.constant 3 : i32
          %swap3A_1877 = arith.index_cast %swap3A_1876 : i32 to index
          %swap3A_1878 = arith.constant 0 : index
          %swap3A_1879 = tpu.vector_load %arg9[%swap3A_1877, %swap3A_1878] {strides = array<i32>} : memref<8x128xf32, #tpu.memory_space<vmem>>, vector<16xf32>,
          tpu.vector_store %arg9[%swap3A_1877, %swap3A_1878], %get3A_1819 {strides = array<i32>} : memref<8x128xf32, #tpu.memory_space<vmem>>, vector<16xf32>,
          %get3A_1880 = arith.index_cast %scan3A_1155 : i32 to index
          %get3A_1881 = arith.constant 16 : index
          %get3A_1882 = tpu.vector_load %arg5[%get3A_1880, %get3A_1881] {strides = array<i32>} : memref<1000x128xf32, #tpu.memory_space<vmem>>, vector<16xf32>,
          %swap3A_1883 = arith.constant 3 : i32
          %swap3A_1884 = arith.index_cast %swap3A_1883 : i32 to index
          %swap3A_1885 = arith.constant 16 : index
          %swap3A_1886 = tpu.vector_load %arg9[%swap3A_1884, %swap3A_1885] {strides = array<i32>} : memref<8x128xf32, #tpu.memory_space<vmem>>, vector<16xf32>,
          tpu.vector_store %arg9[%swap3A_1884, %swap3A_1885], %get3A_1826 {strides = array<i32>} : memref<8x128xf32, #tpu.memory_space<vmem>>, vector<16xf32>,
          %get3A_1887 = arith.index_cast %scan3A_1155 : i32 to index
          %get3A_1888 = arith.constant 32 : index
          %get3A_1889 = tpu.vector_load %arg5[%get3A_1887, %get3A_1888] {strides = array<i32>} : memref<1000x128xf32, #tpu.memory_space<vmem>>, vector<16xf32>,
          %swap3A_1890 = arith.constant 3 : i32
          %swap3A_1891 = arith.index_cast %swap3A_1890 : i32 to index
          %swap3A_1892 = arith.constant 32 : index
          %swap3A_1893 = tpu.vector_load %arg9[%swap3A_1891, %swap3A_1892] {strides = array<i32>} : memref<8x128xf32, #tpu.memory_space<vmem>>, vector<16xf32>,
          tpu.vector_store %arg9[%swap3A_1891, %swap3A_1892], %get3A_1833 {strides = array<i32>} : memref<8x128xf32, #tpu.memory_space<vmem>>, vector<16xf32>,
          %get3A_1894 = arith.index_cast %scan3A_1155 : i32 to index
          %get3A_1895 = arith.constant 48 : index
          %get3A_1896 = tpu.vector_load %arg5[%get3A_1894, %get3A_1895] {strides = array<i32>} : memref<1000x128xf32, #tpu.memory_space<vmem>>, vector<16xf32>,
          %swap3A_1897 = arith.constant 3 : i32
          %swap3A_1898 = arith.index_cast %swap3A_1897 : i32 to index
          %swap3A_1899 = arith.constant 48 : index
          %swap3A_1900 = tpu.vector_load %arg9[%swap3A_1898, %swap3A_1899] {strides = array<i32>} : memref<8x128xf32, #tpu.memory_space<vmem>>, vector<16xf32>,
          tpu.vector_store %arg9[%swap3A_1898, %swap3A_1899], %get3A_1840 {strides = array<i32>} : memref<8x128xf32, #tpu.memory_space<vmem>>, vector<16xf32>,
          %get3A_1901 = arith.index_cast %scan3A_1155 : i32 to index
          %get3A_1902 = arith.constant 64 : index
          %get3A_1903 = tpu.vector_load %arg5[%get3A_1901, %get3A_1902] {strides = array<i32>} : memref<1000x128xf32, #tpu.memory_space<vmem>>, vector<16xf32>,
          %swap3A_1904 = arith.constant 3 : i32
          %swap3A_1905 = arith.index_cast %swap3A_1904 : i32 to index
          %swap3A_1906 = arith.constant 64 : index
          %swap3A_1907 = tpu.vector_load %arg9[%swap3A_1905, %swap3A_1906] {strides = array<i32>} : memref<8x128xf32, #tpu.memory_space<vmem>>, vector<16xf32>,
          tpu.vector_store %arg9[%swap3A_1905, %swap3A_1906], %get3A_1847 {strides = array<i32>} : memref<8x128xf32, #tpu.memory_space<vmem>>, vector<16xf32>,
          %get3A_1908 = arith.index_cast %scan3A_1155 : i32 to index
          %get3A_1909 = arith.constant 80 : index
          %get3A_1910 = tpu.vector_load %arg5[%get3A_1908, %get3A_1909] {strides = array<i32>} : memref<1000x128xf32, #tpu.memory_space<vmem>>, vector<16xf32>,
          %swap3A_1911 = arith.constant 3 : i32
          %swap3A_1912 = arith.index_cast %swap3A_1911 : i32 to index
          %swap3A_1913 = arith.constant 80 : index
          %swap3A_1914 = tpu.vector_load %arg9[%swap3A_1912, %swap3A_1913] {strides = array<i32>} : memref<8x128xf32, #tpu.memory_space<vmem>>, vector<16xf32>,
          tpu.vector_store %arg9[%swap3A_1912, %swap3A_1913], %get3A_1854 {strides = array<i32>} : memref<8x128xf32, #tpu.memory_space<vmem>>, vector<16xf32>,
          %get3A_1915 = arith.index_cast %scan3A_1155 : i32 to index
          %get3A_1916 = arith.constant 96 : index
          %get3A_1917 = tpu.vector_load %arg5[%get3A_1915, %get3A_1916] {strides = array<i32>} : memref<1000x128xf32, #tpu.memory_space<vmem>>, vector<16xf32>,
          %swap3A_1918 = arith.constant 3 : i32
          %swap3A_1919 = arith.index_cast %swap3A_1918 : i32 to index
          %swap3A_1920 = arith.constant 96 : index
          %swap3A_1921 = tpu.vector_load %arg9[%swap3A_1919, %swap3A_1920] {strides = array<i32>} : memref<8x128xf32, #tpu.memory_space<vmem>>, vector<16xf32>,
          tpu.vector_store %arg9[%swap3A_1919, %swap3A_1920], %get3A_1861 {strides = array<i32>} : memref<8x128xf32, #tpu.memory_space<vmem>>, vector<16xf32>,
          %get3A_1922 = arith.index_cast %scan3A_1155 : i32 to index
          %get3A_1923 = arith.constant 112 : index
          %get3A_1924 = tpu.vector_load %arg5[%get3A_1922, %get3A_1923] {strides = array<i32>} : memref<1000x128xf32, #tpu.memory_space<vmem>>, vector<16xf32>,
          %swap3A_1925 = arith.constant 3 : i32
          %swap3A_1926 = arith.index_cast %swap3A_1925 : i32 to index
          %swap3A_1927 = arith.constant 112 : index
          %swap3A_1928 = tpu.vector_load %arg9[%swap3A_1926, %swap3A_1927] {strides = array<i32>} : memref<8x128xf32, #tpu.memory_space<vmem>>, vector<16xf32>,
          tpu.vector_store %arg9[%swap3A_1926, %swap3A_1927], %get3A_1868 {strides = array<i32>} : memref<8x128xf32, #tpu.memory_space<vmem>>, vector<16xf32>,
          %get3A_1929 = arith.index_cast %scan3A_1156 : i32 to index
          %get3A_1930 = arith.constant 0 : index
          %get3A_1931 = tpu.vector_load %arg5[%get3A_1929, %get3A_1930] {strides = array<i32>} : memref<1000x128xf32, #tpu.memory_space<vmem>>, vector<16xf32>,
          %swap3A_1932 = arith.constant 4 : i32
          %swap3A_1933 = arith.index_cast %swap3A_1932 : i32 to index
          %swap3A_1934 = arith.constant 0 : index
          %swap3A_1935 = tpu.vector_load %arg9[%swap3A_1933, %swap3A_1934] {strides = array<i32>} : memref<8x128xf32, #tpu.memory_space<vmem>>, vector<16xf32>,
          tpu.vector_store %arg9[%swap3A_1933, %swap3A_1934], %get3A_1875 {strides = array<i32>} : memref<8x128xf32, #tpu.memory_space<vmem>>, vector<16xf32>,
          %get3A_1936 = arith.index_cast %scan3A_1156 : i32 to index
          %get3A_1937 = arith.constant 16 : index
          %get3A_1938 = tpu.vector_load %arg5[%get3A_1936, %get3A_1937] {strides = array<i32>} : memref<1000x128xf32, #tpu.memory_space<vmem>>, vector<16xf32>,
          %swap3A_1939 = arith.constant 4 : i32
          %swap3A_1940 = arith.index_cast %swap3A_1939 : i32 to index
          %swap3A_1941 = arith.constant 16 : index
          %swap3A_1942 = tpu.vector_load %arg9[%swap3A_1940, %swap3A_1941] {strides = array<i32>} : memref<8x128xf32, #tpu.memory_space<vmem>>, vector<16xf32>,
          tpu.vector_store %arg9[%swap3A_1940, %swap3A_1941], %get3A_1882 {strides = array<i32>} : memref<8x128xf32, #tpu.memory_space<vmem>>, vector<16xf32>,
          %get3A_1943 = arith.index_cast %scan3A_1156 : i32 to index
          %get3A_1944 = arith.constant 32 : index
          %get3A_1945 = tpu.vector_load %arg5[%get3A_1943, %get3A_1944] {strides = array<i32>} : memref<1000x128xf32, #tpu.memory_space<vmem>>, vector<16xf32>,
          %swap3A_1946 = arith.constant 4 : i32
          %swap3A_1947 = arith.index_cast %swap3A_1946 : i32 to index
          %swap3A_1948 = arith.constant 32 : index
          %swap3A_1949 = tpu.vector_load %arg9[%swap3A_1947, %swap3A_1948] {strides = array<i32>} : memref<8x128xf32, #tpu.memory_space<vmem>>, vector<16xf32>,
          tpu.vector_store %arg9[%swap3A_1947, %swap3A_1948], %get3A_1889 {strides = array<i32>} : memref<8x128xf32, #tpu.memory_space<vmem>>, vector<16xf32>,
          %get3A_1950 = arith.index_cast %scan3A_1156 : i32 to index
          %get3A_1951 = arith.constant 48 : index
          %get3A_1952 = tpu.vector_load %arg5[%get3A_1950, %get3A_1951] {strides = array<i32>} : memref<1000x128xf32, #tpu.memory_space<vmem>>, vector<16xf32>,
          %swap3A_1953 = arith.constant 4 : i32
          %swap3A_1954 = arith.index_cast %swap3A_1953 : i32 to index
          %swap3A_1955 = arith.constant 48 : index
          %swap3A_1956 = tpu.vector_load %arg9[%swap3A_1954, %swap3A_1955] {strides = array<i32>} : memref<8x128xf32, #tpu.memory_space<vmem>>, vector<16xf32>,
          tpu.vector_store %arg9[%swap3A_1954, %swap3A_1955], %get3A_1896 {strides = array<i32>} : memref<8x128xf32, #tpu.memory_space<vmem>>, vector<16xf32>,
          %get3A_1957 = arith.index_cast %scan3A_1156 : i32 to index
          %get3A_1958 = arith.constant 64 : index
          %get3A_1959 = tpu.vector_load %arg5[%get3A_1957, %get3A_1958] {strides = array<i32>} : memref<1000x128xf32, #tpu.memory_space<vmem>>, vector<16xf32>,
          %swap3A_1960 = arith.constant 4 : i32
          %swap3A_1961 = arith.index_cast %swap3A_1960 : i32 to index
          %swap3A_1962 = arith.constant 64 : index
          %swap3A_1963 = tpu.vector_load %arg9[%swap3A_1961, %swap3A_1962] {strides = array<i32>} : memref<8x128xf32, #tpu.memory_space<vmem>>, vector<16xf32>,
          tpu.vector_store %arg9[%swap3A_1961, %swap3A_1962], %get3A_1903 {strides = array<i32>} : memref<8x128xf32, #tpu.memory_space<vmem>>, vector<16xf32>,
          %get3A_1964 = arith.index_cast %scan3A_1156 : i32 to index
          %get3A_1965 = arith.constant 80 : index
          %get3A_1966 = tpu.vector_load %arg5[%get3A_1964, %get3A_1965] {strides = array<i32>} : memref<1000x128xf32, #tpu.memory_space<vmem>>, vector<16xf32>,
          %swap3A_1967 = arith.constant 4 : i32
          %swap3A_1968 = arith.index_cast %swap3A_1967 : i32 to index
          %swap3A_1969 = arith.constant 80 : index
          %swap3A_1970 = tpu.vector_load %arg9[%swap3A_1968, %swap3A_1969] {strides = array<i32>} : memref<8x128xf32, #tpu.memory_space<vmem>>, vector<16xf32>,
          tpu.vector_store %arg9[%swap3A_1968, %swap3A_1969], %get3A_1910 {strides = array<i32>} : memref<8x128xf32, #tpu.memory_space<vmem>>, vector<16xf32>,
          %get3A_1971 = arith.index_cast %scan3A_1156 : i32 to index
          %get3A_1972 = arith.constant 96 : index
          %get3A_1973 = tpu.vector_load %arg5[%get3A_1971, %get3A_1972] {strides = array<i32>} : memref<1000x128xf32, #tpu.memory_space<vmem>>, vector<16xf32>,
          %swap3A_1974 = arith.constant 4 : i32
          %swap3A_1975 = arith.index_cast %swap3A_1974 : i32 to index
          %swap3A_1976 = arith.constant 96 : index
          %swap3A_1977 = tpu.vector_load %arg9[%swap3A_1975, %swap3A_1976] {strides = array<i32>} : memref<8x128xf32, #tpu.memory_space<vmem>>, vector<16xf32>,
          tpu.vector_store %arg9[%swap3A_1975, %swap3A_1976], %get3A_1917 {strides = array<i32>} : memref<8x128xf32, #tpu.memory_space<vmem>>, vector<16xf32>,
          %get3A_1978 = arith.index_cast %scan3A_1156 : i32 to index
          %get3A_1979 = arith.constant 112 : index
          %get3A_1980 = tpu.vector_load %arg5[%get3A_1978, %get3A_1979] {strides = array<i32>} : memref<1000x128xf32, #tpu.memory_space<vmem>>, vector<16xf32>,
          %swap3A_1981 = arith.constant 4 : i32
          %swap3A_1982 = arith.index_cast %swap3A_1981 : i32 to index
          %swap3A_1983 = arith.constant 112 : index
          %swap3A_1984 = tpu.vector_load %arg9[%swap3A_1982, %swap3A_1983] {strides = array<i32>} : memref<8x128xf32, #tpu.memory_space<vmem>>, vector<16xf32>,
          tpu.vector_store %arg9[%swap3A_1982, %swap3A_1983], %get3A_1924 {strides = array<i32>} : memref<8x128xf32, #tpu.memory_space<vmem>>, vector<16xf32>,
          %get3A_1985 = arith.index_cast %scan3A_1157 : i32 to index
          %get3A_1986 = arith.constant 0 : index
          %get3A_1987 = tpu.vector_load %arg5[%get3A_1985, %get3A_1986] {strides = array<i32>} : memref<1000x128xf32, #tpu.memory_space<vmem>>, vector<16xf32>,
          %swap3A_1988 = arith.constant 5 : i32
          %swap3A_1989 = arith.index_cast %swap3A_1988 : i32 to index
          %swap3A_1990 = arith.constant 0 : index
          %swap3A_1991 = tpu.vector_load %arg9[%swap3A_1989, %swap3A_1990] {strides = array<i32>} : memref<8x128xf32, #tpu.memory_space<vmem>>, vector<16xf32>,
          tpu.vector_store %arg9[%swap3A_1989, %swap3A_1990], %get3A_1931 {strides = array<i32>} : memref<8x128xf32, #tpu.memory_space<vmem>>, vector<16xf32>,
          %get3A_1992 = arith.index_cast %scan3A_1157 : i32 to index
          %get3A_1993 = arith.constant 16 : index
          %get3A_1994 = tpu.vector_load %arg5[%get3A_1992, %get3A_1993] {strides = array<i32>} : memref<1000x128xf32, #tpu.memory_space<vmem>>, vector<16xf32>,
          %swap3A_1995 = arith.constant 5 : i32
          %swap3A_1996 = arith.index_cast %swap3A_1995 : i32 to index
          %swap3A_1997 = arith.constant 16 : index
          %swap3A_1998 = tpu.vector_load %arg9[%swap3A_1996, %swap3A_1997] {strides = array<i32>} : memref<8x128xf32, #tpu.memory_space<vmem>>, vector<16xf32>,
          tpu.vector_store %arg9[%swap3A_1996, %swap3A_1997], %get3A_1938 {strides = array<i32>} : memref<8x128xf32, #tpu.memory_space<vmem>>, vector<16xf32>,
          %get3A_1999 = arith.index_cast %scan3A_1157 : i32 to index
          %get3A_2000 = arith.constant 32 : index
          %get3A_2001 = tpu.vector_load %arg5[%get3A_1999, %get3A_2000] {strides = array<i32>} : memref<1000x128xf32, #tpu.memory_space<vmem>>, vector<16xf32>,
          %swap3A_2002 = arith.constant 5 : i32
          %swap3A_2003 = arith.index_cast %swap3A_2002 : i32 to index
          %swap3A_2004 = arith.constant 32 : index
          %swap3A_2005 = tpu.vector_load %arg9[%swap3A_2003, %swap3A_2004] {strides = array<i32>} : memref<8x128xf32, #tpu.memory_space<vmem>>, vector<16xf32>,
          tpu.vector_store %arg9[%swap3A_2003, %swap3A_2004], %get3A_1945 {strides = array<i32>} : memref<8x128xf32, #tpu.memory_space<vmem>>, vector<16xf32>,
          %get3A_2006 = arith.index_cast %scan3A_1157 : i32 to index
          %get3A_2007 = arith.constant 48 : index
          %get3A_2008 = tpu.vector_load %arg5[%get3A_2006, %get3A_2007] {strides = array<i32>} : memref<1000x128xf32, #tpu.memory_space<vmem>>, vector<16xf32>,
          %swap3A_2009 = arith.constant 5 : i32
          %swap3A_2010 = arith.index_cast %swap3A_2009 : i32 to index
          %swap3A_2011 = arith.constant 48 : index
          %swap3A_2012 = tpu.vector_load %arg9[%swap3A_2010, %swap3A_2011] {strides = array<i32>} : memref<8x128xf32, #tpu.memory_space<vmem>>, vector<16xf32>,
          tpu.vector_store %arg9[%swap3A_2010, %swap3A_2011], %get3A_1952 {strides = array<i32>} : memref<8x128xf32, #tpu.memory_space<vmem>>, vector<16xf32>,
          %get3A_2013 = arith.index_cast %scan3A_1157 : i32 to index
          %get3A_2014 = arith.constant 64 : index
          %get3A_2015 = tpu.vector_load %arg5[%get3A_2013, %get3A_2014] {strides = array<i32>} : memref<1000x128xf32, #tpu.memory_space<vmem>>, vector<16xf32>,
          %swap3A_2016 = arith.constant 5 : i32
          %swap3A_2017 = arith.index_cast %swap3A_2016 : i32 to index
          %swap3A_2018 = arith.constant 64 : index
          %swap3A_2019 = tpu.vector_load %arg9[%swap3A_2017, %swap3A_2018] {strides = array<i32>} : memref<8x128xf32, #tpu.memory_space<vmem>>, vector<16xf32>,
          tpu.vector_store %arg9[%swap3A_2017, %swap3A_2018], %get3A_1959 {strides = array<i32>} : memref<8x128xf32, #tpu.memory_space<vmem>>, vector<16xf32>,
          %get3A_2020 = arith.index_cast %scan3A_1157 : i32 to index
          %get3A_2021 = arith.constant 80 : index
          %get3A_2022 = tpu.vector_load %arg5[%get3A_2020, %get3A_2021] {strides = array<i32>} : memref<1000x128xf32, #tpu.memory_space<vmem>>, vector<16xf32>,
          %swap3A_2023 = arith.constant 5 : i32
          %swap3A_2024 = arith.index_cast %swap3A_2023 : i32 to index
          %swap3A_2025 = arith.constant 80 : index
          %swap3A_2026 = tpu.vector_load %arg9[%swap3A_2024, %swap3A_2025] {strides = array<i32>} : memref<8x128xf32, #tpu.memory_space<vmem>>, vector<16xf32>,
          tpu.vector_store %arg9[%swap3A_2024, %swap3A_2025], %get3A_1966 {strides = array<i32>} : memref<8x128xf32, #tpu.memory_space<vmem>>, vector<16xf32>,
          %get3A_2027 = arith.index_cast %scan3A_1157 : i32 to index
          %get3A_2028 = arith.constant 96 : index
          %get3A_2029 = tpu.vector_load %arg5[%get3A_2027, %get3A_2028] {strides = array<i32>} : memref<1000x128xf32, #tpu.memory_space<vmem>>, vector<16xf32>,
          %swap3A_2030 = arith.constant 5 : i32
          %swap3A_2031 = arith.index_cast %swap3A_2030 : i32 to index
          %swap3A_2032 = arith.constant 96 : index
          %swap3A_2033 = tpu.vector_load %arg9[%swap3A_2031, %swap3A_2032] {strides = array<i32>} : memref<8x128xf32, #tpu.memory_space<vmem>>, vector<16xf32>,
          tpu.vector_store %arg9[%swap3A_2031, %swap3A_2032], %get3A_1973 {strides = array<i32>} : memref<8x128xf32, #tpu.memory_space<vmem>>, vector<16xf32>,
          %get3A_2034 = arith.index_cast %scan3A_1157 : i32 to index
          %get3A_2035 = arith.constant 112 : index
          %get3A_2036 = tpu.vector_load %arg5[%get3A_2034, %get3A_2035] {strides = array<i32>} : memref<1000x128xf32, #tpu.memory_space<vmem>>, vector<16xf32>,
          %swap3A_2037 = arith.constant 5 : i32
          %swap3A_2038 = arith.index_cast %swap3A_2037 : i32 to index
          %swap3A_2039 = arith.constant 112 : index
          %swap3A_2040 = tpu.vector_load %arg9[%swap3A_2038, %swap3A_2039] {strides = array<i32>} : memref<8x128xf32, #tpu.memory_space<vmem>>, vector<16xf32>,
          tpu.vector_store %arg9[%swap3A_2038, %swap3A_2039], %get3A_1980 {strides = array<i32>} : memref<8x128xf32, #tpu.memory_space<vmem>>, vector<16xf32>,
          %get3A_2041 = arith.index_cast %scan3A_1158 : i32 to index
          %get3A_2042 = arith.constant 0 : index
          %get3A_2043 = tpu.vector_load %arg5[%get3A_2041, %get3A_2042] {strides = array<i32>} : memref<1000x128xf32, #tpu.memory_space<vmem>>, vector<16xf32>,
          %swap3A_2044 = arith.constant 6 : i32
          %swap3A_2045 = arith.index_cast %swap3A_2044 : i32 to index
          %swap3A_2046 = arith.constant 0 : index
          %swap3A_2047 = tpu.vector_load %arg9[%swap3A_2045, %swap3A_2046] {strides = array<i32>} : memref<8x128xf32, #tpu.memory_space<vmem>>, vector<16xf32>,
          tpu.vector_store %arg9[%swap3A_2045, %swap3A_2046], %get3A_1987 {strides = array<i32>} : memref<8x128xf32, #tpu.memory_space<vmem>>, vector<16xf32>,
          %get3A_2048 = arith.index_cast %scan3A_1158 : i32 to index
          %get3A_2049 = arith.constant 16 : index
          %get3A_2050 = tpu.vector_load %arg5[%get3A_2048, %get3A_2049] {strides = array<i32>} : memref<1000x128xf32, #tpu.memory_space<vmem>>, vector<16xf32>,
          %swap3A_2051 = arith.constant 6 : i32
          %swap3A_2052 = arith.index_cast %swap3A_2051 : i32 to index
          %swap3A_2053 = arith.constant 16 : index
          %swap3A_2054 = tpu.vector_load %arg9[%swap3A_2052, %swap3A_2053] {strides = array<i32>} : memref<8x128xf32, #tpu.memory_space<vmem>>, vector<16xf32>,
          tpu.vector_store %arg9[%swap3A_2052, %swap3A_2053], %get3A_1994 {strides = array<i32>} : memref<8x128xf32, #tpu.memory_space<vmem>>, vector<16xf32>,
          %get3A_2055 = arith.index_cast %scan3A_1158 : i32 to index
          %get3A_2056 = arith.constant 32 : index
          %get3A_2057 = tpu.vector_load %arg5[%get3A_2055, %get3A_2056] {strides = array<i32>} : memref<1000x128xf32, #tpu.memory_space<vmem>>, vector<16xf32>,
          %swap3A_2058 = arith.constant 6 : i32
          %swap3A_2059 = arith.index_cast %swap3A_2058 : i32 to index
          %swap3A_2060 = arith.constant 32 : index
          %swap3A_2061 = tpu.vector_load %arg9[%swap3A_2059, %swap3A_2060] {strides = array<i32>} : memref<8x128xf32, #tpu.memory_space<vmem>>, vector<16xf32>,
          tpu.vector_store %arg9[%swap3A_2059, %swap3A_2060], %get3A_2001 {strides = array<i32>} : memref<8x128xf32, #tpu.memory_space<vmem>>, vector<16xf32>,
          %get3A_2062 = arith.index_cast %scan3A_1158 : i32 to index
          %get3A_2063 = arith.constant 48 : index
          %get3A_2064 = tpu.vector_load %arg5[%get3A_2062, %get3A_2063] {strides = array<i32>} : memref<1000x128xf32, #tpu.memory_space<vmem>>, vector<16xf32>,
          %swap3A_2065 = arith.constant 6 : i32
          %swap3A_2066 = arith.index_cast %swap3A_2065 : i32 to index
          %swap3A_2067 = arith.constant 48 : index
          %swap3A_2068 = tpu.vector_load %arg9[%swap3A_2066, %swap3A_2067] {strides = array<i32>} : memref<8x128xf32, #tpu.memory_space<vmem>>, vector<16xf32>,
          tpu.vector_store %arg9[%swap3A_2066, %swap3A_2067], %get3A_2008 {strides = array<i32>} : memref<8x128xf32, #tpu.memory_space<vmem>>, vector<16xf32>,
          %get3A_2069 = arith.index_cast %scan3A_1158 : i32 to index
          %get3A_2070 = arith.constant 64 : index
          %get3A_2071 = tpu.vector_load %arg5[%get3A_2069, %get3A_2070] {strides = array<i32>} : memref<1000x128xf32, #tpu.memory_space<vmem>>, vector<16xf32>,
          %swap3A_2072 = arith.constant 6 : i32
          %swap3A_2073 = arith.index_cast %swap3A_2072 : i32 to index
          %swap3A_2074 = arith.constant 64 : index
          %swap3A_2075 = tpu.vector_load %arg9[%swap3A_2073, %swap3A_2074] {strides = array<i32>} : memref<8x128xf32, #tpu.memory_space<vmem>>, vector<16xf32>,
          tpu.vector_store %arg9[%swap3A_2073, %swap3A_2074], %get3A_2015 {strides = array<i32>} : memref<8x128xf32, #tpu.memory_space<vmem>>, vector<16xf32>,
          %get3A_2076 = arith.index_cast %scan3A_1158 : i32 to index
          %get3A_2077 = arith.constant 80 : index
          %get3A_2078 = tpu.vector_load %arg5[%get3A_2076, %get3A_2077] {strides = array<i32>} : memref<1000x128xf32, #tpu.memory_space<vmem>>, vector<16xf32>,
          %swap3A_2079 = arith.constant 6 : i32
          %swap3A_2080 = arith.index_cast %swap3A_2079 : i32 to index
          %swap3A_2081 = arith.constant 80 : index
          %swap3A_2082 = tpu.vector_load %arg9[%swap3A_2080, %swap3A_2081] {strides = array<i32>} : memref<8x128xf32, #tpu.memory_space<vmem>>, vector<16xf32>,
          tpu.vector_store %arg9[%swap3A_2080, %swap3A_2081], %get3A_2022 {strides = array<i32>} : memref<8x128xf32, #tpu.memory_space<vmem>>, vector<16xf32>,
          %get3A_2083 = arith.index_cast %scan3A_1158 : i32 to index
          %get3A_2084 = arith.constant 96 : index
          %get3A_2085 = tpu.vector_load %arg5[%get3A_2083, %get3A_2084] {strides = array<i32>} : memref<1000x128xf32, #tpu.memory_space<vmem>>, vector<16xf32>,
          %swap3A_2086 = arith.constant 6 : i32
          %swap3A_2087 = arith.index_cast %swap3A_2086 : i32 to index
          %swap3A_2088 = arith.constant 96 : index
          %swap3A_2089 = tpu.vector_load %arg9[%swap3A_2087, %swap3A_2088] {strides = array<i32>} : memref<8x128xf32, #tpu.memory_space<vmem>>, vector<16xf32>,
          tpu.vector_store %arg9[%swap3A_2087, %swap3A_2088], %get3A_2029 {strides = array<i32>} : memref<8x128xf32, #tpu.memory_space<vmem>>, vector<16xf32>,
          %get3A_2090 = arith.index_cast %scan3A_1158 : i32 to index
          %get3A_2091 = arith.constant 112 : index
          %get3A_2092 = tpu.vector_load %arg5[%get3A_2090, %get3A_2091] {strides = array<i32>} : memref<1000x128xf32, #tpu.memory_space<vmem>>, vector<16xf32>,
          %swap3A_2093 = arith.constant 6 : i32
          %swap3A_2094 = arith.index_cast %swap3A_2093 : i32 to index
          %swap3A_2095 = arith.constant 112 : index
          %swap3A_2096 = tpu.vector_load %arg9[%swap3A_2094, %swap3A_2095] {strides = array<i32>} : memref<8x128xf32, #tpu.memory_space<vmem>>, vector<16xf32>,
          tpu.vector_store %arg9[%swap3A_2094, %swap3A_2095], %get3A_2036 {strides = array<i32>} : memref<8x128xf32, #tpu.memory_space<vmem>>, vector<16xf32>,
          %swap3A_2097 = arith.constant 7 : i32
          %swap3A_2098 = arith.index_cast %swap3A_2097 : i32 to index
          %swap3A_2099 = arith.constant 0 : index
          %swap3A_2100 = tpu.vector_load %arg9[%swap3A_2098, %swap3A_2099] {strides = array<i32>} : memref<8x128xf32, #tpu.memory_space<vmem>>, vector<16xf32>,
          tpu.vector_store %arg9[%swap3A_2098, %swap3A_2099], %get3A_2043 {strides = array<i32>} : memref<8x128xf32, #tpu.memory_space<vmem>>, vector<16xf32>,
          %swap3A_2101 = arith.constant 7 : i32
          %swap3A_2102 = arith.index_cast %swap3A_2101 : i32 to index
          %swap3A_2103 = arith.constant 16 : index
          %swap3A_2104 = tpu.vector_load %arg9[%swap3A_2102, %swap3A_2103] {strides = array<i32>} : memref<8x128xf32, #tpu.memory_space<vmem>>, vector<16xf32>,
          tpu.vector_store %arg9[%swap3A_2102, %swap3A_2103], %get3A_2050 {strides = array<i32>} : memref<8x128xf32, #tpu.memory_space<vmem>>, vector<16xf32>,
          %swap3A_2105 = arith.constant 7 : i32
          %swap3A_2106 = arith.index_cast %swap3A_2105 : i32 to index
          %swap3A_2107 = arith.constant 32 : index
          %swap3A_2108 = tpu.vector_load %arg9[%swap3A_2106, %swap3A_2107] {strides = array<i32>} : memref<8x128xf32, #tpu.memory_space<vmem>>, vector<16xf32>,
          tpu.vector_store %arg9[%swap3A_2106, %swap3A_2107], %get3A_2057 {strides = array<i32>} : memref<8x128xf32, #tpu.memory_space<vmem>>, vector<16xf32>,
          %swap3A_2109 = arith.constant 7 : i32
          %swap3A_2110 = arith.index_cast %swap3A_2109 : i32 to index
          %swap3A_2111 = arith.constant 48 : index
          %swap3A_2112 = tpu.vector_load %arg9[%swap3A_2110, %swap3A_2111] {strides = array<i32>} : memref<8x128xf32, #tpu.memory_space<vmem>>, vector<16xf32>,
          tpu.vector_store %arg9[%swap3A_2110, %swap3A_2111], %get3A_2064 {strides = array<i32>} : memref<8x128xf32, #tpu.memory_space<vmem>>, vector<16xf32>,
          %swap3A_2113 = arith.constant 7 : i32
          %swap3A_2114 = arith.index_cast %swap3A_2113 : i32 to index
          %swap3A_2115 = arith.constant 64 : index
          %swap3A_2116 = tpu.vector_load %arg9[%swap3A_2114, %swap3A_2115] {strides = array<i32>} : memref<8x128xf32, #tpu.memory_space<vmem>>, vector<16xf32>,
          tpu.vector_store %arg9[%swap3A_2114, %swap3A_2115], %get3A_2071 {strides = array<i32>} : memref<8x128xf32, #tpu.memory_space<vmem>>, vector<16xf32>,
          %swap3A_2117 = arith.constant 7 : i32
          %swap3A_2118 = arith.index_cast %swap3A_2117 : i32 to index
          %swap3A_2119 = arith.constant 80 : index
          %swap3A_2120 = tpu.vector_load %arg9[%swap3A_2118, %swap3A_2119] {strides = array<i32>} : memref<8x128xf32, #tpu.memory_space<vmem>>, vector<16xf32>,
          tpu.vector_store %arg9[%swap3A_2118, %swap3A_2119], %get3A_2078 {strides = array<i32>} : memref<8x128xf32, #tpu.memory_space<vmem>>, vector<16xf32>,
          %swap3A_2121 = arith.constant 7 : i32
          %swap3A_2122 = arith.index_cast %swap3A_2121 : i32 to index
          %swap3A_2123 = arith.constant 96 : index
          %swap3A_2124 = tpu.vector_load %arg9[%swap3A_2122, %swap3A_2123] {strides = array<i32>} : memref<8x128xf32, #tpu.memory_space<vmem>>, vector<16xf32>,
          tpu.vector_store %arg9[%swap3A_2122, %swap3A_2123], %get3A_2085 {strides = array<i32>} : memref<8x128xf32, #tpu.memory_space<vmem>>, vector<16xf32>,
          %swap3A_2125 = arith.constant 7 : i32
          %swap3A_2126 = arith.index_cast %swap3A_2125 : i32 to index
          %swap3A_2127 = arith.constant 112 : index
          %swap3A_2128 = tpu.vector_load %arg9[%swap3A_2126, %swap3A_2127] {strides = array<i32>} : memref<8x128xf32, #tpu.memory_space<vmem>>, vector<16xf32>,
          tpu.vector_store %arg9[%swap3A_2126, %swap3A_2127], %get3A_2092 {strides = array<i32>} : memref<8x128xf32, #tpu.memory_space<vmem>>, vector<16xf32>,
          %mul3A_2129 = arith.constant 8 : i32
          %mul3A_2130 = arith.muli %add3A_1674, %mul3A_2129 : i32
          %dma_start3A_2131 = tpu.memref_slice %arg4[%mul3A_2130, %mul3A_11] : memref<10000x16384xf32, #tpu.memory_space<hbm>> -> memref<8x128xf32, #tpu.memory_space<hbm>>
          %dma_start3A_2132 = tpu.memref_slice %arg4[%mul3A_2130, %mul3A_11] : memref<10000x16384xf32, #tpu.memory_space<hbm>> -> memref<8x128xf32, #tpu.memory_space<hbm>>
          tpu.enqueue_dma source(%arg9 : memref<8x128xf32, #tpu.memory_space<vmem>>) target(%dma_start3A_2132 : memref<8x128xf32, #tpu.memory_space<hbm>>) target_semaphore(%arg12 : memref<!tpu.dma_semaphore, #tpu.memory_space<semaphore_mem>>)
          scf.yield %squeeze3A_1168, %squeeze3A_1170, %squeeze3A_1172, %squeeze3A_1174, %squeeze3A_1176, %squeeze3A_1178, %squeeze3A_1180, %squeeze3A_1182, %squeeze3A_1184, %squeeze3A_1186, %squeeze3A_1188, %squeeze3A_1190, %squeeze3A_1192, %squeeze3A_1194, %squeeze3A_1196, %squeeze3A_1198 : i32, i32, i32, i32, i32, i32, i32, i32, i32, i32, i32, i32, i32, i32, i32, i32
        }
        %scan3A_1141 = arith.constant 25 : i32
      }
      %scan3A_1013 = arith.constant 12 : i32
      %dma_wait3A_1014 = arith.constant 0 : i32
      %dma_wait3A_1015 = arith.constant 0 : i32
      %dma_wait3A_1016 = tpu.memref_slice %arg4[%dma_wait3A_1014, %dma_wait3A_1015] : memref<10000x16384xf32, #tpu.memory_space<hbm>> -> memref<8x128xf32, #tpu.memory_space<hbm>>
      %dma_wait3A_1017 = arith.constant 0 : i32
      %dma_wait3A_1018 = arith.constant 0 : i32
      %dma_wait3A_1019 = tpu.memref_slice %arg4[%dma_wait3A_1017, %dma_wait3A_1018] : memref<10000x16384xf32, #tpu.memory_space<hbm>> -> memref<8x128xf32, #tpu.memory_space<hbm>>
      tpu.wait_dma2 semaphore(%arg11 : memref<!tpu.dma_semaphore, #tpu.memory_space<semaphore_mem>>) src(%arg8 : memref<8x128xf32, #tpu.memory_space<vmem>>) dst(%dma_wait3A_1019 : memref<8x128xf32, #tpu.memory_space<hbm>>)
      %dma_wait3A_1020 = arith.constant 0 : i32
      %dma_wait3A_1021 = arith.constant 0 : i32
      %dma_wait3A_1022 = tpu.memref_slice %arg4[%dma_wait3A_1020, %dma_wait3A_1021] : memref<10000x16384xf32, #tpu.memory_space<hbm>> -> memref<8x128xf32, #tpu.memory_space<hbm>>
      %dma_wait3A_1023 = arith.constant 0 : i32
      %dma_wait3A_1024 = arith.constant 0 : i32
      %dma_wait3A_1025 = tpu.memref_slice %arg4[%dma_wait3A_1023, %dma_wait3A_1024] : memref<10000x16384xf32, #tpu.memory_space<hbm>> -> memref<8x128xf32, #tpu.memory_space<hbm>>
      tpu.wait_dma2 semaphore(%arg12 : memref<!tpu.dma_semaphore, #tpu.memory_space<semaphore_mem>>) src(%arg9 : memref<8x128xf32, #tpu.memory_space<vmem>>) dst(%dma_wait3A_1025 : memref<8x128xf32, #tpu.memory_space<hbm>>)
    }
    %scan3A_5 = arith.constant 4 : i32
    return
  }
}

</mosaic_0001>

<sc_bundles>
// kernel: kernel.3.cloned.1.call-start
scs
__scs_entry_jumppad:
0x0: {  	(pc) =	sbr.rel $0x88, $3  }
0x1: {  	(tag) =	ssettag $0x0;
	lr =	simm.s32 $0x1  }
0x2: {  	[smem:$0x3F9F] =	sst lr;
	_ =	strace $0xD0000000  }
0x3: {  	_ = 	snop  }
0x4: {  	_ = 	snop  }
0x5: {  	_ = 	snop  }
0x6: {  	_ = 	snop  }
0x7: {  	_ = 	snop  }
__scs_overlays_trampoline_lowered:
0x8: {  	[smem:$0x3FAE] =	sst s0  }
0x9: {  	[smem:$0x3FAF] =	sst s1  }
0xa: {  	[smem:$0x3FB0] =	sst s2  }
0xb: {  	[smem:$0x3FB1] =	sst s3  }
0xc: {  	[smem:$0x3FB2] =	sst s4  }
0xd: {  	[smem:$0x3FB3] =	sst s5  }
0xe: {  	[smem:$0x3FB4] =	sst s6  }
0xf: {  	[smem:$0x3FB5] =	sst s7  }
0x10: {  	[smem:$0x3FB6] =	sst s8  }
0x11: {  	[smem:$0x3FB7] =	sst s9;
	s0 =	simm.s32 @!p0 $0x0  }
0x12: {  	s1 =	sld [smem:$0x3F9D];
	s0 =	simm.s32 @p0 $0x1  }
0x13: {  	[smem:$0x3FB8] =	sst s0;
	s0 =	simm.s32 @!p1 $0x0  }
0x14: {  	s2 =	sld [smem:$0x3F9C];
	s0 =	simm.s32 @p1 $0x1  }
0x15: {  	[smem:$0x3FB9] =	sst s0;
	s0 =	simm.s32 @!p2 $0x0  }
0x16: {  	s3 =	sld [smem:$0x3FDB];
	s0 =	simm.s32 @p2 $0x1  }
0x17: {  	s4 =	simm.s32 $0x1BF5;
	[smem:$0x3FBB] =	sst s0  }
0x18: {  	s0 =	sld [smem:$0x3F9E];
	_ =	swait.ge [sflag:s4], $0x0  }
0x19: {  	s7 =	sld [smem:$0x3F9F]  }
0x1a: {  	s8 =	sadd.s32 $0xFFFFE003, lr  }
0x1b: {  	s9 =	sadd.s32 $0xFFFFFEF7, lr;
	s5 =	simm.s32 $0xFFFFFFFF;
	p2 =	slt.u32 s8, $0xFFFFF086  }
0x1c: {  	p1 =	slt.u32 s9, $0xF7A;
	s5 =	simm.s32 @!p2 $0x0  }
0x1d: {  	s5 =	simm.s32 @p1 $0x1;
	p0 =	seq.s32 s7, s2  }
0x1e: {  	s7 =	smul.u32 @!p0 $0xF7A, s2;
	p2 =	seq.s32 @!p0 s5, $0x0  }
0x1f: {  	s9 =	smul.u32 $0xF7A, s1;
	s8 =	simm.s32 @!p0 $0x1BF5;
	p2 =	por !p2, p0  }
0x20: {  	[sflag:s8] =	ssyncset.s32 @!p0 $0xFFFFF086;
	s6 =	sadd.s32 @!p0 s3, s7;
	s7 =	simm.s32 @!p0 $0x108  }
0x21: {  	s3 =	sadd.s32 s3, s9;
	s6 =	sadd.s32 @!p0 $0x88, s6;
	s7 =	simm.s32 @p2 $0x1082  }
0x22: {  	[simem:s7], [sflag:s8] =	dma.local @!p0 [hbm:s6], $0xF7A  }
0x23: {  	s9 =	sor.u32 $0xD0000000, s2;
	s6 =	simm.s32 $0x108;
	_ =	swait.ge @!p0 [sflag:s8], $0x0  }
0x24: {  	s3 =	sadd.s32 $0x88, s3;
	s6 =	simm.s32 @!p1 $0x1082;
	[sflag:s4] =	ssyncset.s32 $0xFFFFF086  }
0x25: {  	[simem:s6], [sflag:s4] =	dma.local [hbm:s3], $0xF7A  }
0x26: {  	[smem:$0x3F9F] =	sst s1;
	(tag) =	ssettag s2;
	_ =	strace s9  }
0x27: {  	s1 =	sld [smem:$0x3FAF]  }
0x28: {  	s2 =	sld [smem:$0x3FB0]  }
0x29: {  	s4 =	sld [smem:$0x3FB2]  }
0x2a: {  	p0 =	seq.s32 s5, $0x0;
	s5 =	sld [smem:$0x3FB3]  }
0x2b: {  	s6 =	sld [smem:$0x3FB4]  }
0x2c: {  	s7 =	sld [smem:$0x3FB5]  }
0x2d: {  	s3 =	simm.s32 $0x108;
	s8 =	sld [smem:$0x3FB6]  }
0x2e: {  	s3 =	simm.s32 @!p0 $0x1082;
	s9 =	sld [smem:$0x3FB7]  }
0x2f: {  	lr =	sadd.s32 s0, s3;
	s0 =	sld [smem:$0x3FAE]  }
0x30: {  	s3 =	sld [smem:$0x3FB1]  }
0x31: {  	[smem:$0x3FBA] =	sst s10  }
0x32: {  	s10 =	sld [smem:$0x3FB8];
	_ =	sdelay $0x3  }
0x33: {  	p0 =	seq.s32 s10, $0x1;
	s10 =	sld [smem:$0x3FBA];
	_ =	sdelay $0x3  }
0x34: {  	[smem:$0x3FBA] =	sst s10  }
0x35: {  	s10 =	sld [smem:$0x3FB9];
	_ =	sdelay $0x3  }
0x36: {  	p1 =	seq.s32 s10, $0x1;
	s10 =	sld [smem:$0x3FBA];
	_ =	sdelay $0x3  }
0x37: {  	[smem:$0x3FBA] =	sst s10  }
0x38: {  	s10 =	sld [smem:$0x3FBB]  }
0x39: {  	_ = 	snop;
	(pc) =	sbr.ind lr, $3  }
0x3a: {  	_ = 	snop  }
0x3b: {  	_ = 	snop  }
0x3c: {  	p2 =	seq.s32 s10, $0x1;
	s10 =	sld [smem:$0x3FBA]  }
0x3d: {  	_ =	shalt  }
0x3e: {  	_ =	shalt  }
0x3f: {  	_ =	shalt  }
0x40: {  	_ =	shalt  }
0x41: {  	_ =	shalt  }
0x42: {  	_ =	shalt  }
0x43: {  	_ =	shalt  }
0x44: {  	_ =	shalt  }
0x45: {  	_ =	shalt  }
0x46: {  	_ =	shalt  }
0x47: {  	_ =	shalt  }
0x48: {  	_ =	shalt  }
0x49: {  	_ =	shalt  }
0x4a: {  	_ =	shalt  }
0x4b: {  	_ =	shalt  }
0x4c: {  	_ =	shalt  }
0x4d: {  	_ =	shalt  }
0x4e: {  	_ =	shalt  }
0x4f: {  	_ =	shalt  }
0x50: {  	_ =	shalt  }
0x51: {  	_ =	shalt  }
0x52: {  	_ =	shalt  }
0x53: {  	_ =	shalt  }
0x54: {  	_ =	shalt  }
0x55: {  	_ =	shalt  }
0x56: {  	_ =	shalt  }
0x57: {  	_ =	shalt  }
0x58: {  	_ =	shalt  }
0x59: {  	_ =	shalt  }
0x5a: {  	_ =	shalt  }
0x5b: {  	_ =	shalt  }
0x5c: {  	_ =	shalt  }
0x5d: {  	_ =	shalt  }
0x5e: {  	_ =	shalt  }
0x5f: {  	_ =	shalt  }
0x60: {  	_ =	shalt  }
0x61: {  	_ =	shalt  }
0x62: {  	_ =	shalt  }
0x63: {  	_ =	shalt  }
0x64: {  	_ =	shalt  }
0x65: {  	_ =	shalt  }
0x66: {  	_ =	shalt  }
0x67: {  	_ =	shalt  }
0x68: {  	_ =	shalt  }
0x69: {  	_ =	shalt  }
0x6a: {  	_ =	shalt  }
0x6b: {  	_ =	shalt  }
0x6c: {  	_ =	shalt  }
0x6d: {  	_ =	shalt  }
0x6e: {  	_ =	shalt  }
0x6f: {  	_ =	shalt  }
0x70: {  	_ =	shalt  }
0x71: {  	_ =	shalt  }
0x72: {  	_ =	shalt  }
0x73: {  	_ =	shalt  }
0x74: {  	_ =	shalt  }
0x75: {  	_ =	shalt  }
0x76: {  	_ =	shalt  }
0x77: {  	_ =	shalt  }
0x78: {  	_ =	shalt  }
0x79: {  	_ =	shalt  }
0x7a: {  	_ =	shalt  }
0x7b: {  	_ =	shalt  }
0x7c: {  	_ =	shalt  }
0x7d: {  	_ =	shalt  }
0x7e: {  	_ =	shalt  }
0x7f: {  	_ =	shalt  }
0x80: {  	_ =	shalt  }
0x81: {  	_ =	shalt  }
0x82: {  	_ =	shalt  }
0x83: {  	_ =	shalt  }
0x84: {  	_ =	shalt  }
0x85: {  	_ =	shalt  }
0x86: {  	_ =	shalt  }
0x87: {  	_ =	shalt  }
.Lfunc_end0:
.L_simem_size_0:
called_computation_lowered:
.L_overlay_start_0:
0x88: {  	s2 =	sld [smem:$0x3FD9]  }
0x89: {  	s3 =	sld [smem:$0x3FFE];
	_ =	sdelay $0x1  }
0x8a: {  	s1 =	srdreg.scid  }
0x8b: {  	s0 =	sand.u32 $0x1, s1  }
0x8c: {  	s18 =	sshll.u32 s0, $0xA;
	s2 =	sadd.s32 s3, s2  }
0x8d: {  	s2 =	sadd.s32 s2, s18  }
0x8e: {  	[smem:$0x3FC6] =	sst s2  }
0x8f: {  	_ = 	snop  }
0x90: {  	s2 =	sld [smem:$0x3FC9]  }
0x91: {  	s19 =	sld [smem:$0x3FC8]  }
0x92: {  	s4 =	sld [smem:$0x3FD0];
	(tm) =	ssettm $0x1  }
0x93: {  	s5 =	sld [smem:$0x3FFB];
	_ =	sdelay $0x3  }
0x94: {  	_ =	strace s5  }
0x95: {  	s5 =	sld [smem:$0x3FFC];
	_ =	sdelay $0x3  }
0x96: {  	_ =	strace s5  }
0x97: {  	s5 =	sld [smem:$0x3FFD];
	_ =	sdelay $0x3  }
0x98: {  	_ =	strace s5  }
0x99: {  	_ =	strace $0x8FFFFFFF  }
0x9a: {  	s20 =	sld [smem:$0x3FDB];
	_ =	sdelay $0x1  }
0x9b: {  	s6 =	simm.s32 $_scs_section_size  }
0x9c: {  	s7 =	simm.s32 $_size__tile_overlayer_lowered;
	s8 =	simm.s32 $_tile_overlayer_lowered  }
0x9d: {  	s23 =	simm.s32 $0x1BFF;
	s22 =	sshll.u32 s8, $0x1;
	s5 =	sadd.s32 s6, s20  }
0x9e: {  	s9 =	simm.s32 $0x0;
	s21 =	sshll.u32 s7, $0x1;
	s7 =	sadd.s32 s22, s5  }
0x9f: {  	[timem:s9], [sflag:s23] =	dma.local [hbm:s7], s21  }
0xa0: {  	_ =	swait.ge [sflag:s23], s21  }
0xa1: {  	s6 =	ssub.s32 $0x0, s21;
	[sflag:s23] =	ssyncset.done $0x0  }
0xa2: {  	[sflag:s23] =	ssyncadd.s32 s6;
	_ =	sdelay $0x1  }
0xa3: {  	s24 =	simm.s32 $0x1B8B  }
0xa4: {  	_ =	swait.ge [sflag:s24], $0x1  }
0xa5: {  	[sflag:s24] =	ssyncset.done $0x0  }
0xa6: {  	s25 =	simm.s32 $0x1B8E;
	[sflag:s24] =	ssyncadd.s32 $0xFFFFFFFF  }
0xa7: {  	s26 =	simm.s32 $execute0_lowered;
	[smem:$0x3FD2] =	sst s25  }
0xa8: {  	s6 =	sshll.u32 s26, $0x1;
	_ =	strace $0x80000046;
	[dreg:$0x1] =	wrdreg $0xFFFFFFFF  }
0xa9: {  	s28 =	simm.s32 $_size_execute0_lowered;
	s5 =	sadd.s32 s5, s6;
	[dreg:$0x0] =	wrdreg $0x0  }
0xaa: {  	s6 =	sshll.u32 s28, $0x1;
	[dreg:$0x2] =	wrdreg s5  }
0xab: {  	[dreg:$0x3] =	wrdreg s6  }
0xac: {  	[dreg:$0x4] =	wrdreg $0xC0  }
0xad: {  	_ =	task [dreg:s9], $0x5FFFF  }
0xae: {  	[dreg:$0x1] =	wrdreg $0xFFFFFFFF  }
0xaf: {  	[dreg:$0x0] =	wrdreg $0x60  }
0xb0: {  	[dreg:$0x2] =	wrdreg s2  }
0xb1: {  	[dreg:$0x3] =	wrdreg s19  }
0xb2: {  	[dreg:$0x4] =	wrdreg s4  }
0xb3: {  	[dreg:$0x5] =	wrdreg $0x9  }
0xb4: {  	_ =	task.clear_ibuf [dreg:s9], $0x6FFFF;
	_ =	strace $0x90000046  }
0xb5: {  	s29 =	simm.s32 $0x9;
	_ =	strace $0x80000048  }
0xb6: {  	_ =	swait.ge [sflag:s29], $0x1  }
0xb7: {  	[sflag:s29] =	ssyncadd.s32 $0xFFFFFFFF  }
0xb8: {  	_ =	strace $0x90000048  }
0xb9: {  	_ =	sfence  }
0xba: {  	s30 =	sld [smem:$0x0];
	_ =	sdelay $0x2  }
0xbb: {  	s31 =	sshll.u32 s1, $0xD;
	s1 =	sshrl.u32 s1, $0x2  }
0xbc: {  	s3 =	sand.u32 $0x4000, s31;
	s1 =	sadd.s32 s1, s30  }
0xbd: {  	s0 =	sor.u32 s3, s0;
	s1 =	sshll.u32 s1, $0x11  }
0xbe: {  	s0 =	sor.u32 s1, s0  }
0xbf: {  	s0 =	sadd.s32 $0x8F2B, s0  }
0xc0: {  	[sflag:s0] =	ssyncadd.remote.s32 $0x1  }
0xc1: {  	_ =	sfence.sel $0xFFFF  }
0xc2: {  	[dreg:$0x0] =	wrdreg $0xFFFFFFFF;
	(pc) =	sbr.abs _section_cstart, $3  }
0xc3: {  	[dreg:$0x1] =	wrdreg $0xFFFFFFFF  }
0xc4: {  	_ =	task.clear_ibuf [dreg:s9], $0x2FFFF;
	_ =	strace $0x9FFFFFFF  }
0xc5: {  	(tm) =	ssettm $0x7FFFFFFF  }
tec
execute0_lowered:
.L_overlay_start_1:
0x0: {  	(tag) =	ssettag $0x1  }
0x1: {  	s4 =	rddreg [dreg:$0x1]  }
0x2: {  	s19 =	rddreg [dreg:$0x2];
	s0 =	srdreg.scid;
	s13 =	simm.s32 $0x0  }
0x3: {  	s5 =	stileid.u32;
	s21 =	simm.s32 $0x1FC00;
	s0 =	sand.u32 $0x1, s0  }
0x4: {  	[smem:$0x7FF] =	sst s13;
	s25 =	sshll.u32 s5, $0x3;
	s26 =	sshll.u32 s5, $0xD  }
0x5: {  	s28 =	sadd.s32 $0x32, s4;
	s29 =	sadd.s32 $0x4000, s19;
	s1 =	ssub.s32 $0x2, s0  }
0x6: {  	_ =	strace $0x80000047;
	s3 =	sshll.u32 s0, $0x2;
	[dreg:$0x7] =	wrdreg s28  }
0x7: {  	s0 =	sshll.u32 s0, $0xC;
	[dreg:$0x8] =	wrdreg s29;
	s2 =	sshrl.u32 s1, $0x1  }
0x8: {  	s0 =	sor.u32 s0, s26;
	s1 =	ssub.s32 s1, s2;
	s2 =	sor.u32 s3, s25  }
0x9: {  	s30 =	sor.u32 $0x40000, s0;
	[dreg:$0x6] =	wrdreg s2;
	s1 =	smax.u32 s1, $0x1  }
0xa: {  	s2 =	sor.u32 $0x640000, s0;
	[dreg:$0x9] =	wrdreg s1;
	s1 =	sshrl.u32 s30, $0x3  }
0xb: {  	s0 =	sor.u32 $0xC80000, s0;
	s31 =	sshrl.u32 s2, $0x3;
	[dreg:$0xa] =	wrdreg s1  }
0xc: {  	s22 =	simm.s32 $0x2;
	s0 =	sshrl.u32 s0, $0x3;
	[dreg:$0xb] =	wrdreg s31  }
0xd: {  	s3 =	simm.s32 $0x1F800;
	[dreg:$0xc] =	wrdreg s0;
	s1 =	simm.s32 $0x0  }
.LBB2_1:
0xe: {  	[dreg:$0xd] =	wrdreg s1  }
0xf: {  	s0 =	rddreg [dreg:$0xc]  }
0x10: {  	s31 =	rddreg [dreg:$0xb]  }
0x11: {  	s26 =	rddreg [dreg:$0xa]  }
0x12: {  	[dreg:$0xe] =	wrdreg s0  }
0x13: {  	s1 =	simm.s32 $0x0;
	[dreg:$0xf] =	wrdreg s31  }
.LBB2_2:
0x14: {  	s0 =	rddreg [dreg:$0x6]  }
0x15: {  	[dreg:$0x11] =	wrdreg s1  }
0x16: {  	s6 =	rddreg [dreg:$0x1];
	s2 =	simm.s32 $0x1F400;
	s0 =	sadd.s32 s0, s1  }
0x17: {  	[tilespmem:s2], [sflag:$0x1] =	stream.linear.gather [hbm4b:s6+s13], $0x190, $0x38;
	v63 =	vld [tilespmem:$0x0]  }
0x18: {  	s7 =	rddreg [dreg:$0x0];
	s9 =	simm.s32 $0x400;
	s8 =	sshll.u32 s0, $0x7  }
0x19: {  	s10 =	simm.s32 $0x20000;
	s11 =	simm.s32 $0x4;
	s0 =	sadd.s32 s7, s8  }
0x1a: {  	[tilespmem:s13], [sflag:$0x4] =	stream.strided.gather [hbm4b:s0+s9], $0x1F400, s10, s9, $0x38;
	v63 =	vld [tilespmem:$0x0]  }
0x1b: {  	_ =	swait.ge [sflag:s11], $0x1F400  }
0x1c: {  	[sflag:s11] =	ssyncset.done $0x0  }
0x1d: {  	s12 =	simm.s32 $0x1;
	[sflag:s11] =	ssyncadd.s32 $0xFFFE0C00  }
0x1e: {  	_ =	swait.ge [sflag:s12], $0x190  }
0x1f: {  	[sflag:s12] =	ssyncset.done $0x0  }
0x20: {  	s15 =	simm.s32 $0x1F600;
	s14 =	rddreg [dreg:$0x7];
	[sflag:s12] =	ssyncadd.s32 $0xFFFFFE70  }
0x21: {  	[tilespmem:s15], [sflag:$0x1] =	stream.linear.gather [hbm4b:s14+s13], $0x190, $0x38;
	v63 =	vld [tilespmem:$0x0]  }
0x22: {  	v0 =	vld [tilespmem:$0x1F410];
	_ =	sdelay $0x4  }
0x23: {  	(v2sf) =	vpush v0, $0x0  }
0x24: {  	(v2sf) =	vpush v0, $0x1  }
0x25: {  	(v2sf) =	vpush v0, $0x2  }
0x26: {  	(v2sf) =	vpush v0, $0x3  }
0x27: {  	(v2sf) =	vpush v0, $0x4  }
0x28: {  	(v2sf) =	vpush v0, $0x5  }
0x29: {  	(v2sf) =	vpush v0, $0x6  }
0x2a: {  	(v2sf) =	vpush v0, $0x7  }
0x2b: {  	(v2sf) =	vpush v0, $0x8  }
0x2c: {  	v1 =	vld [tilespmem:$0x1F400];
	(v2sf) =	vpush v0, $0x9  }
0x2d: {  	(v2sf) =	vpush v0, $0xA  }
0x2e: {  	(v2sf) =	vpush v0, $0xB  }
0x2f: {  	(v2sf) =	vpush v0, $0xC  }
0x30: {  	(v2sf) =	vpush v0, $0xD  }
0x31: {  	v1 =	vshll.u32 v1, $0x9;
	(v2sf) =	vpush v0, $0xE  }
0x32: {  	v60 =	vshra.s32 v1, $0x2;
	s24 =	spop (v2sf);
	(v2sf) =	vpush v0, $0xF  }
0x33: {  	s7 =	spop (v2sf);
	(v2sf) =	vpush v60, $0x0  }
0x34: {  	s6 =	spop (v2sf)  }
0x35: {  	s18 =	spop (v2sf)  }
0x36: {  	s15 =	spop (v2sf)  }
0x37: {  	s14 =	spop (v2sf)  }
0x38: {  	s1 =	spop (v2sf)  }
0x39: {  	s23 =	spop (v2sf)  }
0x3a: {  	s12 =	spop (v2sf)  }
0x3b: {  	s11 =	spop (v2sf)  }
0x3c: {  	s10 =	spop (v2sf)  }
0x3d: {  	s9 =	spop (v2sf)  }
0x3e: {  	s5 =	spop (v2sf)  }
0x3f: {  	s31 =	spop (v2sf)  }
0x40: {  	s30 =	spop (v2sf)  }
0x41: {  	(v2sf) =	vpush v60, $0x1;
	s0 =	spop (v2sf)  }
0x42: {  	s16 =	spop (v2sf);
	(v2sf) =	vpush v60, $0x2;
	_ =	sdelay $0xd  }
0x43: {  	s17 =	spop (v2sf)  }
0x44: {  	s25 =	spop (v2sf);
	(v2sf) =	vpush v60, $0x3;
	_ =	sdelay $0xe  }
0x45: {  	s28 =	spop (v2sf);
	(v2sf) =	vpush v60, $0x4;
	_ =	sdelay $0x4  }
0x46: {  	v61 =	vld [tilespmem:s16+$0x0]  }
0x47: {  	v2 =	vld [tilespmem:s16+$0x10]  }
0x48: {  	v3 =	vld [tilespmem:s16+$0x20]  }
0x49: {  	v4 =	vld [tilespmem:s16+$0x30]  }
0x4a: {  	v5 =	vld [tilespmem:s16+$0x40]  }
0x4b: {  	v6 =	vld [tilespmem:s16+$0x50]  }
0x4c: {  	v7 =	vld [tilespmem:s16+$0x60]  }
0x4d: {  	v8 =	vld [tilespmem:s16+$0x70]  }
0x4e: {  	v9 =	vld [tilespmem:s17+$0x0];
	[tilespmem:$0x1F800] =	vst v61  }
0x4f: {  	v1 =	vld [tilespmem:s17+$0x10];
	[tilespmem:$0x1F810] =	vst v2  }
0x50: {  	v2 =	vld [tilespmem:s17+$0x20];
	[tilespmem:$0x1F820] =	vst v3;
	s29 =	spop (v2sf);
	(v2sf) =	vpush v60, $0x5  }
0x51: {  	v3 =	vld [tilespmem:s17+$0x30];
	[tilespmem:$0x1F830] =	vst v4  }
0x52: {  	v4 =	vld [tilespmem:s17+$0x40];
	[tilespmem:$0x1F840] =	vst v5  }
0x53: {  	v5 =	vld [tilespmem:s17+$0x50];
	[tilespmem:$0x1F850] =	vst v6  }
0x54: {  	v6 =	vld [tilespmem:s17+$0x60];
	[tilespmem:$0x1F860] =	vst v7  }
0x55: {  	v7 =	vld [tilespmem:s17+$0x70];
	[tilespmem:$0x1F870] =	vst v8  }
0x56: {  	v8 =	vld [tilespmem:s25+$0x0];
	[tilespmem:$0x1F880] =	vst v9  }
0x57: {  	v9 =	vld [tilespmem:s25+$0x10];
	[tilespmem:$0x1F890] =	vst v1  }
0x58: {  	v1 =	vld [tilespmem:s25+$0x20];
	[tilespmem:$0x1F8A0] =	vst v2  }
0x59: {  	v2 =	vld [tilespmem:s25+$0x30];
	[tilespmem:$0x1F8B0] =	vst v3  }
0x5a: {  	v3 =	vld [tilespmem:s25+$0x40];
	[tilespmem:$0x1F8C0] =	vst v4  }
0x5b: {  	v4 =	vld [tilespmem:s25+$0x50];
	[tilespmem:$0x1F8D0] =	vst v5  }
0x5c: {  	v5 =	vld [tilespmem:s25+$0x60];
	[tilespmem:$0x1F8E0] =	vst v6  }
0x5d: {  	v6 =	vld [tilespmem:s25+$0x70];
	[tilespmem:$0x1F8F0] =	vst v7  }
0x5e: {  	v7 =	vld [tilespmem:s28+$0x0];
	[tilespmem:$0x1F900] =	vst v8  }
0x5f: {  	v8 =	vld [tilespmem:s28+$0x10];
	[tilespmem:$0x1F910] =	vst v9;
	s4 =	spop (v2sf);
	(v2sf) =	vpush v60, $0x6  }
0x60: {  	v9 =	vld [tilespmem:s28+$0x20];
	[tilespmem:$0x1F920] =	vst v1  }
0x61: {  	v1 =	vld [tilespmem:s28+$0x30];
	[tilespmem:$0x1F930] =	vst v2  }
0x62: {  	v2 =	vld [tilespmem:s28+$0x40];
	[tilespmem:$0x1F940] =	vst v3  }
0x63: {  	v3 =	vld [tilespmem:s28+$0x50];
	[tilespmem:$0x1F950] =	vst v4  }
0x64: {  	v4 =	vld [tilespmem:s28+$0x60];
	[tilespmem:$0x1F960] =	vst v5  }
0x65: {  	v5 =	vld [tilespmem:s28+$0x70];
	[tilespmem:$0x1F970] =	vst v6  }
0x66: {  	v6 =	vld [tilespmem:s29+$0x0];
	[tilespmem:$0x1F980] =	vst v7  }
0x67: {  	v7 =	vld [tilespmem:s29+$0x10];
	[tilespmem:$0x1F990] =	vst v8  }
0x68: {  	v8 =	vld [tilespmem:s29+$0x20];
	[tilespmem:$0x1F9A0] =	vst v9  }
0x69: {  	v9 =	vld [tilespmem:s29+$0x30];
	[tilespmem:$0x1F9B0] =	vst v1  }
0x6a: {  	v1 =	vld [tilespmem:s29+$0x40];
	[tilespmem:$0x1F9C0] =	vst v2  }
0x6b: {  	v2 =	vld [tilespmem:s29+$0x50];
	[tilespmem:$0x1F9D0] =	vst v3  }
0x6c: {  	v3 =	vld [tilespmem:s29+$0x60];
	[tilespmem:$0x1F9E0] =	vst v4  }
0x6d: {  	v4 =	vld [tilespmem:s29+$0x70];
	[tilespmem:$0x1F9F0] =	vst v5  }
0x6e: {  	v5 =	vld [tilespmem:s4+$0x0];
	[tilespmem:$0x1FA00] =	vst v6;
	s16 =	spop (v2sf);
	(v2sf) =	vpush v60, $0x7  }
0x6f: {  	v6 =	vld [tilespmem:s4+$0x10];
	[tilespmem:$0x1FA10] =	vst v7  }
0x70: {  	v7 =	vld [tilespmem:s4+$0x20];
	[tilespmem:$0x1FA20] =	vst v8  }
0x71: {  	v8 =	vld [tilespmem:s4+$0x30];
	[tilespmem:$0x1FA30] =	vst v9  }
0x72: {  	v9 =	vld [tilespmem:s4+$0x40];
	[tilespmem:$0x1FA40] =	vst v1;
	(v2sf) =	vpush v60, $0x8  }
0x73: {  	v1 =	vld [tilespmem:s4+$0x50];
	[tilespmem:$0x1FA50] =	vst v2  }
0x74: {  	v2 =	vld [tilespmem:s4+$0x60];
	[tilespmem:$0x1FA60] =	vst v3  }
0x75: {  	v3 =	vld [tilespmem:s4+$0x70];
	[tilespmem:$0x1FA70] =	vst v4  }
0x76: {  	v4 =	vld [tilespmem:s16+$0x0];
	[tilespmem:$0x1FA80] =	vst v5  }
0x77: {  	v5 =	vld [tilespmem:s16+$0x10];
	[tilespmem:$0x1FA90] =	vst v6  }
0x78: {  	v6 =	vld [tilespmem:s16+$0x20];
	[tilespmem:$0x1FAA0] =	vst v7  }
0x79: {  	v7 =	vld [tilespmem:s16+$0x30];
	[tilespmem:$0x1FAB0] =	vst v8  }
0x7a: {  	v8 =	vld [tilespmem:s16+$0x40];
	[tilespmem:$0x1FAC0] =	vst v9  }
0x7b: {  	v9 =	vld [tilespmem:s16+$0x50];
	[tilespmem:$0x1FAD0] =	vst v1  }
0x7c: {  	v1 =	vld [tilespmem:s16+$0x60];
	[tilespmem:$0x1FAE0] =	vst v2  }
0x7d: {  	v2 =	vld [tilespmem:s16+$0x70];
	[tilespmem:$0x1FAF0] =	vst v3;
	s17 =	spop (v2sf)  }
0x7e: {  	v3 =	vld [tilespmem:s17+$0x0];
	[tilespmem:$0x1FB00] =	vst v4  }
0x7f: {  	v4 =	vld [tilespmem:s17+$0x10];
	[tilespmem:$0x1FB10] =	vst v5  }
0x80: {  	(v2sf) =	vpush v60, $0x9;
	v5 =	vld [tilespmem:s17+$0x20];
	[tilespmem:$0x1FB20] =	vst v6  }
0x81: {  	s28 =	spop (v2sf);
	(v2sf) =	vpush v60, $0xA;
	v6 =	vld [tilespmem:s17+$0x30];
	[tilespmem:$0x1FB30] =	vst v7  }
0x82: {  	v7 =	vld [tilespmem:s17+$0x40];
	[tilespmem:$0x1FB40] =	vst v8  }
0x83: {  	v8 =	vld [tilespmem:s17+$0x50];
	[tilespmem:$0x1FB50] =	vst v9  }
0x84: {  	v9 =	vld [tilespmem:s17+$0x60];
	[tilespmem:$0x1FB60] =	vst v1  }
0x85: {  	v1 =	vld [tilespmem:s17+$0x70];
	[tilespmem:$0x1FB70] =	vst v2  }
0x86: {  	[tilespmem:$0x1FB80] =	vst v3  }
0x87: {  	[tilespmem:$0x1FB90] =	vst v4  }
0x88: {  	[tilespmem:$0x1FBA0] =	vst v5  }
0x89: {  	[tilespmem:$0x1FBB0] =	vst v6  }
0x8a: {  	[tilespmem:$0x1FBC0] =	vst v7  }
0x8b: {  	[tilespmem:$0x1FBD0] =	vst v8  }
0x8c: {  	[tilespmem:$0x1FBE0] =	vst v9  }
0x8d: {  	s25 =	sadd.s32 s19, s8;
	[tilespmem:$0x1FBF0] =	vst v1  }
0x8e: {  	[hbm4b:s25+s13] =	stream.linear.scatter [tilespmem:s3], [sflag:$0x2], $0x400, $0x38;
	v63 =	vld [tilespmem:$0x0]  }
0x8f: {  	s29 =	spop (v2sf)  }
0x90: {  	s3 =	spop (v2sf);
	(v2sf) =	vpush v60, $0xB;
	_ =	sdelay $0xe  }
0x91: {  	s4 =	spop (v2sf);
	(v2sf) =	vpush v60, $0xC;
	_ =	sdelay $0x4  }
0x92: {  	v1 =	vld [tilespmem:s28+$0x0]  }
0x93: {  	v2 =	vld [tilespmem:s28+$0x10]  }
0x94: {  	v3 =	vld [tilespmem:s28+$0x20]  }
0x95: {  	v4 =	vld [tilespmem:s28+$0x30]  }
0x96: {  	v5 =	vld [tilespmem:s28+$0x40]  }
0x97: {  	v6 =	vld [tilespmem:s28+$0x50]  }
0x98: {  	v7 =	vld [tilespmem:s28+$0x60]  }
0x99: {  	v8 =	vld [tilespmem:s28+$0x70]  }
0x9a: {  	v9 =	vld [tilespmem:s29+$0x0];
	[tilespmem:$0x1FC00] =	vst v1  }
0x9b: {  	v1 =	vld [tilespmem:s29+$0x10];
	[tilespmem:$0x1FC10] =	vst v2  }
0x9c: {  	v2 =	vld [tilespmem:s29+$0x20];
	[tilespmem:$0x1FC20] =	vst v3;
	s16 =	spop (v2sf);
	(v2sf) =	vpush v60, $0xD  }
0x9d: {  	v3 =	vld [tilespmem:s29+$0x30];
	[tilespmem:$0x1FC30] =	vst v4  }
0x9e: {  	v4 =	vld [tilespmem:s29+$0x40];
	[tilespmem:$0x1FC40] =	vst v5  }
0x9f: {  	v5 =	vld [tilespmem:s29+$0x50];
	[tilespmem:$0x1FC50] =	vst v6  }
0xa0: {  	v6 =	vld [tilespmem:s29+$0x60];
	[tilespmem:$0x1FC60] =	vst v7  }
0xa1: {  	v7 =	vld [tilespmem:s29+$0x70];
	[tilespmem:$0x1FC70] =	vst v8  }
0xa2: {  	v8 =	vld [tilespmem:s3+$0x0];
	[tilespmem:$0x1FC80] =	vst v9  }
0xa3: {  	v9 =	vld [tilespmem:s3+$0x10];
	[tilespmem:$0x1FC90] =	vst v1  }
0xa4: {  	v1 =	vld [tilespmem:s3+$0x20];
	[tilespmem:$0x1FCA0] =	vst v2  }
0xa5: {  	v2 =	vld [tilespmem:s3+$0x30];
	[tilespmem:$0x1FCB0] =	vst v3  }
0xa6: {  	v3 =	vld [tilespmem:s3+$0x40];
	[tilespmem:$0x1FCC0] =	vst v4  }
0xa7: {  	v4 =	vld [tilespmem:s3+$0x50];
	[tilespmem:$0x1FCD0] =	vst v5  }
0xa8: {  	v5 =	vld [tilespmem:s3+$0x60];
	[tilespmem:$0x1FCE0] =	vst v6  }
0xa9: {  	v6 =	vld [tilespmem:s3+$0x70];
	[tilespmem:$0x1FCF0] =	vst v7  }
0xaa: {  	v7 =	vld [tilespmem:s4+$0x0];
	[tilespmem:$0x1FD00] =	vst v8  }
0xab: {  	v8 =	vld [tilespmem:s4+$0x10];
	[tilespmem:$0x1FD10] =	vst v9;
	s17 =	spop (v2sf);
	(v2sf) =	vpush v60, $0xE  }
0xac: {  	v9 =	vld [tilespmem:s4+$0x20];
	[tilespmem:$0x1FD20] =	vst v1  }
0xad: {  	v1 =	vld [tilespmem:s4+$0x30];
	[tilespmem:$0x1FD30] =	vst v2  }
0xae: {  	v2 =	vld [tilespmem:s4+$0x40];
	[tilespmem:$0x1FD40] =	vst v3  }
0xaf: {  	v3 =	vld [tilespmem:s4+$0x50];
	[tilespmem:$0x1FD50] =	vst v4  }
0xb0: {  	v4 =	vld [tilespmem:s4+$0x60];
	[tilespmem:$0x1FD60] =	vst v5  }
0xb1: {  	v5 =	vld [tilespmem:s4+$0x70];
	[tilespmem:$0x1FD70] =	vst v6  }
0xb2: {  	v6 =	vld [tilespmem:s16+$0x0];
	[tilespmem:$0x1FD80] =	vst v7  }
0xb3: {  	v7 =	vld [tilespmem:s16+$0x10];
	[tilespmem:$0x1FD90] =	vst v8  }
0xb4: {  	v8 =	vld [tilespmem:s16+$0x20];
	[tilespmem:$0x1FDA0] =	vst v9  }
0xb5: {  	v9 =	vld [tilespmem:s16+$0x30];
	[tilespmem:$0x1FDB0] =	vst v1  }
0xb6: {  	v1 =	vld [tilespmem:s16+$0x40];
	[tilespmem:$0x1FDC0] =	vst v2  }
0xb7: {  	v2 =	vld [tilespmem:s16+$0x50];
	[tilespmem:$0x1FDD0] =	vst v3  }
0xb8: {  	v3 =	vld [tilespmem:s16+$0x60];
	[tilespmem:$0x1FDE0] =	vst v4  }
0xb9: {  	v4 =	vld [tilespmem:s16+$0x70];
	[tilespmem:$0x1FDF0] =	vst v5  }
0xba: {  	v5 =	vld [tilespmem:s17+$0x0];
	[tilespmem:$0x1FE00] =	vst v6;
	s25 =	spop (v2sf);
	(v2sf) =	vpush v60, $0xF  }
0xbb: {  	v6 =	vld [tilespmem:s17+$0x10];
	[tilespmem:$0x1FE10] =	vst v7  }
0xbc: {  	v7 =	vld [tilespmem:s17+$0x20];
	[tilespmem:$0x1FE20] =	vst v8  }
0xbd: {  	v8 =	vld [tilespmem:s17+$0x30];
	[tilespmem:$0x1FE30] =	vst v9  }
0xbe: {  	v9 =	vld [tilespmem:s17+$0x40];
	[tilespmem:$0x1FE40] =	vst v1  }
0xbf: {  	v1 =	vld [tilespmem:s17+$0x50];
	[tilespmem:$0x1FE50] =	vst v2  }
0xc0: {  	v2 =	vld [tilespmem:s17+$0x60];
	[tilespmem:$0x1FE60] =	vst v3  }
0xc1: {  	v3 =	vld [tilespmem:s17+$0x70];
	[tilespmem:$0x1FE70] =	vst v4  }
0xc2: {  	v4 =	vld [tilespmem:s25+$0x0];
	[tilespmem:$0x1FE80] =	vst v5  }
0xc3: {  	v62 =	vld [tilespmem:s25+$0x10];
	[tilespmem:$0x1FE90] =	vst v6  }
0xc4: {  	v5 =	vld [tilespmem:s25+$0x20];
	[tilespmem:$0x1FEA0] =	vst v7  }
0xc5: {  	v6 =	vld [tilespmem:s25+$0x30];
	[tilespmem:$0x1FEB0] =	vst v8  }
0xc6: {  	v7 =	vld [tilespmem:s25+$0x40];
	[tilespmem:$0x1FEC0] =	vst v9  }
0xc7: {  	v8 =	vld [tilespmem:s25+$0x50];
	[tilespmem:$0x1FED0] =	vst v1  }
0xc8: {  	v1 =	vld [tilespmem:s25+$0x60];
	[tilespmem:$0x1FEE0] =	vst v2  }
0xc9: {  	v2 =	vld [tilespmem:s25+$0x70];
	[tilespmem:$0x1FEF0] =	vst v3;
	s28 =	spop (v2sf)  }
0xca: {  	v3 =	vld [tilespmem:s28+$0x0];
	[tilespmem:$0x1FF00] =	vst v4  }
0xcb: {  	v4 =	vld [tilespmem:s28+$0x10];
	[tilespmem:$0x1FF10] =	vst v62  }
0xcc: {  	v0 =	vld [tilespmem:s28+$0x20];
	[tilespmem:$0x1FF20] =	vst v5  }
0xcd: {  	v5 =	vld [tilespmem:s28+$0x30];
	[tilespmem:$0x1FF30] =	vst v6  }
0xce: {  	v6 =	vld [tilespmem:s28+$0x40];
	[tilespmem:$0x1FF40] =	vst v7  }
0xcf: {  	v7 =	vld [tilespmem:s28+$0x50];
	[tilespmem:$0x1FF50] =	vst v8  }
0xd0: {  	v8 =	vld [tilespmem:s28+$0x60];
	[tilespmem:$0x1FF60] =	vst v1  }
0xd1: {  	v1 =	vld [tilespmem:s28+$0x70];
	[tilespmem:$0x1FF70] =	vst v2  }
0xd2: {  	[tilespmem:$0x1FF80] =	vst v3  }
0xd3: {  	[tilespmem:$0x1FF90] =	vst v4  }
0xd4: {  	[tilespmem:$0x1FFA0] =	vst v0  }
0xd5: {  	[tilespmem:$0x1FFB0] =	vst v5  }
0xd6: {  	[tilespmem:$0x1FFC0] =	vst v6  }
0xd7: {  	[tilespmem:$0x1FFD0] =	vst v7  }
0xd8: {  	s20 =	simm.s32 $0x3;
	s29 =	rddreg [dreg:$0x8];
	[tilespmem:$0x1FFE0] =	vst v8  }
0xd9: {  	[dreg:$0x10] =	wrdreg s26;
	s2 =	sadd.s32 s8, s29;
	s8 =	simm.s32 $0x80;
	[tilespmem:$0x1FFF0] =	vst v1  }
0xda: {  	[hbm4b:s2+s13] =	stream.linear.scatter [tilespmem:s21], [sflag:$0x3], $0x400, $0x38;
	v63 =	vld [tilespmem:$0x0]  }
.LBB2_3:
0xdb: {  	s2 =	sshra.s32 s8, $0x2  }
0xdc: {  	v0 =	vld [tilespmem:s2+$0x1F400];
	_ =	sdelay $0x4  }
0xdd: {  	(v2sf) =	vpush v0, $0x0  }
0xde: {  	(v2sf) =	vpush v0, $0x1  }
0xdf: {  	(v2sf) =	vpush v0, $0x2  }
0xe0: {  	(v2sf) =	vpush v0, $0x3  }
0xe1: {  	(v2sf) =	vpush v0, $0x4  }
0xe2: {  	(v2sf) =	vpush v0, $0x5  }
0xe3: {  	(v2sf) =	vpush v0, $0x6  }
0xe4: {  	(v2sf) =	vpush v0, $0x7  }
0xe5: {  	(v2sf) =	vpush v0, $0x8  }
0xe6: {  	(v2sf) =	vpush v0, $0x9  }
0xe7: {  	(v2sf) =	vpush v0, $0xA  }
0xe8: {  	(v2sf) =	vpush v0, $0xB  }
0xe9: {  	(v2sf) =	vpush v0, $0xC  }
0xea: {  	(v2sf) =	vpush v0, $0xD  }
0xeb: {  	(v2sf) =	vpush v0, $0xE  }
0xec: {  	s17 =	spop (v2sf);
	(v2sf) =	vpush v0, $0xF  }
0xed: {  	s25 =	spop (v2sf)  }
0xee: {  	s28 =	spop (v2sf)  }
0xef: {  	s29 =	spop (v2sf)  }
0xf0: {  	s3 =	spop (v2sf)  }
0xf1: {  	s4 =	spop (v2sf)  }
0xf2: {  	s13 =	spop (v2sf)  }
0xf3: {  	[dreg:$0x17] =	wrdreg s17;
	s16 =	spop (v2sf)  }
0xf4: {  	[dreg:$0x1a] =	wrdreg s25;
	s17 =	spop (v2sf)  }
0xf5: {  	[smem:$0x7FD] =	sst s29;
	s29 =	spop (v2sf)  }
0xf6: {  	[dreg:$0x1d] =	wrdreg s28;
	s28 =	spop (v2sf)  }
0xf7: {  	[smem:$0x7FC] =	sst s3;
	s25 =	spop (v2sf)  }
0xf8: {  	[smem:$0x7F8] =	sst s17;
	s17 =	spop (v2sf)  }
0xf9: {  	[smem:$0x7F9] =	sst s16;
	s16 =	spop (v2sf)  }
0xfa: {  	[smem:$0x7FA] =	sst s13;
	s13 =	spop (v2sf)  }
0xfb: {  	[smem:$0x7FB] =	sst s4;
	s2 =	spop (v2sf)  }
0xfc: {  	_ =	swait.ge [sflag:s22], $0x400  }
0xfd: {  	s3 =	sshll.u32 s24, $0x9;
	[sflag:s22] =	ssyncset.done $0x0  }
0xfe: {  	s3 =	sshra.s32 s3, $0x2;
	[sflag:s22] =	ssyncadd.s32 $0xFFFFFC00  }
0xff: {  	v53 =	vld [tilespmem:s3+$0x0]  }
0x100: {  	v1 =	vld [tilespmem:s3+$0x10]  }
0x101: {  	v2 =	vld [tilespmem:s3+$0x20]  }
0x102: {  	v3 =	vld [tilespmem:s3+$0x30]  }
0x103: {  	v4 =	vld [tilespmem:s3+$0x40]  }
0x104: {  	v5 =	vld [tilespmem:s3+$0x50]  }
0x105: {  	s4 =	sshll.u32 s7, $0x9;
	v6 =	vld [tilespmem:s3+$0x60]  }
0x106: {  	s24 =	sshra.s32 s4, $0x2;
	v7 =	vld [tilespmem:s3+$0x70]  }
0x107: {  	v8 =	vld [tilespmem:s24+$0x0];
	[tilespmem:$0x1F800] =	vst v53  }
0x108: {  	v0 =	vld [tilespmem:s24+$0x10];
	[tilespmem:$0x1F810] =	vst v1  }
0x109: {  	v1 =	vld [tilespmem:s24+$0x20];
	[tilespmem:$0x1F820] =	vst v2  }
0x10a: {  	v2 =	vld [tilespmem:s24+$0x30];
	[tilespmem:$0x1F830] =	vst v3  }
0x10b: {  	v3 =	vld [tilespmem:s24+$0x40];
	[tilespmem:$0x1F840] =	vst v4  }
0x10c: {  	v4 =	vld [tilespmem:s24+$0x50];
	[tilespmem:$0x1F850] =	vst v5  }
0x10d: {  	s4 =	sshll.u32 s6, $0x9;
	v5 =	vld [tilespmem:s24+$0x60];
	[tilespmem:$0x1F860] =	vst v6  }
0x10e: {  	s3 =	sshra.s32 s4, $0x2;
	v6 =	vld [tilespmem:s24+$0x70];
	[tilespmem:$0x1F870] =	vst v7  }
0x10f: {  	v7 =	vld [tilespmem:s3+$0x0];
	[tilespmem:$0x1F880] =	vst v8  }
0x110: {  	v8 =	vld [tilespmem:s3+$0x10];
	[tilespmem:$0x1F890] =	vst v0  }
0x111: {  	v0 =	vld [tilespmem:s3+$0x20];
	[tilespmem:$0x1F8A0] =	vst v1  }
0x112: {  	v1 =	vld [tilespmem:s3+$0x30];
	[tilespmem:$0x1F8B0] =	vst v2  }
0x113: {  	v2 =	vld [tilespmem:s3+$0x40];
	[tilespmem:$0x1F8C0] =	vst v3  }
0x114: {  	v3 =	vld [tilespmem:s3+$0x50];
	[tilespmem:$0x1F8D0] =	vst v4  }
0x115: {  	s6 =	sshll.u32 s18, $0x9;
	v4 =	vld [tilespmem:s3+$0x60];
	[tilespmem:$0x1F8E0] =	vst v5  }
0x116: {  	v5 =	vld [tilespmem:s3+$0x70];
	[tilespmem:$0x1F8F0] =	vst v6;
	s3 =	sshra.s32 s6, $0x2  }
0x117: {  	v6 =	vld [tilespmem:s3+$0x0];
	[tilespmem:$0x1F900] =	vst v7  }
0x118: {  	v7 =	vld [tilespmem:s3+$0x10];
	[tilespmem:$0x1F910] =	vst v8  }
0x119: {  	v8 =	vld [tilespmem:s3+$0x20];
	[tilespmem:$0x1F920] =	vst v0  }
0x11a: {  	v0 =	vld [tilespmem:s3+$0x30];
	[tilespmem:$0x1F930] =	vst v1  }
0x11b: {  	v1 =	vld [tilespmem:s3+$0x40];
	[tilespmem:$0x1F940] =	vst v2  }
0x11c: {  	v2 =	vld [tilespmem:s3+$0x50];
	[tilespmem:$0x1F950] =	vst v3  }
0x11d: {  	s7 =	sshll.u32 s15, $0x9;
	v3 =	vld [tilespmem:s3+$0x60];
	[tilespmem:$0x1F960] =	vst v4  }
0x11e: {  	v4 =	vld [tilespmem:s3+$0x70];
	[tilespmem:$0x1F970] =	vst v5;
	s3 =	sshra.s32 s7, $0x2  }
0x11f: {  	v5 =	vld [tilespmem:s3+$0x0];
	[tilespmem:$0x1F980] =	vst v6  }
0x120: {  	v6 =	vld [tilespmem:s3+$0x10];
	[tilespmem:$0x1F990] =	vst v7  }
0x121: {  	v7 =	vld [tilespmem:s3+$0x20];
	[tilespmem:$0x1F9A0] =	vst v8  }
0x122: {  	v8 =	vld [tilespmem:s3+$0x30];
	[tilespmem:$0x1F9B0] =	vst v0  }
0x123: {  	v0 =	vld [tilespmem:s3+$0x40];
	[tilespmem:$0x1F9C0] =	vst v1  }
0x124: {  	v1 =	vld [tilespmem:s3+$0x50];
	[tilespmem:$0x1F9D0] =	vst v2  }
0x125: {  	s15 =	sshll.u32 s14, $0x9;
	v2 =	vld [tilespmem:s3+$0x60];
	[tilespmem:$0x1F9E0] =	vst v3  }
0x126: {  	v3 =	vld [tilespmem:s3+$0x70];
	[tilespmem:$0x1F9F0] =	vst v4;
	s3 =	sshra.s32 s15, $0x2  }
0x127: {  	v4 =	vld [tilespmem:s3+$0x0];
	[tilespmem:$0x1FA00] =	vst v5  }
0x128: {  	v5 =	vld [tilespmem:s3+$0x10];
	[tilespmem:$0x1FA10] =	vst v6  }
0x129: {  	v6 =	vld [tilespmem:s3+$0x20];
	[tilespmem:$0x1FA20] =	vst v7  }
0x12a: {  	v7 =	vld [tilespmem:s3+$0x30];
	[tilespmem:$0x1FA30] =	vst v8  }
0x12b: {  	v8 =	vld [tilespmem:s3+$0x40];
	[tilespmem:$0x1FA40] =	vst v0  }
0x12c: {  	v0 =	vld [tilespmem:s3+$0x50];
	[tilespmem:$0x1FA50] =	vst v1  }
0x12d: {  	s1 =	sshll.u32 s1, $0x9;
	v1 =	vld [tilespmem:s3+$0x60];
	[tilespmem:$0x1FA60] =	vst v2  }
0x12e: {  	s1 =	sshra.s32 s1, $0x2;
	v2 =	vld [tilespmem:s3+$0x70];
	[tilespmem:$0x1FA70] =	vst v3  }
0x12f: {  	v3 =	vld [tilespmem:s1+$0x0];
	[tilespmem:$0x1FA80] =	vst v4  }
0x130: {  	v4 =	vld [tilespmem:s1+$0x10];
	[tilespmem:$0x1FA90] =	vst v5  }
0x131: {  	v5 =	vld [tilespmem:s1+$0x20];
	[tilespmem:$0x1FAA0] =	vst v6  }
0x132: {  	v6 =	vld [tilespmem:s1+$0x30];
	[tilespmem:$0x1FAB0] =	vst v7  }
0x133: {  	v7 =	vld [tilespmem:s1+$0x40];
	[tilespmem:$0x1FAC0] =	vst v8  }
0x134: {  	v8 =	vld [tilespmem:s1+$0x50];
	[tilespmem:$0x1FAD0] =	vst v0  }
0x135: {  	s18 =	sshll.u32 s23, $0x9;
	v0 =	vld [tilespmem:s1+$0x60];
	[tilespmem:$0x1FAE0] =	vst v1  }
0x136: {  	v1 =	vld [tilespmem:s1+$0x70];
	[tilespmem:$0x1FAF0] =	vst v2;
	s1 =	sshra.s32 s18, $0x2  }
0x137: {  	v2 =	vld [tilespmem:s1+$0x0];
	[tilespmem:$0x1FB00] =	vst v3  }
0x138: {  	v3 =	vld [tilespmem:s1+$0x10];
	[tilespmem:$0x1FB10] =	vst v4  }
0x139: {  	v4 =	vld [tilespmem:s1+$0x20];
	[tilespmem:$0x1FB20] =	vst v5  }
0x13a: {  	v5 =	vld [tilespmem:s1+$0x30];
	[tilespmem:$0x1FB30] =	vst v6  }
0x13b: {  	v6 =	vld [tilespmem:s1+$0x40];
	[tilespmem:$0x1FB40] =	vst v7  }
0x13c: {  	v7 =	vld [tilespmem:s1+$0x50];
	[tilespmem:$0x1FB50] =	vst v8  }
0x13d: {  	v8 =	vld [tilespmem:s1+$0x60];
	[tilespmem:$0x1FB60] =	vst v0  }
0x13e: {  	v0 =	vld [tilespmem:s1+$0x70];
	[tilespmem:$0x1FB70] =	vst v1  }
0x13f: {  	[tilespmem:$0x1FB80] =	vst v2  }
0x140: {  	[tilespmem:$0x1FB90] =	vst v3  }
0x141: {  	[tilespmem:$0x1FBA0] =	vst v4  }
0x142: {  	[tilespmem:$0x1FBB0] =	vst v5  }
0x143: {  	[tilespmem:$0x1FBC0] =	vst v6  }
0x144: {  	[tilespmem:$0x1FBD0] =	vst v7  }
0x145: {  	[tilespmem:$0x1FBE0] =	vst v8  }
0x146: {  	s23 =	sadd.s32 s26, s19;
	s4 =	simm.s32 $0x0;
	s24 =	simm.s32 $0x1F800;
	[tilespmem:$0x1FBF0] =	vst v0  }
0x147: {  	[hbm4b:s23+s4] =	stream.linear.scatter [tilespmem:s24], [sflag:$0x2], $0x400, $0x38;
	v63 =	vld [tilespmem:$0x0]  }
0x148: {  	_ =	swait.ge [sflag:s20], $0x400  }
0x149: {  	s6 =	sshll.u32 s12, $0x9;
	[sflag:s20] =	ssyncset.done $0x0  }
0x14a: {  	s1 =	sshra.s32 s6, $0x2;
	[sflag:s20] =	ssyncadd.s32 $0xFFFFFC00  }
0x14b: {  	v54 =	vld [tilespmem:s1+$0x0]  }
0x14c: {  	v55 =	vld [tilespmem:s1+$0x10]  }
0x14d: {  	v56 =	vld [tilespmem:s1+$0x20]  }
0x14e: {  	v57 =	vld [tilespmem:s1+$0x30]  }
0x14f: {  	v58 =	vld [tilespmem:s1+$0x40]  }
0x150: {  	v59 =	vld [tilespmem:s1+$0x50]  }
0x151: {  	s7 =	sshll.u32 s11, $0x9;
	v60 =	vld [tilespmem:s1+$0x60]  }
0x152: {  	s11 =	sshra.s32 s7, $0x2;
	v61 =	vld [tilespmem:s1+$0x70]  }
0x153: {  	v62 =	vld [tilespmem:s11+$0x0];
	[tilespmem:$0x1FC00] =	vst v54  }
0x154: {  	v0 =	vld [tilespmem:s11+$0x10];
	[tilespmem:$0x1FC10] =	vst v55  }
0x155: {  	v1 =	vld [tilespmem:s11+$0x20];
	[tilespmem:$0x1FC20] =	vst v56  }
0x156: {  	v2 =	vld [tilespmem:s11+$0x30];
	[tilespmem:$0x1FC30] =	vst v57  }
0x157: {  	v3 =	vld [tilespmem:s11+$0x40];
	[tilespmem:$0x1FC40] =	vst v58  }
0x158: {  	v4 =	vld [tilespmem:s11+$0x50];
	[tilespmem:$0x1FC50] =	vst v59  }
0x159: {  	s12 =	sshll.u32 s10, $0x9;
	v5 =	vld [tilespmem:s11+$0x60];
	[tilespmem:$0x1FC60] =	vst v60  }
0x15a: {  	s1 =	sshra.s32 s12, $0x2;
	v6 =	vld [tilespmem:s11+$0x70];
	[tilespmem:$0x1FC70] =	vst v61  }
0x15b: {  	v7 =	vld [tilespmem:s1+$0x0];
	[tilespmem:$0x1FC80] =	vst v62  }
0x15c: {  	v8 =	vld [tilespmem:s1+$0x10];
	[tilespmem:$0x1FC90] =	vst v0  }
0x15d: {  	v0 =	vld [tilespmem:s1+$0x20];
	[tilespmem:$0x1FCA0] =	vst v1  }
0x15e: {  	v1 =	vld [tilespmem:s1+$0x30];
	[tilespmem:$0x1FCB0] =	vst v2  }
0x15f: {  	v2 =	vld [tilespmem:s1+$0x40];
	[tilespmem:$0x1FCC0] =	vst v3  }
0x160: {  	v3 =	vld [tilespmem:s1+$0x50];
	[tilespmem:$0x1FCD0] =	vst v4  }
0x161: {  	s14 =	sshll.u32 s9, $0x9;
	v4 =	vld [tilespmem:s1+$0x60];
	[tilespmem:$0x1FCE0] =	vst v5  }
0x162: {  	v5 =	vld [tilespmem:s1+$0x70];
	[tilespmem:$0x1FCF0] =	vst v6;
	s1 =	sshra.s32 s14, $0x2  }
0x163: {  	v6 =	vld [tilespmem:s1+$0x0];
	[tilespmem:$0x1FD00] =	vst v7  }
0x164: {  	v7 =	vld [tilespmem:s1+$0x10];
	[tilespmem:$0x1FD10] =	vst v8  }
0x165: {  	v8 =	vld [tilespmem:s1+$0x20];
	[tilespmem:$0x1FD20] =	vst v0  }
0x166: {  	v0 =	vld [tilespmem:s1+$0x30];
	[tilespmem:$0x1FD30] =	vst v1  }
0x167: {  	v1 =	vld [tilespmem:s1+$0x40];
	[tilespmem:$0x1FD40] =	vst v2  }
0x168: {  	v2 =	vld [tilespmem:s1+$0x50];
	[tilespmem:$0x1FD50] =	vst v3  }
0x169: {  	s15 =	sshll.u32 s5, $0x9;
	v3 =	vld [tilespmem:s1+$0x60];
	[tilespmem:$0x1FD60] =	vst v4  }
0x16a: {  	v4 =	vld [tilespmem:s1+$0x70];
	[tilespmem:$0x1FD70] =	vst v5;
	s1 =	sshra.s32 s15, $0x2  }
0x16b: {  	v5 =	vld [tilespmem:s1+$0x0];
	[tilespmem:$0x1FD80] =	vst v6  }
0x16c: {  	v6 =	vld [tilespmem:s1+$0x10];
	[tilespmem:$0x1FD90] =	vst v7  }
0x16d: {  	v7 =	vld [tilespmem:s1+$0x20];
	[tilespmem:$0x1FDA0] =	vst v8  }
0x16e: {  	v8 =	vld [tilespmem:s1+$0x30];
	[tilespmem:$0x1FDB0] =	vst v0  }
0x16f: {  	v0 =	vld [tilespmem:s1+$0x40];
	[tilespmem:$0x1FDC0] =	vst v1  }
0x170: {  	v1 =	vld [tilespmem:s1+$0x50];
	[tilespmem:$0x1FDD0] =	vst v2  }
0x171: {  	s18 =	sshll.u32 s31, $0x9;
	v2 =	vld [tilespmem:s1+$0x60];
	[tilespmem:$0x1FDE0] =	vst v3  }
0x172: {  	v3 =	vld [tilespmem:s1+$0x70];
	[tilespmem:$0x1FDF0] =	vst v4;
	s1 =	sshra.s32 s18, $0x2  }
0x173: {  	v4 =	vld [tilespmem:s1+$0x0];
	[tilespmem:$0x1FE00] =	vst v5  }
0x174: {  	v5 =	vld [tilespmem:s1+$0x10];
	[tilespmem:$0x1FE10] =	vst v6  }
0x175: {  	v6 =	vld [tilespmem:s1+$0x20];
	[tilespmem:$0x1FE20] =	vst v7  }
0x176: {  	v7 =	vld [tilespmem:s1+$0x30];
	[tilespmem:$0x1FE30] =	vst v8  }
0x177: {  	v8 =	vld [tilespmem:s1+$0x40];
	[tilespmem:$0x1FE40] =	vst v0  }
0x178: {  	v0 =	vld [tilespmem:s1+$0x50];
	[tilespmem:$0x1FE50] =	vst v1  }
0x179: {  	s23 =	sshll.u32 s30, $0x9;
	v1 =	vld [tilespmem:s1+$0x60];
	[tilespmem:$0x1FE60] =	vst v2  }
0x17a: {  	v2 =	vld [tilespmem:s1+$0x70];
	[tilespmem:$0x1FE70] =	vst v3;
	s1 =	sshra.s32 s23, $0x2  }
0x17b: {  	v3 =	vld [tilespmem:s1+$0x0];
	[tilespmem:$0x1FE80] =	vst v4  }
0x17c: {  	v4 =	vld [tilespmem:s1+$0x10];
	[tilespmem:$0x1FE90] =	vst v5  }
0x17d: {  	v5 =	vld [tilespmem:s1+$0x20];
	[tilespmem:$0x1FEA0] =	vst v6  }
0x17e: {  	v6 =	vld [tilespmem:s1+$0x30];
	[tilespmem:$0x1FEB0] =	vst v7  }
0x17f: {  	v7 =	vld [tilespmem:s1+$0x40];
	[tilespmem:$0x1FEC0] =	vst v8  }
0x180: {  	v8 =	vld [tilespmem:s1+$0x50];
	[tilespmem:$0x1FED0] =	vst v0  }
0x181: {  	s0 =	sshll.u32 s0, $0x9;
	v0 =	vld [tilespmem:s1+$0x60];
	[tilespmem:$0x1FEE0] =	vst v1  }
0x182: {  	s0 =	sshra.s32 s0, $0x2;
	v1 =	vld [tilespmem:s1+$0x70];
	[tilespmem:$0x1FEF0] =	vst v2  }
0x183: {  	v2 =	vld [tilespmem:s0+$0x0];
	[tilespmem:$0x1FF00] =	vst v3  }
0x184: {  	v3 =	vld [tilespmem:s0+$0x10];
	[tilespmem:$0x1FF10] =	vst v4  }
0x185: {  	v4 =	vld [tilespmem:s0+$0x20];
	[tilespmem:$0x1FF20] =	vst v5  }
0x186: {  	v5 =	vld [tilespmem:s0+$0x30];
	[tilespmem:$0x1FF30] =	vst v6  }
0x187: {  	v6 =	vld [tilespmem:s0+$0x40];
	[tilespmem:$0x1FF40] =	vst v7  }
0x188: {  	v7 =	vld [tilespmem:s0+$0x50];
	[tilespmem:$0x1FF50] =	vst v8  }
0x189: {  	v8 =	vld [tilespmem:s0+$0x60];
	[tilespmem:$0x1FF60] =	vst v0  }
0x18a: {  	v0 =	vld [tilespmem:s0+$0x70];
	[tilespmem:$0x1FF70] =	vst v1  }
0x18b: {  	s6 =	rddreg [dreg:$0x1d];
	[tilespmem:$0x1FF80] =	vst v2  }
0x18c: {  	s7 =	rddreg [dreg:$0x1a];
	[tilespmem:$0x1FF90] =	vst v3  }
0x18d: {  	p0 =	sne.s32 s8, $0x640;
	s12 =	sld [smem:$0x7F8];
	[tilespmem:$0x1FFA0] =	vst v4  }
0x18e: {  	s8 =	sadd.s32 $0x40, s8;
	s9 =	smov.u32 s25;
	s14 =	sld [smem:$0x7FB];
	[tilespmem:$0x1FFB0] =	vst v5  }
0x18f: {  	s10 =	smov.u32 s28;
	s5 =	smov.u32 s17;
	s15 =	sld [smem:$0x7FC];
	[tilespmem:$0x1FFC0] =	vst v6  }
.Ltmp0:
0x190: {  	s31 =	smov.u32 s16;
	s18 =	sld [smem:$0x7FD];
	[tilespmem:$0x1FFD0] =	vst v7;
	(pc) =	sbr.rel @p0 .LBB2_3-.Ltmp0, $4  }
0x191: {  	s24 =	sor.u32 $0x4000, s26;
	s26 =	sadd.s32 $0x8000, s26;
	s23 =	sld [smem:$0x7F9];
	[tilespmem:$0x1FFE0] =	vst v8  }
0x192: {  	s30 =	smov.u32 s13;
	s1 =	sld [smem:$0x7FA];
	s0 =	sadd.s32 s19, s24;
	[tilespmem:$0x1FFF0] =	vst v0  }
0x193: {  	[hbm4b:s0+s4] =	stream.linear.scatter [tilespmem:s21], [sflag:$0x3], $0x400, $0x38;
	v63 =	vld [tilespmem:$0x0]  }
0x194: {  	s11 =	smov.u32 s29;
	s24 =	rddreg [dreg:$0x17];
	s0 =	smov.u32 s2  }
0x195: {  	s0 =	rddreg [dreg:$0xe]  }
0x196: {  	s3 =	rddreg [dreg:$0xf];
	s1 =	simm.s32 $0x0  }
.LBB2_5:
0x197: {  	[dreg:$0x13] =	wrdreg s3  }
0x198: {  	[dreg:$0x12] =	wrdreg s0  }
0x199: {  	[dreg:$0x14] =	wrdreg s1;
	s2 =	simm.s32 $0x1  }
0x19a: {  	_ =	swait.ge [sflag:s2], $0x190  }
0x19b: {  	s25 =	smul.u32 $0x64, s1;
	[sflag:s2] =	ssyncset.done $0x0  }
0x19c: {  	s26 =	rddreg [dreg:$0x1]  }
0x19d: {  	s0 =	sadd.s32 s26, s25  }
0x19e: {  	s30 =	simm.s32 $0x1F400;
	[sflag:s2] =	ssyncadd.s32 $0xFFFFFE70;
	s0 =	sadd.s32 $0x64, s0  }
0x19f: {  	[tilespmem:s30], [sflag:$0x1] =	stream.linear.gather [hbm4b:s0+s4], $0x190, $0x38;
	v63 =	vld [tilespmem:$0x0]  }
0x1a0: {  	v0 =	vld [tilespmem:$0x1F600];
	_ =	sdelay $0x4  }
0x1a1: {  	(v2sf) =	vpush v0, $0x0  }
0x1a2: {  	(v2sf) =	vpush v0, $0x1  }
0x1a3: {  	(v2sf) =	vpush v0, $0x2  }
0x1a4: {  	(v2sf) =	vpush v0, $0x3  }
0x1a5: {  	(v2sf) =	vpush v0, $0x4  }
0x1a6: {  	(v2sf) =	vpush v0, $0x5  }
0x1a7: {  	(v2sf) =	vpush v0, $0x6  }
0x1a8: {  	(v2sf) =	vpush v0, $0x7  }
0x1a9: {  	(v2sf) =	vpush v0, $0x8  }
0x1aa: {  	(v2sf) =	vpush v0, $0x9  }
0x1ab: {  	(v2sf) =	vpush v0, $0xA  }
0x1ac: {  	(v2sf) =	vpush v0, $0xB  }
0x1ad: {  	(v2sf) =	vpush v0, $0xC  }
0x1ae: {  	(v2sf) =	vpush v0, $0xD  }
0x1af: {  	(v2sf) =	vpush v0, $0xE  }
0x1b0: {  	s6 =	spop (v2sf);
	(v2sf) =	vpush v0, $0xF  }
0x1b1: {  	s7 =	spop (v2sf)  }
0x1b2: {  	s8 =	spop (v2sf)  }
0x1b3: {  	s9 =	spop (v2sf)  }
0x1b4: {  	s10 =	spop (v2sf)  }
0x1b5: {  	s2 =	spop (v2sf)  }
0x1b6: {  	s12 =	spop (v2sf)  }
0x1b7: {  	s13 =	spop (v2sf)  }
0x1b8: {  	s14 =	spop (v2sf)  }
0x1b9: {  	s15 =	spop (v2sf)  }
0x1ba: {  	s16 =	spop (v2sf)  }
0x1bb: {  	s17 =	spop (v2sf)  }
0x1bc: {  	s29 =	spop (v2sf)  }
0x1bd: {  	s28 =	spop (v2sf)  }
0x1be: {  	s31 =	sadd.s32 s3, s19;
	s1 =	simm.s32 $0x1F610;
	s24 =	spop (v2sf)  }
0x1bf: {  	s5 =	simm.s32 $0x0;
	[dreg:$0x4] =	wrdreg s31;
	s11 =	spop (v2sf)  }
.LBB2_6:
0x1c0: {  	v0 =	vld [tilespmem:s1+$0x0];
	_ =	sdelay $0x4  }
0x1c1: {  	(v2sf) =	vpush v0, $0x0  }
0x1c2: {  	(v2sf) =	vpush v0, $0x1  }
0x1c3: {  	(v2sf) =	vpush v0, $0x2  }
0x1c4: {  	(v2sf) =	vpush v0, $0x3  }
0x1c5: {  	(v2sf) =	vpush v0, $0x4  }
0x1c6: {  	(v2sf) =	vpush v0, $0x5  }
0x1c7: {  	(v2sf) =	vpush v0, $0x6  }
0x1c8: {  	(v2sf) =	vpush v0, $0x7  }
0x1c9: {  	(v2sf) =	vpush v0, $0x8  }
0x1ca: {  	(v2sf) =	vpush v0, $0x9  }
0x1cb: {  	(v2sf) =	vpush v0, $0xA  }
0x1cc: {  	(v2sf) =	vpush v0, $0xB  }
0x1cd: {  	(v2sf) =	vpush v0, $0xC  }
0x1ce: {  	(v2sf) =	vpush v0, $0xD  }
0x1cf: {  	(v2sf) =	vpush v0, $0xE  }
0x1d0: {  	s0 =	spop (v2sf);
	(v2sf) =	vpush v0, $0xF  }
0x1d1: {  	s31 =	spop (v2sf)  }
0x1d2: {  	s3 =	spop (v2sf)  }
0x1d3: {  	s4 =	spop (v2sf)  }
0x1d4: {  	s22 =	spop (v2sf)  }
0x1d5: {  	[dreg:$0x18] =	wrdreg s31;
	s31 =	spop (v2sf)  }
0x1d6: {  	s30 =	spop (v2sf)  }
0x1d7: {  	s21 =	spop (v2sf)  }
0x1d8: {  	[dreg:$0x1e] =	wrdreg s4;
	s4 =	spop (v2sf)  }
0x1d9: {  	s20 =	spop (v2sf)  }
0x1da: {  	s19 =	spop (v2sf)  }
0x1db: {  	[dreg:$0x1b] =	wrdreg s3;
	s3 =	spop (v2sf)  }
0x1dc: {  	s18 =	spop (v2sf)  }
0x1dd: {  	s23 =	spop (v2sf)  }
0x1de: {  	s25 =	spop (v2sf)  }
0x1df: {  	[dreg:$0x15] =	wrdreg s0;
	s0 =	simm.s32 $0x2;
	s26 =	spop (v2sf)  }
0x1e0: {  	_ =	swait.ge [sflag:s0], $0x400  }
0x1e1: {  	s6 =	sshll.u32 s6, $0x9;
	[sflag:s0] =	ssyncset.done $0x0  }
0x1e2: {  	s6 =	sshra.s32 s6, $0x2;
	[sflag:s0] =	ssyncadd.s32 $0xFFFFFC00  }
0x1e3: {  	v53 =	vld [tilespmem:s6+$0x0]  }
0x1e4: {  	v1 =	vld [tilespmem:s6+$0x10]  }
0x1e5: {  	v2 =	vld [tilespmem:s6+$0x20]  }
0x1e6: {  	v3 =	vld [tilespmem:s6+$0x30]  }
0x1e7: {  	v4 =	vld [tilespmem:s6+$0x40]  }
0x1e8: {  	v5 =	vld [tilespmem:s6+$0x50]  }
0x1e9: {  	s7 =	sshll.u32 s7, $0x9;
	v6 =	vld [tilespmem:s6+$0x60]  }
0x1ea: {  	s7 =	sshra.s32 s7, $0x2;
	v7 =	vld [tilespmem:s6+$0x70]  }
0x1eb: {  	v8 =	vld [tilespmem:s7+$0x0];
	[tilespmem:$0x1F800] =	vst v53  }
0x1ec: {  	v0 =	vld [tilespmem:s7+$0x10];
	[tilespmem:$0x1F810] =	vst v1  }
0x1ed: {  	v1 =	vld [tilespmem:s7+$0x20];
	[tilespmem:$0x1F820] =	vst v2  }
0x1ee: {  	v2 =	vld [tilespmem:s7+$0x30];
	[tilespmem:$0x1F830] =	vst v3  }
0x1ef: {  	v3 =	vld [tilespmem:s7+$0x40];
	[tilespmem:$0x1F840] =	vst v4  }
0x1f0: {  	v4 =	vld [tilespmem:s7+$0x50];
	[tilespmem:$0x1F850] =	vst v5  }
0x1f1: {  	s8 =	sshll.u32 s8, $0x9;
	v5 =	vld [tilespmem:s7+$0x60];
	[tilespmem:$0x1F860] =	vst v6  }
0x1f2: {  	s6 =	sshra.s32 s8, $0x2;
	v6 =	vld [tilespmem:s7+$0x70];
	[tilespmem:$0x1F870] =	vst v7  }
0x1f3: {  	v7 =	vld [tilespmem:s6+$0x0];
	[tilespmem:$0x1F880] =	vst v8  }
0x1f4: {  	v8 =	vld [tilespmem:s6+$0x10];
	[tilespmem:$0x1F890] =	vst v0  }
0x1f5: {  	v0 =	vld [tilespmem:s6+$0x20];
	[tilespmem:$0x1F8A0] =	vst v1  }
0x1f6: {  	v1 =	vld [tilespmem:s6+$0x30];
	[tilespmem:$0x1F8B0] =	vst v2  }
0x1f7: {  	v2 =	vld [tilespmem:s6+$0x40];
	[tilespmem:$0x1F8C0] =	vst v3  }
0x1f8: {  	v3 =	vld [tilespmem:s6+$0x50];
	[tilespmem:$0x1F8D0] =	vst v4  }
0x1f9: {  	s0 =	sshll.u32 s9, $0x9;
	v4 =	vld [tilespmem:s6+$0x60];
	[tilespmem:$0x1F8E0] =	vst v5  }
0x1fa: {  	v5 =	vld [tilespmem:s6+$0x70];
	[tilespmem:$0x1F8F0] =	vst v6;
	s6 =	sshra.s32 s0, $0x2  }
0x1fb: {  	v6 =	vld [tilespmem:s6+$0x0];
	[tilespmem:$0x1F900] =	vst v7  }
0x1fc: {  	v7 =	vld [tilespmem:s6+$0x10];
	[tilespmem:$0x1F910] =	vst v8  }
0x1fd: {  	v8 =	vld [tilespmem:s6+$0x20];
	[tilespmem:$0x1F920] =	vst v0  }
0x1fe: {  	v0 =	vld [tilespmem:s6+$0x30];
	[tilespmem:$0x1F930] =	vst v1  }
0x1ff: {  	v1 =	vld [tilespmem:s6+$0x40];
	[tilespmem:$0x1F940] =	vst v2  }
0x200: {  	v2 =	vld [tilespmem:s6+$0x50];
	[tilespmem:$0x1F950] =	vst v3  }
0x201: {  	s7 =	sshll.u32 s10, $0x9;
	v3 =	vld [tilespmem:s6+$0x60];
	[tilespmem:$0x1F960] =	vst v4  }
0x202: {  	v4 =	vld [tilespmem:s6+$0x70];
	[tilespmem:$0x1F970] =	vst v5;
	s6 =	sshra.s32 s7, $0x2  }
0x203: {  	v5 =	vld [tilespmem:s6+$0x0];
	[tilespmem:$0x1F980] =	vst v6  }
0x204: {  	v6 =	vld [tilespmem:s6+$0x10];
	[tilespmem:$0x1F990] =	vst v7  }
0x205: {  	v7 =	vld [tilespmem:s6+$0x20];
	[tilespmem:$0x1F9A0] =	vst v8  }
0x206: {  	v8 =	vld [tilespmem:s6+$0x30];
	[tilespmem:$0x1F9B0] =	vst v0  }
0x207: {  	v0 =	vld [tilespmem:s6+$0x40];
	[tilespmem:$0x1F9C0] =	vst v1  }
0x208: {  	v1 =	vld [tilespmem:s6+$0x50];
	[tilespmem:$0x1F9D0] =	vst v2  }
0x209: {  	s2 =	sshll.u32 s2, $0x9;
	v2 =	vld [tilespmem:s6+$0x60];
	[tilespmem:$0x1F9E0] =	vst v3  }
0x20a: {  	s2 =	sshra.s32 s2, $0x2;
	v3 =	vld [tilespmem:s6+$0x70];
	[tilespmem:$0x1F9F0] =	vst v4  }
0x20b: {  	v4 =	vld [tilespmem:s2+$0x0];
	[tilespmem:$0x1FA00] =	vst v5  }
0x20c: {  	v5 =	vld [tilespmem:s2+$0x10];
	[tilespmem:$0x1FA10] =	vst v6  }
0x20d: {  	v6 =	vld [tilespmem:s2+$0x20];
	[tilespmem:$0x1FA20] =	vst v7  }
0x20e: {  	v7 =	vld [tilespmem:s2+$0x30];
	[tilespmem:$0x1FA30] =	vst v8  }
0x20f: {  	v8 =	vld [tilespmem:s2+$0x40];
	[tilespmem:$0x1FA40] =	vst v0  }
0x210: {  	v0 =	vld [tilespmem:s2+$0x50];
	[tilespmem:$0x1FA50] =	vst v1  }
0x211: {  	s8 =	sshll.u32 s12, $0x9;
	v1 =	vld [tilespmem:s2+$0x60];
	[tilespmem:$0x1FA60] =	vst v2  }
0x212: {  	v2 =	vld [tilespmem:s2+$0x70];
	[tilespmem:$0x1FA70] =	vst v3;
	s2 =	sshra.s32 s8, $0x2  }
0x213: {  	v3 =	vld [tilespmem:s2+$0x0];
	[tilespmem:$0x1FA80] =	vst v4  }
0x214: {  	v4 =	vld [tilespmem:s2+$0x10];
	[tilespmem:$0x1FA90] =	vst v5  }
0x215: {  	v5 =	vld [tilespmem:s2+$0x20];
	[tilespmem:$0x1FAA0] =	vst v6  }
0x216: {  	v6 =	vld [tilespmem:s2+$0x30];
	[tilespmem:$0x1FAB0] =	vst v7  }
0x217: {  	v7 =	vld [tilespmem:s2+$0x40];
	[tilespmem:$0x1FAC0] =	vst v8  }
0x218: {  	v8 =	vld [tilespmem:s2+$0x50];
	[tilespmem:$0x1FAD0] =	vst v0  }
0x219: {  	s9 =	sshll.u32 s13, $0x9;
	v0 =	vld [tilespmem:s2+$0x60];
	[tilespmem:$0x1FAE0] =	vst v1  }
0x21a: {  	v1 =	vld [tilespmem:s2+$0x70];
	[tilespmem:$0x1FAF0] =	vst v2;
	s2 =	sshra.s32 s9, $0x2  }
0x21b: {  	v2 =	vld [tilespmem:s2+$0x0];
	[tilespmem:$0x1FB00] =	vst v3  }
0x21c: {  	v3 =	vld [tilespmem:s2+$0x10];
	[tilespmem:$0x1FB10] =	vst v4  }
0x21d: {  	v4 =	vld [tilespmem:s2+$0x20];
	[tilespmem:$0x1FB20] =	vst v5  }
0x21e: {  	v5 =	vld [tilespmem:s2+$0x30];
	[tilespmem:$0x1FB30] =	vst v6  }
0x21f: {  	v6 =	vld [tilespmem:s2+$0x40];
	[tilespmem:$0x1FB40] =	vst v7  }
0x220: {  	v7 =	vld [tilespmem:s2+$0x50];
	[tilespmem:$0x1FB50] =	vst v8  }
0x221: {  	v8 =	vld [tilespmem:s2+$0x60];
	[tilespmem:$0x1FB60] =	vst v0  }
0x222: {  	v0 =	vld [tilespmem:s2+$0x70];
	[tilespmem:$0x1FB70] =	vst v1  }
0x223: {  	[tilespmem:$0x1FB80] =	vst v2  }
0x224: {  	[tilespmem:$0x1FB90] =	vst v3  }
0x225: {  	[tilespmem:$0x1FBA0] =	vst v4  }
0x226: {  	[tilespmem:$0x1FBB0] =	vst v5  }
0x227: {  	[tilespmem:$0x1FBC0] =	vst v6  }
0x228: {  	[tilespmem:$0x1FBD0] =	vst v7  }
0x229: {  	s13 =	simm.s32 $0x3;
	s10 =	rddreg [dreg:$0x4];
	[tilespmem:$0x1FBE0] =	vst v8  }
0x22a: {  	s12 =	simm.s32 $0x1F800;
	s7 =	simm.s32 $0x0;
	s2 =	sadd.s32 s5, s10;
	[tilespmem:$0x1FBF0] =	vst v0  }
0x22b: {  	[hbm4b:s2+s7] =	stream.linear.scatter [tilespmem:s12], [sflag:$0x2], $0x400, $0x38;
	v63 =	vld [tilespmem:$0x0]  }
0x22c: {  	_ =	swait.ge [sflag:s13], $0x400  }
0x22d: {  	s14 =	sshll.u32 s14, $0x9;
	[sflag:s13] =	ssyncset.done $0x0  }
0x22e: {  	s2 =	sshra.s32 s14, $0x2;
	[sflag:s13] =	ssyncadd.s32 $0xFFFFFC00  }
0x22f: {  	v54 =	vld [tilespmem:s2+$0x0]  }
0x230: {  	v55 =	vld [tilespmem:s2+$0x10]  }
0x231: {  	v56 =	vld [tilespmem:s2+$0x20]  }
0x232: {  	v57 =	vld [tilespmem:s2+$0x30]  }
0x233: {  	v58 =	vld [tilespmem:s2+$0x40]  }
0x234: {  	v59 =	vld [tilespmem:s2+$0x50]  }
0x235: {  	s0 =	sshll.u32 s15, $0x9;
	v60 =	vld [tilespmem:s2+$0x60]  }
0x236: {  	s6 =	sshra.s32 s0, $0x2;
	v61 =	vld [tilespmem:s2+$0x70]  }
0x237: {  	v62 =	vld [tilespmem:s6+$0x0];
	[tilespmem:$0x1FC00] =	vst v54  }
0x238: {  	v0 =	vld [tilespmem:s6+$0x10];
	[tilespmem:$0x1FC10] =	vst v55  }
0x239: {  	v1 =	vld [tilespmem:s6+$0x20];
	[tilespmem:$0x1FC20] =	vst v56  }
0x23a: {  	v2 =	vld [tilespmem:s6+$0x30];
	[tilespmem:$0x1FC30] =	vst v57  }
0x23b: {  	v3 =	vld [tilespmem:s6+$0x40];
	[tilespmem:$0x1FC40] =	vst v58  }
0x23c: {  	v4 =	vld [tilespmem:s6+$0x50];
	[tilespmem:$0x1FC50] =	vst v59  }
0x23d: {  	s8 =	sshll.u32 s16, $0x9;
	v5 =	vld [tilespmem:s6+$0x60];
	[tilespmem:$0x1FC60] =	vst v60  }
0x23e: {  	s2 =	sshra.s32 s8, $0x2;
	v6 =	vld [tilespmem:s6+$0x70];
	[tilespmem:$0x1FC70] =	vst v61  }
0x23f: {  	v7 =	vld [tilespmem:s2+$0x0];
	[tilespmem:$0x1FC80] =	vst v62  }
0x240: {  	v8 =	vld [tilespmem:s2+$0x10];
	[tilespmem:$0x1FC90] =	vst v0  }
0x241: {  	v0 =	vld [tilespmem:s2+$0x20];
	[tilespmem:$0x1FCA0] =	vst v1  }
0x242: {  	v1 =	vld [tilespmem:s2+$0x30];
	[tilespmem:$0x1FCB0] =	vst v2  }
0x243: {  	v2 =	vld [tilespmem:s2+$0x40];
	[tilespmem:$0x1FCC0] =	vst v3  }
0x244: {  	v3 =	vld [tilespmem:s2+$0x50];
	[tilespmem:$0x1FCD0] =	vst v4  }
0x245: {  	s9 =	sshll.u32 s17, $0x9;
	v4 =	vld [tilespmem:s2+$0x60];
	[tilespmem:$0x1FCE0] =	vst v5  }
0x246: {  	v5 =	vld [tilespmem:s2+$0x70];
	[tilespmem:$0x1FCF0] =	vst v6;
	s2 =	sshra.s32 s9, $0x2  }
0x247: {  	v6 =	vld [tilespmem:s2+$0x0];
	[tilespmem:$0x1FD00] =	vst v7  }
0x248: {  	v7 =	vld [tilespmem:s2+$0x10];
	[tilespmem:$0x1FD10] =	vst v8  }
0x249: {  	v8 =	vld [tilespmem:s2+$0x20];
	[tilespmem:$0x1FD20] =	vst v0  }
0x24a: {  	v0 =	vld [tilespmem:s2+$0x30];
	[tilespmem:$0x1FD30] =	vst v1  }
0x24b: {  	v1 =	vld [tilespmem:s2+$0x40];
	[tilespmem:$0x1FD40] =	vst v2  }
0x24c: {  	v2 =	vld [tilespmem:s2+$0x50];
	[tilespmem:$0x1FD50] =	vst v3  }
0x24d: {  	s10 =	sshll.u32 s29, $0x9;
	v3 =	vld [tilespmem:s2+$0x60];
	[tilespmem:$0x1FD60] =	vst v4  }
0x24e: {  	v4 =	vld [tilespmem:s2+$0x70];
	[tilespmem:$0x1FD70] =	vst v5;
	s2 =	sshra.s32 s10, $0x2  }
0x24f: {  	v5 =	vld [tilespmem:s2+$0x0];
	[tilespmem:$0x1FD80] =	vst v6  }
0x250: {  	v6 =	vld [tilespmem:s2+$0x10];
	[tilespmem:$0x1FD90] =	vst v7  }
0x251: {  	v7 =	vld [tilespmem:s2+$0x20];
	[tilespmem:$0x1FDA0] =	vst v8  }
0x252: {  	v8 =	vld [tilespmem:s2+$0x30];
	[tilespmem:$0x1FDB0] =	vst v0  }
0x253: {  	v0 =	vld [tilespmem:s2+$0x40];
	[tilespmem:$0x1FDC0] =	vst v1  }
0x254: {  	v1 =	vld [tilespmem:s2+$0x50];
	[tilespmem:$0x1FDD0] =	vst v2  }
0x255: {  	s12 =	sshll.u32 s28, $0x9;
	v2 =	vld [tilespmem:s2+$0x60];
	[tilespmem:$0x1FDE0] =	vst v3  }
0x256: {  	v3 =	vld [tilespmem:s2+$0x70];
	[tilespmem:$0x1FDF0] =	vst v4;
	s2 =	sshra.s32 s12, $0x2  }
0x257: {  	v4 =	vld [tilespmem:s2+$0x0];
	[tilespmem:$0x1FE00] =	vst v5  }
0x258: {  	v5 =	vld [tilespmem:s2+$0x10];
	[tilespmem:$0x1FE10] =	vst v6  }
0x259: {  	v6 =	vld [tilespmem:s2+$0x20];
	[tilespmem:$0x1FE20] =	vst v7  }
0x25a: {  	v7 =	vld [tilespmem:s2+$0x30];
	[tilespmem:$0x1FE30] =	vst v8  }
0x25b: {  	v8 =	vld [tilespmem:s2+$0x40];
	[tilespmem:$0x1FE40] =	vst v0  }
0x25c: {  	v0 =	vld [tilespmem:s2+$0x50];
	[tilespmem:$0x1FE50] =	vst v1  }
0x25d: {  	s13 =	sshll.u32 s24, $0x9;
	v1 =	vld [tilespmem:s2+$0x60];
	[tilespmem:$0x1FE60] =	vst v2  }
0x25e: {  	v2 =	vld [tilespmem:s2+$0x70];
	[tilespmem:$0x1FE70] =	vst v3;
	s2 =	sshra.s32 s13, $0x2  }
0x25f: {  	v3 =	vld [tilespmem:s2+$0x0];
	[tilespmem:$0x1FE80] =	vst v4  }
0x260: {  	v4 =	vld [tilespmem:s2+$0x10];
	[tilespmem:$0x1FE90] =	vst v5  }
0x261: {  	v5 =	vld [tilespmem:s2+$0x20];
	[tilespmem:$0x1FEA0] =	vst v6  }
0x262: {  	v6 =	vld [tilespmem:s2+$0x30];
	[tilespmem:$0x1FEB0] =	vst v7  }
0x263: {  	v7 =	vld [tilespmem:s2+$0x40];
	[tilespmem:$0x1FEC0] =	vst v8  }
0x264: {  	v8 =	vld [tilespmem:s2+$0x50];
	[tilespmem:$0x1FED0] =	vst v0  }
0x265: {  	s14 =	sshll.u32 s11, $0x9;
	v0 =	vld [tilespmem:s2+$0x60];
	[tilespmem:$0x1FEE0] =	vst v1  }
0x266: {  	v1 =	vld [tilespmem:s2+$0x70];
	[tilespmem:$0x1FEF0] =	vst v2;
	s2 =	sshra.s32 s14, $0x2  }
0x267: {  	v2 =	vld [tilespmem:s2+$0x0];
	[tilespmem:$0x1FF00] =	vst v3  }
0x268: {  	v3 =	vld [tilespmem:s2+$0x10];
	[tilespmem:$0x1FF10] =	vst v4  }
0x269: {  	v4 =	vld [tilespmem:s2+$0x20];
	[tilespmem:$0x1FF20] =	vst v5  }
0x26a: {  	v5 =	vld [tilespmem:s2+$0x30];
	[tilespmem:$0x1FF30] =	vst v6  }
0x26b: {  	v6 =	vld [tilespmem:s2+$0x40];
	[tilespmem:$0x1FF40] =	vst v7  }
0x26c: {  	v7 =	vld [tilespmem:s2+$0x50];
	[tilespmem:$0x1FF50] =	vst v8  }
0x26d: {  	v8 =	vld [tilespmem:s2+$0x60];
	[tilespmem:$0x1FF60] =	vst v0  }
0x26e: {  	v0 =	vld [tilespmem:s2+$0x70];
	[tilespmem:$0x1FF70] =	vst v1  }
0x26f: {  	p0 =	sne.s32 s5, $0xC0000;
	s15 =	rddreg [dreg:$0x13];
	[tilespmem:$0x1FF80] =	vst v2  }
0x270: {  	s1 =	sadd.s32 $0x10, s1;
	s29 =	smov.u32 s18;
	s17 =	rddreg [dreg:$0x2];
	[tilespmem:$0x1FF90] =	vst v3  }
0x271: {  	s11 =	smov.u32 s26;
	s28 =	smov.u32 s23;
	s8 =	rddreg [dreg:$0x1b];
	[tilespmem:$0x1FFA0] =	vst v4  }
0x272: {  	s16 =	sadd.s32 s5, s15;
	s24 =	simm.s32 $0x1FC00;
	s6 =	rddreg [dreg:$0x15];
	[tilespmem:$0x1FFB0] =	vst v5  }
0x273: {  	s5 =	sadd.s32 $0x8000, s5;
	s15 =	smov.u32 s20;
	s9 =	rddreg [dreg:$0x1e];
	[tilespmem:$0x1FFC0] =	vst v6  }
.Ltmp1:
0x274: {  	s10 =	smov.u32 s22;
	s12 =	smov.u32 s30;
	[tilespmem:$0x1FFD0] =	vst v7;
	(pc) =	sbr.rel @p0 .LBB2_6-.Ltmp1, $4  }
0x275: {  	s13 =	smov.u32 s21;
	s14 =	smov.u32 s4;
	s2 =	sor.u32 $0x4000, s16;
	[tilespmem:$0x1FFE0] =	vst v8  }
0x276: {  	s16 =	smov.u32 s19;
	s2 =	sadd.s32 s17, s2;
	s17 =	smov.u32 s3;
	[tilespmem:$0x1FFF0] =	vst v0  }
0x277: {  	[hbm4b:s2+s7] =	stream.linear.scatter [tilespmem:s24], [sflag:$0x3], $0x400, $0x38;
	v63 =	vld [tilespmem:$0x0]  }
0x278: {  	s24 =	smov.u32 s25;
	s2 =	smov.u32 s31;
	s7 =	rddreg [dreg:$0x18]  }
0x279: {  	s0 =	rddreg [dreg:$0x14];
	s1 =	simm.s32 $0x1  }
0x27a: {  	p0 =	seq.s32 s0, $0xB;
	_ =	swait.ge [sflag:s1], $0x190  }
0x27b: {  	s0 =	smul.u32 @!p0 $0x320, s0;
	[sflag:s1] =	ssyncset.done $0x0  }
0x27c: {  	[sflag:s1] =	ssyncadd.s32 $0xFFFFFE70  }
0x27d: {  	s0 =	sshrl.u32 @!p0 s0, $0x3;
	s1 =	rddreg [dreg:$0x1]  }
0x27e: {  	s0 =	sadd.s32 @!p0 s1, s0  }
0x27f: {  	s2 =	simm.s32 @!p0 $0x1F600;
	s1 =	simm.s32 @!p0 $0x0;
	s0 =	sadd.s32 @!p0 $0x96, s0  }
0x280: {  	[tilespmem:s2], [sflag:$0x1] =	stream.linear.gather @!p0 [hbm4b:s0+s1], $0x190, $0x38;
	v63 =	vld [tilespmem:$0x0]  }
0x281: {  	v0 =	vld [tilespmem:$0x1F400];
	_ =	sdelay $0x4  }
0x282: {  	(v2sf) =	vpush v0, $0x0  }
0x283: {  	(v2sf) =	vpush v0, $0x1  }
0x284: {  	(v2sf) =	vpush v0, $0x2  }
0x285: {  	(v2sf) =	vpush v0, $0x3  }
0x286: {  	(v2sf) =	vpush v0, $0x4  }
0x287: {  	(v2sf) =	vpush v0, $0x5  }
0x288: {  	(v2sf) =	vpush v0, $0x6  }
0x289: {  	(v2sf) =	vpush v0, $0x7  }
0x28a: {  	(v2sf) =	vpush v0, $0x8  }
0x28b: {  	(v2sf) =	vpush v0, $0x9  }
0x28c: {  	(v2sf) =	vpush v0, $0xA  }
0x28d: {  	(v2sf) =	vpush v0, $0xB  }
0x28e: {  	(v2sf) =	vpush v0, $0xC  }
0x28f: {  	(v2sf) =	vpush v0, $0xD  }
0x290: {  	(v2sf) =	vpush v0, $0xE  }
0x291: {  	s6 =	spop (v2sf);
	(v2sf) =	vpush v0, $0xF  }
0x292: {  	s7 =	spop (v2sf)  }
0x293: {  	s8 =	spop (v2sf)  }
0x294: {  	s22 =	spop (v2sf)  }
0x295: {  	s21 =	spop (v2sf)  }
0x296: {  	s31 =	spop (v2sf)  }
0x297: {  	s30 =	spop (v2sf)  }
0x298: {  	s4 =	spop (v2sf)  }
0x299: {  	s3 =	spop (v2sf)  }
0x29a: {  	s20 =	spop (v2sf)  }
0x29b: {  	s19 =	spop (v2sf)  }
0x29c: {  	s0 =	spop (v2sf)  }
0x29d: {  	s23 =	rddreg [dreg:$0x12];
	s29 =	spop (v2sf)  }
0x29e: {  	s25 =	rddreg [dreg:$0x2];
	s28 =	spop (v2sf)  }
0x29f: {  	s5 =	simm.s32 $0x1F410;
	s1 =	sadd.s32 s23, s25;
	s24 =	spop (v2sf)  }
0x2a0: {  	[dreg:$0x5] =	wrdreg s1;
	s1 =	simm.s32 $0x0;
	s26 =	spop (v2sf)  }
.LBB2_8:
0x2a1: {  	v0 =	vld [tilespmem:s5+$0x0];
	_ =	sdelay $0x4  }
0x2a2: {  	(v2sf) =	vpush v0, $0x0  }
0x2a3: {  	(v2sf) =	vpush v0, $0x1  }
0x2a4: {  	(v2sf) =	vpush v0, $0x2  }
0x2a5: {  	(v2sf) =	vpush v0, $0x3  }
0x2a6: {  	(v2sf) =	vpush v0, $0x4  }
0x2a7: {  	(v2sf) =	vpush v0, $0x5  }
0x2a8: {  	(v2sf) =	vpush v0, $0x6  }
0x2a9: {  	(v2sf) =	vpush v0, $0x7  }
0x2aa: {  	(v2sf) =	vpush v0, $0x8  }
0x2ab: {  	(v2sf) =	vpush v0, $0x9  }
0x2ac: {  	(v2sf) =	vpush v0, $0xA  }
0x2ad: {  	(v2sf) =	vpush v0, $0xB  }
0x2ae: {  	(v2sf) =	vpush v0, $0xC  }
0x2af: {  	(v2sf) =	vpush v0, $0xD  }
0x2b0: {  	(v2sf) =	vpush v0, $0xE  }
0x2b1: {  	s2 =	spop (v2sf);
	(v2sf) =	vpush v0, $0xF  }
0x2b2: {  	s18 =	spop (v2sf)  }
0x2b3: {  	s23 =	spop (v2sf)  }
0x2b4: {  	s25 =	spop (v2sf)  }
0x2b5: {  	s10 =	spop (v2sf)  }
0x2b6: {  	s9 =	spop (v2sf)  }
0x2b7: {  	s12 =	spop (v2sf)  }
0x2b8: {  	s13 =	spop (v2sf)  }
0x2b9: {  	s14 =	spop (v2sf)  }
0x2ba: {  	s15 =	spop (v2sf)  }
0x2bb: {  	s16 =	spop (v2sf)  }
0x2bc: {  	s17 =	spop (v2sf)  }
0x2bd: {  	[dreg:$0x19] =	wrdreg s18;
	s18 =	spop (v2sf)  }
0x2be: {  	[dreg:$0x1c] =	wrdreg s23;
	s23 =	spop (v2sf)  }
0x2bf: {  	[dreg:$0x1f] =	wrdreg s25;
	s25 =	spop (v2sf)  }
0x2c0: {  	s11 =	simm.s32 $0x2;
	[dreg:$0x16] =	wrdreg s2;
	s2 =	spop (v2sf)  }
0x2c1: {  	_ =	swait.ge [sflag:s11], $0x400  }
0x2c2: {  	s6 =	sshll.u32 s6, $0x9;
	[sflag:s11] =	ssyncset.done $0x0  }
0x2c3: {  	s6 =	sshra.s32 s6, $0x2;
	[sflag:s11] =	ssyncadd.s32 $0xFFFFFC00  }
0x2c4: {  	v53 =	vld [tilespmem:s6+$0x0]  }
0x2c5: {  	v1 =	vld [tilespmem:s6+$0x10]  }
0x2c6: {  	v2 =	vld [tilespmem:s6+$0x20]  }
0x2c7: {  	v3 =	vld [tilespmem:s6+$0x30]  }
0x2c8: {  	v4 =	vld [tilespmem:s6+$0x40]  }
0x2c9: {  	v5 =	vld [tilespmem:s6+$0x50]  }
0x2ca: {  	s7 =	sshll.u32 s7, $0x9;
	v6 =	vld [tilespmem:s6+$0x60]  }
0x2cb: {  	s7 =	sshra.s32 s7, $0x2;
	v7 =	vld [tilespmem:s6+$0x70]  }
0x2cc: {  	v8 =	vld [tilespmem:s7+$0x0];
	[tilespmem:$0x1F800] =	vst v53  }
0x2cd: {  	v0 =	vld [tilespmem:s7+$0x10];
	[tilespmem:$0x1F810] =	vst v1  }
0x2ce: {  	v1 =	vld [tilespmem:s7+$0x20];
	[tilespmem:$0x1F820] =	vst v2  }
0x2cf: {  	v2 =	vld [tilespmem:s7+$0x30];
	[tilespmem:$0x1F830] =	vst v3  }
0x2d0: {  	v3 =	vld [tilespmem:s7+$0x40];
	[tilespmem:$0x1F840] =	vst v4  }
0x2d1: {  	v4 =	vld [tilespmem:s7+$0x50];
	[tilespmem:$0x1F850] =	vst v5  }
0x2d2: {  	s8 =	sshll.u32 s8, $0x9;
	v5 =	vld [tilespmem:s7+$0x60];
	[tilespmem:$0x1F860] =	vst v6  }
0x2d3: {  	s6 =	sshra.s32 s8, $0x2;
	v6 =	vld [tilespmem:s7+$0x70];
	[tilespmem:$0x1F870] =	vst v7  }
0x2d4: {  	v7 =	vld [tilespmem:s6+$0x0];
	[tilespmem:$0x1F880] =	vst v8  }
0x2d5: {  	v8 =	vld [tilespmem:s6+$0x10];
	[tilespmem:$0x1F890] =	vst v0  }
0x2d6: {  	v0 =	vld [tilespmem:s6+$0x20];
	[tilespmem:$0x1F8A0] =	vst v1  }
0x2d7: {  	v1 =	vld [tilespmem:s6+$0x30];
	[tilespmem:$0x1F8B0] =	vst v2  }
0x2d8: {  	v2 =	vld [tilespmem:s6+$0x40];
	[tilespmem:$0x1F8C0] =	vst v3  }
0x2d9: {  	v3 =	vld [tilespmem:s6+$0x50];
	[tilespmem:$0x1F8D0] =	vst v4  }
0x2da: {  	s11 =	sshll.u32 s22, $0x9;
	v4 =	vld [tilespmem:s6+$0x60];
	[tilespmem:$0x1F8E0] =	vst v5  }
0x2db: {  	v5 =	vld [tilespmem:s6+$0x70];
	[tilespmem:$0x1F8F0] =	vst v6;
	s6 =	sshra.s32 s11, $0x2  }
0x2dc: {  	v6 =	vld [tilespmem:s6+$0x0];
	[tilespmem:$0x1F900] =	vst v7  }
0x2dd: {  	v7 =	vld [tilespmem:s6+$0x10];
	[tilespmem:$0x1F910] =	vst v8  }
0x2de: {  	v8 =	vld [tilespmem:s6+$0x20];
	[tilespmem:$0x1F920] =	vst v0  }
0x2df: {  	v0 =	vld [tilespmem:s6+$0x30];
	[tilespmem:$0x1F930] =	vst v1  }
0x2e0: {  	v1 =	vld [tilespmem:s6+$0x40];
	[tilespmem:$0x1F940] =	vst v2  }
0x2e1: {  	v2 =	vld [tilespmem:s6+$0x50];
	[tilespmem:$0x1F950] =	vst v3  }
0x2e2: {  	s21 =	sshll.u32 s21, $0x9;
	v3 =	vld [tilespmem:s6+$0x60];
	[tilespmem:$0x1F960] =	vst v4  }
0x2e3: {  	v4 =	vld [tilespmem:s6+$0x70];
	[tilespmem:$0x1F970] =	vst v5;
	s6 =	sshra.s32 s21, $0x2  }
0x2e4: {  	v5 =	vld [tilespmem:s6+$0x0];
	[tilespmem:$0x1F980] =	vst v6  }
0x2e5: {  	v6 =	vld [tilespmem:s6+$0x10];
	[tilespmem:$0x1F990] =	vst v7  }
0x2e6: {  	v7 =	vld [tilespmem:s6+$0x20];
	[tilespmem:$0x1F9A0] =	vst v8  }
0x2e7: {  	v8 =	vld [tilespmem:s6+$0x30];
	[tilespmem:$0x1F9B0] =	vst v0  }
0x2e8: {  	v0 =	vld [tilespmem:s6+$0x40];
	[tilespmem:$0x1F9C0] =	vst v1  }
0x2e9: {  	v1 =	vld [tilespmem:s6+$0x50];
	[tilespmem:$0x1F9D0] =	vst v2  }
0x2ea: {  	s22 =	sshll.u32 s31, $0x9;
	v2 =	vld [tilespmem:s6+$0x60];
	[tilespmem:$0x1F9E0] =	vst v3  }
0x2eb: {  	v3 =	vld [tilespmem:s6+$0x70];
	[tilespmem:$0x1F9F0] =	vst v4;
	s6 =	sshra.s32 s22, $0x2  }
0x2ec: {  	v4 =	vld [tilespmem:s6+$0x0];
	[tilespmem:$0x1FA00] =	vst v5  }
0x2ed: {  	v5 =	vld [tilespmem:s6+$0x10];
	[tilespmem:$0x1FA10] =	vst v6  }
0x2ee: {  	v6 =	vld [tilespmem:s6+$0x20];
	[tilespmem:$0x1FA20] =	vst v7  }
0x2ef: {  	v7 =	vld [tilespmem:s6+$0x30];
	[tilespmem:$0x1FA30] =	vst v8  }
0x2f0: {  	v8 =	vld [tilespmem:s6+$0x40];
	[tilespmem:$0x1FA40] =	vst v0  }
0x2f1: {  	v0 =	vld [tilespmem:s6+$0x50];
	[tilespmem:$0x1FA50] =	vst v1  }
0x2f2: {  	s7 =	sshll.u32 s30, $0x9;
	v1 =	vld [tilespmem:s6+$0x60];
	[tilespmem:$0x1FA60] =	vst v2  }
0x2f3: {  	v2 =	vld [tilespmem:s6+$0x70];
	[tilespmem:$0x1FA70] =	vst v3;
	s6 =	sshra.s32 s7, $0x2  }
0x2f4: {  	v3 =	vld [tilespmem:s6+$0x0];
	[tilespmem:$0x1FA80] =	vst v4  }
0x2f5: {  	v4 =	vld [tilespmem:s6+$0x10];
	[tilespmem:$0x1FA90] =	vst v5  }
0x2f6: {  	v5 =	vld [tilespmem:s6+$0x20];
	[tilespmem:$0x1FAA0] =	vst v6  }
0x2f7: {  	v6 =	vld [tilespmem:s6+$0x30];
	[tilespmem:$0x1FAB0] =	vst v7  }
0x2f8: {  	v7 =	vld [tilespmem:s6+$0x40];
	[tilespmem:$0x1FAC0] =	vst v8  }
0x2f9: {  	v8 =	vld [tilespmem:s6+$0x50];
	[tilespmem:$0x1FAD0] =	vst v0  }
0x2fa: {  	s4 =	sshll.u32 s4, $0x9;
	v0 =	vld [tilespmem:s6+$0x60];
	[tilespmem:$0x1FAE0] =	vst v1  }
0x2fb: {  	s4 =	sshra.s32 s4, $0x2;
	v1 =	vld [tilespmem:s6+$0x70];
	[tilespmem:$0x1FAF0] =	vst v2  }
0x2fc: {  	v2 =	vld [tilespmem:s4+$0x0];
	[tilespmem:$0x1FB00] =	vst v3  }
0x2fd: {  	v3 =	vld [tilespmem:s4+$0x10];
	[tilespmem:$0x1FB10] =	vst v4  }
0x2fe: {  	v4 =	vld [tilespmem:s4+$0x20];
	[tilespmem:$0x1FB20] =	vst v5  }
0x2ff: {  	v5 =	vld [tilespmem:s4+$0x30];
	[tilespmem:$0x1FB30] =	vst v6  }
0x300: {  	v6 =	vld [tilespmem:s4+$0x40];
	[tilespmem:$0x1FB40] =	vst v7  }
0x301: {  	v7 =	vld [tilespmem:s4+$0x50];
	[tilespmem:$0x1FB50] =	vst v8  }
0x302: {  	v8 =	vld [tilespmem:s4+$0x60];
	[tilespmem:$0x1FB60] =	vst v0  }
0x303: {  	v0 =	vld [tilespmem:s4+$0x70];
	[tilespmem:$0x1FB70] =	vst v1  }
0x304: {  	[tilespmem:$0x1FB80] =	vst v2  }
0x305: {  	[tilespmem:$0x1FB90] =	vst v3  }
0x306: {  	[tilespmem:$0x1FBA0] =	vst v4  }
0x307: {  	[tilespmem:$0x1FBB0] =	vst v5  }
0x308: {  	[tilespmem:$0x1FBC0] =	vst v6  }
0x309: {  	[tilespmem:$0x1FBD0] =	vst v7  }
0x30a: {  	s8 =	rddreg [dreg:$0x5];
	s11 =	simm.s32 $0x1F800;
	[tilespmem:$0x1FBE0] =	vst v8  }
0x30b: {  	s21 =	simm.s32 $0x3;
	s6 =	simm.s32 $0x0;
	s4 =	sadd.s32 s1, s8;
	[tilespmem:$0x1FBF0] =	vst v0  }
0x30c: {  	[hbm4b:s4+s6] =	stream.linear.scatter [tilespmem:s11], [sflag:$0x2], $0x400, $0x38;
	v63 =	vld [tilespmem:$0x0]  }
0x30d: {  	_ =	swait.ge [sflag:s21], $0x400  }
0x30e: {  	s3 =	sshll.u32 s3, $0x9;
	[sflag:s21] =	ssyncset.done $0x0  }
0x30f: {  	s3 =	sshra.s32 s3, $0x2;
	[sflag:s21] =	ssyncadd.s32 $0xFFFFFC00  }
0x310: {  	v54 =	vld [tilespmem:s3+$0x0]  }
0x311: {  	v55 =	vld [tilespmem:s3+$0x10]  }
0x312: {  	v56 =	vld [tilespmem:s3+$0x20]  }
0x313: {  	v57 =	vld [tilespmem:s3+$0x30]  }
0x314: {  	v58 =	vld [tilespmem:s3+$0x40]  }
0x315: {  	v59 =	vld [tilespmem:s3+$0x50]  }
0x316: {  	s22 =	sshll.u32 s20, $0x9;
	v60 =	vld [tilespmem:s3+$0x60]  }
0x317: {  	s7 =	sshra.s32 s22, $0x2;
	v61 =	vld [tilespmem:s3+$0x70]  }
0x318: {  	v62 =	vld [tilespmem:s7+$0x0];
	[tilespmem:$0x1FC00] =	vst v54  }
0x319: {  	v0 =	vld [tilespmem:s7+$0x10];
	[tilespmem:$0x1FC10] =	vst v55  }
0x31a: {  	v1 =	vld [tilespmem:s7+$0x20];
	[tilespmem:$0x1FC20] =	vst v56  }
0x31b: {  	v2 =	vld [tilespmem:s7+$0x30];
	[tilespmem:$0x1FC30] =	vst v57  }
0x31c: {  	v3 =	vld [tilespmem:s7+$0x40];
	[tilespmem:$0x1FC40] =	vst v58  }
0x31d: {  	v4 =	vld [tilespmem:s7+$0x50];
	[tilespmem:$0x1FC50] =	vst v59  }
0x31e: {  	s8 =	sshll.u32 s19, $0x9;
	v5 =	vld [tilespmem:s7+$0x60];
	[tilespmem:$0x1FC60] =	vst v60  }
0x31f: {  	s3 =	sshra.s32 s8, $0x2;
	v6 =	vld [tilespmem:s7+$0x70];
	[tilespmem:$0x1FC70] =	vst v61  }
0x320: {  	v7 =	vld [tilespmem:s3+$0x0];
	[tilespmem:$0x1FC80] =	vst v62  }
0x321: {  	v8 =	vld [tilespmem:s3+$0x10];
	[tilespmem:$0x1FC90] =	vst v0  }
0x322: {  	v0 =	vld [tilespmem:s3+$0x20];
	[tilespmem:$0x1FCA0] =	vst v1  }
0x323: {  	v1 =	vld [tilespmem:s3+$0x30];
	[tilespmem:$0x1FCB0] =	vst v2  }
0x324: {  	v2 =	vld [tilespmem:s3+$0x40];
	[tilespmem:$0x1FCC0] =	vst v3  }
0x325: {  	v3 =	vld [tilespmem:s3+$0x50];
	[tilespmem:$0x1FCD0] =	vst v4  }
0x326: {  	s0 =	sshll.u32 s0, $0x9;
	v4 =	vld [tilespmem:s3+$0x60];
	[tilespmem:$0x1FCE0] =	vst v5  }
0x327: {  	s0 =	sshra.s32 s0, $0x2;
	v5 =	vld [tilespmem:s3+$0x70];
	[tilespmem:$0x1FCF0] =	vst v6  }
0x328: {  	v6 =	vld [tilespmem:s0+$0x0];
	[tilespmem:$0x1FD00] =	vst v7  }
0x329: {  	v7 =	vld [tilespmem:s0+$0x10];
	[tilespmem:$0x1FD10] =	vst v8  }
0x32a: {  	v8 =	vld [tilespmem:s0+$0x20];
	[tilespmem:$0x1FD20] =	vst v0  }
0x32b: {  	v0 =	vld [tilespmem:s0+$0x30];
	[tilespmem:$0x1FD30] =	vst v1  }
0x32c: {  	v1 =	vld [tilespmem:s0+$0x40];
	[tilespmem:$0x1FD40] =	vst v2  }
0x32d: {  	v2 =	vld [tilespmem:s0+$0x50];
	[tilespmem:$0x1FD50] =	vst v3  }
0x32e: {  	s11 =	sshll.u32 s29, $0x9;
	v3 =	vld [tilespmem:s0+$0x60];
	[tilespmem:$0x1FD60] =	vst v4  }
0x32f: {  	v4 =	vld [tilespmem:s0+$0x70];
	[tilespmem:$0x1FD70] =	vst v5;
	s0 =	sshra.s32 s11, $0x2  }
0x330: {  	v5 =	vld [tilespmem:s0+$0x0];
	[tilespmem:$0x1FD80] =	vst v6  }
0x331: {  	v6 =	vld [tilespmem:s0+$0x10];
	[tilespmem:$0x1FD90] =	vst v7  }
0x332: {  	v7 =	vld [tilespmem:s0+$0x20];
	[tilespmem:$0x1FDA0] =	vst v8  }
0x333: {  	v8 =	vld [tilespmem:s0+$0x30];
	[tilespmem:$0x1FDB0] =	vst v0  }
0x334: {  	v0 =	vld [tilespmem:s0+$0x40];
	[tilespmem:$0x1FDC0] =	vst v1  }
0x335: {  	v1 =	vld [tilespmem:s0+$0x50];
	[tilespmem:$0x1FDD0] =	vst v2  }
0x336: {  	s19 =	sshll.u32 s28, $0x9;
	v2 =	vld [tilespmem:s0+$0x60];
	[tilespmem:$0x1FDE0] =	vst v3  }
0x337: {  	v3 =	vld [tilespmem:s0+$0x70];
	[tilespmem:$0x1FDF0] =	vst v4;
	s0 =	sshra.s32 s19, $0x2  }
0x338: {  	v4 =	vld [tilespmem:s0+$0x0];
	[tilespmem:$0x1FE00] =	vst v5  }
0x339: {  	v5 =	vld [tilespmem:s0+$0x10];
	[tilespmem:$0x1FE10] =	vst v6  }
0x33a: {  	v6 =	vld [tilespmem:s0+$0x20];
	[tilespmem:$0x1FE20] =	vst v7  }
0x33b: {  	v7 =	vld [tilespmem:s0+$0x30];
	[tilespmem:$0x1FE30] =	vst v8  }
0x33c: {  	v8 =	vld [tilespmem:s0+$0x40];
	[tilespmem:$0x1FE40] =	vst v0  }
0x33d: {  	v0 =	vld [tilespmem:s0+$0x50];
	[tilespmem:$0x1FE50] =	vst v1  }
0x33e: {  	s20 =	sshll.u32 s24, $0x9;
	v1 =	vld [tilespmem:s0+$0x60];
	[tilespmem:$0x1FE60] =	vst v2  }
0x33f: {  	v2 =	vld [tilespmem:s0+$0x70];
	[tilespmem:$0x1FE70] =	vst v3;
	s0 =	sshra.s32 s20, $0x2  }
0x340: {  	v3 =	vld [tilespmem:s0+$0x0];
	[tilespmem:$0x1FE80] =	vst v4  }
0x341: {  	v4 =	vld [tilespmem:s0+$0x10];
	[tilespmem:$0x1FE90] =	vst v5  }
0x342: {  	v5 =	vld [tilespmem:s0+$0x20];
	[tilespmem:$0x1FEA0] =	vst v6  }
0x343: {  	v6 =	vld [tilespmem:s0+$0x30];
	[tilespmem:$0x1FEB0] =	vst v7  }
0x344: {  	v7 =	vld [tilespmem:s0+$0x40];
	[tilespmem:$0x1FEC0] =	vst v8  }
0x345: {  	v8 =	vld [tilespmem:s0+$0x50];
	[tilespmem:$0x1FED0] =	vst v0  }
0x346: {  	s21 =	sshll.u32 s26, $0x9;
	v0 =	vld [tilespmem:s0+$0x60];
	[tilespmem:$0x1FEE0] =	vst v1  }
0x347: {  	v1 =	vld [tilespmem:s0+$0x70];
	[tilespmem:$0x1FEF0] =	vst v2;
	s0 =	sshra.s32 s21, $0x2  }
0x348: {  	v2 =	vld [tilespmem:s0+$0x0];
	[tilespmem:$0x1FF00] =	vst v3  }
0x349: {  	v3 =	vld [tilespmem:s0+$0x10];
	[tilespmem:$0x1FF10] =	vst v4  }
0x34a: {  	v4 =	vld [tilespmem:s0+$0x20];
	[tilespmem:$0x1FF20] =	vst v5  }
0x34b: {  	v5 =	vld [tilespmem:s0+$0x30];
	[tilespmem:$0x1FF30] =	vst v6  }
0x34c: {  	v6 =	vld [tilespmem:s0+$0x40];
	[tilespmem:$0x1FF40] =	vst v7  }
0x34d: {  	v7 =	vld [tilespmem:s0+$0x50];
	[tilespmem:$0x1FF50] =	vst v8  }
0x34e: {  	v8 =	vld [tilespmem:s0+$0x60];
	[tilespmem:$0x1FF60] =	vst v0  }
0x34f: {  	v0 =	vld [tilespmem:s0+$0x70];
	[tilespmem:$0x1FF70] =	vst v1  }
0x350: {  	p0 =	sne.s32 s1, $0xC0000;
	s5 =	sadd.s32 $0x10, s5;
	[tilespmem:$0x1FF80] =	vst v2  }
0x351: {  	s31 =	smov.u32 s9;
	s30 =	smov.u32 s12;
	s22 =	rddreg [dreg:$0x12];
	[tilespmem:$0x1FF90] =	vst v3  }
0x352: {  	s28 =	smov.u32 s23;
	s29 =	smov.u32 s18;
	s24 =	rddreg [dreg:$0x2];
	[tilespmem:$0x1FFA0] =	vst v4  }
0x353: {  	s4 =	smov.u32 s13;
	s26 =	simm.s32 $0x1FC00;
	s8 =	rddreg [dreg:$0x1c];
	[tilespmem:$0x1FFB0] =	vst v5  }
0x354: {  	s7 =	rddreg [dreg:$0x19];
	s3 =	smov.u32 s14;
	s19 =	smov.u32 s16;
	[tilespmem:$0x1FFC0] =	vst v6  }
.Ltmp2:
0x355: {  	s20 =	smov.u32 s15;
	s0 =	sadd.s32 s1, s22;
	[tilespmem:$0x1FFD0] =	vst v7;
	(pc) =	sbr.rel @p0 .LBB2_8-.Ltmp2, $4  }
0x356: {  	s21 =	smov.u32 s10;
	s1 =	sadd.s32 $0x8000, s1;
	s0 =	sor.u32 $0x4000, s0;
	[tilespmem:$0x1FFE0] =	vst v8  }
0x357: {  	s22 =	rddreg [dreg:$0x1f];
	s0 =	sadd.s32 s24, s0;
	s24 =	smov.u32 s25;
	[tilespmem:$0x1FFF0] =	vst v0  }
0x358: {  	[hbm4b:s0+s6] =	stream.linear.scatter [tilespmem:s26], [sflag:$0x3], $0x400, $0x38;
	v63 =	vld [tilespmem:$0x0]  }
0x359: {  	s26 =	smov.u32 s2;
	s0 =	smov.u32 s17;
	s6 =	rddreg [dreg:$0x16]  }
0x35a: {  	s1 =	rddreg [dreg:$0x14]  }
0x35b: {  	s1 =	sadd.s32 $0x1, s1  }
0x35c: {  	p0 =	sne.s32 s1, $0xC  }
.Ltmp3:
0x35d: {  	_ = 	snop;
	(pc) =	sbr.rel @p0 .LBB2_5-.Ltmp3, $4  }
0x35e: {  	s3 =	rddreg [dreg:$0x13]  }
0x35f: {  	s0 =	rddreg [dreg:$0x12]  }
0x360: {  	s19 =	rddreg [dreg:$0x2]  }
0x361: {  	s4 =	simm.s32 $0x0;
	s3 =	sadd.s32 $0x190000, s3;
	s0 =	sadd.s32 $0x190000, s0  }
0x362: {  	s22 =	simm.s32 $0x2  }
0x363: {  	_ =	swait.ge [sflag:s22], $0x400  }
0x364: {  	[sflag:s22] =	ssyncset.done $0x0  }
0x365: {  	s0 =	simm.s32 $0x3;
	[sflag:s22] =	ssyncadd.s32 $0xFFFFFC00  }
0x366: {  	_ =	swait.ge [sflag:s0], $0x400  }
0x367: {  	s1 =	rddreg [dreg:$0x11]  }
0x368: {  	s1 =	sadd.s32 $0x1, s1  }
0x369: {  	p0 =	sne.s32 s1, $0x4  }
.Ltmp4:
0x36a: {  	s26 =	rddreg [dreg:$0x10];
	(pc) =	sbr.rel @p0 .LBB2_2-.Ltmp4, $4  }
0x36b: {  	s13 =	simm.s32 $0x0;
	[sflag:s0] =	ssyncset.done $0x0;
	s30 =	rddreg [dreg:$0xf]  }
0x36c: {  	s31 =	rddreg [dreg:$0xe];
	[sflag:s0] =	ssyncadd.s32 $0xFFFFFC00;
	s0 =	sadd.s32 $0x80, s30  }
0x36d: {  	s3 =	simm.s32 $0x1F800;
	[dreg:$0xf] =	wrdreg s0;
	s0 =	sadd.s32 $0x80, s31  }
0x36e: {  	s21 =	simm.s32 $0x1FC00;
	s26 =	sadd.s32 $0x80, s26;
	[dreg:$0xe] =	wrdreg s0  }
0x36f: {  	s1 =	rddreg [dreg:$0xd]  }
0x370: {  	s0 =	rddreg [dreg:$0x9];
	s1 =	sadd.s32 $0x1, s1  }
0x371: {  	p0 =	sne.s32 s1, s0  }
.Ltmp5:
0x372: {  	_ = 	snop;
	(pc) =	sbr.rel @p0 .LBB2_1-.Ltmp5, $1  }
0x373: {  	_ =	sdelay $0x3  }
0x374: {  	_ =	sfence.sel $0x180000  }
0x375: {  	[bflag:$0x0] =	sbarrier.arrive $0xFFFF  }
0x376: {  	_ =	strace $0x90000047  }
0x377: {  	s0 =	stileid.u32;
	[bflag:$0x2] =	sbarrier.arrive $0xFFFF  }
0x378: {  	p0 =	sne.s32 s0, $0x0;
	s0 =	rddreg [dreg:$0x3]  }
0x379: {  	s0 =	sadd.s32 @!p0 $0x100000, s0  }
0x37a: {  	[sflag:s0] =	ssyncadd.tile.s32 @!p0 $0x1;
	_ =	shalt  }
.Lfunc_end2:
_tile_overlayer_lowered:
.L_overlay_start_2:
0x37b: {  	(tag) =	ssettag $0x2  }
0x37c: {  	s0 =	rddreg [dreg:$0x0];
	s2 =	stileid.u32  }
0x37d: {  	s1 =	rddreg [dreg:$0x1];
	p0 =	sne.s32 s2, $0x0  }
0x37e: {  	s3 =	rddreg [dreg:$0x2];
	[bflag:$0x3] =	sbarrier.arrive $0xFFFF;
	s2 =	simm.s32 @!p0 $0x1C04  }
0x37f: {  	[timem:s3], [sflag:s2] =	dma.local @!p0 [hbm:s0], s1  }
0x380: {  	s0 =	simm.s32 @!p0 $0x4  }
0x381: {  	_ =	swait.ge @!p0 [sflag:s0], s1  }
0x382: {  	s1 =	ssub.s32 @!p0 $0x0, s1;
	[sflag:s0] =	ssyncset.done @!p0 $0x0  }
0x383: {  	[sflag:s0] =	ssyncadd.s32 @!p0 s1  }
0x384: {  	[bflag:$0x3] =	sbarrier.arrive $0xFFFF  }
0x385: {  	_ =	shalt  }

</sc_bundles>
